<compile_context>
chip_gen: v7x
topology: tpu7x:2x2x1
jax: 0.10.2.dev20260603
libtpu: 0.0.44.dev20260713+nightly
codegen_flags: <defaults>
</compile_context>

<pallas_src>
import functools

import jax
import jax.numpy as jnp
from jax import lax
from jax.experimental import pallas as pl
from jax.experimental.pallas import tpu as pltpu
from jax.experimental.pallas import tpu_sc as plsc

RADIUS2 = 0.4 * 0.4
NS = 32
EPS = 1e-5
B = 2
N = 4096
M = 1024
C = 128
CIN = C + 3
NTILES = 32
QPT = (B * M) // NTILES
SLACK = 64
RPT = (B * M * NS) // NTILES
GCH = 128
ROWS = B * M * NS
BLK = 4096


def _mm_body(x_ref, w_ref, o_ref):
    o_ref[...] = jnp.dot(x_ref[...], w_ref[...],
                         preferred_element_type=jnp.float32)


def _layer1(x_all, w1t):
    return pl.pallas_call(
        _mm_body,
        out_shape=jax.ShapeDtypeStruct((B * N + B * M, C), jnp.float32),
    )(x_all, w1t)


def _bq_gather(xyz_flat, g_rows):
    mesh = plsc.VectorSubcoreMesh(core_axis_name="c", subcore_axis_name="s",
                                  num_cores=2, num_subcores=16)
    nch = RPT // GCH

    @functools.partial(
        pl.kernel,
        out_type=jax.ShapeDtypeStruct((ROWS, C), jnp.float32),
        mesh=mesh,
        compiler_params=pltpu.CompilerParams(needs_layout_passes=False),
        scratch_types=[
            pltpu.VMEM((N,), jnp.float32),
            pltpu.VMEM((N,), jnp.float32),
            pltpu.VMEM((N,), jnp.float32),
            pltpu.VMEM((QPT * SLACK,), jnp.int32),
            pltpu.VMEM((QPT * NS,), jnp.int32),
            pltpu.VMEM((2, GCH), jnp.int32),
            pltpu.VMEM((2, GCH, C), jnp.float32),
            pltpu.SemaphoreType.DMA,
            pltpu.SemaphoreType.DMA,
            pltpu.SemaphoreType.DMA,
            pltpu.SemaphoreType.DMA,
        ],
    )
    def bq(xyz_hbm, g_hbm, out_hbm, x_v, y_v, z_v, buf_v, idx_v, ich_v,
           ring_v, gs0, gs1, ws0, ws1):
        w = lax.axis_index("c") * 16 + lax.axis_index("s")
        b = w // (NTILES // B)
        pltpu.sync_copy(xyz_hbm.at[pl.ds((b * 3 + 0) * N, N)], x_v)
        pltpu.sync_copy(xyz_hbm.at[pl.ds((b * 3 + 1) * N, N)], y_v)
        pltpu.sync_copy(xyz_hbm.at[pl.ds((b * 3 + 2) * N, N)], z_v)
        it16 = lax.iota(jnp.int32, 16)

        PRE = 256

        def per_q(q, carry):
            gq = w * QPT + q
            m = gq - b * M
            qi = m // 32
            qj = m - qi * 32
            n = 128 * qi + 2 * qj
            nv = jnp.full((16,), n, jnp.int32)
            qx = plsc.load_gather(x_v, [nv])
            qy = plsc.load_gather(y_v, [nv])
            qz = plsc.load_gather(z_v, [nv])

            def scan32(base, cnt):
                px0 = x_v[pl.ds(base, 16)]
                py0 = y_v[pl.ds(base, 16)]
                pz0 = z_v[pl.ds(base, 16)]
                px1 = x_v[pl.ds(base + 16, 16)]
                py1 = y_v[pl.ds(base + 16, 16)]
                pz1 = z_v[pl.ds(base + 16, 16)]
                dx0 = px0 - qx
                dy0 = py0 - qy
                dz0 = pz0 - qz
                dx1 = px1 - qx
                dy1 = py1 - qy
                dz1 = pz1 - qz
                d20 = dx0 * dx0 + dy0 * dy0 + dz0 * dz0
                d21 = dx1 * dx1 + dy1 * dy1 + dz1 * dz1
                m0 = d20 < RADIUS2
                m1 = d21 < RADIUS2
                m0i = m0.astype(jnp.int32)
                m1i = m1.astype(jnp.int32)
                pc0 = plsc.all_reduce_population_count(m0)
                pc1 = plsc.all_reduce_population_count(m1)
                s0 = cnt + plsc.cumsum(m0i) - m0i
                s1 = cnt + pc0 + plsc.cumsum(m1i) - m1i
                wm0 = m0 & (s0 < SLACK)
                wm1 = m1 & (s1 < SLACK)
                plsc.store_scatter(buf_v, [q * SLACK + s0],
                                   base + it16 + b * N, mask=wm0)
                plsc.store_scatter(buf_v, [q * SLACK + s1],
                                   base + 16 + it16 + b * N, mask=wm1)
                return cnt + pc0 + pc1

            cnt = jnp.zeros((16,), jnp.int32)
            for chs in range(PRE // 32):
                cnt = scan32(chs * 32, cnt)

            def cond(st):
                ch, c = st
                return (ch < N // 64) & (jnp.max(c) < NS)

            def step(st):
                ch, c = st
                base = ch * 64
                c = scan32(base, c)
                c = scan32(base + 32, c)
                return ch + 1, c

            _, cntf = lax.while_loop(cond, step, (jnp.int32(PRE // 64), cnt))
            firstv = plsc.load_gather(
                buf_v, [jnp.full((16,), q * SLACK, jnp.int32)])
            fill = jnp.where(cntf > 0, firstv,
                             jnp.full((16,), b * N, jnp.int32))
            for h in range(NS // 16):
                sl = it16 + h * 16
                cur = buf_v[pl.ds(q * SLACK + h * 16, 16)]
                idx_v[pl.ds(q * NS + h * 16, 16)] = jnp.where(
                    sl < cntf, cur, fill)
            return carry

        lax.fori_loop(0, QPT, per_q, 0)

        gsems = [gs0, gs1]
        wsems = [ws0, ws1]

        def prep_idx(kk):
            s = kk % 2
            for v in range(GCH // 16):
                ich_v[s, pl.ds(v * 16, 16)] = idx_v[pl.ds(kk * GCH + v * 16, 16)]

        def fire_gather(kk):
            s = kk % 2
            return pltpu.async_copy(g_hbm.at[ich_v.at[s]], ring_v.at[s],
                                    gsems[s])

        def fire_write(kk):
            s = kk % 2
            base = w * RPT + kk * GCH
            return pltpu.async_copy(ring_v.at[s],
                                    out_hbm.at[pl.ds(base, GCH)], wsems[s])

        gcps = {}
        wcps = [None, None]
        prep_idx(0)
        gcps[0] = fire_gather(0)
        for kk in range(nch):
            nxt = kk + 1
            if nxt < nch:
                if wcps[nxt % 2] is not None:
                    wcps[nxt % 2].wait()
                prep_idx(nxt)
                gcps[nxt] = fire_gather(nxt)
            gcps[kk].wait()
            wcps[kk % 2] = fire_write(kk)
        wcps[(nch - 1) % 2].wait()
        if wcps[nch % 2] is not None:
            wcps[nch % 2].wait()

    return bq(xyz_flat, g_rows)


def _stats_body(gg_ref, qr_ref, sum_ref, sq_ref):
    z3 = gg_ref[...].reshape(BLK // NS, NS, C) - qr_ref[...][:, None, :]
    z = z3.reshape(BLK, C)

    @pl.when(pl.program_id(0) == 0)
    def _():
        sum_ref[...] = jnp.zeros_like(sum_ref)
        sq_ref[...] = jnp.zeros_like(sq_ref)

    sum_ref[...] += jnp.sum(z, axis=0)[None]
    sq_ref[...] += jnp.sum(z * z, axis=0)[None]


def _stats1(gg, q_rows):
    grid = ROWS // BLK
    return pl.pallas_call(
        _stats_body,
        grid=(grid,),
        in_specs=[
            pl.BlockSpec((BLK, C), lambda i: (i, 0)),
            pl.BlockSpec((BLK // NS, C), lambda i: (i, 0)),
        ],
        out_specs=[
            pl.BlockSpec((1, C), lambda i: (0, 0)),
            pl.BlockSpec((1, C), lambda i: (0, 0)),
        ],
        out_shape=[
            jax.ShapeDtypeStruct((1, C), jnp.float32),
            jax.ShapeDtypeStruct((1, C), jnp.float32),
        ],
    )(gg, q_rows)


def _main_body(gg_ref, qr_ref, sum1_ref, sq1_ref, g1_ref, b1_ref, w2t_ref,
               maxz_ref, sum2_ref, sq2_ref):
    cnt = jnp.float32(ROWS)
    mean = sum1_ref[...] / cnt
    var = sq1_ref[...] / cnt - mean * mean
    s1 = g1_ref[...] * lax.rsqrt(var + EPS)
    t1 = b1_ref[...] - mean * s1
    z3 = gg_ref[...].reshape(BLK // NS, NS, C) - qr_ref[...][:, None, :]
    z1 = z3.reshape(BLK, C)
    a1 = jnp.maximum(z1 * s1 + t1, 0.0)
    z2 = jnp.dot(a1, w2t_ref[...], preferred_element_type=jnp.float32)

    @pl.when(pl.program_id(0) == 0)
    def _():
        sum2_ref[...] = jnp.zeros_like(sum2_ref)
        sq2_ref[...] = jnp.zeros_like(sq2_ref)

    sum2_ref[...] += jnp.sum(z2, axis=0)[None]
    sq2_ref[...] += jnp.sum(z2 * z2, axis=0)[None]
    maxz_ref[...] = jnp.max(z2.reshape(BLK // NS, NS, 2 * C), axis=1)


def _main(gg, q_rows, sum1, sq1, g1, b1, w2t):
    grid = ROWS // BLK
    return pl.pallas_call(
        _main_body,
        grid=(grid,),
        in_specs=[
            pl.BlockSpec((BLK, C), lambda i: (i, 0)),
            pl.BlockSpec((BLK // NS, C), lambda i: (i, 0)),
            pl.BlockSpec((1, C), lambda i: (0, 0)),
            pl.BlockSpec((1, C), lambda i: (0, 0)),
            pl.BlockSpec((1, C), lambda i: (0, 0)),
            pl.BlockSpec((1, C), lambda i: (0, 0)),
            pl.BlockSpec((C, 2 * C), lambda i: (0, 0)),
        ],
        out_specs=[
            pl.BlockSpec((BLK // NS, 2 * C), lambda i: (i, 0)),
            pl.BlockSpec((1, 2 * C), lambda i: (0, 0)),
            pl.BlockSpec((1, 2 * C), lambda i: (0, 0)),
        ],
        out_shape=[
            jax.ShapeDtypeStruct((B * M, 2 * C), jnp.float32),
            jax.ShapeDtypeStruct((1, 2 * C), jnp.float32),
            jax.ShapeDtypeStruct((1, 2 * C), jnp.float32),
        ],
    )(gg, q_rows, sum1, sq1, g1, b1, w2t)


def _final_body(mz_ref, sum2_ref, sq2_ref, g2_ref, b2_ref, o_ref):
    cnt = jnp.float32(ROWS)
    mean = sum2_ref[...] / cnt
    var = sq2_ref[...] / cnt - mean * mean
    s2 = g2_ref[...] * lax.rsqrt(var + EPS)
    t2 = b2_ref[...] - mean * s2
    o_ref[...] = jnp.maximum(mz_ref[...] * s2 + t2, 0.0)


def _final(maxz, sum2, sq2, g2, b2):
    return pl.pallas_call(
        _final_body,
        out_shape=jax.ShapeDtypeStruct((B * M, 2 * C), jnp.float32),
    )(maxz, sum2, sq2, g2, b2)


def kernel(xyz, features, W1, g1, b1, W2, g2, b2):
    new_xyz_img = xyz[:, :, ::2, ::2]
    xyz_flat = xyz.reshape(B, 3, N)
    xyz_pts = jnp.transpose(xyz_flat, (0, 2, 1))
    feat_t = jnp.transpose(features.reshape(B, C, N), (0, 2, 1))
    x1 = jnp.concatenate([xyz_pts, feat_t], axis=-1).reshape(B * N, CIN)
    new_pts = jnp.transpose(new_xyz_img.reshape(B, 3, M), (0, 2, 1))
    x2 = jnp.concatenate(
        [new_pts, jnp.zeros((B, M, C), jnp.float32)], axis=-1
    ).reshape(B * M, CIN)
    x_all = jnp.concatenate([x1, x2], axis=0)

    g_all = _layer1(x_all, W1.T)
    g_rows = g_all[: B * N]
    q_rows = g_all[B * N:]

    gg = _bq_gather(xyz_flat.reshape(B * 3 * N), g_rows)

    sum1, sq1 = _stats1(gg, q_rows)
    maxz, sum2, sq2 = _main(gg, q_rows, sum1, sq1,
                            g1.reshape(1, C), b1.reshape(1, C), W2.T)
    out = _final(maxz, sum2, sq2, g2.reshape(1, 2 * C), b2.reshape(1, 2 * C))
    out_img = out.reshape(B, M, 2 * C).transpose(0, 2, 1).reshape(B, 2 * C, 32, 32)
    return (new_xyz_img, out_img)

# --- scband reference (transcript-rebuilt; emitter-appended) ---
"""Pipeline reference for scband-sa-30348238913931 (READ-ONLY COPY).

The authoritative reference and input builder live on the scoring server;
editing this copy changes nothing except your own understanding.
"""

import jax, jax.numpy as jnp
import numpy as np

RADIUS = 0.4
NSAMPLE = 32
EPS = 1e-5


def setup_inputs(seed: int = 0):
    key = jax.random.key(seed)
    ks = jax.random.split(key, 8)
    xyz = jax.random.uniform(ks[0], (2, 3, 64, 64), dtype=jnp.float32)
    features = jax.random.normal(ks[1], (2, 128, 64, 64), dtype=jnp.float32)
    W1 = jax.random.normal(ks[2], (128, 131), dtype=jnp.float32) * (1.0 / np.sqrt(131.0))
    g1 = jnp.ones((128,), jnp.float32)
    b1 = jnp.zeros((128,), jnp.float32)
    W2 = jax.random.normal(ks[3], (256, 128), dtype=jnp.float32) * (1.0 / np.sqrt(128.0))
    g2 = jnp.ones((256,), jnp.float32)
    b2 = jnp.zeros((256,), jnp.float32)
    return {"xyz": xyz, "features": features, "W1": W1, "g1": g1, "b1": b1, "W2": W2, "g2": g2, "b2": b2}


def _ball_query(xyz_pts, new_pts, radius, nsample):
    # xyz_pts: [B,N,3], new_pts: [B,M,3] -> idx [B,M,nsample]
    d2 = jnp.sum((new_pts[:, :, None, :] - xyz_pts[:, None, :, :]) ** 2, axis=-1)  # [B,M,N]
    N = xyz_pts.shape[1]
    ar = jnp.arange(N, dtype=jnp.int32)
    keys = jnp.where(d2 < radius * radius, ar[None, None, :], N)
    sk = jnp.sort(keys, axis=-1)[..., :nsample]  # first nsample in-radius indices (index order)
    first = sk[..., :1]
    idx = jnp.where(sk == N, jnp.broadcast_to(first, sk.shape), sk)
    idx = jnp.where(idx == N, 0, idx)
    return idx


def _bn_relu(x, g, b):
    # training-mode BatchNorm2d over (B, M, nsample) per channel
    mean = jnp.mean(x, axis=(0, 2, 3), keepdims=True)
    var = jnp.var(x, axis=(0, 2, 3), keepdims=True)
    y = (x - mean) / jnp.sqrt(var + EPS)
    y = y * g[None, :, None, None] + b[None, :, None, None]
    return jax.nn.relu(y)


def reference(xyz, features, W1, g1, b1, W2, g2, b2):
    B = xyz.shape[0]
    # use_HHA = 1: F.max_pool2d(kernel_size=1, stride=2) == strided subsample
    new_xyz_img = xyz[:, :, ::2, ::2]  # [B,3,H,W]
    H, Wd = new_xyz_img.shape[2], new_xyz_img.shape[3]
    C = features.shape[1]
    xyz_pts = jnp.transpose(xyz.reshape(B, 3, -1), (0, 2, 1))          # [B,N,3]
    new_pts = jnp.transpose(new_xyz_img.reshape(B, 3, -1), (0, 2, 1))  # [B,M,3]
    feat = features.reshape(B, C, -1)                                   # [B,C,N]
    idx = _ball_query(xyz_pts, new_pts, RADIUS, NSAMPLE)                # [B,M,ns]
    grouped_xyz = jax.vmap(lambda p, i: p[i])(xyz_pts, idx)             # [B,M,ns,3]
    grouped_xyz = grouped_xyz - new_pts[:, :, None, :]                  # relative coords
    grouped_xyz = jnp.transpose(grouped_xyz, (0, 3, 1, 2))              # [B,3,M,ns]
    grouped_feat = jax.vmap(lambda f, i: f[:, i])(feat, idx)            # [B,C,M,ns]
    x = jnp.concatenate([grouped_xyz, grouped_feat], axis=1)            # [B,C+3,M,ns]
    x = _bn_relu(jnp.einsum('oi,bimn->bomn', W1, x), g1, b1)
    x = _bn_relu(jnp.einsum('oi,bimn->bomn', W2, x), g2, b2)
    x = jnp.max(x, axis=-1)                                             # [B,256,M]
    return (new_xyz_img, x.reshape(B, -1, H, Wd))

if __name__ == "__main__":
    import jax
    _d = setup_inputs()
    print(jax.jit(kernel)(*tuple(_d.values())))

</pallas_src>

<mosaic_0001>
#map = affine_map<(d0, d1) -> (0)>
#map1 = affine_map<(d0, d1) -> (0, 0)>
module attributes {stable_mosaic.version = 14 : i64} {
  func.func @bq(%arg0: i32, %arg1: i32, %arg2: memref<24576xf32, #tpu.memory_space<hbm>>, %arg3: memref<8192x128xf32, #tpu.memory_space<hbm>>, %arg4: memref<65536x128xf32, #tpu.memory_space<hbm>>, %arg5: memref<4096xf32, #tpu.memory_space<vmem>>, %arg6: memref<4096xf32, #tpu.memory_space<vmem>>, %arg7: memref<4096xf32, #tpu.memory_space<vmem>>, %arg8: memref<4096xi32, #tpu.memory_space<vmem>>, %arg9: memref<2048xi32, #tpu.memory_space<vmem>>, %arg10: memref<2x128xi32, #tpu.memory_space<vmem>>, %arg11: memref<2x128x128xf32, #tpu.memory_space<vmem>>, %arg12: memref<!tpu.dma_semaphore, #tpu.memory_space<semaphore_mem>>, %arg13: memref<!tpu.dma_semaphore, #tpu.memory_space<semaphore_mem>>, %arg14: memref<!tpu.dma_semaphore, #tpu.memory_space<semaphore_mem>>, %arg15: memref<!tpu.dma_semaphore, #tpu.memory_space<semaphore_mem>>) attributes {dimension_semantics = [#tpu.dimension_semantics<core_parallel>, #tpu.dimension_semantics<subcore_parallel>], iteration_bounds = array<i64: 2, 16>, scalar_prefetch = 0 : i64, scratch_operands = 11 : i64, tpu.core_type = #tpu.core_type<sc_vector_subcore>, window_params = [{transform_indices = #map}, {transform_indices = #map1}, {transform_indices = #map1}]} {
    %mul3A = arith.constant 16 : i32
    %mul3A_0 = arith.muli %arg0, %mul3A : i32
    %add3A = arith.addi %mul3A_0, %arg1 : i32
    %jit3A = arith.constant 16 : i32
    %div3A = arith.divsi %add3A, %jit3A : i32
    %sign3A = arith.constant 0 : i32
    %sign3A_1 = arith.cmpi sgt, %add3A, %sign3A : i32
    %sign3A_2 = arith.extui %sign3A_1 : i1 to i32
    %sign3A_3 = arith.constant 0 : i32
    %sign3A_4 = arith.cmpi slt, %add3A, %sign3A_3 : i32
    %sign3A_5 = arith.extui %sign3A_4 : i1 to i32
    %sign3A_6 = arith.subi %sign3A_2, %sign3A_5 : i32
    %sign3A_7 = arith.constant 0 : i32
    %sign3A_8 = arith.cmpi sgt, %jit3A, %sign3A_7 : i32
    %sign3A_9 = arith.extui %sign3A_8 : i1 to i32
    %sign3A_10 = arith.constant 0 : i32
    %sign3A_11 = arith.cmpi slt, %jit3A, %sign3A_10 : i32
    %sign3A_12 = arith.extui %sign3A_11 : i1 to i32
    %sign3A_13 = arith.subi %sign3A_9, %sign3A_12 : i32
    %ne3A = arith.cmpi ne, %sign3A_6, %sign3A_13 : i32
    %rem3A = arith.remsi %add3A, %jit3A : i32
    %ne3A_14 = arith.constant 0 : i32
    %ne3A_15 = arith.cmpi ne, %rem3A, %ne3A_14 : i32
    %and3A = arith.andi %ne3A, %ne3A_15 : i1
    %sub3A = arith.constant 1 : i32
    %sub3A_16 = arith.subi %div3A, %sub3A : i32
    %select_n3A = arith.select %and3A, %sub3A_16, %div3A : i32
    %mul3A_17 = arith.constant 3 : i32
    %mul3A_18 = arith.muli %select_n3A, %mul3A_17 : i32
    %add3A_19 = arith.constant 0 : i32
    %add3A_20 = arith.addi %mul3A_18, %add3A_19 : i32
    %mul3A_21 = arith.constant 4096 : i32
    %mul3A_22 = arith.muli %add3A_20, %mul3A_21 : i32
    "tpu.region"() ({
      %run_scoped3A = tpu.sem_alloc : memref<!tpu.dma_semaphore, #tpu.memory_space<semaphore_mem>>
      %dma_start3A_1668 = tpu.memref_slice %arg2[%mul3A_22] : memref<24576xf32, #tpu.memory_space<hbm>> -> memref<4096xf32, #tpu.memory_space<hbm>>
      %dma_start3A_1669 = tpu.memref_slice %arg2[%mul3A_22] : memref<24576xf32, #tpu.memory_space<hbm>> -> memref<4096xf32, #tpu.memory_space<hbm>>
      tpu.enqueue_dma source(%dma_start3A_1669 : memref<4096xf32, #tpu.memory_space<hbm>>) target(%arg5 : memref<4096xf32, #tpu.memory_space<vmem>>) target_semaphore(%run_scoped3A : memref<!tpu.dma_semaphore, #tpu.memory_space<semaphore_mem>>)
      %dma_wait3A_1670 = tpu.memref_slice %arg2[%mul3A_22] : memref<24576xf32, #tpu.memory_space<hbm>> -> memref<4096xf32, #tpu.memory_space<hbm>>
      %dma_wait3A_1671 = tpu.memref_slice %arg2[%mul3A_22] : memref<24576xf32, #tpu.memory_space<hbm>> -> memref<4096xf32, #tpu.memory_space<hbm>>
      tpu.wait_dma2 semaphore(%run_scoped3A : memref<!tpu.dma_semaphore, #tpu.memory_space<semaphore_mem>>) src(%dma_wait3A_1671 : memref<4096xf32, #tpu.memory_space<hbm>>) dst(%arg5 : memref<4096xf32, #tpu.memory_space<vmem>>)
      tpu.yield
    }) : () -> ()
    %mul3A_23 = arith.constant 3 : i32
    %mul3A_24 = arith.muli %select_n3A, %mul3A_23 : i32
    %add3A_25 = arith.constant 1 : i32
    %add3A_26 = arith.addi %mul3A_24, %add3A_25 : i32
    %mul3A_27 = arith.constant 4096 : i32
    %mul3A_28 = arith.muli %add3A_26, %mul3A_27 : i32
    "tpu.region"() ({
      %run_scoped3A = tpu.sem_alloc : memref<!tpu.dma_semaphore, #tpu.memory_space<semaphore_mem>>
      %dma_start3A_1668 = tpu.memref_slice %arg2[%mul3A_28] : memref<24576xf32, #tpu.memory_space<hbm>> -> memref<4096xf32, #tpu.memory_space<hbm>>
      %dma_start3A_1669 = tpu.memref_slice %arg2[%mul3A_28] : memref<24576xf32, #tpu.memory_space<hbm>> -> memref<4096xf32, #tpu.memory_space<hbm>>
      tpu.enqueue_dma source(%dma_start3A_1669 : memref<4096xf32, #tpu.memory_space<hbm>>) target(%arg6 : memref<4096xf32, #tpu.memory_space<vmem>>) target_semaphore(%run_scoped3A : memref<!tpu.dma_semaphore, #tpu.memory_space<semaphore_mem>>)
      %dma_wait3A_1670 = tpu.memref_slice %arg2[%mul3A_28] : memref<24576xf32, #tpu.memory_space<hbm>> -> memref<4096xf32, #tpu.memory_space<hbm>>
      %dma_wait3A_1671 = tpu.memref_slice %arg2[%mul3A_28] : memref<24576xf32, #tpu.memory_space<hbm>> -> memref<4096xf32, #tpu.memory_space<hbm>>
      tpu.wait_dma2 semaphore(%run_scoped3A : memref<!tpu.dma_semaphore, #tpu.memory_space<semaphore_mem>>) src(%dma_wait3A_1671 : memref<4096xf32, #tpu.memory_space<hbm>>) dst(%arg6 : memref<4096xf32, #tpu.memory_space<vmem>>)
      tpu.yield
    }) : () -> ()
    %mul3A_29 = arith.constant 3 : i32
    %mul3A_30 = arith.muli %select_n3A, %mul3A_29 : i32
    %add3A_31 = arith.constant 2 : i32
    %add3A_32 = arith.addi %mul3A_30, %add3A_31 : i32
    %mul3A_33 = arith.constant 4096 : i32
    %mul3A_34 = arith.muli %add3A_32, %mul3A_33 : i32
    "tpu.region"() ({
      %run_scoped3A = tpu.sem_alloc : memref<!tpu.dma_semaphore, #tpu.memory_space<semaphore_mem>>
      %dma_start3A_1668 = tpu.memref_slice %arg2[%mul3A_34] : memref<24576xf32, #tpu.memory_space<hbm>> -> memref<4096xf32, #tpu.memory_space<hbm>>
      %dma_start3A_1669 = tpu.memref_slice %arg2[%mul3A_34] : memref<24576xf32, #tpu.memory_space<hbm>> -> memref<4096xf32, #tpu.memory_space<hbm>>
      tpu.enqueue_dma source(%dma_start3A_1669 : memref<4096xf32, #tpu.memory_space<hbm>>) target(%arg7 : memref<4096xf32, #tpu.memory_space<vmem>>) target_semaphore(%run_scoped3A : memref<!tpu.dma_semaphore, #tpu.memory_space<semaphore_mem>>)
      %dma_wait3A_1670 = tpu.memref_slice %arg2[%mul3A_34] : memref<24576xf32, #tpu.memory_space<hbm>> -> memref<4096xf32, #tpu.memory_space<hbm>>
      %dma_wait3A_1671 = tpu.memref_slice %arg2[%mul3A_34] : memref<24576xf32, #tpu.memory_space<hbm>> -> memref<4096xf32, #tpu.memory_space<hbm>>
      tpu.wait_dma2 semaphore(%run_scoped3A : memref<!tpu.dma_semaphore, #tpu.memory_space<semaphore_mem>>) src(%dma_wait3A_1671 : memref<4096xf32, #tpu.memory_space<hbm>>) dst(%arg7 : memref<4096xf32, #tpu.memory_space<vmem>>)
      tpu.yield
    }) : () -> ()
    %iota3A = tpu.iota {dimensions = array<i32: 0>} : vector<16xi32>
    %scan3A = arith.constant 0 : i32
    %scan3A_35 = arith.constant 0 : i32
    %scan3A_36 = arith.constant 64 : i32
    %scan3A_37 = arith.addi %scan3A_35, %scan3A_36 : i32
    %scan3A_38 = arith.constant 1 : i32
    scf.for %scan3A_1668 = %scan3A_35 to %scan3A_37 step %scan3A_38  : i32 {
      %mul3A_1669 = arith.constant 64 : i32
      %mul3A_1670 = arith.muli %add3A, %mul3A_1669 : i32
      %add3A_1671 = arith.addi %mul3A_1670, %scan3A_1668 : i32
      %mul3A_1672 = arith.constant 1024 : i32
      %mul3A_1673 = arith.muli %select_n3A, %mul3A_1672 : i32
      %sub3A_1674 = arith.subi %add3A_1671, %mul3A_1673 : i32
      %jit3A_1675 = arith.constant 32 : i32
      %div3A_1676 = arith.divsi %sub3A_1674, %jit3A_1675 : i32
      %sign3A_1677 = arith.constant 0 : i32
      %sign3A_1678 = arith.cmpi sgt, %sub3A_1674, %sign3A_1677 : i32
      %sign3A_1679 = arith.extui %sign3A_1678 : i1 to i32
      %sign3A_1680 = arith.constant 0 : i32
      %sign3A_1681 = arith.cmpi slt, %sub3A_1674, %sign3A_1680 : i32
      %sign3A_1682 = arith.extui %sign3A_1681 : i1 to i32
      %sign3A_1683 = arith.subi %sign3A_1679, %sign3A_1682 : i32
      %sign3A_1684 = arith.constant 0 : i32
      %sign3A_1685 = arith.cmpi sgt, %jit3A_1675, %sign3A_1684 : i32
      %sign3A_1686 = arith.extui %sign3A_1685 : i1 to i32
      %sign3A_1687 = arith.constant 0 : i32
      %sign3A_1688 = arith.cmpi slt, %jit3A_1675, %sign3A_1687 : i32
      %sign3A_1689 = arith.extui %sign3A_1688 : i1 to i32
      %sign3A_1690 = arith.subi %sign3A_1686, %sign3A_1689 : i32
      %ne3A_1691 = arith.cmpi ne, %sign3A_1683, %sign3A_1690 : i32
      %rem3A_1692 = arith.remsi %sub3A_1674, %jit3A_1675 : i32
      %ne3A_1693 = arith.constant 0 : i32
      %ne3A_1694 = arith.cmpi ne, %rem3A_1692, %ne3A_1693 : i32
      %and3A_1695 = arith.andi %ne3A_1691, %ne3A_1694 : i1
      %sub3A_1696 = arith.constant 1 : i32
      %sub3A_1697 = arith.subi %div3A_1676, %sub3A_1696 : i32
      %select_n3A_1698 = arith.select %and3A_1695, %sub3A_1697, %div3A_1676 : i32
      %mul3A_1699 = arith.constant 32 : i32
      %mul3A_1700 = arith.muli %select_n3A_1698, %mul3A_1699 : i32
      %sub3A_1701 = arith.subi %sub3A_1674, %mul3A_1700 : i32
      %mul3A_1702 = arith.constant 128 : i32
      %mul3A_1703 = arith.muli %mul3A_1702, %select_n3A_1698 : i32
      %mul3A_1704 = arith.constant 2 : i32
      %mul3A_1705 = arith.muli %mul3A_1704, %sub3A_1701 : i32
      %add3A_1706 = arith.addi %mul3A_1703, %mul3A_1705 : i32
      %broadcast_in_dim3A = vector.broadcast %add3A_1706 : i32 to vector<16xi32>
      %gather3A = tpu.vector_load_idx %arg5[%broadcast_in_dim3A] : memref<4096xf32, #tpu.memory_space<vmem>>[vector<16xi32>], vector<16xf32>,
      %gather3A_1707 = tpu.vector_load_idx %arg6[%broadcast_in_dim3A] : memref<4096xf32, #tpu.memory_space<vmem>>[vector<16xi32>], vector<16xf32>,
      %gather3A_1708 = tpu.vector_load_idx %arg7[%broadcast_in_dim3A] : memref<4096xf32, #tpu.memory_space<vmem>>[vector<16xi32>], vector<16xf32>,
      %broadcast_in_dim3A_1709 = arith.constant 0 : i32
      %broadcast_in_dim3A_1710 = vector.broadcast %broadcast_in_dim3A_1709 : i32 to vector<16xi32>
      %get3A_1711 = arith.constant 0 : index
      %get3A_1712 = tpu.vector_load %arg5[%get3A_1711] {strides = array<i32>} : memref<4096xf32, #tpu.memory_space<vmem>>, vector<16xf32>,
      %get3A_1713 = arith.constant 0 : index
      %get3A_1714 = tpu.vector_load %arg6[%get3A_1713] {strides = array<i32>} : memref<4096xf32, #tpu.memory_space<vmem>>, vector<16xf32>,
      %get3A_1715 = arith.constant 0 : index
      %get3A_1716 = tpu.vector_load %arg7[%get3A_1715] {strides = array<i32>} : memref<4096xf32, #tpu.memory_space<vmem>>, vector<16xf32>,
      %get3A_1717 = arith.constant 16 : index
      %get3A_1718 = tpu.vector_load %arg5[%get3A_1717] {strides = array<i32>} : memref<4096xf32, #tpu.memory_space<vmem>>, vector<16xf32>,
      %get3A_1719 = arith.constant 16 : index
      %get3A_1720 = tpu.vector_load %arg6[%get3A_1719] {strides = array<i32>} : memref<4096xf32, #tpu.memory_space<vmem>>, vector<16xf32>,
      %get3A_1721 = arith.constant 16 : index
      %get3A_1722 = tpu.vector_load %arg7[%get3A_1721] {strides = array<i32>} : memref<4096xf32, #tpu.memory_space<vmem>>, vector<16xf32>,
      %sub3A_1723 = arith.subf %get3A_1712, %gather3A : vector<16xf32>
      %sub3A_1724 = arith.subf %get3A_1714, %gather3A_1707 : vector<16xf32>
      %sub3A_1725 = arith.subf %get3A_1716, %gather3A_1708 : vector<16xf32>
      %sub3A_1726 = arith.subf %get3A_1718, %gather3A : vector<16xf32>
      %sub3A_1727 = arith.subf %get3A_1720, %gather3A_1707 : vector<16xf32>
      %sub3A_1728 = arith.subf %get3A_1722, %gather3A_1708 : vector<16xf32>
      %mul3A_1729 = arith.mulf %sub3A_1723, %sub3A_1723 : vector<16xf32>
      %mul3A_1730 = arith.mulf %sub3A_1724, %sub3A_1724 : vector<16xf32>
      %add3A_1731 = arith.addf %mul3A_1729, %mul3A_1730 : vector<16xf32>
      %mul3A_1732 = arith.mulf %sub3A_1725, %sub3A_1725 : vector<16xf32>
      %add3A_1733 = arith.addf %add3A_1731, %mul3A_1732 : vector<16xf32>
      %mul3A_1734 = arith.mulf %sub3A_1726, %sub3A_1726 : vector<16xf32>
      %mul3A_1735 = arith.mulf %sub3A_1727, %sub3A_1727 : vector<16xf32>
      %add3A_1736 = arith.addf %mul3A_1734, %mul3A_1735 : vector<16xf32>
      %mul3A_1737 = arith.mulf %sub3A_1728, %sub3A_1728 : vector<16xf32>
      %add3A_1738 = arith.addf %add3A_1736, %mul3A_1737 : vector<16xf32>
      %lt3A = arith.constant 1.600000e-01 : f32
      %lt3A_1739 = vector.broadcast %lt3A : f32 to vector<16xf32>
      %lt3A_1740 = arith.cmpf olt, %add3A_1733, %lt3A_1739 : vector<16xf32>
      %lt3A_1741 = arith.constant 1.600000e-01 : f32
      %lt3A_1742 = vector.broadcast %lt3A_1741 : f32 to vector<16xf32>
      %lt3A_1743 = arith.cmpf olt, %add3A_1738, %lt3A_1742 : vector<16xf32>
      %convert_element_type3A = arith.extui %lt3A_1740 : vector<16xi1> to vector<16xi32>
      %convert_element_type3A_1744 = arith.extui %lt3A_1743 : vector<16xi1> to vector<16xi32>
      %all_reduce_population_count3A = tpu.all_reduce %lt3A_1740 {dim = 0 : i64, kind = #tpu.reduction_kind<sum>} : vector<16xi1> -> vector<16xi32>
      %all_reduce_population_count3A_1745 = tpu.all_reduce %lt3A_1743 {dim = 0 : i64, kind = #tpu.reduction_kind<sum>} : vector<16xi1> -> vector<16xi32>
      %broadcast_in_dim3A_1746 = arith.constant true
      %broadcast_in_dim3A_1747 = vector.broadcast %broadcast_in_dim3A_1746 : i1 to vector<16xi1>
      %masked_cumsum3A = tpu.scan <sum>, %convert_element_type3A masked %broadcast_in_dim3A_1747 : vector<16xi32>, vector<16xi1> -> vector<16xi32>
      %add3A_1748 = arith.addi %broadcast_in_dim3A_1710, %masked_cumsum3A : vector<16xi32>
      %sub3A_1749 = arith.subi %add3A_1748, %convert_element_type3A : vector<16xi32>
      %add3A_1750 = arith.addi %broadcast_in_dim3A_1710, %all_reduce_population_count3A : vector<16xi32>
      %broadcast_in_dim3A_1751 = arith.constant true
      %broadcast_in_dim3A_1752 = vector.broadcast %broadcast_in_dim3A_1751 : i1 to vector<16xi1>
      %masked_cumsum3A_1753 = tpu.scan <sum>, %convert_element_type3A_1744 masked %broadcast_in_dim3A_1752 : vector<16xi32>, vector<16xi1> -> vector<16xi32>
      %add3A_1754 = arith.addi %add3A_1750, %masked_cumsum3A_1753 : vector<16xi32>
      %sub3A_1755 = arith.subi %add3A_1754, %convert_element_type3A_1744 : vector<16xi32>
      %lt3A_1756 = arith.constant 64 : i32
      %lt3A_1757 = vector.broadcast %lt3A_1756 : i32 to vector<16xi32>
      %lt3A_1758 = arith.cmpi slt, %sub3A_1749, %lt3A_1757 : vector<16xi32>
      %and3A_1759 = arith.andi %lt3A_1740, %lt3A_1758 : vector<16xi1>
      %lt3A_1760 = arith.constant 64 : i32
      %lt3A_1761 = vector.broadcast %lt3A_1760 : i32 to vector<16xi32>
      %lt3A_1762 = arith.cmpi slt, %sub3A_1755, %lt3A_1761 : vector<16xi32>
      %and3A_1763 = arith.andi %lt3A_1743, %lt3A_1762 : vector<16xi1>
      %mul3A_1764 = arith.constant 64 : i32
      %mul3A_1765 = arith.muli %scan3A_1668, %mul3A_1764 : i32
      %add3A_1766 = vector.broadcast %mul3A_1765 : i32 to vector<16xi32>
      %add3A_1767 = arith.addi %add3A_1766, %sub3A_1749 : vector<16xi32>
      %add3A_1768 = arith.constant 0 : i32
      %add3A_1769 = vector.broadcast %add3A_1768 : i32 to vector<16xi32>
      %add3A_1770 = arith.addi %add3A_1769, %iota3A : vector<16xi32>
      %mul3A_1771 = arith.constant 4096 : i32
      %mul3A_1772 = arith.muli %select_n3A, %mul3A_1771 : i32
      %add3A_1773 = vector.broadcast %mul3A_1772 : i32 to vector<16xi32>
      %add3A_1774 = arith.addi %add3A_1770, %add3A_1773 : vector<16xi32>
      tpu.vector_store_idx %arg8[%add3A_1767], %add3A_1774 masked %and3A_1759 : memref<4096xi32, #tpu.memory_space<vmem>>[vector<16xi32>], vector<16xi32>, vector<16xi1>
      %mul3A_1775 = arith.constant 64 : i32
      %mul3A_1776 = arith.muli %scan3A_1668, %mul3A_1775 : i32
      %add3A_1777 = vector.broadcast %mul3A_1776 : i32 to vector<16xi32>
      %add3A_1778 = arith.addi %add3A_1777, %sub3A_1755 : vector<16xi32>
      %add3A_1779 = arith.constant 16 : i32
      %add3A_1780 = vector.broadcast %add3A_1779 : i32 to vector<16xi32>
      %add3A_1781 = arith.addi %add3A_1780, %iota3A : vector<16xi32>
      %mul3A_1782 = arith.constant 4096 : i32
      %mul3A_1783 = arith.muli %select_n3A, %mul3A_1782 : i32
      %add3A_1784 = vector.broadcast %mul3A_1783 : i32 to vector<16xi32>
      %add3A_1785 = arith.addi %add3A_1781, %add3A_1784 : vector<16xi32>
      tpu.vector_store_idx %arg8[%add3A_1778], %add3A_1785 masked %and3A_1763 : memref<4096xi32, #tpu.memory_space<vmem>>[vector<16xi32>], vector<16xi32>, vector<16xi1>
      %add3A_1786 = arith.addi %broadcast_in_dim3A_1710, %all_reduce_population_count3A : vector<16xi32>
      %add3A_1787 = arith.addi %add3A_1786, %all_reduce_population_count3A_1745 : vector<16xi32>
      %get3A_1788 = arith.constant 32 : index
      %get3A_1789 = tpu.vector_load %arg5[%get3A_1788] {strides = array<i32>} : memref<4096xf32, #tpu.memory_space<vmem>>, vector<16xf32>,
      %get3A_1790 = arith.constant 32 : index
      %get3A_1791 = tpu.vector_load %arg6[%get3A_1790] {strides = array<i32>} : memref<4096xf32, #tpu.memory_space<vmem>>, vector<16xf32>,
      %get3A_1792 = arith.constant 32 : index
      %get3A_1793 = tpu.vector_load %arg7[%get3A_1792] {strides = array<i32>} : memref<4096xf32, #tpu.memory_space<vmem>>, vector<16xf32>,
      %get3A_1794 = arith.constant 48 : index
      %get3A_1795 = tpu.vector_load %arg5[%get3A_1794] {strides = array<i32>} : memref<4096xf32, #tpu.memory_space<vmem>>, vector<16xf32>,
      %get3A_1796 = arith.constant 48 : index
      %get3A_1797 = tpu.vector_load %arg6[%get3A_1796] {strides = array<i32>} : memref<4096xf32, #tpu.memory_space<vmem>>, vector<16xf32>,
      %get3A_1798 = arith.constant 48 : index
      %get3A_1799 = tpu.vector_load %arg7[%get3A_1798] {strides = array<i32>} : memref<4096xf32, #tpu.memory_space<vmem>>, vector<16xf32>,
      %sub3A_1800 = arith.subf %get3A_1789, %gather3A : vector<16xf32>
      %sub3A_1801 = arith.subf %get3A_1791, %gather3A_1707 : vector<16xf32>
      %sub3A_1802 = arith.subf %get3A_1793, %gather3A_1708 : vector<16xf32>
      %sub3A_1803 = arith.subf %get3A_1795, %gather3A : vector<16xf32>
      %sub3A_1804 = arith.subf %get3A_1797, %gather3A_1707 : vector<16xf32>
      %sub3A_1805 = arith.subf %get3A_1799, %gather3A_1708 : vector<16xf32>
      %mul3A_1806 = arith.mulf %sub3A_1800, %sub3A_1800 : vector<16xf32>
      %mul3A_1807 = arith.mulf %sub3A_1801, %sub3A_1801 : vector<16xf32>
      %add3A_1808 = arith.addf %mul3A_1806, %mul3A_1807 : vector<16xf32>
      %mul3A_1809 = arith.mulf %sub3A_1802, %sub3A_1802 : vector<16xf32>
      %add3A_1810 = arith.addf %add3A_1808, %mul3A_1809 : vector<16xf32>
      %mul3A_1811 = arith.mulf %sub3A_1803, %sub3A_1803 : vector<16xf32>
      %mul3A_1812 = arith.mulf %sub3A_1804, %sub3A_1804 : vector<16xf32>
      %add3A_1813 = arith.addf %mul3A_1811, %mul3A_1812 : vector<16xf32>
      %mul3A_1814 = arith.mulf %sub3A_1805, %sub3A_1805 : vector<16xf32>
      %add3A_1815 = arith.addf %add3A_1813, %mul3A_1814 : vector<16xf32>
      %lt3A_1816 = arith.constant 1.600000e-01 : f32
      %lt3A_1817 = vector.broadcast %lt3A_1816 : f32 to vector<16xf32>
      %lt3A_1818 = arith.cmpf olt, %add3A_1810, %lt3A_1817 : vector<16xf32>
      %lt3A_1819 = arith.constant 1.600000e-01 : f32
      %lt3A_1820 = vector.broadcast %lt3A_1819 : f32 to vector<16xf32>
      %lt3A_1821 = arith.cmpf olt, %add3A_1815, %lt3A_1820 : vector<16xf32>
      %convert_element_type3A_1822 = arith.extui %lt3A_1818 : vector<16xi1> to vector<16xi32>
      %convert_element_type3A_1823 = arith.extui %lt3A_1821 : vector<16xi1> to vector<16xi32>
      %all_reduce_population_count3A_1824 = tpu.all_reduce %lt3A_1818 {dim = 0 : i64, kind = #tpu.reduction_kind<sum>} : vector<16xi1> -> vector<16xi32>
      %all_reduce_population_count3A_1825 = tpu.all_reduce %lt3A_1821 {dim = 0 : i64, kind = #tpu.reduction_kind<sum>} : vector<16xi1> -> vector<16xi32>
      %broadcast_in_dim3A_1826 = arith.constant true
      %broadcast_in_dim3A_1827 = vector.broadcast %broadcast_in_dim3A_1826 : i1 to vector<16xi1>
      %masked_cumsum3A_1828 = tpu.scan <sum>, %convert_element_type3A_1822 masked %broadcast_in_dim3A_1827 : vector<16xi32>, vector<16xi1> -> vector<16xi32>
      %add3A_1829 = arith.addi %add3A_1787, %masked_cumsum3A_1828 : vector<16xi32>
      %sub3A_1830 = arith.subi %add3A_1829, %convert_element_type3A_1822 : vector<16xi32>
      %add3A_1831 = arith.addi %add3A_1787, %all_reduce_population_count3A_1824 : vector<16xi32>
      %broadcast_in_dim3A_1832 = arith.constant true
      %broadcast_in_dim3A_1833 = vector.broadcast %broadcast_in_dim3A_1832 : i1 to vector<16xi1>
      %masked_cumsum3A_1834 = tpu.scan <sum>, %convert_element_type3A_1823 masked %broadcast_in_dim3A_1833 : vector<16xi32>, vector<16xi1> -> vector<16xi32>
      %add3A_1835 = arith.addi %add3A_1831, %masked_cumsum3A_1834 : vector<16xi32>
      %sub3A_1836 = arith.subi %add3A_1835, %convert_element_type3A_1823 : vector<16xi32>
      %lt3A_1837 = arith.constant 64 : i32
      %lt3A_1838 = vector.broadcast %lt3A_1837 : i32 to vector<16xi32>
      %lt3A_1839 = arith.cmpi slt, %sub3A_1830, %lt3A_1838 : vector<16xi32>
      %and3A_1840 = arith.andi %lt3A_1818, %lt3A_1839 : vector<16xi1>
      %lt3A_1841 = arith.constant 64 : i32
      %lt3A_1842 = vector.broadcast %lt3A_1841 : i32 to vector<16xi32>
      %lt3A_1843 = arith.cmpi slt, %sub3A_1836, %lt3A_1842 : vector<16xi32>
      %and3A_1844 = arith.andi %lt3A_1821, %lt3A_1843 : vector<16xi1>
      %mul3A_1845 = arith.constant 64 : i32
      %mul3A_1846 = arith.muli %scan3A_1668, %mul3A_1845 : i32
      %add3A_1847 = vector.broadcast %mul3A_1846 : i32 to vector<16xi32>
      %add3A_1848 = arith.addi %add3A_1847, %sub3A_1830 : vector<16xi32>
      %add3A_1849 = arith.constant 32 : i32
      %add3A_1850 = vector.broadcast %add3A_1849 : i32 to vector<16xi32>
      %add3A_1851 = arith.addi %add3A_1850, %iota3A : vector<16xi32>
      %mul3A_1852 = arith.constant 4096 : i32
      %mul3A_1853 = arith.muli %select_n3A, %mul3A_1852 : i32
      %add3A_1854 = vector.broadcast %mul3A_1853 : i32 to vector<16xi32>
      %add3A_1855 = arith.addi %add3A_1851, %add3A_1854 : vector<16xi32>
      tpu.vector_store_idx %arg8[%add3A_1848], %add3A_1855 masked %and3A_1840 : memref<4096xi32, #tpu.memory_space<vmem>>[vector<16xi32>], vector<16xi32>, vector<16xi1>
      %mul3A_1856 = arith.constant 64 : i32
      %mul3A_1857 = arith.muli %scan3A_1668, %mul3A_1856 : i32
      %add3A_1858 = vector.broadcast %mul3A_1857 : i32 to vector<16xi32>
      %add3A_1859 = arith.addi %add3A_1858, %sub3A_1836 : vector<16xi32>
      %add3A_1860 = arith.constant 48 : i32
      %add3A_1861 = vector.broadcast %add3A_1860 : i32 to vector<16xi32>
      %add3A_1862 = arith.addi %add3A_1861, %iota3A : vector<16xi32>
      %mul3A_1863 = arith.constant 4096 : i32
      %mul3A_1864 = arith.muli %select_n3A, %mul3A_1863 : i32
      %add3A_1865 = vector.broadcast %mul3A_1864 : i32 to vector<16xi32>
      %add3A_1866 = arith.addi %add3A_1862, %add3A_1865 : vector<16xi32>
      tpu.vector_store_idx %arg8[%add3A_1859], %add3A_1866 masked %and3A_1844 : memref<4096xi32, #tpu.memory_space<vmem>>[vector<16xi32>], vector<16xi32>, vector<16xi1>
      %add3A_1867 = arith.addi %add3A_1787, %all_reduce_population_count3A_1824 : vector<16xi32>
      %add3A_1868 = arith.addi %add3A_1867, %all_reduce_population_count3A_1825 : vector<16xi32>
      %get3A_1869 = arith.constant 64 : index
      %get3A_1870 = tpu.vector_load %arg5[%get3A_1869] {strides = array<i32>} : memref<4096xf32, #tpu.memory_space<vmem>>, vector<16xf32>,
      %get3A_1871 = arith.constant 64 : index
      %get3A_1872 = tpu.vector_load %arg6[%get3A_1871] {strides = array<i32>} : memref<4096xf32, #tpu.memory_space<vmem>>, vector<16xf32>,
      %get3A_1873 = arith.constant 64 : index
      %get3A_1874 = tpu.vector_load %arg7[%get3A_1873] {strides = array<i32>} : memref<4096xf32, #tpu.memory_space<vmem>>, vector<16xf32>,
      %get3A_1875 = arith.constant 80 : index
      %get3A_1876 = tpu.vector_load %arg5[%get3A_1875] {strides = array<i32>} : memref<4096xf32, #tpu.memory_space<vmem>>, vector<16xf32>,
      %get3A_1877 = arith.constant 80 : index
      %get3A_1878 = tpu.vector_load %arg6[%get3A_1877] {strides = array<i32>} : memref<4096xf32, #tpu.memory_space<vmem>>, vector<16xf32>,
      %get3A_1879 = arith.constant 80 : index
      %get3A_1880 = tpu.vector_load %arg7[%get3A_1879] {strides = array<i32>} : memref<4096xf32, #tpu.memory_space<vmem>>, vector<16xf32>,
      %sub3A_1881 = arith.subf %get3A_1870, %gather3A : vector<16xf32>
      %sub3A_1882 = arith.subf %get3A_1872, %gather3A_1707 : vector<16xf32>
      %sub3A_1883 = arith.subf %get3A_1874, %gather3A_1708 : vector<16xf32>
      %sub3A_1884 = arith.subf %get3A_1876, %gather3A : vector<16xf32>
      %sub3A_1885 = arith.subf %get3A_1878, %gather3A_1707 : vector<16xf32>
      %sub3A_1886 = arith.subf %get3A_1880, %gather3A_1708 : vector<16xf32>
      %mul3A_1887 = arith.mulf %sub3A_1881, %sub3A_1881 : vector<16xf32>
      %mul3A_1888 = arith.mulf %sub3A_1882, %sub3A_1882 : vector<16xf32>
      %add3A_1889 = arith.addf %mul3A_1887, %mul3A_1888 : vector<16xf32>
      %mul3A_1890 = arith.mulf %sub3A_1883, %sub3A_1883 : vector<16xf32>
      %add3A_1891 = arith.addf %add3A_1889, %mul3A_1890 : vector<16xf32>
      %mul3A_1892 = arith.mulf %sub3A_1884, %sub3A_1884 : vector<16xf32>
      %mul3A_1893 = arith.mulf %sub3A_1885, %sub3A_1885 : vector<16xf32>
      %add3A_1894 = arith.addf %mul3A_1892, %mul3A_1893 : vector<16xf32>
      %mul3A_1895 = arith.mulf %sub3A_1886, %sub3A_1886 : vector<16xf32>
      %add3A_1896 = arith.addf %add3A_1894, %mul3A_1895 : vector<16xf32>
      %lt3A_1897 = arith.constant 1.600000e-01 : f32
      %lt3A_1898 = vector.broadcast %lt3A_1897 : f32 to vector<16xf32>
      %lt3A_1899 = arith.cmpf olt, %add3A_1891, %lt3A_1898 : vector<16xf32>
      %lt3A_1900 = arith.constant 1.600000e-01 : f32
      %lt3A_1901 = vector.broadcast %lt3A_1900 : f32 to vector<16xf32>
      %lt3A_1902 = arith.cmpf olt, %add3A_1896, %lt3A_1901 : vector<16xf32>
      %convert_element_type3A_1903 = arith.extui %lt3A_1899 : vector<16xi1> to vector<16xi32>
      %convert_element_type3A_1904 = arith.extui %lt3A_1902 : vector<16xi1> to vector<16xi32>
      %all_reduce_population_count3A_1905 = tpu.all_reduce %lt3A_1899 {dim = 0 : i64, kind = #tpu.reduction_kind<sum>} : vector<16xi1> -> vector<16xi32>
      %all_reduce_population_count3A_1906 = tpu.all_reduce %lt3A_1902 {dim = 0 : i64, kind = #tpu.reduction_kind<sum>} : vector<16xi1> -> vector<16xi32>
      %broadcast_in_dim3A_1907 = arith.constant true
      %broadcast_in_dim3A_1908 = vector.broadcast %broadcast_in_dim3A_1907 : i1 to vector<16xi1>
      %masked_cumsum3A_1909 = tpu.scan <sum>, %convert_element_type3A_1903 masked %broadcast_in_dim3A_1908 : vector<16xi32>, vector<16xi1> -> vector<16xi32>
      %add3A_1910 = arith.addi %add3A_1868, %masked_cumsum3A_1909 : vector<16xi32>
      %sub3A_1911 = arith.subi %add3A_1910, %convert_element_type3A_1903 : vector<16xi32>
      %add3A_1912 = arith.addi %add3A_1868, %all_reduce_population_count3A_1905 : vector<16xi32>
      %broadcast_in_dim3A_1913 = arith.constant true
      %broadcast_in_dim3A_1914 = vector.broadcast %broadcast_in_dim3A_1913 : i1 to vector<16xi1>
      %masked_cumsum3A_1915 = tpu.scan <sum>, %convert_element_type3A_1904 masked %broadcast_in_dim3A_1914 : vector<16xi32>, vector<16xi1> -> vector<16xi32>
      %add3A_1916 = arith.addi %add3A_1912, %masked_cumsum3A_1915 : vector<16xi32>
      %sub3A_1917 = arith.subi %add3A_1916, %convert_element_type3A_1904 : vector<16xi32>
      %lt3A_1918 = arith.constant 64 : i32
      %lt3A_1919 = vector.broadcast %lt3A_1918 : i32 to vector<16xi32>
      %lt3A_1920 = arith.cmpi slt, %sub3A_1911, %lt3A_1919 : vector<16xi32>
      %and3A_1921 = arith.andi %lt3A_1899, %lt3A_1920 : vector<16xi1>
      %lt3A_1922 = arith.constant 64 : i32
      %lt3A_1923 = vector.broadcast %lt3A_1922 : i32 to vector<16xi32>
      %lt3A_1924 = arith.cmpi slt, %sub3A_1917, %lt3A_1923 : vector<16xi32>
      %and3A_1925 = arith.andi %lt3A_1902, %lt3A_1924 : vector<16xi1>
      %mul3A_1926 = arith.constant 64 : i32
      %mul3A_1927 = arith.muli %scan3A_1668, %mul3A_1926 : i32
      %add3A_1928 = vector.broadcast %mul3A_1927 : i32 to vector<16xi32>
      %add3A_1929 = arith.addi %add3A_1928, %sub3A_1911 : vector<16xi32>
      %add3A_1930 = arith.constant 64 : i32
      %add3A_1931 = vector.broadcast %add3A_1930 : i32 to vector<16xi32>
      %add3A_1932 = arith.addi %add3A_1931, %iota3A : vector<16xi32>
      %mul3A_1933 = arith.constant 4096 : i32
      %mul3A_1934 = arith.muli %select_n3A, %mul3A_1933 : i32
      %add3A_1935 = vector.broadcast %mul3A_1934 : i32 to vector<16xi32>
      %add3A_1936 = arith.addi %add3A_1932, %add3A_1935 : vector<16xi32>
      tpu.vector_store_idx %arg8[%add3A_1929], %add3A_1936 masked %and3A_1921 : memref<4096xi32, #tpu.memory_space<vmem>>[vector<16xi32>], vector<16xi32>, vector<16xi1>
      %mul3A_1937 = arith.constant 64 : i32
      %mul3A_1938 = arith.muli %scan3A_1668, %mul3A_1937 : i32
      %add3A_1939 = vector.broadcast %mul3A_1938 : i32 to vector<16xi32>
      %add3A_1940 = arith.addi %add3A_1939, %sub3A_1917 : vector<16xi32>
      %add3A_1941 = arith.constant 80 : i32
      %add3A_1942 = vector.broadcast %add3A_1941 : i32 to vector<16xi32>
      %add3A_1943 = arith.addi %add3A_1942, %iota3A : vector<16xi32>
      %mul3A_1944 = arith.constant 4096 : i32
      %mul3A_1945 = arith.muli %select_n3A, %mul3A_1944 : i32
      %add3A_1946 = vector.broadcast %mul3A_1945 : i32 to vector<16xi32>
      %add3A_1947 = arith.addi %add3A_1943, %add3A_1946 : vector<16xi32>
      tpu.vector_store_idx %arg8[%add3A_1940], %add3A_1947 masked %and3A_1925 : memref<4096xi32, #tpu.memory_space<vmem>>[vector<16xi32>], vector<16xi32>, vector<16xi1>
      %add3A_1948 = arith.addi %add3A_1868, %all_reduce_population_count3A_1905 : vector<16xi32>
      %add3A_1949 = arith.addi %add3A_1948, %all_reduce_population_count3A_1906 : vector<16xi32>
      %get3A_1950 = arith.constant 96 : index
      %get3A_1951 = tpu.vector_load %arg5[%get3A_1950] {strides = array<i32>} : memref<4096xf32, #tpu.memory_space<vmem>>, vector<16xf32>,
      %get3A_1952 = arith.constant 96 : index
      %get3A_1953 = tpu.vector_load %arg6[%get3A_1952] {strides = array<i32>} : memref<4096xf32, #tpu.memory_space<vmem>>, vector<16xf32>,
      %get3A_1954 = arith.constant 96 : index
      %get3A_1955 = tpu.vector_load %arg7[%get3A_1954] {strides = array<i32>} : memref<4096xf32, #tpu.memory_space<vmem>>, vector<16xf32>,
      %get3A_1956 = arith.constant 112 : index
      %get3A_1957 = tpu.vector_load %arg5[%get3A_1956] {strides = array<i32>} : memref<4096xf32, #tpu.memory_space<vmem>>, vector<16xf32>,
      %get3A_1958 = arith.constant 112 : index
      %get3A_1959 = tpu.vector_load %arg6[%get3A_1958] {strides = array<i32>} : memref<4096xf32, #tpu.memory_space<vmem>>, vector<16xf32>,
      %get3A_1960 = arith.constant 112 : index
      %get3A_1961 = tpu.vector_load %arg7[%get3A_1960] {strides = array<i32>} : memref<4096xf32, #tpu.memory_space<vmem>>, vector<16xf32>,
      %sub3A_1962 = arith.subf %get3A_1951, %gather3A : vector<16xf32>
      %sub3A_1963 = arith.subf %get3A_1953, %gather3A_1707 : vector<16xf32>
      %sub3A_1964 = arith.subf %get3A_1955, %gather3A_1708 : vector<16xf32>
      %sub3A_1965 = arith.subf %get3A_1957, %gather3A : vector<16xf32>
      %sub3A_1966 = arith.subf %get3A_1959, %gather3A_1707 : vector<16xf32>
      %sub3A_1967 = arith.subf %get3A_1961, %gather3A_1708 : vector<16xf32>
      %mul3A_1968 = arith.mulf %sub3A_1962, %sub3A_1962 : vector<16xf32>
      %mul3A_1969 = arith.mulf %sub3A_1963, %sub3A_1963 : vector<16xf32>
      %add3A_1970 = arith.addf %mul3A_1968, %mul3A_1969 : vector<16xf32>
      %mul3A_1971 = arith.mulf %sub3A_1964, %sub3A_1964 : vector<16xf32>
      %add3A_1972 = arith.addf %add3A_1970, %mul3A_1971 : vector<16xf32>
      %mul3A_1973 = arith.mulf %sub3A_1965, %sub3A_1965 : vector<16xf32>
      %mul3A_1974 = arith.mulf %sub3A_1966, %sub3A_1966 : vector<16xf32>
      %add3A_1975 = arith.addf %mul3A_1973, %mul3A_1974 : vector<16xf32>
      %mul3A_1976 = arith.mulf %sub3A_1967, %sub3A_1967 : vector<16xf32>
      %add3A_1977 = arith.addf %add3A_1975, %mul3A_1976 : vector<16xf32>
      %lt3A_1978 = arith.constant 1.600000e-01 : f32
      %lt3A_1979 = vector.broadcast %lt3A_1978 : f32 to vector<16xf32>
      %lt3A_1980 = arith.cmpf olt, %add3A_1972, %lt3A_1979 : vector<16xf32>
      %lt3A_1981 = arith.constant 1.600000e-01 : f32
      %lt3A_1982 = vector.broadcast %lt3A_1981 : f32 to vector<16xf32>
      %lt3A_1983 = arith.cmpf olt, %add3A_1977, %lt3A_1982 : vector<16xf32>
      %convert_element_type3A_1984 = arith.extui %lt3A_1980 : vector<16xi1> to vector<16xi32>
      %convert_element_type3A_1985 = arith.extui %lt3A_1983 : vector<16xi1> to vector<16xi32>
      %all_reduce_population_count3A_1986 = tpu.all_reduce %lt3A_1980 {dim = 0 : i64, kind = #tpu.reduction_kind<sum>} : vector<16xi1> -> vector<16xi32>
      %all_reduce_population_count3A_1987 = tpu.all_reduce %lt3A_1983 {dim = 0 : i64, kind = #tpu.reduction_kind<sum>} : vector<16xi1> -> vector<16xi32>
      %broadcast_in_dim3A_1988 = arith.constant true
      %broadcast_in_dim3A_1989 = vector.broadcast %broadcast_in_dim3A_1988 : i1 to vector<16xi1>
      %masked_cumsum3A_1990 = tpu.scan <sum>, %convert_element_type3A_1984 masked %broadcast_in_dim3A_1989 : vector<16xi32>, vector<16xi1> -> vector<16xi32>
      %add3A_1991 = arith.addi %add3A_1949, %masked_cumsum3A_1990 : vector<16xi32>
      %sub3A_1992 = arith.subi %add3A_1991, %convert_element_type3A_1984 : vector<16xi32>
      %add3A_1993 = arith.addi %add3A_1949, %all_reduce_population_count3A_1986 : vector<16xi32>
      %broadcast_in_dim3A_1994 = arith.constant true
      %broadcast_in_dim3A_1995 = vector.broadcast %broadcast_in_dim3A_1994 : i1 to vector<16xi1>
      %masked_cumsum3A_1996 = tpu.scan <sum>, %convert_element_type3A_1985 masked %broadcast_in_dim3A_1995 : vector<16xi32>, vector<16xi1> -> vector<16xi32>
      %add3A_1997 = arith.addi %add3A_1993, %masked_cumsum3A_1996 : vector<16xi32>
      %sub3A_1998 = arith.subi %add3A_1997, %convert_element_type3A_1985 : vector<16xi32>
      %lt3A_1999 = arith.constant 64 : i32
      %lt3A_2000 = vector.broadcast %lt3A_1999 : i32 to vector<16xi32>
      %lt3A_2001 = arith.cmpi slt, %sub3A_1992, %lt3A_2000 : vector<16xi32>
      %and3A_2002 = arith.andi %lt3A_1980, %lt3A_2001 : vector<16xi1>
      %lt3A_2003 = arith.constant 64 : i32
      %lt3A_2004 = vector.broadcast %lt3A_2003 : i32 to vector<16xi32>
      %lt3A_2005 = arith.cmpi slt, %sub3A_1998, %lt3A_2004 : vector<16xi32>
      %and3A_2006 = arith.andi %lt3A_1983, %lt3A_2005 : vector<16xi1>
      %mul3A_2007 = arith.constant 64 : i32
      %mul3A_2008 = arith.muli %scan3A_1668, %mul3A_2007 : i32
      %add3A_2009 = vector.broadcast %mul3A_2008 : i32 to vector<16xi32>
      %add3A_2010 = arith.addi %add3A_2009, %sub3A_1992 : vector<16xi32>
      %add3A_2011 = arith.constant 96 : i32
      %add3A_2012 = vector.broadcast %add3A_2011 : i32 to vector<16xi32>
      %add3A_2013 = arith.addi %add3A_2012, %iota3A : vector<16xi32>
      %mul3A_2014 = arith.constant 4096 : i32
      %mul3A_2015 = arith.muli %select_n3A, %mul3A_2014 : i32
      %add3A_2016 = vector.broadcast %mul3A_2015 : i32 to vector<16xi32>
      %add3A_2017 = arith.addi %add3A_2013, %add3A_2016 : vector<16xi32>
      tpu.vector_store_idx %arg8[%add3A_2010], %add3A_2017 masked %and3A_2002 : memref<4096xi32, #tpu.memory_space<vmem>>[vector<16xi32>], vector<16xi32>, vector<16xi1>
      %mul3A_2018 = arith.constant 64 : i32
      %mul3A_2019 = arith.muli %scan3A_1668, %mul3A_2018 : i32
      %add3A_2020 = vector.broadcast %mul3A_2019 : i32 to vector<16xi32>
      %add3A_2021 = arith.addi %add3A_2020, %sub3A_1998 : vector<16xi32>
      %add3A_2022 = arith.constant 112 : i32
      %add3A_2023 = vector.broadcast %add3A_2022 : i32 to vector<16xi32>
      %add3A_2024 = arith.addi %add3A_2023, %iota3A : vector<16xi32>
      %mul3A_2025 = arith.constant 4096 : i32
      %mul3A_2026 = arith.muli %select_n3A, %mul3A_2025 : i32
      %add3A_2027 = vector.broadcast %mul3A_2026 : i32 to vector<16xi32>
      %add3A_2028 = arith.addi %add3A_2024, %add3A_2027 : vector<16xi32>
      tpu.vector_store_idx %arg8[%add3A_2021], %add3A_2028 masked %and3A_2006 : memref<4096xi32, #tpu.memory_space<vmem>>[vector<16xi32>], vector<16xi32>, vector<16xi1>
      %add3A_2029 = arith.addi %add3A_1949, %all_reduce_population_count3A_1986 : vector<16xi32>
      %add3A_2030 = arith.addi %add3A_2029, %all_reduce_population_count3A_1987 : vector<16xi32>
      %get3A_2031 = arith.constant 128 : index
      %get3A_2032 = tpu.vector_load %arg5[%get3A_2031] {strides = array<i32>} : memref<4096xf32, #tpu.memory_space<vmem>>, vector<16xf32>,
      %get3A_2033 = arith.constant 128 : index
      %get3A_2034 = tpu.vector_load %arg6[%get3A_2033] {strides = array<i32>} : memref<4096xf32, #tpu.memory_space<vmem>>, vector<16xf32>,
      %get3A_2035 = arith.constant 128 : index
      %get3A_2036 = tpu.vector_load %arg7[%get3A_2035] {strides = array<i32>} : memref<4096xf32, #tpu.memory_space<vmem>>, vector<16xf32>,
      %get3A_2037 = arith.constant 144 : index
      %get3A_2038 = tpu.vector_load %arg5[%get3A_2037] {strides = array<i32>} : memref<4096xf32, #tpu.memory_space<vmem>>, vector<16xf32>,
      %get3A_2039 = arith.constant 144 : index
      %get3A_2040 = tpu.vector_load %arg6[%get3A_2039] {strides = array<i32>} : memref<4096xf32, #tpu.memory_space<vmem>>, vector<16xf32>,
      %get3A_2041 = arith.constant 144 : index
      %get3A_2042 = tpu.vector_load %arg7[%get3A_2041] {strides = array<i32>} : memref<4096xf32, #tpu.memory_space<vmem>>, vector<16xf32>,
      %sub3A_2043 = arith.subf %get3A_2032, %gather3A : vector<16xf32>
      %sub3A_2044 = arith.subf %get3A_2034, %gather3A_1707 : vector<16xf32>
      %sub3A_2045 = arith.subf %get3A_2036, %gather3A_1708 : vector<16xf32>
      %sub3A_2046 = arith.subf %get3A_2038, %gather3A : vector<16xf32>
      %sub3A_2047 = arith.subf %get3A_2040, %gather3A_1707 : vector<16xf32>
      %sub3A_2048 = arith.subf %get3A_2042, %gather3A_1708 : vector<16xf32>
      %mul3A_2049 = arith.mulf %sub3A_2043, %sub3A_2043 : vector<16xf32>
      %mul3A_2050 = arith.mulf %sub3A_2044, %sub3A_2044 : vector<16xf32>
      %add3A_2051 = arith.addf %mul3A_2049, %mul3A_2050 : vector<16xf32>
      %mul3A_2052 = arith.mulf %sub3A_2045, %sub3A_2045 : vector<16xf32>
      %add3A_2053 = arith.addf %add3A_2051, %mul3A_2052 : vector<16xf32>
      %mul3A_2054 = arith.mulf %sub3A_2046, %sub3A_2046 : vector<16xf32>
      %mul3A_2055 = arith.mulf %sub3A_2047, %sub3A_2047 : vector<16xf32>
      %add3A_2056 = arith.addf %mul3A_2054, %mul3A_2055 : vector<16xf32>
      %mul3A_2057 = arith.mulf %sub3A_2048, %sub3A_2048 : vector<16xf32>
      %add3A_2058 = arith.addf %add3A_2056, %mul3A_2057 : vector<16xf32>
      %lt3A_2059 = arith.constant 1.600000e-01 : f32
      %lt3A_2060 = vector.broadcast %lt3A_2059 : f32 to vector<16xf32>
      %lt3A_2061 = arith.cmpf olt, %add3A_2053, %lt3A_2060 : vector<16xf32>
      %lt3A_2062 = arith.constant 1.600000e-01 : f32
      %lt3A_2063 = vector.broadcast %lt3A_2062 : f32 to vector<16xf32>
      %lt3A_2064 = arith.cmpf olt, %add3A_2058, %lt3A_2063 : vector<16xf32>
      %convert_element_type3A_2065 = arith.extui %lt3A_2061 : vector<16xi1> to vector<16xi32>
      %convert_element_type3A_2066 = arith.extui %lt3A_2064 : vector<16xi1> to vector<16xi32>
      %all_reduce_population_count3A_2067 = tpu.all_reduce %lt3A_2061 {dim = 0 : i64, kind = #tpu.reduction_kind<sum>} : vector<16xi1> -> vector<16xi32>
      %all_reduce_population_count3A_2068 = tpu.all_reduce %lt3A_2064 {dim = 0 : i64, kind = #tpu.reduction_kind<sum>} : vector<16xi1> -> vector<16xi32>
      %broadcast_in_dim3A_2069 = arith.constant true
      %broadcast_in_dim3A_2070 = vector.broadcast %broadcast_in_dim3A_2069 : i1 to vector<16xi1>
      %masked_cumsum3A_2071 = tpu.scan <sum>, %convert_element_type3A_2065 masked %broadcast_in_dim3A_2070 : vector<16xi32>, vector<16xi1> -> vector<16xi32>
      %add3A_2072 = arith.addi %add3A_2030, %masked_cumsum3A_2071 : vector<16xi32>
      %sub3A_2073 = arith.subi %add3A_2072, %convert_element_type3A_2065 : vector<16xi32>
      %add3A_2074 = arith.addi %add3A_2030, %all_reduce_population_count3A_2067 : vector<16xi32>
      %broadcast_in_dim3A_2075 = arith.constant true
      %broadcast_in_dim3A_2076 = vector.broadcast %broadcast_in_dim3A_2075 : i1 to vector<16xi1>
      %masked_cumsum3A_2077 = tpu.scan <sum>, %convert_element_type3A_2066 masked %broadcast_in_dim3A_2076 : vector<16xi32>, vector<16xi1> -> vector<16xi32>
      %add3A_2078 = arith.addi %add3A_2074, %masked_cumsum3A_2077 : vector<16xi32>
      %sub3A_2079 = arith.subi %add3A_2078, %convert_element_type3A_2066 : vector<16xi32>
      %lt3A_2080 = arith.constant 64 : i32
      %lt3A_2081 = vector.broadcast %lt3A_2080 : i32 to vector<16xi32>
      %lt3A_2082 = arith.cmpi slt, %sub3A_2073, %lt3A_2081 : vector<16xi32>
      %and3A_2083 = arith.andi %lt3A_2061, %lt3A_2082 : vector<16xi1>
      %lt3A_2084 = arith.constant 64 : i32
      %lt3A_2085 = vector.broadcast %lt3A_2084 : i32 to vector<16xi32>
      %lt3A_2086 = arith.cmpi slt, %sub3A_2079, %lt3A_2085 : vector<16xi32>
      %and3A_2087 = arith.andi %lt3A_2064, %lt3A_2086 : vector<16xi1>
      %mul3A_2088 = arith.constant 64 : i32
      %mul3A_2089 = arith.muli %scan3A_1668, %mul3A_2088 : i32
      %add3A_2090 = vector.broadcast %mul3A_2089 : i32 to vector<16xi32>
      %add3A_2091 = arith.addi %add3A_2090, %sub3A_2073 : vector<16xi32>
      %add3A_2092 = arith.constant 128 : i32
      %add3A_2093 = vector.broadcast %add3A_2092 : i32 to vector<16xi32>
      %add3A_2094 = arith.addi %add3A_2093, %iota3A : vector<16xi32>
      %mul3A_2095 = arith.constant 4096 : i32
      %mul3A_2096 = arith.muli %select_n3A, %mul3A_2095 : i32
      %add3A_2097 = vector.broadcast %mul3A_2096 : i32 to vector<16xi32>
      %add3A_2098 = arith.addi %add3A_2094, %add3A_2097 : vector<16xi32>
      tpu.vector_store_idx %arg8[%add3A_2091], %add3A_2098 masked %and3A_2083 : memref<4096xi32, #tpu.memory_space<vmem>>[vector<16xi32>], vector<16xi32>, vector<16xi1>
      %mul3A_2099 = arith.constant 64 : i32
      %mul3A_2100 = arith.muli %scan3A_1668, %mul3A_2099 : i32
      %add3A_2101 = vector.broadcast %mul3A_2100 : i32 to vector<16xi32>
      %add3A_2102 = arith.addi %add3A_2101, %sub3A_2079 : vector<16xi32>
      %add3A_2103 = arith.constant 144 : i32
      %add3A_2104 = vector.broadcast %add3A_2103 : i32 to vector<16xi32>
      %add3A_2105 = arith.addi %add3A_2104, %iota3A : vector<16xi32>
      %mul3A_2106 = arith.constant 4096 : i32
      %mul3A_2107 = arith.muli %select_n3A, %mul3A_2106 : i32
      %add3A_2108 = vector.broadcast %mul3A_2107 : i32 to vector<16xi32>
      %add3A_2109 = arith.addi %add3A_2105, %add3A_2108 : vector<16xi32>
      tpu.vector_store_idx %arg8[%add3A_2102], %add3A_2109 masked %and3A_2087 : memref<4096xi32, #tpu.memory_space<vmem>>[vector<16xi32>], vector<16xi32>, vector<16xi1>
      %add3A_2110 = arith.addi %add3A_2030, %all_reduce_population_count3A_2067 : vector<16xi32>
      %add3A_2111 = arith.addi %add3A_2110, %all_reduce_population_count3A_2068 : vector<16xi32>
      %get3A_2112 = arith.constant 160 : index
      %get3A_2113 = tpu.vector_load %arg5[%get3A_2112] {strides = array<i32>} : memref<4096xf32, #tpu.memory_space<vmem>>, vector<16xf32>,
      %get3A_2114 = arith.constant 160 : index
      %get3A_2115 = tpu.vector_load %arg6[%get3A_2114] {strides = array<i32>} : memref<4096xf32, #tpu.memory_space<vmem>>, vector<16xf32>,
      %get3A_2116 = arith.constant 160 : index
      %get3A_2117 = tpu.vector_load %arg7[%get3A_2116] {strides = array<i32>} : memref<4096xf32, #tpu.memory_space<vmem>>, vector<16xf32>,
      %get3A_2118 = arith.constant 176 : index
      %get3A_2119 = tpu.vector_load %arg5[%get3A_2118] {strides = array<i32>} : memref<4096xf32, #tpu.memory_space<vmem>>, vector<16xf32>,
      %get3A_2120 = arith.constant 176 : index
      %get3A_2121 = tpu.vector_load %arg6[%get3A_2120] {strides = array<i32>} : memref<4096xf32, #tpu.memory_space<vmem>>, vector<16xf32>,
      %get3A_2122 = arith.constant 176 : index
      %get3A_2123 = tpu.vector_load %arg7[%get3A_2122] {strides = array<i32>} : memref<4096xf32, #tpu.memory_space<vmem>>, vector<16xf32>,
      %sub3A_2124 = arith.subf %get3A_2113, %gather3A : vector<16xf32>
      %sub3A_2125 = arith.subf %get3A_2115, %gather3A_1707 : vector<16xf32>
      %sub3A_2126 = arith.subf %get3A_2117, %gather3A_1708 : vector<16xf32>
      %sub3A_2127 = arith.subf %get3A_2119, %gather3A : vector<16xf32>
      %sub3A_2128 = arith.subf %get3A_2121, %gather3A_1707 : vector<16xf32>
      %sub3A_2129 = arith.subf %get3A_2123, %gather3A_1708 : vector<16xf32>
      %mul3A_2130 = arith.mulf %sub3A_2124, %sub3A_2124 : vector<16xf32>
      %mul3A_2131 = arith.mulf %sub3A_2125, %sub3A_2125 : vector<16xf32>
      %add3A_2132 = arith.addf %mul3A_2130, %mul3A_2131 : vector<16xf32>
      %mul3A_2133 = arith.mulf %sub3A_2126, %sub3A_2126 : vector<16xf32>
      %add3A_2134 = arith.addf %add3A_2132, %mul3A_2133 : vector<16xf32>
      %mul3A_2135 = arith.mulf %sub3A_2127, %sub3A_2127 : vector<16xf32>
      %mul3A_2136 = arith.mulf %sub3A_2128, %sub3A_2128 : vector<16xf32>
      %add3A_2137 = arith.addf %mul3A_2135, %mul3A_2136 : vector<16xf32>
      %mul3A_2138 = arith.mulf %sub3A_2129, %sub3A_2129 : vector<16xf32>
      %add3A_2139 = arith.addf %add3A_2137, %mul3A_2138 : vector<16xf32>
      %lt3A_2140 = arith.constant 1.600000e-01 : f32
      %lt3A_2141 = vector.broadcast %lt3A_2140 : f32 to vector<16xf32>
      %lt3A_2142 = arith.cmpf olt, %add3A_2134, %lt3A_2141 : vector<16xf32>
      %lt3A_2143 = arith.constant 1.600000e-01 : f32
      %lt3A_2144 = vector.broadcast %lt3A_2143 : f32 to vector<16xf32>
      %lt3A_2145 = arith.cmpf olt, %add3A_2139, %lt3A_2144 : vector<16xf32>
      %convert_element_type3A_2146 = arith.extui %lt3A_2142 : vector<16xi1> to vector<16xi32>
      %convert_element_type3A_2147 = arith.extui %lt3A_2145 : vector<16xi1> to vector<16xi32>
      %all_reduce_population_count3A_2148 = tpu.all_reduce %lt3A_2142 {dim = 0 : i64, kind = #tpu.reduction_kind<sum>} : vector<16xi1> -> vector<16xi32>
      %all_reduce_population_count3A_2149 = tpu.all_reduce %lt3A_2145 {dim = 0 : i64, kind = #tpu.reduction_kind<sum>} : vector<16xi1> -> vector<16xi32>
      %broadcast_in_dim3A_2150 = arith.constant true
      %broadcast_in_dim3A_2151 = vector.broadcast %broadcast_in_dim3A_2150 : i1 to vector<16xi1>
      %masked_cumsum3A_2152 = tpu.scan <sum>, %convert_element_type3A_2146 masked %broadcast_in_dim3A_2151 : vector<16xi32>, vector<16xi1> -> vector<16xi32>
      %add3A_2153 = arith.addi %add3A_2111, %masked_cumsum3A_2152 : vector<16xi32>
      %sub3A_2154 = arith.subi %add3A_2153, %convert_element_type3A_2146 : vector<16xi32>
      %add3A_2155 = arith.addi %add3A_2111, %all_reduce_population_count3A_2148 : vector<16xi32>
      %broadcast_in_dim3A_2156 = arith.constant true
      %broadcast_in_dim3A_2157 = vector.broadcast %broadcast_in_dim3A_2156 : i1 to vector<16xi1>
      %masked_cumsum3A_2158 = tpu.scan <sum>, %convert_element_type3A_2147 masked %broadcast_in_dim3A_2157 : vector<16xi32>, vector<16xi1> -> vector<16xi32>
      %add3A_2159 = arith.addi %add3A_2155, %masked_cumsum3A_2158 : vector<16xi32>
      %sub3A_2160 = arith.subi %add3A_2159, %convert_element_type3A_2147 : vector<16xi32>
      %lt3A_2161 = arith.constant 64 : i32
      %lt3A_2162 = vector.broadcast %lt3A_2161 : i32 to vector<16xi32>
      %lt3A_2163 = arith.cmpi slt, %sub3A_2154, %lt3A_2162 : vector<16xi32>
      %and3A_2164 = arith.andi %lt3A_2142, %lt3A_2163 : vector<16xi1>
      %lt3A_2165 = arith.constant 64 : i32
      %lt3A_2166 = vector.broadcast %lt3A_2165 : i32 to vector<16xi32>
      %lt3A_2167 = arith.cmpi slt, %sub3A_2160, %lt3A_2166 : vector<16xi32>
      %and3A_2168 = arith.andi %lt3A_2145, %lt3A_2167 : vector<16xi1>
      %mul3A_2169 = arith.constant 64 : i32
      %mul3A_2170 = arith.muli %scan3A_1668, %mul3A_2169 : i32
      %add3A_2171 = vector.broadcast %mul3A_2170 : i32 to vector<16xi32>
      %add3A_2172 = arith.addi %add3A_2171, %sub3A_2154 : vector<16xi32>
      %add3A_2173 = arith.constant 160 : i32
      %add3A_2174 = vector.broadcast %add3A_2173 : i32 to vector<16xi32>
      %add3A_2175 = arith.addi %add3A_2174, %iota3A : vector<16xi32>
      %mul3A_2176 = arith.constant 4096 : i32
      %mul3A_2177 = arith.muli %select_n3A, %mul3A_2176 : i32
      %add3A_2178 = vector.broadcast %mul3A_2177 : i32 to vector<16xi32>
      %add3A_2179 = arith.addi %add3A_2175, %add3A_2178 : vector<16xi32>
      tpu.vector_store_idx %arg8[%add3A_2172], %add3A_2179 masked %and3A_2164 : memref<4096xi32, #tpu.memory_space<vmem>>[vector<16xi32>], vector<16xi32>, vector<16xi1>
      %mul3A_2180 = arith.constant 64 : i32
      %mul3A_2181 = arith.muli %scan3A_1668, %mul3A_2180 : i32
      %add3A_2182 = vector.broadcast %mul3A_2181 : i32 to vector<16xi32>
      %add3A_2183 = arith.addi %add3A_2182, %sub3A_2160 : vector<16xi32>
      %add3A_2184 = arith.constant 176 : i32
      %add3A_2185 = vector.broadcast %add3A_2184 : i32 to vector<16xi32>
      %add3A_2186 = arith.addi %add3A_2185, %iota3A : vector<16xi32>
      %mul3A_2187 = arith.constant 4096 : i32
      %mul3A_2188 = arith.muli %select_n3A, %mul3A_2187 : i32
      %add3A_2189 = vector.broadcast %mul3A_2188 : i32 to vector<16xi32>
      %add3A_2190 = arith.addi %add3A_2186, %add3A_2189 : vector<16xi32>
      tpu.vector_store_idx %arg8[%add3A_2183], %add3A_2190 masked %and3A_2168 : memref<4096xi32, #tpu.memory_space<vmem>>[vector<16xi32>], vector<16xi32>, vector<16xi1>
      %add3A_2191 = arith.addi %add3A_2111, %all_reduce_population_count3A_2148 : vector<16xi32>
      %add3A_2192 = arith.addi %add3A_2191, %all_reduce_population_count3A_2149 : vector<16xi32>
      %get3A_2193 = arith.constant 192 : index
      %get3A_2194 = tpu.vector_load %arg5[%get3A_2193] {strides = array<i32>} : memref<4096xf32, #tpu.memory_space<vmem>>, vector<16xf32>,
      %get3A_2195 = arith.constant 192 : index
      %get3A_2196 = tpu.vector_load %arg6[%get3A_2195] {strides = array<i32>} : memref<4096xf32, #tpu.memory_space<vmem>>, vector<16xf32>,
      %get3A_2197 = arith.constant 192 : index
      %get3A_2198 = tpu.vector_load %arg7[%get3A_2197] {strides = array<i32>} : memref<4096xf32, #tpu.memory_space<vmem>>, vector<16xf32>,
      %get3A_2199 = arith.constant 208 : index
      %get3A_2200 = tpu.vector_load %arg5[%get3A_2199] {strides = array<i32>} : memref<4096xf32, #tpu.memory_space<vmem>>, vector<16xf32>,
      %get3A_2201 = arith.constant 208 : index
      %get3A_2202 = tpu.vector_load %arg6[%get3A_2201] {strides = array<i32>} : memref<4096xf32, #tpu.memory_space<vmem>>, vector<16xf32>,
      %get3A_2203 = arith.constant 208 : index
      %get3A_2204 = tpu.vector_load %arg7[%get3A_2203] {strides = array<i32>} : memref<4096xf32, #tpu.memory_space<vmem>>, vector<16xf32>,
      %sub3A_2205 = arith.subf %get3A_2194, %gather3A : vector<16xf32>
      %sub3A_2206 = arith.subf %get3A_2196, %gather3A_1707 : vector<16xf32>
      %sub3A_2207 = arith.subf %get3A_2198, %gather3A_1708 : vector<16xf32>
      %sub3A_2208 = arith.subf %get3A_2200, %gather3A : vector<16xf32>
      %sub3A_2209 = arith.subf %get3A_2202, %gather3A_1707 : vector<16xf32>
      %sub3A_2210 = arith.subf %get3A_2204, %gather3A_1708 : vector<16xf32>
      %mul3A_2211 = arith.mulf %sub3A_2205, %sub3A_2205 : vector<16xf32>
      %mul3A_2212 = arith.mulf %sub3A_2206, %sub3A_2206 : vector<16xf32>
      %add3A_2213 = arith.addf %mul3A_2211, %mul3A_2212 : vector<16xf32>
      %mul3A_2214 = arith.mulf %sub3A_2207, %sub3A_2207 : vector<16xf32>
      %add3A_2215 = arith.addf %add3A_2213, %mul3A_2214 : vector<16xf32>
      %mul3A_2216 = arith.mulf %sub3A_2208, %sub3A_2208 : vector<16xf32>
      %mul3A_2217 = arith.mulf %sub3A_2209, %sub3A_2209 : vector<16xf32>
      %add3A_2218 = arith.addf %mul3A_2216, %mul3A_2217 : vector<16xf32>
      %mul3A_2219 = arith.mulf %sub3A_2210, %sub3A_2210 : vector<16xf32>
      %add3A_2220 = arith.addf %add3A_2218, %mul3A_2219 : vector<16xf32>
      %lt3A_2221 = arith.constant 1.600000e-01 : f32
      %lt3A_2222 = vector.broadcast %lt3A_2221 : f32 to vector<16xf32>
      %lt3A_2223 = arith.cmpf olt, %add3A_2215, %lt3A_2222 : vector<16xf32>
      %lt3A_2224 = arith.constant 1.600000e-01 : f32
      %lt3A_2225 = vector.broadcast %lt3A_2224 : f32 to vector<16xf32>
      %lt3A_2226 = arith.cmpf olt, %add3A_2220, %lt3A_2225 : vector<16xf32>
      %convert_element_type3A_2227 = arith.extui %lt3A_2223 : vector<16xi1> to vector<16xi32>
      %convert_element_type3A_2228 = arith.extui %lt3A_2226 : vector<16xi1> to vector<16xi32>
      %all_reduce_population_count3A_2229 = tpu.all_reduce %lt3A_2223 {dim = 0 : i64, kind = #tpu.reduction_kind<sum>} : vector<16xi1> -> vector<16xi32>
      %all_reduce_population_count3A_2230 = tpu.all_reduce %lt3A_2226 {dim = 0 : i64, kind = #tpu.reduction_kind<sum>} : vector<16xi1> -> vector<16xi32>
      %broadcast_in_dim3A_2231 = arith.constant true
      %broadcast_in_dim3A_2232 = vector.broadcast %broadcast_in_dim3A_2231 : i1 to vector<16xi1>
      %masked_cumsum3A_2233 = tpu.scan <sum>, %convert_element_type3A_2227 masked %broadcast_in_dim3A_2232 : vector<16xi32>, vector<16xi1> -> vector<16xi32>
      %add3A_2234 = arith.addi %add3A_2192, %masked_cumsum3A_2233 : vector<16xi32>
      %sub3A_2235 = arith.subi %add3A_2234, %convert_element_type3A_2227 : vector<16xi32>
      %add3A_2236 = arith.addi %add3A_2192, %all_reduce_population_count3A_2229 : vector<16xi32>
      %broadcast_in_dim3A_2237 = arith.constant true
      %broadcast_in_dim3A_2238 = vector.broadcast %broadcast_in_dim3A_2237 : i1 to vector<16xi1>
      %masked_cumsum3A_2239 = tpu.scan <sum>, %convert_element_type3A_2228 masked %broadcast_in_dim3A_2238 : vector<16xi32>, vector<16xi1> -> vector<16xi32>
      %add3A_2240 = arith.addi %add3A_2236, %masked_cumsum3A_2239 : vector<16xi32>
      %sub3A_2241 = arith.subi %add3A_2240, %convert_element_type3A_2228 : vector<16xi32>
      %lt3A_2242 = arith.constant 64 : i32
      %lt3A_2243 = vector.broadcast %lt3A_2242 : i32 to vector<16xi32>
      %lt3A_2244 = arith.cmpi slt, %sub3A_2235, %lt3A_2243 : vector<16xi32>
      %and3A_2245 = arith.andi %lt3A_2223, %lt3A_2244 : vector<16xi1>
      %lt3A_2246 = arith.constant 64 : i32
      %lt3A_2247 = vector.broadcast %lt3A_2246 : i32 to vector<16xi32>
      %lt3A_2248 = arith.cmpi slt, %sub3A_2241, %lt3A_2247 : vector<16xi32>
      %and3A_2249 = arith.andi %lt3A_2226, %lt3A_2248 : vector<16xi1>
      %mul3A_2250 = arith.constant 64 : i32
      %mul3A_2251 = arith.muli %scan3A_1668, %mul3A_2250 : i32
      %add3A_2252 = vector.broadcast %mul3A_2251 : i32 to vector<16xi32>
      %add3A_2253 = arith.addi %add3A_2252, %sub3A_2235 : vector<16xi32>
      %add3A_2254 = arith.constant 192 : i32
      %add3A_2255 = vector.broadcast %add3A_2254 : i32 to vector<16xi32>
      %add3A_2256 = arith.addi %add3A_2255, %iota3A : vector<16xi32>
      %mul3A_2257 = arith.constant 4096 : i32
      %mul3A_2258 = arith.muli %select_n3A, %mul3A_2257 : i32
      %add3A_2259 = vector.broadcast %mul3A_2258 : i32 to vector<16xi32>
      %add3A_2260 = arith.addi %add3A_2256, %add3A_2259 : vector<16xi32>
      tpu.vector_store_idx %arg8[%add3A_2253], %add3A_2260 masked %and3A_2245 : memref<4096xi32, #tpu.memory_space<vmem>>[vector<16xi32>], vector<16xi32>, vector<16xi1>
      %mul3A_2261 = arith.constant 64 : i32
      %mul3A_2262 = arith.muli %scan3A_1668, %mul3A_2261 : i32
      %add3A_2263 = vector.broadcast %mul3A_2262 : i32 to vector<16xi32>
      %add3A_2264 = arith.addi %add3A_2263, %sub3A_2241 : vector<16xi32>
      %add3A_2265 = arith.constant 208 : i32
      %add3A_2266 = vector.broadcast %add3A_2265 : i32 to vector<16xi32>
      %add3A_2267 = arith.addi %add3A_2266, %iota3A : vector<16xi32>
      %mul3A_2268 = arith.constant 4096 : i32
      %mul3A_2269 = arith.muli %select_n3A, %mul3A_2268 : i32
      %add3A_2270 = vector.broadcast %mul3A_2269 : i32 to vector<16xi32>
      %add3A_2271 = arith.addi %add3A_2267, %add3A_2270 : vector<16xi32>
      tpu.vector_store_idx %arg8[%add3A_2264], %add3A_2271 masked %and3A_2249 : memref<4096xi32, #tpu.memory_space<vmem>>[vector<16xi32>], vector<16xi32>, vector<16xi1>
      %add3A_2272 = arith.addi %add3A_2192, %all_reduce_population_count3A_2229 : vector<16xi32>
      %add3A_2273 = arith.addi %add3A_2272, %all_reduce_population_count3A_2230 : vector<16xi32>
      %get3A_2274 = arith.constant 224 : index
      %get3A_2275 = tpu.vector_load %arg5[%get3A_2274] {strides = array<i32>} : memref<4096xf32, #tpu.memory_space<vmem>>, vector<16xf32>,
      %get3A_2276 = arith.constant 224 : index
      %get3A_2277 = tpu.vector_load %arg6[%get3A_2276] {strides = array<i32>} : memref<4096xf32, #tpu.memory_space<vmem>>, vector<16xf32>,
      %get3A_2278 = arith.constant 224 : index
      %get3A_2279 = tpu.vector_load %arg7[%get3A_2278] {strides = array<i32>} : memref<4096xf32, #tpu.memory_space<vmem>>, vector<16xf32>,
      %get3A_2280 = arith.constant 240 : index
      %get3A_2281 = tpu.vector_load %arg5[%get3A_2280] {strides = array<i32>} : memref<4096xf32, #tpu.memory_space<vmem>>, vector<16xf32>,
      %get3A_2282 = arith.constant 240 : index
      %get3A_2283 = tpu.vector_load %arg6[%get3A_2282] {strides = array<i32>} : memref<4096xf32, #tpu.memory_space<vmem>>, vector<16xf32>,
      %get3A_2284 = arith.constant 240 : index
      %get3A_2285 = tpu.vector_load %arg7[%get3A_2284] {strides = array<i32>} : memref<4096xf32, #tpu.memory_space<vmem>>, vector<16xf32>,
      %sub3A_2286 = arith.subf %get3A_2275, %gather3A : vector<16xf32>
      %sub3A_2287 = arith.subf %get3A_2277, %gather3A_1707 : vector<16xf32>
      %sub3A_2288 = arith.subf %get3A_2279, %gather3A_1708 : vector<16xf32>
      %sub3A_2289 = arith.subf %get3A_2281, %gather3A : vector<16xf32>
      %sub3A_2290 = arith.subf %get3A_2283, %gather3A_1707 : vector<16xf32>
      %sub3A_2291 = arith.subf %get3A_2285, %gather3A_1708 : vector<16xf32>
      %mul3A_2292 = arith.mulf %sub3A_2286, %sub3A_2286 : vector<16xf32>
      %mul3A_2293 = arith.mulf %sub3A_2287, %sub3A_2287 : vector<16xf32>
      %add3A_2294 = arith.addf %mul3A_2292, %mul3A_2293 : vector<16xf32>
      %mul3A_2295 = arith.mulf %sub3A_2288, %sub3A_2288 : vector<16xf32>
      %add3A_2296 = arith.addf %add3A_2294, %mul3A_2295 : vector<16xf32>
      %mul3A_2297 = arith.mulf %sub3A_2289, %sub3A_2289 : vector<16xf32>
      %mul3A_2298 = arith.mulf %sub3A_2290, %sub3A_2290 : vector<16xf32>
      %add3A_2299 = arith.addf %mul3A_2297, %mul3A_2298 : vector<16xf32>
      %mul3A_2300 = arith.mulf %sub3A_2291, %sub3A_2291 : vector<16xf32>
      %add3A_2301 = arith.addf %add3A_2299, %mul3A_2300 : vector<16xf32>
      %lt3A_2302 = arith.constant 1.600000e-01 : f32
      %lt3A_2303 = vector.broadcast %lt3A_2302 : f32 to vector<16xf32>
      %lt3A_2304 = arith.cmpf olt, %add3A_2296, %lt3A_2303 : vector<16xf32>
      %lt3A_2305 = arith.constant 1.600000e-01 : f32
      %lt3A_2306 = vector.broadcast %lt3A_2305 : f32 to vector<16xf32>
      %lt3A_2307 = arith.cmpf olt, %add3A_2301, %lt3A_2306 : vector<16xf32>
      %convert_element_type3A_2308 = arith.extui %lt3A_2304 : vector<16xi1> to vector<16xi32>
      %convert_element_type3A_2309 = arith.extui %lt3A_2307 : vector<16xi1> to vector<16xi32>
      %all_reduce_population_count3A_2310 = tpu.all_reduce %lt3A_2304 {dim = 0 : i64, kind = #tpu.reduction_kind<sum>} : vector<16xi1> -> vector<16xi32>
      %all_reduce_population_count3A_2311 = tpu.all_reduce %lt3A_2307 {dim = 0 : i64, kind = #tpu.reduction_kind<sum>} : vector<16xi1> -> vector<16xi32>
      %broadcast_in_dim3A_2312 = arith.constant true
      %broadcast_in_dim3A_2313 = vector.broadcast %broadcast_in_dim3A_2312 : i1 to vector<16xi1>
      %masked_cumsum3A_2314 = tpu.scan <sum>, %convert_element_type3A_2308 masked %broadcast_in_dim3A_2313 : vector<16xi32>, vector<16xi1> -> vector<16xi32>
      %add3A_2315 = arith.addi %add3A_2273, %masked_cumsum3A_2314 : vector<16xi32>
      %sub3A_2316 = arith.subi %add3A_2315, %convert_element_type3A_2308 : vector<16xi32>
      %add3A_2317 = arith.addi %add3A_2273, %all_reduce_population_count3A_2310 : vector<16xi32>
      %broadcast_in_dim3A_2318 = arith.constant true
      %broadcast_in_dim3A_2319 = vector.broadcast %broadcast_in_dim3A_2318 : i1 to vector<16xi1>
      %masked_cumsum3A_2320 = tpu.scan <sum>, %convert_element_type3A_2309 masked %broadcast_in_dim3A_2319 : vector<16xi32>, vector<16xi1> -> vector<16xi32>
      %add3A_2321 = arith.addi %add3A_2317, %masked_cumsum3A_2320 : vector<16xi32>
      %sub3A_2322 = arith.subi %add3A_2321, %convert_element_type3A_2309 : vector<16xi32>
      %lt3A_2323 = arith.constant 64 : i32
      %lt3A_2324 = vector.broadcast %lt3A_2323 : i32 to vector<16xi32>
      %lt3A_2325 = arith.cmpi slt, %sub3A_2316, %lt3A_2324 : vector<16xi32>
      %and3A_2326 = arith.andi %lt3A_2304, %lt3A_2325 : vector<16xi1>
      %lt3A_2327 = arith.constant 64 : i32
      %lt3A_2328 = vector.broadcast %lt3A_2327 : i32 to vector<16xi32>
      %lt3A_2329 = arith.cmpi slt, %sub3A_2322, %lt3A_2328 : vector<16xi32>
      %and3A_2330 = arith.andi %lt3A_2307, %lt3A_2329 : vector<16xi1>
      %mul3A_2331 = arith.constant 64 : i32
      %mul3A_2332 = arith.muli %scan3A_1668, %mul3A_2331 : i32
      %add3A_2333 = vector.broadcast %mul3A_2332 : i32 to vector<16xi32>
      %add3A_2334 = arith.addi %add3A_2333, %sub3A_2316 : vector<16xi32>
      %add3A_2335 = arith.constant 224 : i32
      %add3A_2336 = vector.broadcast %add3A_2335 : i32 to vector<16xi32>
      %add3A_2337 = arith.addi %add3A_2336, %iota3A : vector<16xi32>
      %mul3A_2338 = arith.constant 4096 : i32
      %mul3A_2339 = arith.muli %select_n3A, %mul3A_2338 : i32
      %add3A_2340 = vector.broadcast %mul3A_2339 : i32 to vector<16xi32>
      %add3A_2341 = arith.addi %add3A_2337, %add3A_2340 : vector<16xi32>
      tpu.vector_store_idx %arg8[%add3A_2334], %add3A_2341 masked %and3A_2326 : memref<4096xi32, #tpu.memory_space<vmem>>[vector<16xi32>], vector<16xi32>, vector<16xi1>
      %mul3A_2342 = arith.constant 64 : i32
      %mul3A_2343 = arith.muli %scan3A_1668, %mul3A_2342 : i32
      %add3A_2344 = vector.broadcast %mul3A_2343 : i32 to vector<16xi32>
      %add3A_2345 = arith.addi %add3A_2344, %sub3A_2322 : vector<16xi32>
      %add3A_2346 = arith.constant 240 : i32
      %add3A_2347 = vector.broadcast %add3A_2346 : i32 to vector<16xi32>
      %add3A_2348 = arith.addi %add3A_2347, %iota3A : vector<16xi32>
      %mul3A_2349 = arith.constant 4096 : i32
      %mul3A_2350 = arith.muli %select_n3A, %mul3A_2349 : i32
      %add3A_2351 = vector.broadcast %mul3A_2350 : i32 to vector<16xi32>
      %add3A_2352 = arith.addi %add3A_2348, %add3A_2351 : vector<16xi32>
      tpu.vector_store_idx %arg8[%add3A_2345], %add3A_2352 masked %and3A_2330 : memref<4096xi32, #tpu.memory_space<vmem>>[vector<16xi32>], vector<16xi32>, vector<16xi1>
      %add3A_2353 = arith.addi %add3A_2273, %all_reduce_population_count3A_2310 : vector<16xi32>
      %add3A_2354 = arith.addi %add3A_2353, %all_reduce_population_count3A_2311 : vector<16xi32>
      %while3A = arith.constant 4 : i32
      %while3A_2355:2 = scf.while (%while3A_2400 = %while3A, %while3A_2401 = %add3A_2354) : (i32, vector<16xi32>) -> (i32, vector<16xi32>) {
        %lt3A_2402 = arith.constant 64 : i32
        %lt3A_2403 = arith.cmpi slt, %while3A_2400, %lt3A_2402 : i32
        %reduce_max3A = arith.constant true
        %reduce_max3A_2404 = vector.broadcast %reduce_max3A : i1 to vector<16xi1>
        %reduce_max3A_2405 = arith.constant -2147483648 : i32
        %reduce_max3A_2406 = vector.broadcast %reduce_max3A_2405 : i32 to vector<16xi32>
        %reduce_max3A_2407 = arith.xori %while3A_2401, %reduce_max3A_2406 : vector<16xi32>
        %reduce_max3A_2408 = tpu.scan <max>, %reduce_max3A_2407 masked %reduce_max3A_2404 : vector<16xi32>, vector<16xi1> -> vector<16xi32>
        %reduce_max3A_2409 = arith.xori %reduce_max3A_2408, %reduce_max3A_2406 : vector<16xi32>
        %reduce_max3A_2410 = vector.extract %reduce_max3A_2409[15] : i32 from vector<16xi32>
        %lt3A_2411 = arith.constant 32 : i32
        %lt3A_2412 = arith.cmpi slt, %reduce_max3A_2410, %lt3A_2411 : i32
        %and3A_2413 = arith.andi %lt3A_2403, %lt3A_2412 : i1
        scf.condition(%and3A_2413) %while3A_2400, %while3A_2401 : i32, vector<16xi32>
      } do {
      ^bb0(%while3A_2400: i32, %while3A_2401: vector<16xi32>):
        %mul3A_2402 = arith.constant 64 : i32
        %mul3A_2403 = arith.muli %while3A_2400, %mul3A_2402 : i32
        %get3A_2404 = arith.index_cast %mul3A_2403 : i32 to index
        %get3A_2405 = tpu.vector_load %arg5[%get3A_2404] {strides = array<i32>} : memref<4096xf32, #tpu.memory_space<vmem>>, vector<16xf32>,
        %get3A_2406 = arith.index_cast %mul3A_2403 : i32 to index
        %get3A_2407 = tpu.vector_load %arg6[%get3A_2406] {strides = array<i32>} : memref<4096xf32, #tpu.memory_space<vmem>>, vector<16xf32>,
        %get3A_2408 = arith.index_cast %mul3A_2403 : i32 to index
        %get3A_2409 = tpu.vector_load %arg7[%get3A_2408] {strides = array<i32>} : memref<4096xf32, #tpu.memory_space<vmem>>, vector<16xf32>,
        %add3A_2410 = arith.constant 16 : i32
        %add3A_2411 = arith.addi %mul3A_2403, %add3A_2410 : i32
        %get3A_2412 = arith.index_cast %add3A_2411 : i32 to index
        %get3A_2413 = tpu.vector_load %arg5[%get3A_2412] {strides = array<i32>} : memref<4096xf32, #tpu.memory_space<vmem>>, vector<16xf32>,
        %add3A_2414 = arith.constant 16 : i32
        %add3A_2415 = arith.addi %mul3A_2403, %add3A_2414 : i32
        %get3A_2416 = arith.index_cast %add3A_2415 : i32 to index
        %get3A_2417 = tpu.vector_load %arg6[%get3A_2416] {strides = array<i32>} : memref<4096xf32, #tpu.memory_space<vmem>>, vector<16xf32>,
        %add3A_2418 = arith.constant 16 : i32
        %add3A_2419 = arith.addi %mul3A_2403, %add3A_2418 : i32
        %get3A_2420 = arith.index_cast %add3A_2419 : i32 to index
        %get3A_2421 = tpu.vector_load %arg7[%get3A_2420] {strides = array<i32>} : memref<4096xf32, #tpu.memory_space<vmem>>, vector<16xf32>,
        %sub3A_2422 = arith.subf %get3A_2405, %gather3A : vector<16xf32>
        %sub3A_2423 = arith.subf %get3A_2407, %gather3A_1707 : vector<16xf32>
        %sub3A_2424 = arith.subf %get3A_2409, %gather3A_1708 : vector<16xf32>
        %sub3A_2425 = arith.subf %get3A_2413, %gather3A : vector<16xf32>
        %sub3A_2426 = arith.subf %get3A_2417, %gather3A_1707 : vector<16xf32>
        %sub3A_2427 = arith.subf %get3A_2421, %gather3A_1708 : vector<16xf32>
        %mul3A_2428 = arith.mulf %sub3A_2422, %sub3A_2422 : vector<16xf32>
        %mul3A_2429 = arith.mulf %sub3A_2423, %sub3A_2423 : vector<16xf32>
        %add3A_2430 = arith.addf %mul3A_2428, %mul3A_2429 : vector<16xf32>
        %mul3A_2431 = arith.mulf %sub3A_2424, %sub3A_2424 : vector<16xf32>
        %add3A_2432 = arith.addf %add3A_2430, %mul3A_2431 : vector<16xf32>
        %mul3A_2433 = arith.mulf %sub3A_2425, %sub3A_2425 : vector<16xf32>
        %mul3A_2434 = arith.mulf %sub3A_2426, %sub3A_2426 : vector<16xf32>
        %add3A_2435 = arith.addf %mul3A_2433, %mul3A_2434 : vector<16xf32>
        %mul3A_2436 = arith.mulf %sub3A_2427, %sub3A_2427 : vector<16xf32>
        %add3A_2437 = arith.addf %add3A_2435, %mul3A_2436 : vector<16xf32>
        %lt3A_2438 = arith.constant 1.600000e-01 : f32
        %lt3A_2439 = vector.broadcast %lt3A_2438 : f32 to vector<16xf32>
        %lt3A_2440 = arith.cmpf olt, %add3A_2432, %lt3A_2439 : vector<16xf32>
        %lt3A_2441 = arith.constant 1.600000e-01 : f32
        %lt3A_2442 = vector.broadcast %lt3A_2441 : f32 to vector<16xf32>
        %lt3A_2443 = arith.cmpf olt, %add3A_2437, %lt3A_2442 : vector<16xf32>
        %convert_element_type3A_2444 = arith.extui %lt3A_2440 : vector<16xi1> to vector<16xi32>
        %convert_element_type3A_2445 = arith.extui %lt3A_2443 : vector<16xi1> to vector<16xi32>
        %all_reduce_population_count3A_2446 = tpu.all_reduce %lt3A_2440 {dim = 0 : i64, kind = #tpu.reduction_kind<sum>} : vector<16xi1> -> vector<16xi32>
        %all_reduce_population_count3A_2447 = tpu.all_reduce %lt3A_2443 {dim = 0 : i64, kind = #tpu.reduction_kind<sum>} : vector<16xi1> -> vector<16xi32>
        %broadcast_in_dim3A_2448 = arith.constant true
        %broadcast_in_dim3A_2449 = vector.broadcast %broadcast_in_dim3A_2448 : i1 to vector<16xi1>
        %masked_cumsum3A_2450 = tpu.scan <sum>, %convert_element_type3A_2444 masked %broadcast_in_dim3A_2449 : vector<16xi32>, vector<16xi1> -> vector<16xi32>
        %add3A_2451 = arith.addi %while3A_2401, %masked_cumsum3A_2450 : vector<16xi32>
        %sub3A_2452 = arith.subi %add3A_2451, %convert_element_type3A_2444 : vector<16xi32>
        %add3A_2453 = arith.addi %while3A_2401, %all_reduce_population_count3A_2446 : vector<16xi32>
        %broadcast_in_dim3A_2454 = arith.constant true
        %broadcast_in_dim3A_2455 = vector.broadcast %broadcast_in_dim3A_2454 : i1 to vector<16xi1>
        %masked_cumsum3A_2456 = tpu.scan <sum>, %convert_element_type3A_2445 masked %broadcast_in_dim3A_2455 : vector<16xi32>, vector<16xi1> -> vector<16xi32>
        %add3A_2457 = arith.addi %add3A_2453, %masked_cumsum3A_2456 : vector<16xi32>
        %sub3A_2458 = arith.subi %add3A_2457, %convert_element_type3A_2445 : vector<16xi32>
        %lt3A_2459 = arith.constant 64 : i32
        %lt3A_2460 = vector.broadcast %lt3A_2459 : i32 to vector<16xi32>
        %lt3A_2461 = arith.cmpi slt, %sub3A_2452, %lt3A_2460 : vector<16xi32>
        %and3A_2462 = arith.andi %lt3A_2440, %lt3A_2461 : vector<16xi1>
        %lt3A_2463 = arith.constant 64 : i32
        %lt3A_2464 = vector.broadcast %lt3A_2463 : i32 to vector<16xi32>
        %lt3A_2465 = arith.cmpi slt, %sub3A_2458, %lt3A_2464 : vector<16xi32>
        %and3A_2466 = arith.andi %lt3A_2443, %lt3A_2465 : vector<16xi1>
        %mul3A_2467 = arith.constant 64 : i32
        %mul3A_2468 = arith.muli %scan3A_1668, %mul3A_2467 : i32
        %add3A_2469 = vector.broadcast %mul3A_2468 : i32 to vector<16xi32>
        %add3A_2470 = arith.addi %add3A_2469, %sub3A_2452 : vector<16xi32>
        %add3A_2471 = vector.broadcast %mul3A_2403 : i32 to vector<16xi32>
        %add3A_2472 = arith.addi %add3A_2471, %iota3A : vector<16xi32>
        %mul3A_2473 = arith.constant 4096 : i32
        %mul3A_2474 = arith.muli %select_n3A, %mul3A_2473 : i32
        %add3A_2475 = vector.broadcast %mul3A_2474 : i32 to vector<16xi32>
        %add3A_2476 = arith.addi %add3A_2472, %add3A_2475 : vector<16xi32>
        tpu.vector_store_idx %arg8[%add3A_2470], %add3A_2476 masked %and3A_2462 : memref<4096xi32, #tpu.memory_space<vmem>>[vector<16xi32>], vector<16xi32>, vector<16xi1>
        %mul3A_2477 = arith.constant 64 : i32
        %mul3A_2478 = arith.muli %scan3A_1668, %mul3A_2477 : i32
        %add3A_2479 = vector.broadcast %mul3A_2478 : i32 to vector<16xi32>
        %add3A_2480 = arith.addi %add3A_2479, %sub3A_2458 : vector<16xi32>
        %add3A_2481 = arith.constant 16 : i32
        %add3A_2482 = arith.addi %mul3A_2403, %add3A_2481 : i32
        %add3A_2483 = vector.broadcast %add3A_2482 : i32 to vector<16xi32>
        %add3A_2484 = arith.addi %add3A_2483, %iota3A : vector<16xi32>
        %mul3A_2485 = arith.constant 4096 : i32
        %mul3A_2486 = arith.muli %select_n3A, %mul3A_2485 : i32
        %add3A_2487 = vector.broadcast %mul3A_2486 : i32 to vector<16xi32>
        %add3A_2488 = arith.addi %add3A_2484, %add3A_2487 : vector<16xi32>
        tpu.vector_store_idx %arg8[%add3A_2480], %add3A_2488 masked %and3A_2466 : memref<4096xi32, #tpu.memory_space<vmem>>[vector<16xi32>], vector<16xi32>, vector<16xi1>
        %add3A_2489 = arith.addi %while3A_2401, %all_reduce_population_count3A_2446 : vector<16xi32>
        %add3A_2490 = arith.addi %add3A_2489, %all_reduce_population_count3A_2447 : vector<16xi32>
        %add3A_2491 = arith.constant 32 : i32
        %add3A_2492 = arith.addi %mul3A_2403, %add3A_2491 : i32
        %get3A_2493 = arith.index_cast %add3A_2492 : i32 to index
        %get3A_2494 = tpu.vector_load %arg5[%get3A_2493] {strides = array<i32>} : memref<4096xf32, #tpu.memory_space<vmem>>, vector<16xf32>,
        %get3A_2495 = arith.index_cast %add3A_2492 : i32 to index
        %get3A_2496 = tpu.vector_load %arg6[%get3A_2495] {strides = array<i32>} : memref<4096xf32, #tpu.memory_space<vmem>>, vector<16xf32>,
        %get3A_2497 = arith.index_cast %add3A_2492 : i32 to index
        %get3A_2498 = tpu.vector_load %arg7[%get3A_2497] {strides = array<i32>} : memref<4096xf32, #tpu.memory_space<vmem>>, vector<16xf32>,
        %add3A_2499 = arith.constant 16 : i32
        %add3A_2500 = arith.addi %add3A_2492, %add3A_2499 : i32
        %get3A_2501 = arith.index_cast %add3A_2500 : i32 to index
        %get3A_2502 = tpu.vector_load %arg5[%get3A_2501] {strides = array<i32>} : memref<4096xf32, #tpu.memory_space<vmem>>, vector<16xf32>,
        %add3A_2503 = arith.constant 16 : i32
        %add3A_2504 = arith.addi %add3A_2492, %add3A_2503 : i32
        %get3A_2505 = arith.index_cast %add3A_2504 : i32 to index
        %get3A_2506 = tpu.vector_load %arg6[%get3A_2505] {strides = array<i32>} : memref<4096xf32, #tpu.memory_space<vmem>>, vector<16xf32>,
        %add3A_2507 = arith.constant 16 : i32
        %add3A_2508 = arith.addi %add3A_2492, %add3A_2507 : i32
        %get3A_2509 = arith.index_cast %add3A_2508 : i32 to index
        %get3A_2510 = tpu.vector_load %arg7[%get3A_2509] {strides = array<i32>} : memref<4096xf32, #tpu.memory_space<vmem>>, vector<16xf32>,
        %sub3A_2511 = arith.subf %get3A_2494, %gather3A : vector<16xf32>
        %sub3A_2512 = arith.subf %get3A_2496, %gather3A_1707 : vector<16xf32>
        %sub3A_2513 = arith.subf %get3A_2498, %gather3A_1708 : vector<16xf32>
        %sub3A_2514 = arith.subf %get3A_2502, %gather3A : vector<16xf32>
        %sub3A_2515 = arith.subf %get3A_2506, %gather3A_1707 : vector<16xf32>
        %sub3A_2516 = arith.subf %get3A_2510, %gather3A_1708 : vector<16xf32>
        %mul3A_2517 = arith.mulf %sub3A_2511, %sub3A_2511 : vector<16xf32>
        %mul3A_2518 = arith.mulf %sub3A_2512, %sub3A_2512 : vector<16xf32>
        %add3A_2519 = arith.addf %mul3A_2517, %mul3A_2518 : vector<16xf32>
        %mul3A_2520 = arith.mulf %sub3A_2513, %sub3A_2513 : vector<16xf32>
        %add3A_2521 = arith.addf %add3A_2519, %mul3A_2520 : vector<16xf32>
        %mul3A_2522 = arith.mulf %sub3A_2514, %sub3A_2514 : vector<16xf32>
        %mul3A_2523 = arith.mulf %sub3A_2515, %sub3A_2515 : vector<16xf32>
        %add3A_2524 = arith.addf %mul3A_2522, %mul3A_2523 : vector<16xf32>
        %mul3A_2525 = arith.mulf %sub3A_2516, %sub3A_2516 : vector<16xf32>
        %add3A_2526 = arith.addf %add3A_2524, %mul3A_2525 : vector<16xf32>
        %lt3A_2527 = arith.constant 1.600000e-01 : f32
        %lt3A_2528 = vector.broadcast %lt3A_2527 : f32 to vector<16xf32>
        %lt3A_2529 = arith.cmpf olt, %add3A_2521, %lt3A_2528 : vector<16xf32>
        %lt3A_2530 = arith.constant 1.600000e-01 : f32
        %lt3A_2531 = vector.broadcast %lt3A_2530 : f32 to vector<16xf32>
        %lt3A_2532 = arith.cmpf olt, %add3A_2526, %lt3A_2531 : vector<16xf32>
        %convert_element_type3A_2533 = arith.extui %lt3A_2529 : vector<16xi1> to vector<16xi32>
        %convert_element_type3A_2534 = arith.extui %lt3A_2532 : vector<16xi1> to vector<16xi32>
        %all_reduce_population_count3A_2535 = tpu.all_reduce %lt3A_2529 {dim = 0 : i64, kind = #tpu.reduction_kind<sum>} : vector<16xi1> -> vector<16xi32>
        %all_reduce_population_count3A_2536 = tpu.all_reduce %lt3A_2532 {dim = 0 : i64, kind = #tpu.reduction_kind<sum>} : vector<16xi1> -> vector<16xi32>
        %broadcast_in_dim3A_2537 = arith.constant true
        %broadcast_in_dim3A_2538 = vector.broadcast %broadcast_in_dim3A_2537 : i1 to vector<16xi1>
        %masked_cumsum3A_2539 = tpu.scan <sum>, %convert_element_type3A_2533 masked %broadcast_in_dim3A_2538 : vector<16xi32>, vector<16xi1> -> vector<16xi32>
        %add3A_2540 = arith.addi %add3A_2490, %masked_cumsum3A_2539 : vector<16xi32>
        %sub3A_2541 = arith.subi %add3A_2540, %convert_element_type3A_2533 : vector<16xi32>
        %add3A_2542 = arith.addi %add3A_2490, %all_reduce_population_count3A_2535 : vector<16xi32>
        %broadcast_in_dim3A_2543 = arith.constant true
        %broadcast_in_dim3A_2544 = vector.broadcast %broadcast_in_dim3A_2543 : i1 to vector<16xi1>
        %masked_cumsum3A_2545 = tpu.scan <sum>, %convert_element_type3A_2534 masked %broadcast_in_dim3A_2544 : vector<16xi32>, vector<16xi1> -> vector<16xi32>
        %add3A_2546 = arith.addi %add3A_2542, %masked_cumsum3A_2545 : vector<16xi32>
        %sub3A_2547 = arith.subi %add3A_2546, %convert_element_type3A_2534 : vector<16xi32>
        %lt3A_2548 = arith.constant 64 : i32
        %lt3A_2549 = vector.broadcast %lt3A_2548 : i32 to vector<16xi32>
        %lt3A_2550 = arith.cmpi slt, %sub3A_2541, %lt3A_2549 : vector<16xi32>
        %and3A_2551 = arith.andi %lt3A_2529, %lt3A_2550 : vector<16xi1>
        %lt3A_2552 = arith.constant 64 : i32
        %lt3A_2553 = vector.broadcast %lt3A_2552 : i32 to vector<16xi32>
        %lt3A_2554 = arith.cmpi slt, %sub3A_2547, %lt3A_2553 : vector<16xi32>
        %and3A_2555 = arith.andi %lt3A_2532, %lt3A_2554 : vector<16xi1>
        %mul3A_2556 = arith.constant 64 : i32
        %mul3A_2557 = arith.muli %scan3A_1668, %mul3A_2556 : i32
        %add3A_2558 = vector.broadcast %mul3A_2557 : i32 to vector<16xi32>
        %add3A_2559 = arith.addi %add3A_2558, %sub3A_2541 : vector<16xi32>
        %add3A_2560 = vector.broadcast %add3A_2492 : i32 to vector<16xi32>
        %add3A_2561 = arith.addi %add3A_2560, %iota3A : vector<16xi32>
        %mul3A_2562 = arith.constant 4096 : i32
        %mul3A_2563 = arith.muli %select_n3A, %mul3A_2562 : i32
        %add3A_2564 = vector.broadcast %mul3A_2563 : i32 to vector<16xi32>
        %add3A_2565 = arith.addi %add3A_2561, %add3A_2564 : vector<16xi32>
        tpu.vector_store_idx %arg8[%add3A_2559], %add3A_2565 masked %and3A_2551 : memref<4096xi32, #tpu.memory_space<vmem>>[vector<16xi32>], vector<16xi32>, vector<16xi1>
        %mul3A_2566 = arith.constant 64 : i32
        %mul3A_2567 = arith.muli %scan3A_1668, %mul3A_2566 : i32
        %add3A_2568 = vector.broadcast %mul3A_2567 : i32 to vector<16xi32>
        %add3A_2569 = arith.addi %add3A_2568, %sub3A_2547 : vector<16xi32>
        %add3A_2570 = arith.constant 16 : i32
        %add3A_2571 = arith.addi %add3A_2492, %add3A_2570 : i32
        %add3A_2572 = vector.broadcast %add3A_2571 : i32 to vector<16xi32>
        %add3A_2573 = arith.addi %add3A_2572, %iota3A : vector<16xi32>
        %mul3A_2574 = arith.constant 4096 : i32
        %mul3A_2575 = arith.muli %select_n3A, %mul3A_2574 : i32
        %add3A_2576 = vector.broadcast %mul3A_2575 : i32 to vector<16xi32>
        %add3A_2577 = arith.addi %add3A_2573, %add3A_2576 : vector<16xi32>
        tpu.vector_store_idx %arg8[%add3A_2569], %add3A_2577 masked %and3A_2555 : memref<4096xi32, #tpu.memory_space<vmem>>[vector<16xi32>], vector<16xi32>, vector<16xi1>
        %add3A_2578 = arith.addi %add3A_2490, %all_reduce_population_count3A_2535 : vector<16xi32>
        %add3A_2579 = arith.addi %add3A_2578, %all_reduce_population_count3A_2536 : vector<16xi32>
        %add3A_2580 = arith.constant 1 : i32
        %add3A_2581 = arith.addi %while3A_2400, %add3A_2580 : i32
        scf.yield %add3A_2581, %add3A_2579 : i32, vector<16xi32>
      }
      %mul3A_2356 = arith.constant 64 : i32
      %mul3A_2357 = arith.muli %scan3A_1668, %mul3A_2356 : i32
      %broadcast_in_dim3A_2358 = vector.broadcast %mul3A_2357 : i32 to vector<16xi32>
      %gather3A_2359 = tpu.vector_load_idx %arg8[%broadcast_in_dim3A_2358] : memref<4096xi32, #tpu.memory_space<vmem>>[vector<16xi32>], vector<16xi32>,
      %gt3A = arith.constant 0 : i32
      %gt3A_2360 = vector.broadcast %gt3A : i32 to vector<16xi32>
      %gt3A_2361 = arith.cmpi sgt, %while3A_2355#1, %gt3A_2360 : vector<16xi32>
      %mul3A_2362 = arith.constant 4096 : i32
      %mul3A_2363 = arith.muli %select_n3A, %mul3A_2362 : i32
      %broadcast_in_dim3A_2364 = vector.broadcast %mul3A_2363 : i32 to vector<16xi32>
      %select_n3A_2365 = arith.select %gt3A_2361, %gather3A_2359, %broadcast_in_dim3A_2364 : vector<16xi1>, vector<16xi32>
      %add3A_2366 = arith.constant 0 : i32
      %add3A_2367 = vector.broadcast %add3A_2366 : i32 to vector<16xi32>
      %add3A_2368 = arith.addi %iota3A, %add3A_2367 : vector<16xi32>
      %mul3A_2369 = arith.constant 64 : i32
      %mul3A_2370 = arith.muli %scan3A_1668, %mul3A_2369 : i32
      %add3A_2371 = arith.constant 0 : i32
      %add3A_2372 = arith.addi %mul3A_2370, %add3A_2371 : i32
      %get3A_2373 = arith.index_cast %add3A_2372 : i32 to index
      %get3A_2374 = tpu.vector_load %arg8[%get3A_2373] {strides = array<i32>} : memref<4096xi32, #tpu.memory_space<vmem>>, vector<16xi32>,
      %lt3A_2375 = arith.cmpi slt, %add3A_2368, %while3A_2355#1 : vector<16xi32>
      %select_n3A_2376 = arith.select %lt3A_2375, %get3A_2374, %select_n3A_2365 : vector<16xi1>, vector<16xi32>
      %mul3A_2377 = arith.constant 32 : i32
      %mul3A_2378 = arith.muli %scan3A_1668, %mul3A_2377 : i32
      %add3A_2379 = arith.constant 0 : i32
      %add3A_2380 = arith.addi %mul3A_2378, %add3A_2379 : i32
      %swap3A_2381 = arith.index_cast %add3A_2380 : i32 to index
      %swap3A_2382 = tpu.vector_load %arg9[%swap3A_2381] {strides = array<i32>} : memref<2048xi32, #tpu.memory_space<vmem>>, vector<16xi32>,
      tpu.vector_store %arg9[%swap3A_2381], %select_n3A_2376 {strides = array<i32>} : memref<2048xi32, #tpu.memory_space<vmem>>, vector<16xi32>,
      %add3A_2383 = arith.constant 16 : i32
      %add3A_2384 = vector.broadcast %add3A_2383 : i32 to vector<16xi32>
      %add3A_2385 = arith.addi %iota3A, %add3A_2384 : vector<16xi32>
      %mul3A_2386 = arith.constant 64 : i32
      %mul3A_2387 = arith.muli %scan3A_1668, %mul3A_2386 : i32
      %add3A_2388 = arith.constant 16 : i32
      %add3A_2389 = arith.addi %mul3A_2387, %add3A_2388 : i32
      %get3A_2390 = arith.index_cast %add3A_2389 : i32 to index
      %get3A_2391 = tpu.vector_load %arg8[%get3A_2390] {strides = array<i32>} : memref<4096xi32, #tpu.memory_space<vmem>>, vector<16xi32>,
      %lt3A_2392 = arith.cmpi slt, %add3A_2385, %while3A_2355#1 : vector<16xi32>
      %select_n3A_2393 = arith.select %lt3A_2392, %get3A_2391, %select_n3A_2365 : vector<16xi1>, vector<16xi32>
      %mul3A_2394 = arith.constant 32 : i32
      %mul3A_2395 = arith.muli %scan3A_1668, %mul3A_2394 : i32
      %add3A_2396 = arith.constant 16 : i32
      %add3A_2397 = arith.addi %mul3A_2395, %add3A_2396 : i32
      %swap3A_2398 = arith.index_cast %add3A_2397 : i32 to index
      %swap3A_2399 = tpu.vector_load %arg9[%swap3A_2398] {strides = array<i32>} : memref<2048xi32, #tpu.memory_space<vmem>>, vector<16xi32>,
      tpu.vector_store %arg9[%swap3A_2398], %select_n3A_2393 {strides = array<i32>} : memref<2048xi32, #tpu.memory_space<vmem>>, vector<16xi32>,
    }
    %scan3A_39 = arith.constant 64 : i32
    %get3A = arith.constant 0 : index
    %get3A_40 = tpu.vector_load %arg9[%get3A] {strides = array<i32>} : memref<2048xi32, #tpu.memory_space<vmem>>, vector<16xi32>,
    %swap3A = arith.constant 0 : i32
    %swap3A_41 = arith.index_cast %swap3A : i32 to index
    %swap3A_42 = arith.constant 0 : index
    %swap3A_43 = tpu.vector_load %arg10[%swap3A_41, %swap3A_42] {strides = array<i32>} : memref<2x128xi32, #tpu.memory_space<vmem>>, vector<16xi32>,
    tpu.vector_store %arg10[%swap3A_41, %swap3A_42], %get3A_40 {strides = array<i32>} : memref<2x128xi32, #tpu.memory_space<vmem>>, vector<16xi32>,
    %get3A_44 = arith.constant 16 : index
    %get3A_45 = tpu.vector_load %arg9[%get3A_44] {strides = array<i32>} : memref<2048xi32, #tpu.memory_space<vmem>>, vector<16xi32>,
    %swap3A_46 = arith.constant 0 : i32
    %swap3A_47 = arith.index_cast %swap3A_46 : i32 to index
    %swap3A_48 = arith.constant 16 : index
    %swap3A_49 = tpu.vector_load %arg10[%swap3A_47, %swap3A_48] {strides = array<i32>} : memref<2x128xi32, #tpu.memory_space<vmem>>, vector<16xi32>,
    tpu.vector_store %arg10[%swap3A_47, %swap3A_48], %get3A_45 {strides = array<i32>} : memref<2x128xi32, #tpu.memory_space<vmem>>, vector<16xi32>,
    %get3A_50 = arith.constant 32 : index
    %get3A_51 = tpu.vector_load %arg9[%get3A_50] {strides = array<i32>} : memref<2048xi32, #tpu.memory_space<vmem>>, vector<16xi32>,
    %swap3A_52 = arith.constant 0 : i32
    %swap3A_53 = arith.index_cast %swap3A_52 : i32 to index
    %swap3A_54 = arith.constant 32 : index
    %swap3A_55 = tpu.vector_load %arg10[%swap3A_53, %swap3A_54] {strides = array<i32>} : memref<2x128xi32, #tpu.memory_space<vmem>>, vector<16xi32>,
    tpu.vector_store %arg10[%swap3A_53, %swap3A_54], %get3A_51 {strides = array<i32>} : memref<2x128xi32, #tpu.memory_space<vmem>>, vector<16xi32>,
    %get3A_56 = arith.constant 48 : index
    %get3A_57 = tpu.vector_load %arg9[%get3A_56] {strides = array<i32>} : memref<2048xi32, #tpu.memory_space<vmem>>, vector<16xi32>,
    %swap3A_58 = arith.constant 0 : i32
    %swap3A_59 = arith.index_cast %swap3A_58 : i32 to index
    %swap3A_60 = arith.constant 48 : index
    %swap3A_61 = tpu.vector_load %arg10[%swap3A_59, %swap3A_60] {strides = array<i32>} : memref<2x128xi32, #tpu.memory_space<vmem>>, vector<16xi32>,
    tpu.vector_store %arg10[%swap3A_59, %swap3A_60], %get3A_57 {strides = array<i32>} : memref<2x128xi32, #tpu.memory_space<vmem>>, vector<16xi32>,
    %get3A_62 = arith.constant 64 : index
    %get3A_63 = tpu.vector_load %arg9[%get3A_62] {strides = array<i32>} : memref<2048xi32, #tpu.memory_space<vmem>>, vector<16xi32>,
    %swap3A_64 = arith.constant 0 : i32
    %swap3A_65 = arith.index_cast %swap3A_64 : i32 to index
    %swap3A_66 = arith.constant 64 : index
    %swap3A_67 = tpu.vector_load %arg10[%swap3A_65, %swap3A_66] {strides = array<i32>} : memref<2x128xi32, #tpu.memory_space<vmem>>, vector<16xi32>,
    tpu.vector_store %arg10[%swap3A_65, %swap3A_66], %get3A_63 {strides = array<i32>} : memref<2x128xi32, #tpu.memory_space<vmem>>, vector<16xi32>,
    %get3A_68 = arith.constant 80 : index
    %get3A_69 = tpu.vector_load %arg9[%get3A_68] {strides = array<i32>} : memref<2048xi32, #tpu.memory_space<vmem>>, vector<16xi32>,
    %swap3A_70 = arith.constant 0 : i32
    %swap3A_71 = arith.index_cast %swap3A_70 : i32 to index
    %swap3A_72 = arith.constant 80 : index
    %swap3A_73 = tpu.vector_load %arg10[%swap3A_71, %swap3A_72] {strides = array<i32>} : memref<2x128xi32, #tpu.memory_space<vmem>>, vector<16xi32>,
    tpu.vector_store %arg10[%swap3A_71, %swap3A_72], %get3A_69 {strides = array<i32>} : memref<2x128xi32, #tpu.memory_space<vmem>>, vector<16xi32>,
    %get3A_74 = arith.constant 96 : index
    %get3A_75 = tpu.vector_load %arg9[%get3A_74] {strides = array<i32>} : memref<2048xi32, #tpu.memory_space<vmem>>, vector<16xi32>,
    %swap3A_76 = arith.constant 0 : i32
    %swap3A_77 = arith.index_cast %swap3A_76 : i32 to index
    %swap3A_78 = arith.constant 96 : index
    %swap3A_79 = tpu.vector_load %arg10[%swap3A_77, %swap3A_78] {strides = array<i32>} : memref<2x128xi32, #tpu.memory_space<vmem>>, vector<16xi32>,
    tpu.vector_store %arg10[%swap3A_77, %swap3A_78], %get3A_75 {strides = array<i32>} : memref<2x128xi32, #tpu.memory_space<vmem>>, vector<16xi32>,
    %get3A_80 = arith.constant 112 : index
    %get3A_81 = tpu.vector_load %arg9[%get3A_80] {strides = array<i32>} : memref<2048xi32, #tpu.memory_space<vmem>>, vector<16xi32>,
    %swap3A_82 = arith.constant 0 : i32
    %swap3A_83 = arith.index_cast %swap3A_82 : i32 to index
    %swap3A_84 = arith.constant 112 : index
    %swap3A_85 = tpu.vector_load %arg10[%swap3A_83, %swap3A_84] {strides = array<i32>} : memref<2x128xi32, #tpu.memory_space<vmem>>, vector<16xi32>,
    tpu.vector_store %arg10[%swap3A_83, %swap3A_84], %get3A_81 {strides = array<i32>} : memref<2x128xi32, #tpu.memory_space<vmem>>, vector<16xi32>,
    %dma_start3A = arith.constant 0 : i32
    %dma_start3A_86 = arith.constant 0 : i32
    %dma_start3A_87 = arith.constant 0 : i32
    %dma_start3A_88 = arith.constant 0 : i32
    %dma_start3A_89 = tpu.memref_slice %arg11[%dma_start3A_86, %dma_start3A_87, %dma_start3A_88] : memref<2x128x128xf32, #tpu.memory_space<vmem>> -> memref<1x128x128xf32, #tpu.memory_space<vmem>>
    %dma_start3A_90 = tpu.memref_squeeze %dma_start3A_89 : memref<1x128x128xf32, #tpu.memory_space<vmem>> -> memref<128x128xf32, #tpu.memory_space<vmem>>
    %dma_start3A_91 = arith.constant 0 : i32
    %dma_start3A_92 = tpu.memref_slice %arg10[%dma_start3A, %dma_start3A_91] : memref<2x128xi32, #tpu.memory_space<vmem>> -> memref<1x128xi32, #tpu.memory_space<vmem>>
    %dma_start3A_93 = tpu.memref_squeeze %dma_start3A_92 : memref<1x128xi32, #tpu.memory_space<vmem>> -> memref<128xi32, #tpu.memory_space<vmem>>
    %dma_start3A_94 = arith.constant 0 : i32
    %dma_start3A_95 = arith.constant 0 : i32
    %dma_start3A_96 = tpu.memref_slice %arg3[%dma_start3A_94, %dma_start3A_95] : memref<8192x128xf32, #tpu.memory_space<hbm>> -> memref<8192x128xf32, #tpu.memory_space<hbm>>
    tpu.enqueue_indirect_dma source(%dma_start3A_96 : memref<8192x128xf32, #tpu.memory_space<hbm>>) target(%dma_start3A_90 : memref<128x128xf32, #tpu.memory_space<vmem>>) offsets(%dma_start3A_93 : memref<128xi32, #tpu.memory_space<vmem>>) semaphore(%arg12 : memref<!tpu.dma_semaphore, #tpu.memory_space<semaphore_mem>>)
    %get3A_97 = arith.constant 128 : index
    %get3A_98 = tpu.vector_load %arg9[%get3A_97] {strides = array<i32>} : memref<2048xi32, #tpu.memory_space<vmem>>, vector<16xi32>,
    %swap3A_99 = arith.constant 1 : i32
    %swap3A_100 = arith.index_cast %swap3A_99 : i32 to index
    %swap3A_101 = arith.constant 0 : index
    %swap3A_102 = tpu.vector_load %arg10[%swap3A_100, %swap3A_101] {strides = array<i32>} : memref<2x128xi32, #tpu.memory_space<vmem>>, vector<16xi32>,
    tpu.vector_store %arg10[%swap3A_100, %swap3A_101], %get3A_98 {strides = array<i32>} : memref<2x128xi32, #tpu.memory_space<vmem>>, vector<16xi32>,
    %get3A_103 = arith.constant 144 : index
    %get3A_104 = tpu.vector_load %arg9[%get3A_103] {strides = array<i32>} : memref<2048xi32, #tpu.memory_space<vmem>>, vector<16xi32>,
    %swap3A_105 = arith.constant 1 : i32
    %swap3A_106 = arith.index_cast %swap3A_105 : i32 to index
    %swap3A_107 = arith.constant 16 : index
    %swap3A_108 = tpu.vector_load %arg10[%swap3A_106, %swap3A_107] {strides = array<i32>} : memref<2x128xi32, #tpu.memory_space<vmem>>, vector<16xi32>,
    tpu.vector_store %arg10[%swap3A_106, %swap3A_107], %get3A_104 {strides = array<i32>} : memref<2x128xi32, #tpu.memory_space<vmem>>, vector<16xi32>,
    %get3A_109 = arith.constant 160 : index
    %get3A_110 = tpu.vector_load %arg9[%get3A_109] {strides = array<i32>} : memref<2048xi32, #tpu.memory_space<vmem>>, vector<16xi32>,
    %swap3A_111 = arith.constant 1 : i32
    %swap3A_112 = arith.index_cast %swap3A_111 : i32 to index
    %swap3A_113 = arith.constant 32 : index
    %swap3A_114 = tpu.vector_load %arg10[%swap3A_112, %swap3A_113] {strides = array<i32>} : memref<2x128xi32, #tpu.memory_space<vmem>>, vector<16xi32>,
    tpu.vector_store %arg10[%swap3A_112, %swap3A_113], %get3A_110 {strides = array<i32>} : memref<2x128xi32, #tpu.memory_space<vmem>>, vector<16xi32>,
    %get3A_115 = arith.constant 176 : index
    %get3A_116 = tpu.vector_load %arg9[%get3A_115] {strides = array<i32>} : memref<2048xi32, #tpu.memory_space<vmem>>, vector<16xi32>,
    %swap3A_117 = arith.constant 1 : i32
    %swap3A_118 = arith.index_cast %swap3A_117 : i32 to index
    %swap3A_119 = arith.constant 48 : index
    %swap3A_120 = tpu.vector_load %arg10[%swap3A_118, %swap3A_119] {strides = array<i32>} : memref<2x128xi32, #tpu.memory_space<vmem>>, vector<16xi32>,
    tpu.vector_store %arg10[%swap3A_118, %swap3A_119], %get3A_116 {strides = array<i32>} : memref<2x128xi32, #tpu.memory_space<vmem>>, vector<16xi32>,
    %get3A_121 = arith.constant 192 : index
    %get3A_122 = tpu.vector_load %arg9[%get3A_121] {strides = array<i32>} : memref<2048xi32, #tpu.memory_space<vmem>>, vector<16xi32>,
    %swap3A_123 = arith.constant 1 : i32
    %swap3A_124 = arith.index_cast %swap3A_123 : i32 to index
    %swap3A_125 = arith.constant 64 : index
    %swap3A_126 = tpu.vector_load %arg10[%swap3A_124, %swap3A_125] {strides = array<i32>} : memref<2x128xi32, #tpu.memory_space<vmem>>, vector<16xi32>,
    tpu.vector_store %arg10[%swap3A_124, %swap3A_125], %get3A_122 {strides = array<i32>} : memref<2x128xi32, #tpu.memory_space<vmem>>, vector<16xi32>,
    %get3A_127 = arith.constant 208 : index
    %get3A_128 = tpu.vector_load %arg9[%get3A_127] {strides = array<i32>} : memref<2048xi32, #tpu.memory_space<vmem>>, vector<16xi32>,
    %swap3A_129 = arith.constant 1 : i32
    %swap3A_130 = arith.index_cast %swap3A_129 : i32 to index
    %swap3A_131 = arith.constant 80 : index
    %swap3A_132 = tpu.vector_load %arg10[%swap3A_130, %swap3A_131] {strides = array<i32>} : memref<2x128xi32, #tpu.memory_space<vmem>>, vector<16xi32>,
    tpu.vector_store %arg10[%swap3A_130, %swap3A_131], %get3A_128 {strides = array<i32>} : memref<2x128xi32, #tpu.memory_space<vmem>>, vector<16xi32>,
    %get3A_133 = arith.constant 224 : index
    %get3A_134 = tpu.vector_load %arg9[%get3A_133] {strides = array<i32>} : memref<2048xi32, #tpu.memory_space<vmem>>, vector<16xi32>,
    %swap3A_135 = arith.constant 1 : i32
    %swap3A_136 = arith.index_cast %swap3A_135 : i32 to index
    %swap3A_137 = arith.constant 96 : index
    %swap3A_138 = tpu.vector_load %arg10[%swap3A_136, %swap3A_137] {strides = array<i32>} : memref<2x128xi32, #tpu.memory_space<vmem>>, vector<16xi32>,
    tpu.vector_store %arg10[%swap3A_136, %swap3A_137], %get3A_134 {strides = array<i32>} : memref<2x128xi32, #tpu.memory_space<vmem>>, vector<16xi32>,
    %get3A_139 = arith.constant 240 : index
    %get3A_140 = tpu.vector_load %arg9[%get3A_139] {strides = array<i32>} : memref<2048xi32, #tpu.memory_space<vmem>>, vector<16xi32>,
    %swap3A_141 = arith.constant 1 : i32
    %swap3A_142 = arith.index_cast %swap3A_141 : i32 to index
    %swap3A_143 = arith.constant 112 : index
    %swap3A_144 = tpu.vector_load %arg10[%swap3A_142, %swap3A_143] {strides = array<i32>} : memref<2x128xi32, #tpu.memory_space<vmem>>, vector<16xi32>,
    tpu.vector_store %arg10[%swap3A_142, %swap3A_143], %get3A_140 {strides = array<i32>} : memref<2x128xi32, #tpu.memory_space<vmem>>, vector<16xi32>,
    %dma_start3A_145 = arith.constant 1 : i32
    %dma_start3A_146 = arith.constant 1 : i32
    %dma_start3A_147 = arith.constant 0 : i32
    %dma_start3A_148 = arith.constant 0 : i32
    %dma_start3A_149 = tpu.memref_slice %arg11[%dma_start3A_146, %dma_start3A_147, %dma_start3A_148] : memref<2x128x128xf32, #tpu.memory_space<vmem>> -> memref<1x128x128xf32, #tpu.memory_space<vmem>>
    %dma_start3A_150 = tpu.memref_squeeze %dma_start3A_149 : memref<1x128x128xf32, #tpu.memory_space<vmem>> -> memref<128x128xf32, #tpu.memory_space<vmem>>
    %dma_start3A_151 = arith.constant 0 : i32
    %dma_start3A_152 = tpu.memref_slice %arg10[%dma_start3A_145, %dma_start3A_151] : memref<2x128xi32, #tpu.memory_space<vmem>> -> memref<1x128xi32, #tpu.memory_space<vmem>>
    %dma_start3A_153 = tpu.memref_squeeze %dma_start3A_152 : memref<1x128xi32, #tpu.memory_space<vmem>> -> memref<128xi32, #tpu.memory_space<vmem>>
    %dma_start3A_154 = arith.constant 0 : i32
    %dma_start3A_155 = arith.constant 0 : i32
    %dma_start3A_156 = tpu.memref_slice %arg3[%dma_start3A_154, %dma_start3A_155] : memref<8192x128xf32, #tpu.memory_space<hbm>> -> memref<8192x128xf32, #tpu.memory_space<hbm>>
    tpu.enqueue_indirect_dma source(%dma_start3A_156 : memref<8192x128xf32, #tpu.memory_space<hbm>>) target(%dma_start3A_150 : memref<128x128xf32, #tpu.memory_space<vmem>>) offsets(%dma_start3A_153 : memref<128xi32, #tpu.memory_space<vmem>>) semaphore(%arg13 : memref<!tpu.dma_semaphore, #tpu.memory_space<semaphore_mem>>)
    %dma_wait3A = arith.constant 0 : i32
    %dma_wait3A_157 = arith.constant 0 : i32
    %dma_wait3A_158 = arith.constant 0 : i32
    %dma_wait3A_159 = arith.constant 0 : i32
    %dma_wait3A_160 = tpu.memref_slice %arg11[%dma_wait3A_157, %dma_wait3A_158, %dma_wait3A_159] : memref<2x128x128xf32, #tpu.memory_space<vmem>> -> memref<1x128x128xf32, #tpu.memory_space<vmem>>
    %dma_wait3A_161 = tpu.memref_squeeze %dma_wait3A_160 : memref<1x128x128xf32, #tpu.memory_space<vmem>> -> memref<128x128xf32, #tpu.memory_space<vmem>>
    %dma_wait3A_162 = arith.constant 0 : i32
    %dma_wait3A_163 = tpu.memref_slice %arg10[%dma_wait3A, %dma_wait3A_162] : memref<2x128xi32, #tpu.memory_space<vmem>> -> memref<1x128xi32, #tpu.memory_space<vmem>>
    %dma_wait3A_164 = tpu.memref_squeeze %dma_wait3A_163 : memref<1x128xi32, #tpu.memory_space<vmem>> -> memref<128xi32, #tpu.memory_space<vmem>>
    %dma_wait3A_165 = arith.constant 0 : i32
    %dma_wait3A_166 = arith.constant 0 : i32
    %dma_wait3A_167 = tpu.memref_slice %arg3[%dma_wait3A_165, %dma_wait3A_166] : memref<8192x128xf32, #tpu.memory_space<hbm>> -> memref<8192x128xf32, #tpu.memory_space<hbm>>
    tpu.wait_indirect_dma semaphore(%arg12 : memref<!tpu.dma_semaphore, #tpu.memory_space<semaphore_mem>>) src(%dma_wait3A_167 : memref<8192x128xf32, #tpu.memory_space<hbm>>) dst(%dma_wait3A_161 : memref<128x128xf32, #tpu.memory_space<vmem>>)
    %mul3A_168 = arith.constant 2048 : i32
    %mul3A_169 = arith.muli %add3A, %mul3A_168 : i32
    %add3A_170 = arith.constant 0 : i32
    %add3A_171 = arith.addi %mul3A_169, %add3A_170 : i32
    %dma_start3A_172 = arith.constant 0 : i32
    %dma_start3A_173 = arith.constant 0 : i32
    %dma_start3A_174 = arith.constant 0 : i32
    %dma_start3A_175 = tpu.memref_slice %arg11[%dma_start3A_172, %dma_start3A_173, %dma_start3A_174] : memref<2x128x128xf32, #tpu.memory_space<vmem>> -> memref<1x128x128xf32, #tpu.memory_space<vmem>>
    %dma_start3A_176 = tpu.memref_squeeze %dma_start3A_175 : memref<1x128x128xf32, #tpu.memory_space<vmem>> -> memref<128x128xf32, #tpu.memory_space<vmem>>
    %dma_start3A_177 = arith.constant 0 : i32
    %dma_start3A_178 = tpu.memref_slice %arg4[%add3A_171, %dma_start3A_177] : memref<65536x128xf32, #tpu.memory_space<hbm>> -> memref<128x128xf32, #tpu.memory_space<hbm>>
    %dma_start3A_179 = arith.constant 0 : i32
    %dma_start3A_180 = tpu.memref_slice %arg4[%add3A_171, %dma_start3A_179] : memref<65536x128xf32, #tpu.memory_space<hbm>> -> memref<128x128xf32, #tpu.memory_space<hbm>>
    %dma_start3A_181 = arith.constant 0 : i32
    %dma_start3A_182 = arith.constant 0 : i32
    %dma_start3A_183 = tpu.memref_slice %arg11[%dma_start3A_172, %dma_start3A_181, %dma_start3A_182] : memref<2x128x128xf32, #tpu.memory_space<vmem>> -> memref<1x128x128xf32, #tpu.memory_space<vmem>>
    %dma_start3A_184 = tpu.memref_squeeze %dma_start3A_183 : memref<1x128x128xf32, #tpu.memory_space<vmem>> -> memref<128x128xf32, #tpu.memory_space<vmem>>
    tpu.enqueue_dma source(%dma_start3A_184 : memref<128x128xf32, #tpu.memory_space<vmem>>) target(%dma_start3A_180 : memref<128x128xf32, #tpu.memory_space<hbm>>) target_semaphore(%arg14 : memref<!tpu.dma_semaphore, #tpu.memory_space<semaphore_mem>>)
    %dma_wait3A_185 = arith.constant 0 : i32
    %dma_wait3A_186 = arith.constant 0 : i32
    %dma_wait3A_187 = arith.constant 0 : i32
    %dma_wait3A_188 = tpu.memref_slice %arg11[%dma_wait3A_185, %dma_wait3A_186, %dma_wait3A_187] : memref<2x128x128xf32, #tpu.memory_space<vmem>> -> memref<1x128x128xf32, #tpu.memory_space<vmem>>
    %dma_wait3A_189 = tpu.memref_squeeze %dma_wait3A_188 : memref<1x128x128xf32, #tpu.memory_space<vmem>> -> memref<128x128xf32, #tpu.memory_space<vmem>>
    %dma_wait3A_190 = arith.constant 0 : i32
    %dma_wait3A_191 = tpu.memref_slice %arg4[%add3A_171, %dma_wait3A_190] : memref<65536x128xf32, #tpu.memory_space<hbm>> -> memref<128x128xf32, #tpu.memory_space<hbm>>
    %dma_wait3A_192 = arith.constant 0 : i32
    %dma_wait3A_193 = tpu.memref_slice %arg4[%add3A_171, %dma_wait3A_192] : memref<65536x128xf32, #tpu.memory_space<hbm>> -> memref<128x128xf32, #tpu.memory_space<hbm>>
    %dma_wait3A_194 = arith.constant 0 : i32
    %dma_wait3A_195 = arith.constant 0 : i32
    %dma_wait3A_196 = tpu.memref_slice %arg11[%dma_wait3A_185, %dma_wait3A_194, %dma_wait3A_195] : memref<2x128x128xf32, #tpu.memory_space<vmem>> -> memref<1x128x128xf32, #tpu.memory_space<vmem>>
    %dma_wait3A_197 = tpu.memref_squeeze %dma_wait3A_196 : memref<1x128x128xf32, #tpu.memory_space<vmem>> -> memref<128x128xf32, #tpu.memory_space<vmem>>
    tpu.wait_dma2 semaphore(%arg14 : memref<!tpu.dma_semaphore, #tpu.memory_space<semaphore_mem>>) src(%dma_wait3A_197 : memref<128x128xf32, #tpu.memory_space<vmem>>) dst(%dma_wait3A_193 : memref<128x128xf32, #tpu.memory_space<hbm>>)
    %get3A_198 = arith.constant 256 : index
    %get3A_199 = tpu.vector_load %arg9[%get3A_198] {strides = array<i32>} : memref<2048xi32, #tpu.memory_space<vmem>>, vector<16xi32>,
    %swap3A_200 = arith.constant 0 : i32
    %swap3A_201 = arith.index_cast %swap3A_200 : i32 to index
    %swap3A_202 = arith.constant 0 : index
    %swap3A_203 = tpu.vector_load %arg10[%swap3A_201, %swap3A_202] {strides = array<i32>} : memref<2x128xi32, #tpu.memory_space<vmem>>, vector<16xi32>,
    tpu.vector_store %arg10[%swap3A_201, %swap3A_202], %get3A_199 {strides = array<i32>} : memref<2x128xi32, #tpu.memory_space<vmem>>, vector<16xi32>,
    %get3A_204 = arith.constant 272 : index
    %get3A_205 = tpu.vector_load %arg9[%get3A_204] {strides = array<i32>} : memref<2048xi32, #tpu.memory_space<vmem>>, vector<16xi32>,
    %swap3A_206 = arith.constant 0 : i32
    %swap3A_207 = arith.index_cast %swap3A_206 : i32 to index
    %swap3A_208 = arith.constant 16 : index
    %swap3A_209 = tpu.vector_load %arg10[%swap3A_207, %swap3A_208] {strides = array<i32>} : memref<2x128xi32, #tpu.memory_space<vmem>>, vector<16xi32>,
    tpu.vector_store %arg10[%swap3A_207, %swap3A_208], %get3A_205 {strides = array<i32>} : memref<2x128xi32, #tpu.memory_space<vmem>>, vector<16xi32>,
    %get3A_210 = arith.constant 288 : index
    %get3A_211 = tpu.vector_load %arg9[%get3A_210] {strides = array<i32>} : memref<2048xi32, #tpu.memory_space<vmem>>, vector<16xi32>,
    %swap3A_212 = arith.constant 0 : i32
    %swap3A_213 = arith.index_cast %swap3A_212 : i32 to index
    %swap3A_214 = arith.constant 32 : index
    %swap3A_215 = tpu.vector_load %arg10[%swap3A_213, %swap3A_214] {strides = array<i32>} : memref<2x128xi32, #tpu.memory_space<vmem>>, vector<16xi32>,
    tpu.vector_store %arg10[%swap3A_213, %swap3A_214], %get3A_211 {strides = array<i32>} : memref<2x128xi32, #tpu.memory_space<vmem>>, vector<16xi32>,
    %get3A_216 = arith.constant 304 : index
    %get3A_217 = tpu.vector_load %arg9[%get3A_216] {strides = array<i32>} : memref<2048xi32, #tpu.memory_space<vmem>>, vector<16xi32>,
    %swap3A_218 = arith.constant 0 : i32
    %swap3A_219 = arith.index_cast %swap3A_218 : i32 to index
    %swap3A_220 = arith.constant 48 : index
    %swap3A_221 = tpu.vector_load %arg10[%swap3A_219, %swap3A_220] {strides = array<i32>} : memref<2x128xi32, #tpu.memory_space<vmem>>, vector<16xi32>,
    tpu.vector_store %arg10[%swap3A_219, %swap3A_220], %get3A_217 {strides = array<i32>} : memref<2x128xi32, #tpu.memory_space<vmem>>, vector<16xi32>,
    %get3A_222 = arith.constant 320 : index
    %get3A_223 = tpu.vector_load %arg9[%get3A_222] {strides = array<i32>} : memref<2048xi32, #tpu.memory_space<vmem>>, vector<16xi32>,
    %swap3A_224 = arith.constant 0 : i32
    %swap3A_225 = arith.index_cast %swap3A_224 : i32 to index
    %swap3A_226 = arith.constant 64 : index
    %swap3A_227 = tpu.vector_load %arg10[%swap3A_225, %swap3A_226] {strides = array<i32>} : memref<2x128xi32, #tpu.memory_space<vmem>>, vector<16xi32>,
    tpu.vector_store %arg10[%swap3A_225, %swap3A_226], %get3A_223 {strides = array<i32>} : memref<2x128xi32, #tpu.memory_space<vmem>>, vector<16xi32>,
    %get3A_228 = arith.constant 336 : index
    %get3A_229 = tpu.vector_load %arg9[%get3A_228] {strides = array<i32>} : memref<2048xi32, #tpu.memory_space<vmem>>, vector<16xi32>,
    %swap3A_230 = arith.constant 0 : i32
    %swap3A_231 = arith.index_cast %swap3A_230 : i32 to index
    %swap3A_232 = arith.constant 80 : index
    %swap3A_233 = tpu.vector_load %arg10[%swap3A_231, %swap3A_232] {strides = array<i32>} : memref<2x128xi32, #tpu.memory_space<vmem>>, vector<16xi32>,
    tpu.vector_store %arg10[%swap3A_231, %swap3A_232], %get3A_229 {strides = array<i32>} : memref<2x128xi32, #tpu.memory_space<vmem>>, vector<16xi32>,
    %get3A_234 = arith.constant 352 : index
    %get3A_235 = tpu.vector_load %arg9[%get3A_234] {strides = array<i32>} : memref<2048xi32, #tpu.memory_space<vmem>>, vector<16xi32>,
    %swap3A_236 = arith.constant 0 : i32
    %swap3A_237 = arith.index_cast %swap3A_236 : i32 to index
    %swap3A_238 = arith.constant 96 : index
    %swap3A_239 = tpu.vector_load %arg10[%swap3A_237, %swap3A_238] {strides = array<i32>} : memref<2x128xi32, #tpu.memory_space<vmem>>, vector<16xi32>,
    tpu.vector_store %arg10[%swap3A_237, %swap3A_238], %get3A_235 {strides = array<i32>} : memref<2x128xi32, #tpu.memory_space<vmem>>, vector<16xi32>,
    %get3A_240 = arith.constant 368 : index
    %get3A_241 = tpu.vector_load %arg9[%get3A_240] {strides = array<i32>} : memref<2048xi32, #tpu.memory_space<vmem>>, vector<16xi32>,
    %swap3A_242 = arith.constant 0 : i32
    %swap3A_243 = arith.index_cast %swap3A_242 : i32 to index
    %swap3A_244 = arith.constant 112 : index
    %swap3A_245 = tpu.vector_load %arg10[%swap3A_243, %swap3A_244] {strides = array<i32>} : memref<2x128xi32, #tpu.memory_space<vmem>>, vector<16xi32>,
    tpu.vector_store %arg10[%swap3A_243, %swap3A_244], %get3A_241 {strides = array<i32>} : memref<2x128xi32, #tpu.memory_space<vmem>>, vector<16xi32>,
    %dma_start3A_246 = arith.constant 0 : i32
    %dma_start3A_247 = arith.constant 0 : i32
    %dma_start3A_248 = arith.constant 0 : i32
    %dma_start3A_249 = arith.constant 0 : i32
    %dma_start3A_250 = tpu.memref_slice %arg11[%dma_start3A_247, %dma_start3A_248, %dma_start3A_249] : memref<2x128x128xf32, #tpu.memory_space<vmem>> -> memref<1x128x128xf32, #tpu.memory_space<vmem>>
    %dma_start3A_251 = tpu.memref_squeeze %dma_start3A_250 : memref<1x128x128xf32, #tpu.memory_space<vmem>> -> memref<128x128xf32, #tpu.memory_space<vmem>>
    %dma_start3A_252 = arith.constant 0 : i32
    %dma_start3A_253 = tpu.memref_slice %arg10[%dma_start3A_246, %dma_start3A_252] : memref<2x128xi32, #tpu.memory_space<vmem>> -> memref<1x128xi32, #tpu.memory_space<vmem>>
    %dma_start3A_254 = tpu.memref_squeeze %dma_start3A_253 : memref<1x128xi32, #tpu.memory_space<vmem>> -> memref<128xi32, #tpu.memory_space<vmem>>
    %dma_start3A_255 = arith.constant 0 : i32
    %dma_start3A_256 = arith.constant 0 : i32
    %dma_start3A_257 = tpu.memref_slice %arg3[%dma_start3A_255, %dma_start3A_256] : memref<8192x128xf32, #tpu.memory_space<hbm>> -> memref<8192x128xf32, #tpu.memory_space<hbm>>
    tpu.enqueue_indirect_dma source(%dma_start3A_257 : memref<8192x128xf32, #tpu.memory_space<hbm>>) target(%dma_start3A_251 : memref<128x128xf32, #tpu.memory_space<vmem>>) offsets(%dma_start3A_254 : memref<128xi32, #tpu.memory_space<vmem>>) semaphore(%arg12 : memref<!tpu.dma_semaphore, #tpu.memory_space<semaphore_mem>>)
    %dma_wait3A_258 = arith.constant 1 : i32
    %dma_wait3A_259 = arith.constant 1 : i32
    %dma_wait3A_260 = arith.constant 0 : i32
    %dma_wait3A_261 = arith.constant 0 : i32
    %dma_wait3A_262 = tpu.memref_slice %arg11[%dma_wait3A_259, %dma_wait3A_260, %dma_wait3A_261] : memref<2x128x128xf32, #tpu.memory_space<vmem>> -> memref<1x128x128xf32, #tpu.memory_space<vmem>>
    %dma_wait3A_263 = tpu.memref_squeeze %dma_wait3A_262 : memref<1x128x128xf32, #tpu.memory_space<vmem>> -> memref<128x128xf32, #tpu.memory_space<vmem>>
    %dma_wait3A_264 = arith.constant 0 : i32
    %dma_wait3A_265 = tpu.memref_slice %arg10[%dma_wait3A_258, %dma_wait3A_264] : memref<2x128xi32, #tpu.memory_space<vmem>> -> memref<1x128xi32, #tpu.memory_space<vmem>>
    %dma_wait3A_266 = tpu.memref_squeeze %dma_wait3A_265 : memref<1x128xi32, #tpu.memory_space<vmem>> -> memref<128xi32, #tpu.memory_space<vmem>>
    %dma_wait3A_267 = arith.constant 0 : i32
    %dma_wait3A_268 = arith.constant 0 : i32
    %dma_wait3A_269 = tpu.memref_slice %arg3[%dma_wait3A_267, %dma_wait3A_268] : memref<8192x128xf32, #tpu.memory_space<hbm>> -> memref<8192x128xf32, #tpu.memory_space<hbm>>
    tpu.wait_indirect_dma semaphore(%arg13 : memref<!tpu.dma_semaphore, #tpu.memory_space<semaphore_mem>>) src(%dma_wait3A_269 : memref<8192x128xf32, #tpu.memory_space<hbm>>) dst(%dma_wait3A_263 : memref<128x128xf32, #tpu.memory_space<vmem>>)
    %mul3A_270 = arith.constant 2048 : i32
    %mul3A_271 = arith.muli %add3A, %mul3A_270 : i32
    %add3A_272 = arith.constant 128 : i32
    %add3A_273 = arith.addi %mul3A_271, %add3A_272 : i32
    %dma_start3A_274 = arith.constant 1 : i32
    %dma_start3A_275 = arith.constant 0 : i32
    %dma_start3A_276 = arith.constant 0 : i32
    %dma_start3A_277 = tpu.memref_slice %arg11[%dma_start3A_274, %dma_start3A_275, %dma_start3A_276] : memref<2x128x128xf32, #tpu.memory_space<vmem>> -> memref<1x128x128xf32, #tpu.memory_space<vmem>>
    %dma_start3A_278 = tpu.memref_squeeze %dma_start3A_277 : memref<1x128x128xf32, #tpu.memory_space<vmem>> -> memref<128x128xf32, #tpu.memory_space<vmem>>
    %dma_start3A_279 = arith.constant 0 : i32
    %dma_start3A_280 = tpu.memref_slice %arg4[%add3A_273, %dma_start3A_279] : memref<65536x128xf32, #tpu.memory_space<hbm>> -> memref<128x128xf32, #tpu.memory_space<hbm>>
    %dma_start3A_281 = arith.constant 0 : i32
    %dma_start3A_282 = tpu.memref_slice %arg4[%add3A_273, %dma_start3A_281] : memref<65536x128xf32, #tpu.memory_space<hbm>> -> memref<128x128xf32, #tpu.memory_space<hbm>>
    %dma_start3A_283 = arith.constant 0 : i32
    %dma_start3A_284 = arith.constant 0 : i32
    %dma_start3A_285 = tpu.memref_slice %arg11[%dma_start3A_274, %dma_start3A_283, %dma_start3A_284] : memref<2x128x128xf32, #tpu.memory_space<vmem>> -> memref<1x128x128xf32, #tpu.memory_space<vmem>>
    %dma_start3A_286 = tpu.memref_squeeze %dma_start3A_285 : memref<1x128x128xf32, #tpu.memory_space<vmem>> -> memref<128x128xf32, #tpu.memory_space<vmem>>
    tpu.enqueue_dma source(%dma_start3A_286 : memref<128x128xf32, #tpu.memory_space<vmem>>) target(%dma_start3A_282 : memref<128x128xf32, #tpu.memory_space<hbm>>) target_semaphore(%arg15 : memref<!tpu.dma_semaphore, #tpu.memory_space<semaphore_mem>>)
    %dma_wait3A_287 = arith.constant 1 : i32
    %dma_wait3A_288 = arith.constant 0 : i32
    %dma_wait3A_289 = arith.constant 0 : i32
    %dma_wait3A_290 = tpu.memref_slice %arg11[%dma_wait3A_287, %dma_wait3A_288, %dma_wait3A_289] : memref<2x128x128xf32, #tpu.memory_space<vmem>> -> memref<1x128x128xf32, #tpu.memory_space<vmem>>
    %dma_wait3A_291 = tpu.memref_squeeze %dma_wait3A_290 : memref<1x128x128xf32, #tpu.memory_space<vmem>> -> memref<128x128xf32, #tpu.memory_space<vmem>>
    %dma_wait3A_292 = arith.constant 0 : i32
    %dma_wait3A_293 = tpu.memref_slice %arg4[%add3A_273, %dma_wait3A_292] : memref<65536x128xf32, #tpu.memory_space<hbm>> -> memref<128x128xf32, #tpu.memory_space<hbm>>
    %dma_wait3A_294 = arith.constant 0 : i32
    %dma_wait3A_295 = tpu.memref_slice %arg4[%add3A_273, %dma_wait3A_294] : memref<65536x128xf32, #tpu.memory_space<hbm>> -> memref<128x128xf32, #tpu.memory_space<hbm>>
    %dma_wait3A_296 = arith.constant 0 : i32
    %dma_wait3A_297 = arith.constant 0 : i32
    %dma_wait3A_298 = tpu.memref_slice %arg11[%dma_wait3A_287, %dma_wait3A_296, %dma_wait3A_297] : memref<2x128x128xf32, #tpu.memory_space<vmem>> -> memref<1x128x128xf32, #tpu.memory_space<vmem>>
    %dma_wait3A_299 = tpu.memref_squeeze %dma_wait3A_298 : memref<1x128x128xf32, #tpu.memory_space<vmem>> -> memref<128x128xf32, #tpu.memory_space<vmem>>
    tpu.wait_dma2 semaphore(%arg15 : memref<!tpu.dma_semaphore, #tpu.memory_space<semaphore_mem>>) src(%dma_wait3A_299 : memref<128x128xf32, #tpu.memory_space<vmem>>) dst(%dma_wait3A_295 : memref<128x128xf32, #tpu.memory_space<hbm>>)
    %get3A_300 = arith.constant 384 : index
    %get3A_301 = tpu.vector_load %arg9[%get3A_300] {strides = array<i32>} : memref<2048xi32, #tpu.memory_space<vmem>>, vector<16xi32>,
    %swap3A_302 = arith.constant 1 : i32
    %swap3A_303 = arith.index_cast %swap3A_302 : i32 to index
    %swap3A_304 = arith.constant 0 : index
    %swap3A_305 = tpu.vector_load %arg10[%swap3A_303, %swap3A_304] {strides = array<i32>} : memref<2x128xi32, #tpu.memory_space<vmem>>, vector<16xi32>,
    tpu.vector_store %arg10[%swap3A_303, %swap3A_304], %get3A_301 {strides = array<i32>} : memref<2x128xi32, #tpu.memory_space<vmem>>, vector<16xi32>,
    %get3A_306 = arith.constant 400 : index
    %get3A_307 = tpu.vector_load %arg9[%get3A_306] {strides = array<i32>} : memref<2048xi32, #tpu.memory_space<vmem>>, vector<16xi32>,
    %swap3A_308 = arith.constant 1 : i32
    %swap3A_309 = arith.index_cast %swap3A_308 : i32 to index
    %swap3A_310 = arith.constant 16 : index
    %swap3A_311 = tpu.vector_load %arg10[%swap3A_309, %swap3A_310] {strides = array<i32>} : memref<2x128xi32, #tpu.memory_space<vmem>>, vector<16xi32>,
    tpu.vector_store %arg10[%swap3A_309, %swap3A_310], %get3A_307 {strides = array<i32>} : memref<2x128xi32, #tpu.memory_space<vmem>>, vector<16xi32>,
    %get3A_312 = arith.constant 416 : index
    %get3A_313 = tpu.vector_load %arg9[%get3A_312] {strides = array<i32>} : memref<2048xi32, #tpu.memory_space<vmem>>, vector<16xi32>,
    %swap3A_314 = arith.constant 1 : i32
    %swap3A_315 = arith.index_cast %swap3A_314 : i32 to index
    %swap3A_316 = arith.constant 32 : index
    %swap3A_317 = tpu.vector_load %arg10[%swap3A_315, %swap3A_316] {strides = array<i32>} : memref<2x128xi32, #tpu.memory_space<vmem>>, vector<16xi32>,
    tpu.vector_store %arg10[%swap3A_315, %swap3A_316], %get3A_313 {strides = array<i32>} : memref<2x128xi32, #tpu.memory_space<vmem>>, vector<16xi32>,
    %get3A_318 = arith.constant 432 : index
    %get3A_319 = tpu.vector_load %arg9[%get3A_318] {strides = array<i32>} : memref<2048xi32, #tpu.memory_space<vmem>>, vector<16xi32>,
    %swap3A_320 = arith.constant 1 : i32
    %swap3A_321 = arith.index_cast %swap3A_320 : i32 to index
    %swap3A_322 = arith.constant 48 : index
    %swap3A_323 = tpu.vector_load %arg10[%swap3A_321, %swap3A_322] {strides = array<i32>} : memref<2x128xi32, #tpu.memory_space<vmem>>, vector<16xi32>,
    tpu.vector_store %arg10[%swap3A_321, %swap3A_322], %get3A_319 {strides = array<i32>} : memref<2x128xi32, #tpu.memory_space<vmem>>, vector<16xi32>,
    %get3A_324 = arith.constant 448 : index
    %get3A_325 = tpu.vector_load %arg9[%get3A_324] {strides = array<i32>} : memref<2048xi32, #tpu.memory_space<vmem>>, vector<16xi32>,
    %swap3A_326 = arith.constant 1 : i32
    %swap3A_327 = arith.index_cast %swap3A_326 : i32 to index
    %swap3A_328 = arith.constant 64 : index
    %swap3A_329 = tpu.vector_load %arg10[%swap3A_327, %swap3A_328] {strides = array<i32>} : memref<2x128xi32, #tpu.memory_space<vmem>>, vector<16xi32>,
    tpu.vector_store %arg10[%swap3A_327, %swap3A_328], %get3A_325 {strides = array<i32>} : memref<2x128xi32, #tpu.memory_space<vmem>>, vector<16xi32>,
    %get3A_330 = arith.constant 464 : index
    %get3A_331 = tpu.vector_load %arg9[%get3A_330] {strides = array<i32>} : memref<2048xi32, #tpu.memory_space<vmem>>, vector<16xi32>,
    %swap3A_332 = arith.constant 1 : i32
    %swap3A_333 = arith.index_cast %swap3A_332 : i32 to index
    %swap3A_334 = arith.constant 80 : index
    %swap3A_335 = tpu.vector_load %arg10[%swap3A_333, %swap3A_334] {strides = array<i32>} : memref<2x128xi32, #tpu.memory_space<vmem>>, vector<16xi32>,
    tpu.vector_store %arg10[%swap3A_333, %swap3A_334], %get3A_331 {strides = array<i32>} : memref<2x128xi32, #tpu.memory_space<vmem>>, vector<16xi32>,
    %get3A_336 = arith.constant 480 : index
    %get3A_337 = tpu.vector_load %arg9[%get3A_336] {strides = array<i32>} : memref<2048xi32, #tpu.memory_space<vmem>>, vector<16xi32>,
    %swap3A_338 = arith.constant 1 : i32
    %swap3A_339 = arith.index_cast %swap3A_338 : i32 to index
    %swap3A_340 = arith.constant 96 : index
    %swap3A_341 = tpu.vector_load %arg10[%swap3A_339, %swap3A_340] {strides = array<i32>} : memref<2x128xi32, #tpu.memory_space<vmem>>, vector<16xi32>,
    tpu.vector_store %arg10[%swap3A_339, %swap3A_340], %get3A_337 {strides = array<i32>} : memref<2x128xi32, #tpu.memory_space<vmem>>, vector<16xi32>,
    %get3A_342 = arith.constant 496 : index
    %get3A_343 = tpu.vector_load %arg9[%get3A_342] {strides = array<i32>} : memref<2048xi32, #tpu.memory_space<vmem>>, vector<16xi32>,
    %swap3A_344 = arith.constant 1 : i32
    %swap3A_345 = arith.index_cast %swap3A_344 : i32 to index
    %swap3A_346 = arith.constant 112 : index
    %swap3A_347 = tpu.vector_load %arg10[%swap3A_345, %swap3A_346] {strides = array<i32>} : memref<2x128xi32, #tpu.memory_space<vmem>>, vector<16xi32>,
    tpu.vector_store %arg10[%swap3A_345, %swap3A_346], %get3A_343 {strides = array<i32>} : memref<2x128xi32, #tpu.memory_space<vmem>>, vector<16xi32>,
    %dma_start3A_348 = arith.constant 1 : i32
    %dma_start3A_349 = arith.constant 1 : i32
    %dma_start3A_350 = arith.constant 0 : i32
    %dma_start3A_351 = arith.constant 0 : i32
    %dma_start3A_352 = tpu.memref_slice %arg11[%dma_start3A_349, %dma_start3A_350, %dma_start3A_351] : memref<2x128x128xf32, #tpu.memory_space<vmem>> -> memref<1x128x128xf32, #tpu.memory_space<vmem>>
    %dma_start3A_353 = tpu.memref_squeeze %dma_start3A_352 : memref<1x128x128xf32, #tpu.memory_space<vmem>> -> memref<128x128xf32, #tpu.memory_space<vmem>>
    %dma_start3A_354 = arith.constant 0 : i32
    %dma_start3A_355 = tpu.memref_slice %arg10[%dma_start3A_348, %dma_start3A_354] : memref<2x128xi32, #tpu.memory_space<vmem>> -> memref<1x128xi32, #tpu.memory_space<vmem>>
    %dma_start3A_356 = tpu.memref_squeeze %dma_start3A_355 : memref<1x128xi32, #tpu.memory_space<vmem>> -> memref<128xi32, #tpu.memory_space<vmem>>
    %dma_start3A_357 = arith.constant 0 : i32
    %dma_start3A_358 = arith.constant 0 : i32
    %dma_start3A_359 = tpu.memref_slice %arg3[%dma_start3A_357, %dma_start3A_358] : memref<8192x128xf32, #tpu.memory_space<hbm>> -> memref<8192x128xf32, #tpu.memory_space<hbm>>
    tpu.enqueue_indirect_dma source(%dma_start3A_359 : memref<8192x128xf32, #tpu.memory_space<hbm>>) target(%dma_start3A_353 : memref<128x128xf32, #tpu.memory_space<vmem>>) offsets(%dma_start3A_356 : memref<128xi32, #tpu.memory_space<vmem>>) semaphore(%arg13 : memref<!tpu.dma_semaphore, #tpu.memory_space<semaphore_mem>>)
    %dma_wait3A_360 = arith.constant 0 : i32
    %dma_wait3A_361 = arith.constant 0 : i32
    %dma_wait3A_362 = arith.constant 0 : i32
    %dma_wait3A_363 = arith.constant 0 : i32
    %dma_wait3A_364 = tpu.memref_slice %arg11[%dma_wait3A_361, %dma_wait3A_362, %dma_wait3A_363] : memref<2x128x128xf32, #tpu.memory_space<vmem>> -> memref<1x128x128xf32, #tpu.memory_space<vmem>>
    %dma_wait3A_365 = tpu.memref_squeeze %dma_wait3A_364 : memref<1x128x128xf32, #tpu.memory_space<vmem>> -> memref<128x128xf32, #tpu.memory_space<vmem>>
    %dma_wait3A_366 = arith.constant 0 : i32
    %dma_wait3A_367 = tpu.memref_slice %arg10[%dma_wait3A_360, %dma_wait3A_366] : memref<2x128xi32, #tpu.memory_space<vmem>> -> memref<1x128xi32, #tpu.memory_space<vmem>>
    %dma_wait3A_368 = tpu.memref_squeeze %dma_wait3A_367 : memref<1x128xi32, #tpu.memory_space<vmem>> -> memref<128xi32, #tpu.memory_space<vmem>>
    %dma_wait3A_369 = arith.constant 0 : i32
    %dma_wait3A_370 = arith.constant 0 : i32
    %dma_wait3A_371 = tpu.memref_slice %arg3[%dma_wait3A_369, %dma_wait3A_370] : memref<8192x128xf32, #tpu.memory_space<hbm>> -> memref<8192x128xf32, #tpu.memory_space<hbm>>
    tpu.wait_indirect_dma semaphore(%arg12 : memref<!tpu.dma_semaphore, #tpu.memory_space<semaphore_mem>>) src(%dma_wait3A_371 : memref<8192x128xf32, #tpu.memory_space<hbm>>) dst(%dma_wait3A_365 : memref<128x128xf32, #tpu.memory_space<vmem>>)
    %mul3A_372 = arith.constant 2048 : i32
    %mul3A_373 = arith.muli %add3A, %mul3A_372 : i32
    %add3A_374 = arith.constant 256 : i32
    %add3A_375 = arith.addi %mul3A_373, %add3A_374 : i32
    %dma_start3A_376 = arith.constant 0 : i32
    %dma_start3A_377 = arith.constant 0 : i32
    %dma_start3A_378 = arith.constant 0 : i32
    %dma_start3A_379 = tpu.memref_slice %arg11[%dma_start3A_376, %dma_start3A_377, %dma_start3A_378] : memref<2x128x128xf32, #tpu.memory_space<vmem>> -> memref<1x128x128xf32, #tpu.memory_space<vmem>>
    %dma_start3A_380 = tpu.memref_squeeze %dma_start3A_379 : memref<1x128x128xf32, #tpu.memory_space<vmem>> -> memref<128x128xf32, #tpu.memory_space<vmem>>
    %dma_start3A_381 = arith.constant 0 : i32
    %dma_start3A_382 = tpu.memref_slice %arg4[%add3A_375, %dma_start3A_381] : memref<65536x128xf32, #tpu.memory_space<hbm>> -> memref<128x128xf32, #tpu.memory_space<hbm>>
    %dma_start3A_383 = arith.constant 0 : i32
    %dma_start3A_384 = tpu.memref_slice %arg4[%add3A_375, %dma_start3A_383] : memref<65536x128xf32, #tpu.memory_space<hbm>> -> memref<128x128xf32, #tpu.memory_space<hbm>>
    %dma_start3A_385 = arith.constant 0 : i32
    %dma_start3A_386 = arith.constant 0 : i32
    %dma_start3A_387 = tpu.memref_slice %arg11[%dma_start3A_376, %dma_start3A_385, %dma_start3A_386] : memref<2x128x128xf32, #tpu.memory_space<vmem>> -> memref<1x128x128xf32, #tpu.memory_space<vmem>>
    %dma_start3A_388 = tpu.memref_squeeze %dma_start3A_387 : memref<1x128x128xf32, #tpu.memory_space<vmem>> -> memref<128x128xf32, #tpu.memory_space<vmem>>
    tpu.enqueue_dma source(%dma_start3A_388 : memref<128x128xf32, #tpu.memory_space<vmem>>) target(%dma_start3A_384 : memref<128x128xf32, #tpu.memory_space<hbm>>) target_semaphore(%arg14 : memref<!tpu.dma_semaphore, #tpu.memory_space<semaphore_mem>>)
    %dma_wait3A_389 = arith.constant 0 : i32
    %dma_wait3A_390 = arith.constant 0 : i32
    %dma_wait3A_391 = arith.constant 0 : i32
    %dma_wait3A_392 = tpu.memref_slice %arg11[%dma_wait3A_389, %dma_wait3A_390, %dma_wait3A_391] : memref<2x128x128xf32, #tpu.memory_space<vmem>> -> memref<1x128x128xf32, #tpu.memory_space<vmem>>
    %dma_wait3A_393 = tpu.memref_squeeze %dma_wait3A_392 : memref<1x128x128xf32, #tpu.memory_space<vmem>> -> memref<128x128xf32, #tpu.memory_space<vmem>>
    %dma_wait3A_394 = arith.constant 0 : i32
    %dma_wait3A_395 = tpu.memref_slice %arg4[%add3A_375, %dma_wait3A_394] : memref<65536x128xf32, #tpu.memory_space<hbm>> -> memref<128x128xf32, #tpu.memory_space<hbm>>
    %dma_wait3A_396 = arith.constant 0 : i32
    %dma_wait3A_397 = tpu.memref_slice %arg4[%add3A_375, %dma_wait3A_396] : memref<65536x128xf32, #tpu.memory_space<hbm>> -> memref<128x128xf32, #tpu.memory_space<hbm>>
    %dma_wait3A_398 = arith.constant 0 : i32
    %dma_wait3A_399 = arith.constant 0 : i32
    %dma_wait3A_400 = tpu.memref_slice %arg11[%dma_wait3A_389, %dma_wait3A_398, %dma_wait3A_399] : memref<2x128x128xf32, #tpu.memory_space<vmem>> -> memref<1x128x128xf32, #tpu.memory_space<vmem>>
    %dma_wait3A_401 = tpu.memref_squeeze %dma_wait3A_400 : memref<1x128x128xf32, #tpu.memory_space<vmem>> -> memref<128x128xf32, #tpu.memory_space<vmem>>
    tpu.wait_dma2 semaphore(%arg14 : memref<!tpu.dma_semaphore, #tpu.memory_space<semaphore_mem>>) src(%dma_wait3A_401 : memref<128x128xf32, #tpu.memory_space<vmem>>) dst(%dma_wait3A_397 : memref<128x128xf32, #tpu.memory_space<hbm>>)
    %get3A_402 = arith.constant 512 : index
    %get3A_403 = tpu.vector_load %arg9[%get3A_402] {strides = array<i32>} : memref<2048xi32, #tpu.memory_space<vmem>>, vector<16xi32>,
    %swap3A_404 = arith.constant 0 : i32
    %swap3A_405 = arith.index_cast %swap3A_404 : i32 to index
    %swap3A_406 = arith.constant 0 : index
    %swap3A_407 = tpu.vector_load %arg10[%swap3A_405, %swap3A_406] {strides = array<i32>} : memref<2x128xi32, #tpu.memory_space<vmem>>, vector<16xi32>,
    tpu.vector_store %arg10[%swap3A_405, %swap3A_406], %get3A_403 {strides = array<i32>} : memref<2x128xi32, #tpu.memory_space<vmem>>, vector<16xi32>,
    %get3A_408 = arith.constant 528 : index
    %get3A_409 = tpu.vector_load %arg9[%get3A_408] {strides = array<i32>} : memref<2048xi32, #tpu.memory_space<vmem>>, vector<16xi32>,
    %swap3A_410 = arith.constant 0 : i32
    %swap3A_411 = arith.index_cast %swap3A_410 : i32 to index
    %swap3A_412 = arith.constant 16 : index
    %swap3A_413 = tpu.vector_load %arg10[%swap3A_411, %swap3A_412] {strides = array<i32>} : memref<2x128xi32, #tpu.memory_space<vmem>>, vector<16xi32>,
    tpu.vector_store %arg10[%swap3A_411, %swap3A_412], %get3A_409 {strides = array<i32>} : memref<2x128xi32, #tpu.memory_space<vmem>>, vector<16xi32>,
    %get3A_414 = arith.constant 544 : index
    %get3A_415 = tpu.vector_load %arg9[%get3A_414] {strides = array<i32>} : memref<2048xi32, #tpu.memory_space<vmem>>, vector<16xi32>,
    %swap3A_416 = arith.constant 0 : i32
    %swap3A_417 = arith.index_cast %swap3A_416 : i32 to index
    %swap3A_418 = arith.constant 32 : index
    %swap3A_419 = tpu.vector_load %arg10[%swap3A_417, %swap3A_418] {strides = array<i32>} : memref<2x128xi32, #tpu.memory_space<vmem>>, vector<16xi32>,
    tpu.vector_store %arg10[%swap3A_417, %swap3A_418], %get3A_415 {strides = array<i32>} : memref<2x128xi32, #tpu.memory_space<vmem>>, vector<16xi32>,
    %get3A_420 = arith.constant 560 : index
    %get3A_421 = tpu.vector_load %arg9[%get3A_420] {strides = array<i32>} : memref<2048xi32, #tpu.memory_space<vmem>>, vector<16xi32>,
    %swap3A_422 = arith.constant 0 : i32
    %swap3A_423 = arith.index_cast %swap3A_422 : i32 to index
    %swap3A_424 = arith.constant 48 : index
    %swap3A_425 = tpu.vector_load %arg10[%swap3A_423, %swap3A_424] {strides = array<i32>} : memref<2x128xi32, #tpu.memory_space<vmem>>, vector<16xi32>,
    tpu.vector_store %arg10[%swap3A_423, %swap3A_424], %get3A_421 {strides = array<i32>} : memref<2x128xi32, #tpu.memory_space<vmem>>, vector<16xi32>,
    %get3A_426 = arith.constant 576 : index
    %get3A_427 = tpu.vector_load %arg9[%get3A_426] {strides = array<i32>} : memref<2048xi32, #tpu.memory_space<vmem>>, vector<16xi32>,
    %swap3A_428 = arith.constant 0 : i32
    %swap3A_429 = arith.index_cast %swap3A_428 : i32 to index
    %swap3A_430 = arith.constant 64 : index
    %swap3A_431 = tpu.vector_load %arg10[%swap3A_429, %swap3A_430] {strides = array<i32>} : memref<2x128xi32, #tpu.memory_space<vmem>>, vector<16xi32>,
    tpu.vector_store %arg10[%swap3A_429, %swap3A_430], %get3A_427 {strides = array<i32>} : memref<2x128xi32, #tpu.memory_space<vmem>>, vector<16xi32>,
    %get3A_432 = arith.constant 592 : index
    %get3A_433 = tpu.vector_load %arg9[%get3A_432] {strides = array<i32>} : memref<2048xi32, #tpu.memory_space<vmem>>, vector<16xi32>,
    %swap3A_434 = arith.constant 0 : i32
    %swap3A_435 = arith.index_cast %swap3A_434 : i32 to index
    %swap3A_436 = arith.constant 80 : index
    %swap3A_437 = tpu.vector_load %arg10[%swap3A_435, %swap3A_436] {strides = array<i32>} : memref<2x128xi32, #tpu.memory_space<vmem>>, vector<16xi32>,
    tpu.vector_store %arg10[%swap3A_435, %swap3A_436], %get3A_433 {strides = array<i32>} : memref<2x128xi32, #tpu.memory_space<vmem>>, vector<16xi32>,
    %get3A_438 = arith.constant 608 : index
    %get3A_439 = tpu.vector_load %arg9[%get3A_438] {strides = array<i32>} : memref<2048xi32, #tpu.memory_space<vmem>>, vector<16xi32>,
    %swap3A_440 = arith.constant 0 : i32
    %swap3A_441 = arith.index_cast %swap3A_440 : i32 to index
    %swap3A_442 = arith.constant 96 : index
    %swap3A_443 = tpu.vector_load %arg10[%swap3A_441, %swap3A_442] {strides = array<i32>} : memref<2x128xi32, #tpu.memory_space<vmem>>, vector<16xi32>,
    tpu.vector_store %arg10[%swap3A_441, %swap3A_442], %get3A_439 {strides = array<i32>} : memref<2x128xi32, #tpu.memory_space<vmem>>, vector<16xi32>,
    %get3A_444 = arith.constant 624 : index
    %get3A_445 = tpu.vector_load %arg9[%get3A_444] {strides = array<i32>} : memref<2048xi32, #tpu.memory_space<vmem>>, vector<16xi32>,
    %swap3A_446 = arith.constant 0 : i32
    %swap3A_447 = arith.index_cast %swap3A_446 : i32 to index
    %swap3A_448 = arith.constant 112 : index
    %swap3A_449 = tpu.vector_load %arg10[%swap3A_447, %swap3A_448] {strides = array<i32>} : memref<2x128xi32, #tpu.memory_space<vmem>>, vector<16xi32>,
    tpu.vector_store %arg10[%swap3A_447, %swap3A_448], %get3A_445 {strides = array<i32>} : memref<2x128xi32, #tpu.memory_space<vmem>>, vector<16xi32>,
    %dma_start3A_450 = arith.constant 0 : i32
    %dma_start3A_451 = arith.constant 0 : i32
    %dma_start3A_452 = arith.constant 0 : i32
    %dma_start3A_453 = arith.constant 0 : i32
    %dma_start3A_454 = tpu.memref_slice %arg11[%dma_start3A_451, %dma_start3A_452, %dma_start3A_453] : memref<2x128x128xf32, #tpu.memory_space<vmem>> -> memref<1x128x128xf32, #tpu.memory_space<vmem>>
    %dma_start3A_455 = tpu.memref_squeeze %dma_start3A_454 : memref<1x128x128xf32, #tpu.memory_space<vmem>> -> memref<128x128xf32, #tpu.memory_space<vmem>>
    %dma_start3A_456 = arith.constant 0 : i32
    %dma_start3A_457 = tpu.memref_slice %arg10[%dma_start3A_450, %dma_start3A_456] : memref<2x128xi32, #tpu.memory_space<vmem>> -> memref<1x128xi32, #tpu.memory_space<vmem>>
    %dma_start3A_458 = tpu.memref_squeeze %dma_start3A_457 : memref<1x128xi32, #tpu.memory_space<vmem>> -> memref<128xi32, #tpu.memory_space<vmem>>
    %dma_start3A_459 = arith.constant 0 : i32
    %dma_start3A_460 = arith.constant 0 : i32
    %dma_start3A_461 = tpu.memref_slice %arg3[%dma_start3A_459, %dma_start3A_460] : memref<8192x128xf32, #tpu.memory_space<hbm>> -> memref<8192x128xf32, #tpu.memory_space<hbm>>
    tpu.enqueue_indirect_dma source(%dma_start3A_461 : memref<8192x128xf32, #tpu.memory_space<hbm>>) target(%dma_start3A_455 : memref<128x128xf32, #tpu.memory_space<vmem>>) offsets(%dma_start3A_458 : memref<128xi32, #tpu.memory_space<vmem>>) semaphore(%arg12 : memref<!tpu.dma_semaphore, #tpu.memory_space<semaphore_mem>>)
    %dma_wait3A_462 = arith.constant 1 : i32
    %dma_wait3A_463 = arith.constant 1 : i32
    %dma_wait3A_464 = arith.constant 0 : i32
    %dma_wait3A_465 = arith.constant 0 : i32
    %dma_wait3A_466 = tpu.memref_slice %arg11[%dma_wait3A_463, %dma_wait3A_464, %dma_wait3A_465] : memref<2x128x128xf32, #tpu.memory_space<vmem>> -> memref<1x128x128xf32, #tpu.memory_space<vmem>>
    %dma_wait3A_467 = tpu.memref_squeeze %dma_wait3A_466 : memref<1x128x128xf32, #tpu.memory_space<vmem>> -> memref<128x128xf32, #tpu.memory_space<vmem>>
    %dma_wait3A_468 = arith.constant 0 : i32
    %dma_wait3A_469 = tpu.memref_slice %arg10[%dma_wait3A_462, %dma_wait3A_468] : memref<2x128xi32, #tpu.memory_space<vmem>> -> memref<1x128xi32, #tpu.memory_space<vmem>>
    %dma_wait3A_470 = tpu.memref_squeeze %dma_wait3A_469 : memref<1x128xi32, #tpu.memory_space<vmem>> -> memref<128xi32, #tpu.memory_space<vmem>>
    %dma_wait3A_471 = arith.constant 0 : i32
    %dma_wait3A_472 = arith.constant 0 : i32
    %dma_wait3A_473 = tpu.memref_slice %arg3[%dma_wait3A_471, %dma_wait3A_472] : memref<8192x128xf32, #tpu.memory_space<hbm>> -> memref<8192x128xf32, #tpu.memory_space<hbm>>
    tpu.wait_indirect_dma semaphore(%arg13 : memref<!tpu.dma_semaphore, #tpu.memory_space<semaphore_mem>>) src(%dma_wait3A_473 : memref<8192x128xf32, #tpu.memory_space<hbm>>) dst(%dma_wait3A_467 : memref<128x128xf32, #tpu.memory_space<vmem>>)
    %mul3A_474 = arith.constant 2048 : i32
    %mul3A_475 = arith.muli %add3A, %mul3A_474 : i32
    %add3A_476 = arith.constant 384 : i32
    %add3A_477 = arith.addi %mul3A_475, %add3A_476 : i32
    %dma_start3A_478 = arith.constant 1 : i32
    %dma_start3A_479 = arith.constant 0 : i32
    %dma_start3A_480 = arith.constant 0 : i32
    %dma_start3A_481 = tpu.memref_slice %arg11[%dma_start3A_478, %dma_start3A_479, %dma_start3A_480] : memref<2x128x128xf32, #tpu.memory_space<vmem>> -> memref<1x128x128xf32, #tpu.memory_space<vmem>>
    %dma_start3A_482 = tpu.memref_squeeze %dma_start3A_481 : memref<1x128x128xf32, #tpu.memory_space<vmem>> -> memref<128x128xf32, #tpu.memory_space<vmem>>
    %dma_start3A_483 = arith.constant 0 : i32
    %dma_start3A_484 = tpu.memref_slice %arg4[%add3A_477, %dma_start3A_483] : memref<65536x128xf32, #tpu.memory_space<hbm>> -> memref<128x128xf32, #tpu.memory_space<hbm>>
    %dma_start3A_485 = arith.constant 0 : i32
    %dma_start3A_486 = tpu.memref_slice %arg4[%add3A_477, %dma_start3A_485] : memref<65536x128xf32, #tpu.memory_space<hbm>> -> memref<128x128xf32, #tpu.memory_space<hbm>>
    %dma_start3A_487 = arith.constant 0 : i32
    %dma_start3A_488 = arith.constant 0 : i32
    %dma_start3A_489 = tpu.memref_slice %arg11[%dma_start3A_478, %dma_start3A_487, %dma_start3A_488] : memref<2x128x128xf32, #tpu.memory_space<vmem>> -> memref<1x128x128xf32, #tpu.memory_space<vmem>>
    %dma_start3A_490 = tpu.memref_squeeze %dma_start3A_489 : memref<1x128x128xf32, #tpu.memory_space<vmem>> -> memref<128x128xf32, #tpu.memory_space<vmem>>
    tpu.enqueue_dma source(%dma_start3A_490 : memref<128x128xf32, #tpu.memory_space<vmem>>) target(%dma_start3A_486 : memref<128x128xf32, #tpu.memory_space<hbm>>) target_semaphore(%arg15 : memref<!tpu.dma_semaphore, #tpu.memory_space<semaphore_mem>>)
    %dma_wait3A_491 = arith.constant 1 : i32
    %dma_wait3A_492 = arith.constant 0 : i32
    %dma_wait3A_493 = arith.constant 0 : i32
    %dma_wait3A_494 = tpu.memref_slice %arg11[%dma_wait3A_491, %dma_wait3A_492, %dma_wait3A_493] : memref<2x128x128xf32, #tpu.memory_space<vmem>> -> memref<1x128x128xf32, #tpu.memory_space<vmem>>
    %dma_wait3A_495 = tpu.memref_squeeze %dma_wait3A_494 : memref<1x128x128xf32, #tpu.memory_space<vmem>> -> memref<128x128xf32, #tpu.memory_space<vmem>>
    %dma_wait3A_496 = arith.constant 0 : i32
    %dma_wait3A_497 = tpu.memref_slice %arg4[%add3A_477, %dma_wait3A_496] : memref<65536x128xf32, #tpu.memory_space<hbm>> -> memref<128x128xf32, #tpu.memory_space<hbm>>
    %dma_wait3A_498 = arith.constant 0 : i32
    %dma_wait3A_499 = tpu.memref_slice %arg4[%add3A_477, %dma_wait3A_498] : memref<65536x128xf32, #tpu.memory_space<hbm>> -> memref<128x128xf32, #tpu.memory_space<hbm>>
    %dma_wait3A_500 = arith.constant 0 : i32
    %dma_wait3A_501 = arith.constant 0 : i32
    %dma_wait3A_502 = tpu.memref_slice %arg11[%dma_wait3A_491, %dma_wait3A_500, %dma_wait3A_501] : memref<2x128x128xf32, #tpu.memory_space<vmem>> -> memref<1x128x128xf32, #tpu.memory_space<vmem>>
    %dma_wait3A_503 = tpu.memref_squeeze %dma_wait3A_502 : memref<1x128x128xf32, #tpu.memory_space<vmem>> -> memref<128x128xf32, #tpu.memory_space<vmem>>
    tpu.wait_dma2 semaphore(%arg15 : memref<!tpu.dma_semaphore, #tpu.memory_space<semaphore_mem>>) src(%dma_wait3A_503 : memref<128x128xf32, #tpu.memory_space<vmem>>) dst(%dma_wait3A_499 : memref<128x128xf32, #tpu.memory_space<hbm>>)
    %get3A_504 = arith.constant 640 : index
    %get3A_505 = tpu.vector_load %arg9[%get3A_504] {strides = array<i32>} : memref<2048xi32, #tpu.memory_space<vmem>>, vector<16xi32>,
    %swap3A_506 = arith.constant 1 : i32
    %swap3A_507 = arith.index_cast %swap3A_506 : i32 to index
    %swap3A_508 = arith.constant 0 : index
    %swap3A_509 = tpu.vector_load %arg10[%swap3A_507, %swap3A_508] {strides = array<i32>} : memref<2x128xi32, #tpu.memory_space<vmem>>, vector<16xi32>,
    tpu.vector_store %arg10[%swap3A_507, %swap3A_508], %get3A_505 {strides = array<i32>} : memref<2x128xi32, #tpu.memory_space<vmem>>, vector<16xi32>,
    %get3A_510 = arith.constant 656 : index
    %get3A_511 = tpu.vector_load %arg9[%get3A_510] {strides = array<i32>} : memref<2048xi32, #tpu.memory_space<vmem>>, vector<16xi32>,
    %swap3A_512 = arith.constant 1 : i32
    %swap3A_513 = arith.index_cast %swap3A_512 : i32 to index
    %swap3A_514 = arith.constant 16 : index
    %swap3A_515 = tpu.vector_load %arg10[%swap3A_513, %swap3A_514] {strides = array<i32>} : memref<2x128xi32, #tpu.memory_space<vmem>>, vector<16xi32>,
    tpu.vector_store %arg10[%swap3A_513, %swap3A_514], %get3A_511 {strides = array<i32>} : memref<2x128xi32, #tpu.memory_space<vmem>>, vector<16xi32>,
    %get3A_516 = arith.constant 672 : index
    %get3A_517 = tpu.vector_load %arg9[%get3A_516] {strides = array<i32>} : memref<2048xi32, #tpu.memory_space<vmem>>, vector<16xi32>,
    %swap3A_518 = arith.constant 1 : i32
    %swap3A_519 = arith.index_cast %swap3A_518 : i32 to index
    %swap3A_520 = arith.constant 32 : index
    %swap3A_521 = tpu.vector_load %arg10[%swap3A_519, %swap3A_520] {strides = array<i32>} : memref<2x128xi32, #tpu.memory_space<vmem>>, vector<16xi32>,
    tpu.vector_store %arg10[%swap3A_519, %swap3A_520], %get3A_517 {strides = array<i32>} : memref<2x128xi32, #tpu.memory_space<vmem>>, vector<16xi32>,
    %get3A_522 = arith.constant 688 : index
    %get3A_523 = tpu.vector_load %arg9[%get3A_522] {strides = array<i32>} : memref<2048xi32, #tpu.memory_space<vmem>>, vector<16xi32>,
    %swap3A_524 = arith.constant 1 : i32
    %swap3A_525 = arith.index_cast %swap3A_524 : i32 to index
    %swap3A_526 = arith.constant 48 : index
    %swap3A_527 = tpu.vector_load %arg10[%swap3A_525, %swap3A_526] {strides = array<i32>} : memref<2x128xi32, #tpu.memory_space<vmem>>, vector<16xi32>,
    tpu.vector_store %arg10[%swap3A_525, %swap3A_526], %get3A_523 {strides = array<i32>} : memref<2x128xi32, #tpu.memory_space<vmem>>, vector<16xi32>,
    %get3A_528 = arith.constant 704 : index
    %get3A_529 = tpu.vector_load %arg9[%get3A_528] {strides = array<i32>} : memref<2048xi32, #tpu.memory_space<vmem>>, vector<16xi32>,
    %swap3A_530 = arith.constant 1 : i32
    %swap3A_531 = arith.index_cast %swap3A_530 : i32 to index
    %swap3A_532 = arith.constant 64 : index
    %swap3A_533 = tpu.vector_load %arg10[%swap3A_531, %swap3A_532] {strides = array<i32>} : memref<2x128xi32, #tpu.memory_space<vmem>>, vector<16xi32>,
    tpu.vector_store %arg10[%swap3A_531, %swap3A_532], %get3A_529 {strides = array<i32>} : memref<2x128xi32, #tpu.memory_space<vmem>>, vector<16xi32>,
    %get3A_534 = arith.constant 720 : index
    %get3A_535 = tpu.vector_load %arg9[%get3A_534] {strides = array<i32>} : memref<2048xi32, #tpu.memory_space<vmem>>, vector<16xi32>,
    %swap3A_536 = arith.constant 1 : i32
    %swap3A_537 = arith.index_cast %swap3A_536 : i32 to index
    %swap3A_538 = arith.constant 80 : index
    %swap3A_539 = tpu.vector_load %arg10[%swap3A_537, %swap3A_538] {strides = array<i32>} : memref<2x128xi32, #tpu.memory_space<vmem>>, vector<16xi32>,
    tpu.vector_store %arg10[%swap3A_537, %swap3A_538], %get3A_535 {strides = array<i32>} : memref<2x128xi32, #tpu.memory_space<vmem>>, vector<16xi32>,
    %get3A_540 = arith.constant 736 : index
    %get3A_541 = tpu.vector_load %arg9[%get3A_540] {strides = array<i32>} : memref<2048xi32, #tpu.memory_space<vmem>>, vector<16xi32>,
    %swap3A_542 = arith.constant 1 : i32
    %swap3A_543 = arith.index_cast %swap3A_542 : i32 to index
    %swap3A_544 = arith.constant 96 : index
    %swap3A_545 = tpu.vector_load %arg10[%swap3A_543, %swap3A_544] {strides = array<i32>} : memref<2x128xi32, #tpu.memory_space<vmem>>, vector<16xi32>,
    tpu.vector_store %arg10[%swap3A_543, %swap3A_544], %get3A_541 {strides = array<i32>} : memref<2x128xi32, #tpu.memory_space<vmem>>, vector<16xi32>,
    %get3A_546 = arith.constant 752 : index
    %get3A_547 = tpu.vector_load %arg9[%get3A_546] {strides = array<i32>} : memref<2048xi32, #tpu.memory_space<vmem>>, vector<16xi32>,
    %swap3A_548 = arith.constant 1 : i32
    %swap3A_549 = arith.index_cast %swap3A_548 : i32 to index
    %swap3A_550 = arith.constant 112 : index
    %swap3A_551 = tpu.vector_load %arg10[%swap3A_549, %swap3A_550] {strides = array<i32>} : memref<2x128xi32, #tpu.memory_space<vmem>>, vector<16xi32>,
    tpu.vector_store %arg10[%swap3A_549, %swap3A_550], %get3A_547 {strides = array<i32>} : memref<2x128xi32, #tpu.memory_space<vmem>>, vector<16xi32>,
    %dma_start3A_552 = arith.constant 1 : i32
    %dma_start3A_553 = arith.constant 1 : i32
    %dma_start3A_554 = arith.constant 0 : i32
    %dma_start3A_555 = arith.constant 0 : i32
    %dma_start3A_556 = tpu.memref_slice %arg11[%dma_start3A_553, %dma_start3A_554, %dma_start3A_555] : memref<2x128x128xf32, #tpu.memory_space<vmem>> -> memref<1x128x128xf32, #tpu.memory_space<vmem>>
    %dma_start3A_557 = tpu.memref_squeeze %dma_start3A_556 : memref<1x128x128xf32, #tpu.memory_space<vmem>> -> memref<128x128xf32, #tpu.memory_space<vmem>>
    %dma_start3A_558 = arith.constant 0 : i32
    %dma_start3A_559 = tpu.memref_slice %arg10[%dma_start3A_552, %dma_start3A_558] : memref<2x128xi32, #tpu.memory_space<vmem>> -> memref<1x128xi32, #tpu.memory_space<vmem>>
    %dma_start3A_560 = tpu.memref_squeeze %dma_start3A_559 : memref<1x128xi32, #tpu.memory_space<vmem>> -> memref<128xi32, #tpu.memory_space<vmem>>
    %dma_start3A_561 = arith.constant 0 : i32
    %dma_start3A_562 = arith.constant 0 : i32
    %dma_start3A_563 = tpu.memref_slice %arg3[%dma_start3A_561, %dma_start3A_562] : memref<8192x128xf32, #tpu.memory_space<hbm>> -> memref<8192x128xf32, #tpu.memory_space<hbm>>
    tpu.enqueue_indirect_dma source(%dma_start3A_563 : memref<8192x128xf32, #tpu.memory_space<hbm>>) target(%dma_start3A_557 : memref<128x128xf32, #tpu.memory_space<vmem>>) offsets(%dma_start3A_560 : memref<128xi32, #tpu.memory_space<vmem>>) semaphore(%arg13 : memref<!tpu.dma_semaphore, #tpu.memory_space<semaphore_mem>>)
    %dma_wait3A_564 = arith.constant 0 : i32
    %dma_wait3A_565 = arith.constant 0 : i32
    %dma_wait3A_566 = arith.constant 0 : i32
    %dma_wait3A_567 = arith.constant 0 : i32
    %dma_wait3A_568 = tpu.memref_slice %arg11[%dma_wait3A_565, %dma_wait3A_566, %dma_wait3A_567] : memref<2x128x128xf32, #tpu.memory_space<vmem>> -> memref<1x128x128xf32, #tpu.memory_space<vmem>>
    %dma_wait3A_569 = tpu.memref_squeeze %dma_wait3A_568 : memref<1x128x128xf32, #tpu.memory_space<vmem>> -> memref<128x128xf32, #tpu.memory_space<vmem>>
    %dma_wait3A_570 = arith.constant 0 : i32
    %dma_wait3A_571 = tpu.memref_slice %arg10[%dma_wait3A_564, %dma_wait3A_570] : memref<2x128xi32, #tpu.memory_space<vmem>> -> memref<1x128xi32, #tpu.memory_space<vmem>>
    %dma_wait3A_572 = tpu.memref_squeeze %dma_wait3A_571 : memref<1x128xi32, #tpu.memory_space<vmem>> -> memref<128xi32, #tpu.memory_space<vmem>>
    %dma_wait3A_573 = arith.constant 0 : i32
    %dma_wait3A_574 = arith.constant 0 : i32
    %dma_wait3A_575 = tpu.memref_slice %arg3[%dma_wait3A_573, %dma_wait3A_574] : memref<8192x128xf32, #tpu.memory_space<hbm>> -> memref<8192x128xf32, #tpu.memory_space<hbm>>
    tpu.wait_indirect_dma semaphore(%arg12 : memref<!tpu.dma_semaphore, #tpu.memory_space<semaphore_mem>>) src(%dma_wait3A_575 : memref<8192x128xf32, #tpu.memory_space<hbm>>) dst(%dma_wait3A_569 : memref<128x128xf32, #tpu.memory_space<vmem>>)
    %mul3A_576 = arith.constant 2048 : i32
    %mul3A_577 = arith.muli %add3A, %mul3A_576 : i32
    %add3A_578 = arith.constant 512 : i32
    %add3A_579 = arith.addi %mul3A_577, %add3A_578 : i32
    %dma_start3A_580 = arith.constant 0 : i32
    %dma_start3A_581 = arith.constant 0 : i32
    %dma_start3A_582 = arith.constant 0 : i32
    %dma_start3A_583 = tpu.memref_slice %arg11[%dma_start3A_580, %dma_start3A_581, %dma_start3A_582] : memref<2x128x128xf32, #tpu.memory_space<vmem>> -> memref<1x128x128xf32, #tpu.memory_space<vmem>>
    %dma_start3A_584 = tpu.memref_squeeze %dma_start3A_583 : memref<1x128x128xf32, #tpu.memory_space<vmem>> -> memref<128x128xf32, #tpu.memory_space<vmem>>
    %dma_start3A_585 = arith.constant 0 : i32
    %dma_start3A_586 = tpu.memref_slice %arg4[%add3A_579, %dma_start3A_585] : memref<65536x128xf32, #tpu.memory_space<hbm>> -> memref<128x128xf32, #tpu.memory_space<hbm>>
    %dma_start3A_587 = arith.constant 0 : i32
    %dma_start3A_588 = tpu.memref_slice %arg4[%add3A_579, %dma_start3A_587] : memref<65536x128xf32, #tpu.memory_space<hbm>> -> memref<128x128xf32, #tpu.memory_space<hbm>>
    %dma_start3A_589 = arith.constant 0 : i32
    %dma_start3A_590 = arith.constant 0 : i32
    %dma_start3A_591 = tpu.memref_slice %arg11[%dma_start3A_580, %dma_start3A_589, %dma_start3A_590] : memref<2x128x128xf32, #tpu.memory_space<vmem>> -> memref<1x128x128xf32, #tpu.memory_space<vmem>>
    %dma_start3A_592 = tpu.memref_squeeze %dma_start3A_591 : memref<1x128x128xf32, #tpu.memory_space<vmem>> -> memref<128x128xf32, #tpu.memory_space<vmem>>
    tpu.enqueue_dma source(%dma_start3A_592 : memref<128x128xf32, #tpu.memory_space<vmem>>) target(%dma_start3A_588 : memref<128x128xf32, #tpu.memory_space<hbm>>) target_semaphore(%arg14 : memref<!tpu.dma_semaphore, #tpu.memory_space<semaphore_mem>>)
    %dma_wait3A_593 = arith.constant 0 : i32
    %dma_wait3A_594 = arith.constant 0 : i32
    %dma_wait3A_595 = arith.constant 0 : i32
    %dma_wait3A_596 = tpu.memref_slice %arg11[%dma_wait3A_593, %dma_wait3A_594, %dma_wait3A_595] : memref<2x128x128xf32, #tpu.memory_space<vmem>> -> memref<1x128x128xf32, #tpu.memory_space<vmem>>
    %dma_wait3A_597 = tpu.memref_squeeze %dma_wait3A_596 : memref<1x128x128xf32, #tpu.memory_space<vmem>> -> memref<128x128xf32, #tpu.memory_space<vmem>>
    %dma_wait3A_598 = arith.constant 0 : i32
    %dma_wait3A_599 = tpu.memref_slice %arg4[%add3A_579, %dma_wait3A_598] : memref<65536x128xf32, #tpu.memory_space<hbm>> -> memref<128x128xf32, #tpu.memory_space<hbm>>
    %dma_wait3A_600 = arith.constant 0 : i32
    %dma_wait3A_601 = tpu.memref_slice %arg4[%add3A_579, %dma_wait3A_600] : memref<65536x128xf32, #tpu.memory_space<hbm>> -> memref<128x128xf32, #tpu.memory_space<hbm>>
    %dma_wait3A_602 = arith.constant 0 : i32
    %dma_wait3A_603 = arith.constant 0 : i32
    %dma_wait3A_604 = tpu.memref_slice %arg11[%dma_wait3A_593, %dma_wait3A_602, %dma_wait3A_603] : memref<2x128x128xf32, #tpu.memory_space<vmem>> -> memref<1x128x128xf32, #tpu.memory_space<vmem>>
    %dma_wait3A_605 = tpu.memref_squeeze %dma_wait3A_604 : memref<1x128x128xf32, #tpu.memory_space<vmem>> -> memref<128x128xf32, #tpu.memory_space<vmem>>
    tpu.wait_dma2 semaphore(%arg14 : memref<!tpu.dma_semaphore, #tpu.memory_space<semaphore_mem>>) src(%dma_wait3A_605 : memref<128x128xf32, #tpu.memory_space<vmem>>) dst(%dma_wait3A_601 : memref<128x128xf32, #tpu.memory_space<hbm>>)
    %get3A_606 = arith.constant 768 : index
    %get3A_607 = tpu.vector_load %arg9[%get3A_606] {strides = array<i32>} : memref<2048xi32, #tpu.memory_space<vmem>>, vector<16xi32>,
    %swap3A_608 = arith.constant 0 : i32
    %swap3A_609 = arith.index_cast %swap3A_608 : i32 to index
    %swap3A_610 = arith.constant 0 : index
    %swap3A_611 = tpu.vector_load %arg10[%swap3A_609, %swap3A_610] {strides = array<i32>} : memref<2x128xi32, #tpu.memory_space<vmem>>, vector<16xi32>,
    tpu.vector_store %arg10[%swap3A_609, %swap3A_610], %get3A_607 {strides = array<i32>} : memref<2x128xi32, #tpu.memory_space<vmem>>, vector<16xi32>,
    %get3A_612 = arith.constant 784 : index
    %get3A_613 = tpu.vector_load %arg9[%get3A_612] {strides = array<i32>} : memref<2048xi32, #tpu.memory_space<vmem>>, vector<16xi32>,
    %swap3A_614 = arith.constant 0 : i32
    %swap3A_615 = arith.index_cast %swap3A_614 : i32 to index
    %swap3A_616 = arith.constant 16 : index
    %swap3A_617 = tpu.vector_load %arg10[%swap3A_615, %swap3A_616] {strides = array<i32>} : memref<2x128xi32, #tpu.memory_space<vmem>>, vector<16xi32>,
    tpu.vector_store %arg10[%swap3A_615, %swap3A_616], %get3A_613 {strides = array<i32>} : memref<2x128xi32, #tpu.memory_space<vmem>>, vector<16xi32>,
    %get3A_618 = arith.constant 800 : index
    %get3A_619 = tpu.vector_load %arg9[%get3A_618] {strides = array<i32>} : memref<2048xi32, #tpu.memory_space<vmem>>, vector<16xi32>,
    %swap3A_620 = arith.constant 0 : i32
    %swap3A_621 = arith.index_cast %swap3A_620 : i32 to index
    %swap3A_622 = arith.constant 32 : index
    %swap3A_623 = tpu.vector_load %arg10[%swap3A_621, %swap3A_622] {strides = array<i32>} : memref<2x128xi32, #tpu.memory_space<vmem>>, vector<16xi32>,
    tpu.vector_store %arg10[%swap3A_621, %swap3A_622], %get3A_619 {strides = array<i32>} : memref<2x128xi32, #tpu.memory_space<vmem>>, vector<16xi32>,
    %get3A_624 = arith.constant 816 : index
    %get3A_625 = tpu.vector_load %arg9[%get3A_624] {strides = array<i32>} : memref<2048xi32, #tpu.memory_space<vmem>>, vector<16xi32>,
    %swap3A_626 = arith.constant 0 : i32
    %swap3A_627 = arith.index_cast %swap3A_626 : i32 to index
    %swap3A_628 = arith.constant 48 : index
    %swap3A_629 = tpu.vector_load %arg10[%swap3A_627, %swap3A_628] {strides = array<i32>} : memref<2x128xi32, #tpu.memory_space<vmem>>, vector<16xi32>,
    tpu.vector_store %arg10[%swap3A_627, %swap3A_628], %get3A_625 {strides = array<i32>} : memref<2x128xi32, #tpu.memory_space<vmem>>, vector<16xi32>,
    %get3A_630 = arith.constant 832 : index
    %get3A_631 = tpu.vector_load %arg9[%get3A_630] {strides = array<i32>} : memref<2048xi32, #tpu.memory_space<vmem>>, vector<16xi32>,
    %swap3A_632 = arith.constant 0 : i32
    %swap3A_633 = arith.index_cast %swap3A_632 : i32 to index
    %swap3A_634 = arith.constant 64 : index
    %swap3A_635 = tpu.vector_load %arg10[%swap3A_633, %swap3A_634] {strides = array<i32>} : memref<2x128xi32, #tpu.memory_space<vmem>>, vector<16xi32>,
    tpu.vector_store %arg10[%swap3A_633, %swap3A_634], %get3A_631 {strides = array<i32>} : memref<2x128xi32, #tpu.memory_space<vmem>>, vector<16xi32>,
    %get3A_636 = arith.constant 848 : index
    %get3A_637 = tpu.vector_load %arg9[%get3A_636] {strides = array<i32>} : memref<2048xi32, #tpu.memory_space<vmem>>, vector<16xi32>,
    %swap3A_638 = arith.constant 0 : i32
    %swap3A_639 = arith.index_cast %swap3A_638 : i32 to index
    %swap3A_640 = arith.constant 80 : index
    %swap3A_641 = tpu.vector_load %arg10[%swap3A_639, %swap3A_640] {strides = array<i32>} : memref<2x128xi32, #tpu.memory_space<vmem>>, vector<16xi32>,
    tpu.vector_store %arg10[%swap3A_639, %swap3A_640], %get3A_637 {strides = array<i32>} : memref<2x128xi32, #tpu.memory_space<vmem>>, vector<16xi32>,
    %get3A_642 = arith.constant 864 : index
    %get3A_643 = tpu.vector_load %arg9[%get3A_642] {strides = array<i32>} : memref<2048xi32, #tpu.memory_space<vmem>>, vector<16xi32>,
    %swap3A_644 = arith.constant 0 : i32
    %swap3A_645 = arith.index_cast %swap3A_644 : i32 to index
    %swap3A_646 = arith.constant 96 : index
    %swap3A_647 = tpu.vector_load %arg10[%swap3A_645, %swap3A_646] {strides = array<i32>} : memref<2x128xi32, #tpu.memory_space<vmem>>, vector<16xi32>,
    tpu.vector_store %arg10[%swap3A_645, %swap3A_646], %get3A_643 {strides = array<i32>} : memref<2x128xi32, #tpu.memory_space<vmem>>, vector<16xi32>,
    %get3A_648 = arith.constant 880 : index
    %get3A_649 = tpu.vector_load %arg9[%get3A_648] {strides = array<i32>} : memref<2048xi32, #tpu.memory_space<vmem>>, vector<16xi32>,
    %swap3A_650 = arith.constant 0 : i32
    %swap3A_651 = arith.index_cast %swap3A_650 : i32 to index
    %swap3A_652 = arith.constant 112 : index
    %swap3A_653 = tpu.vector_load %arg10[%swap3A_651, %swap3A_652] {strides = array<i32>} : memref<2x128xi32, #tpu.memory_space<vmem>>, vector<16xi32>,
    tpu.vector_store %arg10[%swap3A_651, %swap3A_652], %get3A_649 {strides = array<i32>} : memref<2x128xi32, #tpu.memory_space<vmem>>, vector<16xi32>,
    %dma_start3A_654 = arith.constant 0 : i32
    %dma_start3A_655 = arith.constant 0 : i32
    %dma_start3A_656 = arith.constant 0 : i32
    %dma_start3A_657 = arith.constant 0 : i32
    %dma_start3A_658 = tpu.memref_slice %arg11[%dma_start3A_655, %dma_start3A_656, %dma_start3A_657] : memref<2x128x128xf32, #tpu.memory_space<vmem>> -> memref<1x128x128xf32, #tpu.memory_space<vmem>>
    %dma_start3A_659 = tpu.memref_squeeze %dma_start3A_658 : memref<1x128x128xf32, #tpu.memory_space<vmem>> -> memref<128x128xf32, #tpu.memory_space<vmem>>
    %dma_start3A_660 = arith.constant 0 : i32
    %dma_start3A_661 = tpu.memref_slice %arg10[%dma_start3A_654, %dma_start3A_660] : memref<2x128xi32, #tpu.memory_space<vmem>> -> memref<1x128xi32, #tpu.memory_space<vmem>>
    %dma_start3A_662 = tpu.memref_squeeze %dma_start3A_661 : memref<1x128xi32, #tpu.memory_space<vmem>> -> memref<128xi32, #tpu.memory_space<vmem>>
    %dma_start3A_663 = arith.constant 0 : i32
    %dma_start3A_664 = arith.constant 0 : i32
    %dma_start3A_665 = tpu.memref_slice %arg3[%dma_start3A_663, %dma_start3A_664] : memref<8192x128xf32, #tpu.memory_space<hbm>> -> memref<8192x128xf32, #tpu.memory_space<hbm>>
    tpu.enqueue_indirect_dma source(%dma_start3A_665 : memref<8192x128xf32, #tpu.memory_space<hbm>>) target(%dma_start3A_659 : memref<128x128xf32, #tpu.memory_space<vmem>>) offsets(%dma_start3A_662 : memref<128xi32, #tpu.memory_space<vmem>>) semaphore(%arg12 : memref<!tpu.dma_semaphore, #tpu.memory_space<semaphore_mem>>)
    %dma_wait3A_666 = arith.constant 1 : i32
    %dma_wait3A_667 = arith.constant 1 : i32
    %dma_wait3A_668 = arith.constant 0 : i32
    %dma_wait3A_669 = arith.constant 0 : i32
    %dma_wait3A_670 = tpu.memref_slice %arg11[%dma_wait3A_667, %dma_wait3A_668, %dma_wait3A_669] : memref<2x128x128xf32, #tpu.memory_space<vmem>> -> memref<1x128x128xf32, #tpu.memory_space<vmem>>
    %dma_wait3A_671 = tpu.memref_squeeze %dma_wait3A_670 : memref<1x128x128xf32, #tpu.memory_space<vmem>> -> memref<128x128xf32, #tpu.memory_space<vmem>>
    %dma_wait3A_672 = arith.constant 0 : i32
    %dma_wait3A_673 = tpu.memref_slice %arg10[%dma_wait3A_666, %dma_wait3A_672] : memref<2x128xi32, #tpu.memory_space<vmem>> -> memref<1x128xi32, #tpu.memory_space<vmem>>
    %dma_wait3A_674 = tpu.memref_squeeze %dma_wait3A_673 : memref<1x128xi32, #tpu.memory_space<vmem>> -> memref<128xi32, #tpu.memory_space<vmem>>
    %dma_wait3A_675 = arith.constant 0 : i32
    %dma_wait3A_676 = arith.constant 0 : i32
    %dma_wait3A_677 = tpu.memref_slice %arg3[%dma_wait3A_675, %dma_wait3A_676] : memref<8192x128xf32, #tpu.memory_space<hbm>> -> memref<8192x128xf32, #tpu.memory_space<hbm>>
    tpu.wait_indirect_dma semaphore(%arg13 : memref<!tpu.dma_semaphore, #tpu.memory_space<semaphore_mem>>) src(%dma_wait3A_677 : memref<8192x128xf32, #tpu.memory_space<hbm>>) dst(%dma_wait3A_671 : memref<128x128xf32, #tpu.memory_space<vmem>>)
    %mul3A_678 = arith.constant 2048 : i32
    %mul3A_679 = arith.muli %add3A, %mul3A_678 : i32
    %add3A_680 = arith.constant 640 : i32
    %add3A_681 = arith.addi %mul3A_679, %add3A_680 : i32
    %dma_start3A_682 = arith.constant 1 : i32
    %dma_start3A_683 = arith.constant 0 : i32
    %dma_start3A_684 = arith.constant 0 : i32
    %dma_start3A_685 = tpu.memref_slice %arg11[%dma_start3A_682, %dma_start3A_683, %dma_start3A_684] : memref<2x128x128xf32, #tpu.memory_space<vmem>> -> memref<1x128x128xf32, #tpu.memory_space<vmem>>
    %dma_start3A_686 = tpu.memref_squeeze %dma_start3A_685 : memref<1x128x128xf32, #tpu.memory_space<vmem>> -> memref<128x128xf32, #tpu.memory_space<vmem>>
    %dma_start3A_687 = arith.constant 0 : i32
    %dma_start3A_688 = tpu.memref_slice %arg4[%add3A_681, %dma_start3A_687] : memref<65536x128xf32, #tpu.memory_space<hbm>> -> memref<128x128xf32, #tpu.memory_space<hbm>>
    %dma_start3A_689 = arith.constant 0 : i32
    %dma_start3A_690 = tpu.memref_slice %arg4[%add3A_681, %dma_start3A_689] : memref<65536x128xf32, #tpu.memory_space<hbm>> -> memref<128x128xf32, #tpu.memory_space<hbm>>
    %dma_start3A_691 = arith.constant 0 : i32
    %dma_start3A_692 = arith.constant 0 : i32
    %dma_start3A_693 = tpu.memref_slice %arg11[%dma_start3A_682, %dma_start3A_691, %dma_start3A_692] : memref<2x128x128xf32, #tpu.memory_space<vmem>> -> memref<1x128x128xf32, #tpu.memory_space<vmem>>
    %dma_start3A_694 = tpu.memref_squeeze %dma_start3A_693 : memref<1x128x128xf32, #tpu.memory_space<vmem>> -> memref<128x128xf32, #tpu.memory_space<vmem>>
    tpu.enqueue_dma source(%dma_start3A_694 : memref<128x128xf32, #tpu.memory_space<vmem>>) target(%dma_start3A_690 : memref<128x128xf32, #tpu.memory_space<hbm>>) target_semaphore(%arg15 : memref<!tpu.dma_semaphore, #tpu.memory_space<semaphore_mem>>)
    %dma_wait3A_695 = arith.constant 1 : i32
    %dma_wait3A_696 = arith.constant 0 : i32
    %dma_wait3A_697 = arith.constant 0 : i32
    %dma_wait3A_698 = tpu.memref_slice %arg11[%dma_wait3A_695, %dma_wait3A_696, %dma_wait3A_697] : memref<2x128x128xf32, #tpu.memory_space<vmem>> -> memref<1x128x128xf32, #tpu.memory_space<vmem>>
    %dma_wait3A_699 = tpu.memref_squeeze %dma_wait3A_698 : memref<1x128x128xf32, #tpu.memory_space<vmem>> -> memref<128x128xf32, #tpu.memory_space<vmem>>
    %dma_wait3A_700 = arith.constant 0 : i32
    %dma_wait3A_701 = tpu.memref_slice %arg4[%add3A_681, %dma_wait3A_700] : memref<65536x128xf32, #tpu.memory_space<hbm>> -> memref<128x128xf32, #tpu.memory_space<hbm>>
    %dma_wait3A_702 = arith.constant 0 : i32
    %dma_wait3A_703 = tpu.memref_slice %arg4[%add3A_681, %dma_wait3A_702] : memref<65536x128xf32, #tpu.memory_space<hbm>> -> memref<128x128xf32, #tpu.memory_space<hbm>>
    %dma_wait3A_704 = arith.constant 0 : i32
    %dma_wait3A_705 = arith.constant 0 : i32
    %dma_wait3A_706 = tpu.memref_slice %arg11[%dma_wait3A_695, %dma_wait3A_704, %dma_wait3A_705] : memref<2x128x128xf32, #tpu.memory_space<vmem>> -> memref<1x128x128xf32, #tpu.memory_space<vmem>>
    %dma_wait3A_707 = tpu.memref_squeeze %dma_wait3A_706 : memref<1x128x128xf32, #tpu.memory_space<vmem>> -> memref<128x128xf32, #tpu.memory_space<vmem>>
    tpu.wait_dma2 semaphore(%arg15 : memref<!tpu.dma_semaphore, #tpu.memory_space<semaphore_mem>>) src(%dma_wait3A_707 : memref<128x128xf32, #tpu.memory_space<vmem>>) dst(%dma_wait3A_703 : memref<128x128xf32, #tpu.memory_space<hbm>>)
    %get3A_708 = arith.constant 896 : index
    %get3A_709 = tpu.vector_load %arg9[%get3A_708] {strides = array<i32>} : memref<2048xi32, #tpu.memory_space<vmem>>, vector<16xi32>,
    %swap3A_710 = arith.constant 1 : i32
    %swap3A_711 = arith.index_cast %swap3A_710 : i32 to index
    %swap3A_712 = arith.constant 0 : index
    %swap3A_713 = tpu.vector_load %arg10[%swap3A_711, %swap3A_712] {strides = array<i32>} : memref<2x128xi32, #tpu.memory_space<vmem>>, vector<16xi32>,
    tpu.vector_store %arg10[%swap3A_711, %swap3A_712], %get3A_709 {strides = array<i32>} : memref<2x128xi32, #tpu.memory_space<vmem>>, vector<16xi32>,
    %get3A_714 = arith.constant 912 : index
    %get3A_715 = tpu.vector_load %arg9[%get3A_714] {strides = array<i32>} : memref<2048xi32, #tpu.memory_space<vmem>>, vector<16xi32>,
    %swap3A_716 = arith.constant 1 : i32
    %swap3A_717 = arith.index_cast %swap3A_716 : i32 to index
    %swap3A_718 = arith.constant 16 : index
    %swap3A_719 = tpu.vector_load %arg10[%swap3A_717, %swap3A_718] {strides = array<i32>} : memref<2x128xi32, #tpu.memory_space<vmem>>, vector<16xi32>,
    tpu.vector_store %arg10[%swap3A_717, %swap3A_718], %get3A_715 {strides = array<i32>} : memref<2x128xi32, #tpu.memory_space<vmem>>, vector<16xi32>,
    %get3A_720 = arith.constant 928 : index
    %get3A_721 = tpu.vector_load %arg9[%get3A_720] {strides = array<i32>} : memref<2048xi32, #tpu.memory_space<vmem>>, vector<16xi32>,
    %swap3A_722 = arith.constant 1 : i32
    %swap3A_723 = arith.index_cast %swap3A_722 : i32 to index
    %swap3A_724 = arith.constant 32 : index
    %swap3A_725 = tpu.vector_load %arg10[%swap3A_723, %swap3A_724] {strides = array<i32>} : memref<2x128xi32, #tpu.memory_space<vmem>>, vector<16xi32>,
    tpu.vector_store %arg10[%swap3A_723, %swap3A_724], %get3A_721 {strides = array<i32>} : memref<2x128xi32, #tpu.memory_space<vmem>>, vector<16xi32>,
    %get3A_726 = arith.constant 944 : index
    %get3A_727 = tpu.vector_load %arg9[%get3A_726] {strides = array<i32>} : memref<2048xi32, #tpu.memory_space<vmem>>, vector<16xi32>,
    %swap3A_728 = arith.constant 1 : i32
    %swap3A_729 = arith.index_cast %swap3A_728 : i32 to index
    %swap3A_730 = arith.constant 48 : index
    %swap3A_731 = tpu.vector_load %arg10[%swap3A_729, %swap3A_730] {strides = array<i32>} : memref<2x128xi32, #tpu.memory_space<vmem>>, vector<16xi32>,
    tpu.vector_store %arg10[%swap3A_729, %swap3A_730], %get3A_727 {strides = array<i32>} : memref<2x128xi32, #tpu.memory_space<vmem>>, vector<16xi32>,
    %get3A_732 = arith.constant 960 : index
    %get3A_733 = tpu.vector_load %arg9[%get3A_732] {strides = array<i32>} : memref<2048xi32, #tpu.memory_space<vmem>>, vector<16xi32>,
    %swap3A_734 = arith.constant 1 : i32
    %swap3A_735 = arith.index_cast %swap3A_734 : i32 to index
    %swap3A_736 = arith.constant 64 : index
    %swap3A_737 = tpu.vector_load %arg10[%swap3A_735, %swap3A_736] {strides = array<i32>} : memref<2x128xi32, #tpu.memory_space<vmem>>, vector<16xi32>,
    tpu.vector_store %arg10[%swap3A_735, %swap3A_736], %get3A_733 {strides = array<i32>} : memref<2x128xi32, #tpu.memory_space<vmem>>, vector<16xi32>,
    %get3A_738 = arith.constant 976 : index
    %get3A_739 = tpu.vector_load %arg9[%get3A_738] {strides = array<i32>} : memref<2048xi32, #tpu.memory_space<vmem>>, vector<16xi32>,
    %swap3A_740 = arith.constant 1 : i32
    %swap3A_741 = arith.index_cast %swap3A_740 : i32 to index
    %swap3A_742 = arith.constant 80 : index
    %swap3A_743 = tpu.vector_load %arg10[%swap3A_741, %swap3A_742] {strides = array<i32>} : memref<2x128xi32, #tpu.memory_space<vmem>>, vector<16xi32>,
    tpu.vector_store %arg10[%swap3A_741, %swap3A_742], %get3A_739 {strides = array<i32>} : memref<2x128xi32, #tpu.memory_space<vmem>>, vector<16xi32>,
    %get3A_744 = arith.constant 992 : index
    %get3A_745 = tpu.vector_load %arg9[%get3A_744] {strides = array<i32>} : memref<2048xi32, #tpu.memory_space<vmem>>, vector<16xi32>,
    %swap3A_746 = arith.constant 1 : i32
    %swap3A_747 = arith.index_cast %swap3A_746 : i32 to index
    %swap3A_748 = arith.constant 96 : index
    %swap3A_749 = tpu.vector_load %arg10[%swap3A_747, %swap3A_748] {strides = array<i32>} : memref<2x128xi32, #tpu.memory_space<vmem>>, vector<16xi32>,
    tpu.vector_store %arg10[%swap3A_747, %swap3A_748], %get3A_745 {strides = array<i32>} : memref<2x128xi32, #tpu.memory_space<vmem>>, vector<16xi32>,
    %get3A_750 = arith.constant 1008 : index
    %get3A_751 = tpu.vector_load %arg9[%get3A_750] {strides = array<i32>} : memref<2048xi32, #tpu.memory_space<vmem>>, vector<16xi32>,
    %swap3A_752 = arith.constant 1 : i32
    %swap3A_753 = arith.index_cast %swap3A_752 : i32 to index
    %swap3A_754 = arith.constant 112 : index
    %swap3A_755 = tpu.vector_load %arg10[%swap3A_753, %swap3A_754] {strides = array<i32>} : memref<2x128xi32, #tpu.memory_space<vmem>>, vector<16xi32>,
    tpu.vector_store %arg10[%swap3A_753, %swap3A_754], %get3A_751 {strides = array<i32>} : memref<2x128xi32, #tpu.memory_space<vmem>>, vector<16xi32>,
    %dma_start3A_756 = arith.constant 1 : i32
    %dma_start3A_757 = arith.constant 1 : i32
    %dma_start3A_758 = arith.constant 0 : i32
    %dma_start3A_759 = arith.constant 0 : i32
    %dma_start3A_760 = tpu.memref_slice %arg11[%dma_start3A_757, %dma_start3A_758, %dma_start3A_759] : memref<2x128x128xf32, #tpu.memory_space<vmem>> -> memref<1x128x128xf32, #tpu.memory_space<vmem>>
    %dma_start3A_761 = tpu.memref_squeeze %dma_start3A_760 : memref<1x128x128xf32, #tpu.memory_space<vmem>> -> memref<128x128xf32, #tpu.memory_space<vmem>>
    %dma_start3A_762 = arith.constant 0 : i32
    %dma_start3A_763 = tpu.memref_slice %arg10[%dma_start3A_756, %dma_start3A_762] : memref<2x128xi32, #tpu.memory_space<vmem>> -> memref<1x128xi32, #tpu.memory_space<vmem>>
    %dma_start3A_764 = tpu.memref_squeeze %dma_start3A_763 : memref<1x128xi32, #tpu.memory_space<vmem>> -> memref<128xi32, #tpu.memory_space<vmem>>
    %dma_start3A_765 = arith.constant 0 : i32
    %dma_start3A_766 = arith.constant 0 : i32
    %dma_start3A_767 = tpu.memref_slice %arg3[%dma_start3A_765, %dma_start3A_766] : memref<8192x128xf32, #tpu.memory_space<hbm>> -> memref<8192x128xf32, #tpu.memory_space<hbm>>
    tpu.enqueue_indirect_dma source(%dma_start3A_767 : memref<8192x128xf32, #tpu.memory_space<hbm>>) target(%dma_start3A_761 : memref<128x128xf32, #tpu.memory_space<vmem>>) offsets(%dma_start3A_764 : memref<128xi32, #tpu.memory_space<vmem>>) semaphore(%arg13 : memref<!tpu.dma_semaphore, #tpu.memory_space<semaphore_mem>>)
    %dma_wait3A_768 = arith.constant 0 : i32
    %dma_wait3A_769 = arith.constant 0 : i32
    %dma_wait3A_770 = arith.constant 0 : i32
    %dma_wait3A_771 = arith.constant 0 : i32
    %dma_wait3A_772 = tpu.memref_slice %arg11[%dma_wait3A_769, %dma_wait3A_770, %dma_wait3A_771] : memref<2x128x128xf32, #tpu.memory_space<vmem>> -> memref<1x128x128xf32, #tpu.memory_space<vmem>>
    %dma_wait3A_773 = tpu.memref_squeeze %dma_wait3A_772 : memref<1x128x128xf32, #tpu.memory_space<vmem>> -> memref<128x128xf32, #tpu.memory_space<vmem>>
    %dma_wait3A_774 = arith.constant 0 : i32
    %dma_wait3A_775 = tpu.memref_slice %arg10[%dma_wait3A_768, %dma_wait3A_774] : memref<2x128xi32, #tpu.memory_space<vmem>> -> memref<1x128xi32, #tpu.memory_space<vmem>>
    %dma_wait3A_776 = tpu.memref_squeeze %dma_wait3A_775 : memref<1x128xi32, #tpu.memory_space<vmem>> -> memref<128xi32, #tpu.memory_space<vmem>>
    %dma_wait3A_777 = arith.constant 0 : i32
    %dma_wait3A_778 = arith.constant 0 : i32
    %dma_wait3A_779 = tpu.memref_slice %arg3[%dma_wait3A_777, %dma_wait3A_778] : memref<8192x128xf32, #tpu.memory_space<hbm>> -> memref<8192x128xf32, #tpu.memory_space<hbm>>
    tpu.wait_indirect_dma semaphore(%arg12 : memref<!tpu.dma_semaphore, #tpu.memory_space<semaphore_mem>>) src(%dma_wait3A_779 : memref<8192x128xf32, #tpu.memory_space<hbm>>) dst(%dma_wait3A_773 : memref<128x128xf32, #tpu.memory_space<vmem>>)
    %mul3A_780 = arith.constant 2048 : i32
    %mul3A_781 = arith.muli %add3A, %mul3A_780 : i32
    %add3A_782 = arith.constant 768 : i32
    %add3A_783 = arith.addi %mul3A_781, %add3A_782 : i32
    %dma_start3A_784 = arith.constant 0 : i32
    %dma_start3A_785 = arith.constant 0 : i32
    %dma_start3A_786 = arith.constant 0 : i32
    %dma_start3A_787 = tpu.memref_slice %arg11[%dma_start3A_784, %dma_start3A_785, %dma_start3A_786] : memref<2x128x128xf32, #tpu.memory_space<vmem>> -> memref<1x128x128xf32, #tpu.memory_space<vmem>>
    %dma_start3A_788 = tpu.memref_squeeze %dma_start3A_787 : memref<1x128x128xf32, #tpu.memory_space<vmem>> -> memref<128x128xf32, #tpu.memory_space<vmem>>
    %dma_start3A_789 = arith.constant 0 : i32
    %dma_start3A_790 = tpu.memref_slice %arg4[%add3A_783, %dma_start3A_789] : memref<65536x128xf32, #tpu.memory_space<hbm>> -> memref<128x128xf32, #tpu.memory_space<hbm>>
    %dma_start3A_791 = arith.constant 0 : i32
    %dma_start3A_792 = tpu.memref_slice %arg4[%add3A_783, %dma_start3A_791] : memref<65536x128xf32, #tpu.memory_space<hbm>> -> memref<128x128xf32, #tpu.memory_space<hbm>>
    %dma_start3A_793 = arith.constant 0 : i32
    %dma_start3A_794 = arith.constant 0 : i32
    %dma_start3A_795 = tpu.memref_slice %arg11[%dma_start3A_784, %dma_start3A_793, %dma_start3A_794] : memref<2x128x128xf32, #tpu.memory_space<vmem>> -> memref<1x128x128xf32, #tpu.memory_space<vmem>>
    %dma_start3A_796 = tpu.memref_squeeze %dma_start3A_795 : memref<1x128x128xf32, #tpu.memory_space<vmem>> -> memref<128x128xf32, #tpu.memory_space<vmem>>
    tpu.enqueue_dma source(%dma_start3A_796 : memref<128x128xf32, #tpu.memory_space<vmem>>) target(%dma_start3A_792 : memref<128x128xf32, #tpu.memory_space<hbm>>) target_semaphore(%arg14 : memref<!tpu.dma_semaphore, #tpu.memory_space<semaphore_mem>>)
    %dma_wait3A_797 = arith.constant 0 : i32
    %dma_wait3A_798 = arith.constant 0 : i32
    %dma_wait3A_799 = arith.constant 0 : i32
    %dma_wait3A_800 = tpu.memref_slice %arg11[%dma_wait3A_797, %dma_wait3A_798, %dma_wait3A_799] : memref<2x128x128xf32, #tpu.memory_space<vmem>> -> memref<1x128x128xf32, #tpu.memory_space<vmem>>
    %dma_wait3A_801 = tpu.memref_squeeze %dma_wait3A_800 : memref<1x128x128xf32, #tpu.memory_space<vmem>> -> memref<128x128xf32, #tpu.memory_space<vmem>>
    %dma_wait3A_802 = arith.constant 0 : i32
    %dma_wait3A_803 = tpu.memref_slice %arg4[%add3A_783, %dma_wait3A_802] : memref<65536x128xf32, #tpu.memory_space<hbm>> -> memref<128x128xf32, #tpu.memory_space<hbm>>
    %dma_wait3A_804 = arith.constant 0 : i32
    %dma_wait3A_805 = tpu.memref_slice %arg4[%add3A_783, %dma_wait3A_804] : memref<65536x128xf32, #tpu.memory_space<hbm>> -> memref<128x128xf32, #tpu.memory_space<hbm>>
    %dma_wait3A_806 = arith.constant 0 : i32
    %dma_wait3A_807 = arith.constant 0 : i32
    %dma_wait3A_808 = tpu.memref_slice %arg11[%dma_wait3A_797, %dma_wait3A_806, %dma_wait3A_807] : memref<2x128x128xf32, #tpu.memory_space<vmem>> -> memref<1x128x128xf32, #tpu.memory_space<vmem>>
    %dma_wait3A_809 = tpu.memref_squeeze %dma_wait3A_808 : memref<1x128x128xf32, #tpu.memory_space<vmem>> -> memref<128x128xf32, #tpu.memory_space<vmem>>
    tpu.wait_dma2 semaphore(%arg14 : memref<!tpu.dma_semaphore, #tpu.memory_space<semaphore_mem>>) src(%dma_wait3A_809 : memref<128x128xf32, #tpu.memory_space<vmem>>) dst(%dma_wait3A_805 : memref<128x128xf32, #tpu.memory_space<hbm>>)
    %get3A_810 = arith.constant 1024 : index
    %get3A_811 = tpu.vector_load %arg9[%get3A_810] {strides = array<i32>} : memref<2048xi32, #tpu.memory_space<vmem>>, vector<16xi32>,
    %swap3A_812 = arith.constant 0 : i32
    %swap3A_813 = arith.index_cast %swap3A_812 : i32 to index
    %swap3A_814 = arith.constant 0 : index
    %swap3A_815 = tpu.vector_load %arg10[%swap3A_813, %swap3A_814] {strides = array<i32>} : memref<2x128xi32, #tpu.memory_space<vmem>>, vector<16xi32>,
    tpu.vector_store %arg10[%swap3A_813, %swap3A_814], %get3A_811 {strides = array<i32>} : memref<2x128xi32, #tpu.memory_space<vmem>>, vector<16xi32>,
    %get3A_816 = arith.constant 1040 : index
    %get3A_817 = tpu.vector_load %arg9[%get3A_816] {strides = array<i32>} : memref<2048xi32, #tpu.memory_space<vmem>>, vector<16xi32>,
    %swap3A_818 = arith.constant 0 : i32
    %swap3A_819 = arith.index_cast %swap3A_818 : i32 to index
    %swap3A_820 = arith.constant 16 : index
    %swap3A_821 = tpu.vector_load %arg10[%swap3A_819, %swap3A_820] {strides = array<i32>} : memref<2x128xi32, #tpu.memory_space<vmem>>, vector<16xi32>,
    tpu.vector_store %arg10[%swap3A_819, %swap3A_820], %get3A_817 {strides = array<i32>} : memref<2x128xi32, #tpu.memory_space<vmem>>, vector<16xi32>,
    %get3A_822 = arith.constant 1056 : index
    %get3A_823 = tpu.vector_load %arg9[%get3A_822] {strides = array<i32>} : memref<2048xi32, #tpu.memory_space<vmem>>, vector<16xi32>,
    %swap3A_824 = arith.constant 0 : i32
    %swap3A_825 = arith.index_cast %swap3A_824 : i32 to index
    %swap3A_826 = arith.constant 32 : index
    %swap3A_827 = tpu.vector_load %arg10[%swap3A_825, %swap3A_826] {strides = array<i32>} : memref<2x128xi32, #tpu.memory_space<vmem>>, vector<16xi32>,
    tpu.vector_store %arg10[%swap3A_825, %swap3A_826], %get3A_823 {strides = array<i32>} : memref<2x128xi32, #tpu.memory_space<vmem>>, vector<16xi32>,
    %get3A_828 = arith.constant 1072 : index
    %get3A_829 = tpu.vector_load %arg9[%get3A_828] {strides = array<i32>} : memref<2048xi32, #tpu.memory_space<vmem>>, vector<16xi32>,
    %swap3A_830 = arith.constant 0 : i32
    %swap3A_831 = arith.index_cast %swap3A_830 : i32 to index
    %swap3A_832 = arith.constant 48 : index
    %swap3A_833 = tpu.vector_load %arg10[%swap3A_831, %swap3A_832] {strides = array<i32>} : memref<2x128xi32, #tpu.memory_space<vmem>>, vector<16xi32>,
    tpu.vector_store %arg10[%swap3A_831, %swap3A_832], %get3A_829 {strides = array<i32>} : memref<2x128xi32, #tpu.memory_space<vmem>>, vector<16xi32>,
    %get3A_834 = arith.constant 1088 : index
    %get3A_835 = tpu.vector_load %arg9[%get3A_834] {strides = array<i32>} : memref<2048xi32, #tpu.memory_space<vmem>>, vector<16xi32>,
    %swap3A_836 = arith.constant 0 : i32
    %swap3A_837 = arith.index_cast %swap3A_836 : i32 to index
    %swap3A_838 = arith.constant 64 : index
    %swap3A_839 = tpu.vector_load %arg10[%swap3A_837, %swap3A_838] {strides = array<i32>} : memref<2x128xi32, #tpu.memory_space<vmem>>, vector<16xi32>,
    tpu.vector_store %arg10[%swap3A_837, %swap3A_838], %get3A_835 {strides = array<i32>} : memref<2x128xi32, #tpu.memory_space<vmem>>, vector<16xi32>,
    %get3A_840 = arith.constant 1104 : index
    %get3A_841 = tpu.vector_load %arg9[%get3A_840] {strides = array<i32>} : memref<2048xi32, #tpu.memory_space<vmem>>, vector<16xi32>,
    %swap3A_842 = arith.constant 0 : i32
    %swap3A_843 = arith.index_cast %swap3A_842 : i32 to index
    %swap3A_844 = arith.constant 80 : index
    %swap3A_845 = tpu.vector_load %arg10[%swap3A_843, %swap3A_844] {strides = array<i32>} : memref<2x128xi32, #tpu.memory_space<vmem>>, vector<16xi32>,
    tpu.vector_store %arg10[%swap3A_843, %swap3A_844], %get3A_841 {strides = array<i32>} : memref<2x128xi32, #tpu.memory_space<vmem>>, vector<16xi32>,
    %get3A_846 = arith.constant 1120 : index
    %get3A_847 = tpu.vector_load %arg9[%get3A_846] {strides = array<i32>} : memref<2048xi32, #tpu.memory_space<vmem>>, vector<16xi32>,
    %swap3A_848 = arith.constant 0 : i32
    %swap3A_849 = arith.index_cast %swap3A_848 : i32 to index
    %swap3A_850 = arith.constant 96 : index
    %swap3A_851 = tpu.vector_load %arg10[%swap3A_849, %swap3A_850] {strides = array<i32>} : memref<2x128xi32, #tpu.memory_space<vmem>>, vector<16xi32>,
    tpu.vector_store %arg10[%swap3A_849, %swap3A_850], %get3A_847 {strides = array<i32>} : memref<2x128xi32, #tpu.memory_space<vmem>>, vector<16xi32>,
    %get3A_852 = arith.constant 1136 : index
    %get3A_853 = tpu.vector_load %arg9[%get3A_852] {strides = array<i32>} : memref<2048xi32, #tpu.memory_space<vmem>>, vector<16xi32>,
    %swap3A_854 = arith.constant 0 : i32
    %swap3A_855 = arith.index_cast %swap3A_854 : i32 to index
    %swap3A_856 = arith.constant 112 : index
    %swap3A_857 = tpu.vector_load %arg10[%swap3A_855, %swap3A_856] {strides = array<i32>} : memref<2x128xi32, #tpu.memory_space<vmem>>, vector<16xi32>,
    tpu.vector_store %arg10[%swap3A_855, %swap3A_856], %get3A_853 {strides = array<i32>} : memref<2x128xi32, #tpu.memory_space<vmem>>, vector<16xi32>,
    %dma_start3A_858 = arith.constant 0 : i32
    %dma_start3A_859 = arith.constant 0 : i32
    %dma_start3A_860 = arith.constant 0 : i32
    %dma_start3A_861 = arith.constant 0 : i32
    %dma_start3A_862 = tpu.memref_slice %arg11[%dma_start3A_859, %dma_start3A_860, %dma_start3A_861] : memref<2x128x128xf32, #tpu.memory_space<vmem>> -> memref<1x128x128xf32, #tpu.memory_space<vmem>>
    %dma_start3A_863 = tpu.memref_squeeze %dma_start3A_862 : memref<1x128x128xf32, #tpu.memory_space<vmem>> -> memref<128x128xf32, #tpu.memory_space<vmem>>
    %dma_start3A_864 = arith.constant 0 : i32
    %dma_start3A_865 = tpu.memref_slice %arg10[%dma_start3A_858, %dma_start3A_864] : memref<2x128xi32, #tpu.memory_space<vmem>> -> memref<1x128xi32, #tpu.memory_space<vmem>>
    %dma_start3A_866 = tpu.memref_squeeze %dma_start3A_865 : memref<1x128xi32, #tpu.memory_space<vmem>> -> memref<128xi32, #tpu.memory_space<vmem>>
    %dma_start3A_867 = arith.constant 0 : i32
    %dma_start3A_868 = arith.constant 0 : i32
    %dma_start3A_869 = tpu.memref_slice %arg3[%dma_start3A_867, %dma_start3A_868] : memref<8192x128xf32, #tpu.memory_space<hbm>> -> memref<8192x128xf32, #tpu.memory_space<hbm>>
    tpu.enqueue_indirect_dma source(%dma_start3A_869 : memref<8192x128xf32, #tpu.memory_space<hbm>>) target(%dma_start3A_863 : memref<128x128xf32, #tpu.memory_space<vmem>>) offsets(%dma_start3A_866 : memref<128xi32, #tpu.memory_space<vmem>>) semaphore(%arg12 : memref<!tpu.dma_semaphore, #tpu.memory_space<semaphore_mem>>)
    %dma_wait3A_870 = arith.constant 1 : i32
    %dma_wait3A_871 = arith.constant 1 : i32
    %dma_wait3A_872 = arith.constant 0 : i32
    %dma_wait3A_873 = arith.constant 0 : i32
    %dma_wait3A_874 = tpu.memref_slice %arg11[%dma_wait3A_871, %dma_wait3A_872, %dma_wait3A_873] : memref<2x128x128xf32, #tpu.memory_space<vmem>> -> memref<1x128x128xf32, #tpu.memory_space<vmem>>
    %dma_wait3A_875 = tpu.memref_squeeze %dma_wait3A_874 : memref<1x128x128xf32, #tpu.memory_space<vmem>> -> memref<128x128xf32, #tpu.memory_space<vmem>>
    %dma_wait3A_876 = arith.constant 0 : i32
    %dma_wait3A_877 = tpu.memref_slice %arg10[%dma_wait3A_870, %dma_wait3A_876] : memref<2x128xi32, #tpu.memory_space<vmem>> -> memref<1x128xi32, #tpu.memory_space<vmem>>
    %dma_wait3A_878 = tpu.memref_squeeze %dma_wait3A_877 : memref<1x128xi32, #tpu.memory_space<vmem>> -> memref<128xi32, #tpu.memory_space<vmem>>
    %dma_wait3A_879 = arith.constant 0 : i32
    %dma_wait3A_880 = arith.constant 0 : i32
    %dma_wait3A_881 = tpu.memref_slice %arg3[%dma_wait3A_879, %dma_wait3A_880] : memref<8192x128xf32, #tpu.memory_space<hbm>> -> memref<8192x128xf32, #tpu.memory_space<hbm>>
    tpu.wait_indirect_dma semaphore(%arg13 : memref<!tpu.dma_semaphore, #tpu.memory_space<semaphore_mem>>) src(%dma_wait3A_881 : memref<8192x128xf32, #tpu.memory_space<hbm>>) dst(%dma_wait3A_875 : memref<128x128xf32, #tpu.memory_space<vmem>>)
    %mul3A_882 = arith.constant 2048 : i32
    %mul3A_883 = arith.muli %add3A, %mul3A_882 : i32
    %add3A_884 = arith.constant 896 : i32
    %add3A_885 = arith.addi %mul3A_883, %add3A_884 : i32
    %dma_start3A_886 = arith.constant 1 : i32
    %dma_start3A_887 = arith.constant 0 : i32
    %dma_start3A_888 = arith.constant 0 : i32
    %dma_start3A_889 = tpu.memref_slice %arg11[%dma_start3A_886, %dma_start3A_887, %dma_start3A_888] : memref<2x128x128xf32, #tpu.memory_space<vmem>> -> memref<1x128x128xf32, #tpu.memory_space<vmem>>
    %dma_start3A_890 = tpu.memref_squeeze %dma_start3A_889 : memref<1x128x128xf32, #tpu.memory_space<vmem>> -> memref<128x128xf32, #tpu.memory_space<vmem>>
    %dma_start3A_891 = arith.constant 0 : i32
    %dma_start3A_892 = tpu.memref_slice %arg4[%add3A_885, %dma_start3A_891] : memref<65536x128xf32, #tpu.memory_space<hbm>> -> memref<128x128xf32, #tpu.memory_space<hbm>>
    %dma_start3A_893 = arith.constant 0 : i32
    %dma_start3A_894 = tpu.memref_slice %arg4[%add3A_885, %dma_start3A_893] : memref<65536x128xf32, #tpu.memory_space<hbm>> -> memref<128x128xf32, #tpu.memory_space<hbm>>
    %dma_start3A_895 = arith.constant 0 : i32
    %dma_start3A_896 = arith.constant 0 : i32
    %dma_start3A_897 = tpu.memref_slice %arg11[%dma_start3A_886, %dma_start3A_895, %dma_start3A_896] : memref<2x128x128xf32, #tpu.memory_space<vmem>> -> memref<1x128x128xf32, #tpu.memory_space<vmem>>
    %dma_start3A_898 = tpu.memref_squeeze %dma_start3A_897 : memref<1x128x128xf32, #tpu.memory_space<vmem>> -> memref<128x128xf32, #tpu.memory_space<vmem>>
    tpu.enqueue_dma source(%dma_start3A_898 : memref<128x128xf32, #tpu.memory_space<vmem>>) target(%dma_start3A_894 : memref<128x128xf32, #tpu.memory_space<hbm>>) target_semaphore(%arg15 : memref<!tpu.dma_semaphore, #tpu.memory_space<semaphore_mem>>)
    %dma_wait3A_899 = arith.constant 1 : i32
    %dma_wait3A_900 = arith.constant 0 : i32
    %dma_wait3A_901 = arith.constant 0 : i32
    %dma_wait3A_902 = tpu.memref_slice %arg11[%dma_wait3A_899, %dma_wait3A_900, %dma_wait3A_901] : memref<2x128x128xf32, #tpu.memory_space<vmem>> -> memref<1x128x128xf32, #tpu.memory_space<vmem>>
    %dma_wait3A_903 = tpu.memref_squeeze %dma_wait3A_902 : memref<1x128x128xf32, #tpu.memory_space<vmem>> -> memref<128x128xf32, #tpu.memory_space<vmem>>
    %dma_wait3A_904 = arith.constant 0 : i32
    %dma_wait3A_905 = tpu.memref_slice %arg4[%add3A_885, %dma_wait3A_904] : memref<65536x128xf32, #tpu.memory_space<hbm>> -> memref<128x128xf32, #tpu.memory_space<hbm>>
    %dma_wait3A_906 = arith.constant 0 : i32
    %dma_wait3A_907 = tpu.memref_slice %arg4[%add3A_885, %dma_wait3A_906] : memref<65536x128xf32, #tpu.memory_space<hbm>> -> memref<128x128xf32, #tpu.memory_space<hbm>>
    %dma_wait3A_908 = arith.constant 0 : i32
    %dma_wait3A_909 = arith.constant 0 : i32
    %dma_wait3A_910 = tpu.memref_slice %arg11[%dma_wait3A_899, %dma_wait3A_908, %dma_wait3A_909] : memref<2x128x128xf32, #tpu.memory_space<vmem>> -> memref<1x128x128xf32, #tpu.memory_space<vmem>>
    %dma_wait3A_911 = tpu.memref_squeeze %dma_wait3A_910 : memref<1x128x128xf32, #tpu.memory_space<vmem>> -> memref<128x128xf32, #tpu.memory_space<vmem>>
    tpu.wait_dma2 semaphore(%arg15 : memref<!tpu.dma_semaphore, #tpu.memory_space<semaphore_mem>>) src(%dma_wait3A_911 : memref<128x128xf32, #tpu.memory_space<vmem>>) dst(%dma_wait3A_907 : memref<128x128xf32, #tpu.memory_space<hbm>>)
    %get3A_912 = arith.constant 1152 : index
    %get3A_913 = tpu.vector_load %arg9[%get3A_912] {strides = array<i32>} : memref<2048xi32, #tpu.memory_space<vmem>>, vector<16xi32>,
    %swap3A_914 = arith.constant 1 : i32
    %swap3A_915 = arith.index_cast %swap3A_914 : i32 to index
    %swap3A_916 = arith.constant 0 : index
    %swap3A_917 = tpu.vector_load %arg10[%swap3A_915, %swap3A_916] {strides = array<i32>} : memref<2x128xi32, #tpu.memory_space<vmem>>, vector<16xi32>,
    tpu.vector_store %arg10[%swap3A_915, %swap3A_916], %get3A_913 {strides = array<i32>} : memref<2x128xi32, #tpu.memory_space<vmem>>, vector<16xi32>,
    %get3A_918 = arith.constant 1168 : index
    %get3A_919 = tpu.vector_load %arg9[%get3A_918] {strides = array<i32>} : memref<2048xi32, #tpu.memory_space<vmem>>, vector<16xi32>,
    %swap3A_920 = arith.constant 1 : i32
    %swap3A_921 = arith.index_cast %swap3A_920 : i32 to index
    %swap3A_922 = arith.constant 16 : index
    %swap3A_923 = tpu.vector_load %arg10[%swap3A_921, %swap3A_922] {strides = array<i32>} : memref<2x128xi32, #tpu.memory_space<vmem>>, vector<16xi32>,
    tpu.vector_store %arg10[%swap3A_921, %swap3A_922], %get3A_919 {strides = array<i32>} : memref<2x128xi32, #tpu.memory_space<vmem>>, vector<16xi32>,
    %get3A_924 = arith.constant 1184 : index
    %get3A_925 = tpu.vector_load %arg9[%get3A_924] {strides = array<i32>} : memref<2048xi32, #tpu.memory_space<vmem>>, vector<16xi32>,
    %swap3A_926 = arith.constant 1 : i32
    %swap3A_927 = arith.index_cast %swap3A_926 : i32 to index
    %swap3A_928 = arith.constant 32 : index
    %swap3A_929 = tpu.vector_load %arg10[%swap3A_927, %swap3A_928] {strides = array<i32>} : memref<2x128xi32, #tpu.memory_space<vmem>>, vector<16xi32>,
    tpu.vector_store %arg10[%swap3A_927, %swap3A_928], %get3A_925 {strides = array<i32>} : memref<2x128xi32, #tpu.memory_space<vmem>>, vector<16xi32>,
    %get3A_930 = arith.constant 1200 : index
    %get3A_931 = tpu.vector_load %arg9[%get3A_930] {strides = array<i32>} : memref<2048xi32, #tpu.memory_space<vmem>>, vector<16xi32>,
    %swap3A_932 = arith.constant 1 : i32
    %swap3A_933 = arith.index_cast %swap3A_932 : i32 to index
    %swap3A_934 = arith.constant 48 : index
    %swap3A_935 = tpu.vector_load %arg10[%swap3A_933, %swap3A_934] {strides = array<i32>} : memref<2x128xi32, #tpu.memory_space<vmem>>, vector<16xi32>,
    tpu.vector_store %arg10[%swap3A_933, %swap3A_934], %get3A_931 {strides = array<i32>} : memref<2x128xi32, #tpu.memory_space<vmem>>, vector<16xi32>,
    %get3A_936 = arith.constant 1216 : index
    %get3A_937 = tpu.vector_load %arg9[%get3A_936] {strides = array<i32>} : memref<2048xi32, #tpu.memory_space<vmem>>, vector<16xi32>,
    %swap3A_938 = arith.constant 1 : i32
    %swap3A_939 = arith.index_cast %swap3A_938 : i32 to index
    %swap3A_940 = arith.constant 64 : index
    %swap3A_941 = tpu.vector_load %arg10[%swap3A_939, %swap3A_940] {strides = array<i32>} : memref<2x128xi32, #tpu.memory_space<vmem>>, vector<16xi32>,
    tpu.vector_store %arg10[%swap3A_939, %swap3A_940], %get3A_937 {strides = array<i32>} : memref<2x128xi32, #tpu.memory_space<vmem>>, vector<16xi32>,
    %get3A_942 = arith.constant 1232 : index
    %get3A_943 = tpu.vector_load %arg9[%get3A_942] {strides = array<i32>} : memref<2048xi32, #tpu.memory_space<vmem>>, vector<16xi32>,
    %swap3A_944 = arith.constant 1 : i32
    %swap3A_945 = arith.index_cast %swap3A_944 : i32 to index
    %swap3A_946 = arith.constant 80 : index
    %swap3A_947 = tpu.vector_load %arg10[%swap3A_945, %swap3A_946] {strides = array<i32>} : memref<2x128xi32, #tpu.memory_space<vmem>>, vector<16xi32>,
    tpu.vector_store %arg10[%swap3A_945, %swap3A_946], %get3A_943 {strides = array<i32>} : memref<2x128xi32, #tpu.memory_space<vmem>>, vector<16xi32>,
    %get3A_948 = arith.constant 1248 : index
    %get3A_949 = tpu.vector_load %arg9[%get3A_948] {strides = array<i32>} : memref<2048xi32, #tpu.memory_space<vmem>>, vector<16xi32>,
    %swap3A_950 = arith.constant 1 : i32
    %swap3A_951 = arith.index_cast %swap3A_950 : i32 to index
    %swap3A_952 = arith.constant 96 : index
    %swap3A_953 = tpu.vector_load %arg10[%swap3A_951, %swap3A_952] {strides = array<i32>} : memref<2x128xi32, #tpu.memory_space<vmem>>, vector<16xi32>,
    tpu.vector_store %arg10[%swap3A_951, %swap3A_952], %get3A_949 {strides = array<i32>} : memref<2x128xi32, #tpu.memory_space<vmem>>, vector<16xi32>,
    %get3A_954 = arith.constant 1264 : index
    %get3A_955 = tpu.vector_load %arg9[%get3A_954] {strides = array<i32>} : memref<2048xi32, #tpu.memory_space<vmem>>, vector<16xi32>,
    %swap3A_956 = arith.constant 1 : i32
    %swap3A_957 = arith.index_cast %swap3A_956 : i32 to index
    %swap3A_958 = arith.constant 112 : index
    %swap3A_959 = tpu.vector_load %arg10[%swap3A_957, %swap3A_958] {strides = array<i32>} : memref<2x128xi32, #tpu.memory_space<vmem>>, vector<16xi32>,
    tpu.vector_store %arg10[%swap3A_957, %swap3A_958], %get3A_955 {strides = array<i32>} : memref<2x128xi32, #tpu.memory_space<vmem>>, vector<16xi32>,
    %dma_start3A_960 = arith.constant 1 : i32
    %dma_start3A_961 = arith.constant 1 : i32
    %dma_start3A_962 = arith.constant 0 : i32
    %dma_start3A_963 = arith.constant 0 : i32
    %dma_start3A_964 = tpu.memref_slice %arg11[%dma_start3A_961, %dma_start3A_962, %dma_start3A_963] : memref<2x128x128xf32, #tpu.memory_space<vmem>> -> memref<1x128x128xf32, #tpu.memory_space<vmem>>
    %dma_start3A_965 = tpu.memref_squeeze %dma_start3A_964 : memref<1x128x128xf32, #tpu.memory_space<vmem>> -> memref<128x128xf32, #tpu.memory_space<vmem>>
    %dma_start3A_966 = arith.constant 0 : i32
    %dma_start3A_967 = tpu.memref_slice %arg10[%dma_start3A_960, %dma_start3A_966] : memref<2x128xi32, #tpu.memory_space<vmem>> -> memref<1x128xi32, #tpu.memory_space<vmem>>
    %dma_start3A_968 = tpu.memref_squeeze %dma_start3A_967 : memref<1x128xi32, #tpu.memory_space<vmem>> -> memref<128xi32, #tpu.memory_space<vmem>>
    %dma_start3A_969 = arith.constant 0 : i32
    %dma_start3A_970 = arith.constant 0 : i32
    %dma_start3A_971 = tpu.memref_slice %arg3[%dma_start3A_969, %dma_start3A_970] : memref<8192x128xf32, #tpu.memory_space<hbm>> -> memref<8192x128xf32, #tpu.memory_space<hbm>>
    tpu.enqueue_indirect_dma source(%dma_start3A_971 : memref<8192x128xf32, #tpu.memory_space<hbm>>) target(%dma_start3A_965 : memref<128x128xf32, #tpu.memory_space<vmem>>) offsets(%dma_start3A_968 : memref<128xi32, #tpu.memory_space<vmem>>) semaphore(%arg13 : memref<!tpu.dma_semaphore, #tpu.memory_space<semaphore_mem>>)
    %dma_wait3A_972 = arith.constant 0 : i32
    %dma_wait3A_973 = arith.constant 0 : i32
    %dma_wait3A_974 = arith.constant 0 : i32
    %dma_wait3A_975 = arith.constant 0 : i32
    %dma_wait3A_976 = tpu.memref_slice %arg11[%dma_wait3A_973, %dma_wait3A_974, %dma_wait3A_975] : memref<2x128x128xf32, #tpu.memory_space<vmem>> -> memref<1x128x128xf32, #tpu.memory_space<vmem>>
    %dma_wait3A_977 = tpu.memref_squeeze %dma_wait3A_976 : memref<1x128x128xf32, #tpu.memory_space<vmem>> -> memref<128x128xf32, #tpu.memory_space<vmem>>
    %dma_wait3A_978 = arith.constant 0 : i32
    %dma_wait3A_979 = tpu.memref_slice %arg10[%dma_wait3A_972, %dma_wait3A_978] : memref<2x128xi32, #tpu.memory_space<vmem>> -> memref<1x128xi32, #tpu.memory_space<vmem>>
    %dma_wait3A_980 = tpu.memref_squeeze %dma_wait3A_979 : memref<1x128xi32, #tpu.memory_space<vmem>> -> memref<128xi32, #tpu.memory_space<vmem>>
    %dma_wait3A_981 = arith.constant 0 : i32
    %dma_wait3A_982 = arith.constant 0 : i32
    %dma_wait3A_983 = tpu.memref_slice %arg3[%dma_wait3A_981, %dma_wait3A_982] : memref<8192x128xf32, #tpu.memory_space<hbm>> -> memref<8192x128xf32, #tpu.memory_space<hbm>>
    tpu.wait_indirect_dma semaphore(%arg12 : memref<!tpu.dma_semaphore, #tpu.memory_space<semaphore_mem>>) src(%dma_wait3A_983 : memref<8192x128xf32, #tpu.memory_space<hbm>>) dst(%dma_wait3A_977 : memref<128x128xf32, #tpu.memory_space<vmem>>)
    %mul3A_984 = arith.constant 2048 : i32
    %mul3A_985 = arith.muli %add3A, %mul3A_984 : i32
    %add3A_986 = arith.constant 1024 : i32
    %add3A_987 = arith.addi %mul3A_985, %add3A_986 : i32
    %dma_start3A_988 = arith.constant 0 : i32
    %dma_start3A_989 = arith.constant 0 : i32
    %dma_start3A_990 = arith.constant 0 : i32
    %dma_start3A_991 = tpu.memref_slice %arg11[%dma_start3A_988, %dma_start3A_989, %dma_start3A_990] : memref<2x128x128xf32, #tpu.memory_space<vmem>> -> memref<1x128x128xf32, #tpu.memory_space<vmem>>
    %dma_start3A_992 = tpu.memref_squeeze %dma_start3A_991 : memref<1x128x128xf32, #tpu.memory_space<vmem>> -> memref<128x128xf32, #tpu.memory_space<vmem>>
    %dma_start3A_993 = arith.constant 0 : i32
    %dma_start3A_994 = tpu.memref_slice %arg4[%add3A_987, %dma_start3A_993] : memref<65536x128xf32, #tpu.memory_space<hbm>> -> memref<128x128xf32, #tpu.memory_space<hbm>>
    %dma_start3A_995 = arith.constant 0 : i32
    %dma_start3A_996 = tpu.memref_slice %arg4[%add3A_987, %dma_start3A_995] : memref<65536x128xf32, #tpu.memory_space<hbm>> -> memref<128x128xf32, #tpu.memory_space<hbm>>
    %dma_start3A_997 = arith.constant 0 : i32
    %dma_start3A_998 = arith.constant 0 : i32
    %dma_start3A_999 = tpu.memref_slice %arg11[%dma_start3A_988, %dma_start3A_997, %dma_start3A_998] : memref<2x128x128xf32, #tpu.memory_space<vmem>> -> memref<1x128x128xf32, #tpu.memory_space<vmem>>
    %dma_start3A_1000 = tpu.memref_squeeze %dma_start3A_999 : memref<1x128x128xf32, #tpu.memory_space<vmem>> -> memref<128x128xf32, #tpu.memory_space<vmem>>
    tpu.enqueue_dma source(%dma_start3A_1000 : memref<128x128xf32, #tpu.memory_space<vmem>>) target(%dma_start3A_996 : memref<128x128xf32, #tpu.memory_space<hbm>>) target_semaphore(%arg14 : memref<!tpu.dma_semaphore, #tpu.memory_space<semaphore_mem>>)
    %dma_wait3A_1001 = arith.constant 0 : i32
    %dma_wait3A_1002 = arith.constant 0 : i32
    %dma_wait3A_1003 = arith.constant 0 : i32
    %dma_wait3A_1004 = tpu.memref_slice %arg11[%dma_wait3A_1001, %dma_wait3A_1002, %dma_wait3A_1003] : memref<2x128x128xf32, #tpu.memory_space<vmem>> -> memref<1x128x128xf32, #tpu.memory_space<vmem>>
    %dma_wait3A_1005 = tpu.memref_squeeze %dma_wait3A_1004 : memref<1x128x128xf32, #tpu.memory_space<vmem>> -> memref<128x128xf32, #tpu.memory_space<vmem>>
    %dma_wait3A_1006 = arith.constant 0 : i32
    %dma_wait3A_1007 = tpu.memref_slice %arg4[%add3A_987, %dma_wait3A_1006] : memref<65536x128xf32, #tpu.memory_space<hbm>> -> memref<128x128xf32, #tpu.memory_space<hbm>>
    %dma_wait3A_1008 = arith.constant 0 : i32
    %dma_wait3A_1009 = tpu.memref_slice %arg4[%add3A_987, %dma_wait3A_1008] : memref<65536x128xf32, #tpu.memory_space<hbm>> -> memref<128x128xf32, #tpu.memory_space<hbm>>
    %dma_wait3A_1010 = arith.constant 0 : i32
    %dma_wait3A_1011 = arith.constant 0 : i32
    %dma_wait3A_1012 = tpu.memref_slice %arg11[%dma_wait3A_1001, %dma_wait3A_1010, %dma_wait3A_1011] : memref<2x128x128xf32, #tpu.memory_space<vmem>> -> memref<1x128x128xf32, #tpu.memory_space<vmem>>
    %dma_wait3A_1013 = tpu.memref_squeeze %dma_wait3A_1012 : memref<1x128x128xf32, #tpu.memory_space<vmem>> -> memref<128x128xf32, #tpu.memory_space<vmem>>
    tpu.wait_dma2 semaphore(%arg14 : memref<!tpu.dma_semaphore, #tpu.memory_space<semaphore_mem>>) src(%dma_wait3A_1013 : memref<128x128xf32, #tpu.memory_space<vmem>>) dst(%dma_wait3A_1009 : memref<128x128xf32, #tpu.memory_space<hbm>>)
    %get3A_1014 = arith.constant 1280 : index
    %get3A_1015 = tpu.vector_load %arg9[%get3A_1014] {strides = array<i32>} : memref<2048xi32, #tpu.memory_space<vmem>>, vector<16xi32>,
    %swap3A_1016 = arith.constant 0 : i32
    %swap3A_1017 = arith.index_cast %swap3A_1016 : i32 to index
    %swap3A_1018 = arith.constant 0 : index
    %swap3A_1019 = tpu.vector_load %arg10[%swap3A_1017, %swap3A_1018] {strides = array<i32>} : memref<2x128xi32, #tpu.memory_space<vmem>>, vector<16xi32>,
    tpu.vector_store %arg10[%swap3A_1017, %swap3A_1018], %get3A_1015 {strides = array<i32>} : memref<2x128xi32, #tpu.memory_space<vmem>>, vector<16xi32>,
    %get3A_1020 = arith.constant 1296 : index
    %get3A_1021 = tpu.vector_load %arg9[%get3A_1020] {strides = array<i32>} : memref<2048xi32, #tpu.memory_space<vmem>>, vector<16xi32>,
    %swap3A_1022 = arith.constant 0 : i32
    %swap3A_1023 = arith.index_cast %swap3A_1022 : i32 to index
    %swap3A_1024 = arith.constant 16 : index
    %swap3A_1025 = tpu.vector_load %arg10[%swap3A_1023, %swap3A_1024] {strides = array<i32>} : memref<2x128xi32, #tpu.memory_space<vmem>>, vector<16xi32>,
    tpu.vector_store %arg10[%swap3A_1023, %swap3A_1024], %get3A_1021 {strides = array<i32>} : memref<2x128xi32, #tpu.memory_space<vmem>>, vector<16xi32>,
    %get3A_1026 = arith.constant 1312 : index
    %get3A_1027 = tpu.vector_load %arg9[%get3A_1026] {strides = array<i32>} : memref<2048xi32, #tpu.memory_space<vmem>>, vector<16xi32>,
    %swap3A_1028 = arith.constant 0 : i32
    %swap3A_1029 = arith.index_cast %swap3A_1028 : i32 to index
    %swap3A_1030 = arith.constant 32 : index
    %swap3A_1031 = tpu.vector_load %arg10[%swap3A_1029, %swap3A_1030] {strides = array<i32>} : memref<2x128xi32, #tpu.memory_space<vmem>>, vector<16xi32>,
    tpu.vector_store %arg10[%swap3A_1029, %swap3A_1030], %get3A_1027 {strides = array<i32>} : memref<2x128xi32, #tpu.memory_space<vmem>>, vector<16xi32>,
    %get3A_1032 = arith.constant 1328 : index
    %get3A_1033 = tpu.vector_load %arg9[%get3A_1032] {strides = array<i32>} : memref<2048xi32, #tpu.memory_space<vmem>>, vector<16xi32>,
    %swap3A_1034 = arith.constant 0 : i32
    %swap3A_1035 = arith.index_cast %swap3A_1034 : i32 to index
    %swap3A_1036 = arith.constant 48 : index
    %swap3A_1037 = tpu.vector_load %arg10[%swap3A_1035, %swap3A_1036] {strides = array<i32>} : memref<2x128xi32, #tpu.memory_space<vmem>>, vector<16xi32>,
    tpu.vector_store %arg10[%swap3A_1035, %swap3A_1036], %get3A_1033 {strides = array<i32>} : memref<2x128xi32, #tpu.memory_space<vmem>>, vector<16xi32>,
    %get3A_1038 = arith.constant 1344 : index
    %get3A_1039 = tpu.vector_load %arg9[%get3A_1038] {strides = array<i32>} : memref<2048xi32, #tpu.memory_space<vmem>>, vector<16xi32>,
    %swap3A_1040 = arith.constant 0 : i32
    %swap3A_1041 = arith.index_cast %swap3A_1040 : i32 to index
    %swap3A_1042 = arith.constant 64 : index
    %swap3A_1043 = tpu.vector_load %arg10[%swap3A_1041, %swap3A_1042] {strides = array<i32>} : memref<2x128xi32, #tpu.memory_space<vmem>>, vector<16xi32>,
    tpu.vector_store %arg10[%swap3A_1041, %swap3A_1042], %get3A_1039 {strides = array<i32>} : memref<2x128xi32, #tpu.memory_space<vmem>>, vector<16xi32>,
    %get3A_1044 = arith.constant 1360 : index
    %get3A_1045 = tpu.vector_load %arg9[%get3A_1044] {strides = array<i32>} : memref<2048xi32, #tpu.memory_space<vmem>>, vector<16xi32>,
    %swap3A_1046 = arith.constant 0 : i32
    %swap3A_1047 = arith.index_cast %swap3A_1046 : i32 to index
    %swap3A_1048 = arith.constant 80 : index
    %swap3A_1049 = tpu.vector_load %arg10[%swap3A_1047, %swap3A_1048] {strides = array<i32>} : memref<2x128xi32, #tpu.memory_space<vmem>>, vector<16xi32>,
    tpu.vector_store %arg10[%swap3A_1047, %swap3A_1048], %get3A_1045 {strides = array<i32>} : memref<2x128xi32, #tpu.memory_space<vmem>>, vector<16xi32>,
    %get3A_1050 = arith.constant 1376 : index
    %get3A_1051 = tpu.vector_load %arg9[%get3A_1050] {strides = array<i32>} : memref<2048xi32, #tpu.memory_space<vmem>>, vector<16xi32>,
    %swap3A_1052 = arith.constant 0 : i32
    %swap3A_1053 = arith.index_cast %swap3A_1052 : i32 to index
    %swap3A_1054 = arith.constant 96 : index
    %swap3A_1055 = tpu.vector_load %arg10[%swap3A_1053, %swap3A_1054] {strides = array<i32>} : memref<2x128xi32, #tpu.memory_space<vmem>>, vector<16xi32>,
    tpu.vector_store %arg10[%swap3A_1053, %swap3A_1054], %get3A_1051 {strides = array<i32>} : memref<2x128xi32, #tpu.memory_space<vmem>>, vector<16xi32>,
    %get3A_1056 = arith.constant 1392 : index
    %get3A_1057 = tpu.vector_load %arg9[%get3A_1056] {strides = array<i32>} : memref<2048xi32, #tpu.memory_space<vmem>>, vector<16xi32>,
    %swap3A_1058 = arith.constant 0 : i32
    %swap3A_1059 = arith.index_cast %swap3A_1058 : i32 to index
    %swap3A_1060 = arith.constant 112 : index
    %swap3A_1061 = tpu.vector_load %arg10[%swap3A_1059, %swap3A_1060] {strides = array<i32>} : memref<2x128xi32, #tpu.memory_space<vmem>>, vector<16xi32>,
    tpu.vector_store %arg10[%swap3A_1059, %swap3A_1060], %get3A_1057 {strides = array<i32>} : memref<2x128xi32, #tpu.memory_space<vmem>>, vector<16xi32>,
    %dma_start3A_1062 = arith.constant 0 : i32
    %dma_start3A_1063 = arith.constant 0 : i32
    %dma_start3A_1064 = arith.constant 0 : i32
    %dma_start3A_1065 = arith.constant 0 : i32
    %dma_start3A_1066 = tpu.memref_slice %arg11[%dma_start3A_1063, %dma_start3A_1064, %dma_start3A_1065] : memref<2x128x128xf32, #tpu.memory_space<vmem>> -> memref<1x128x128xf32, #tpu.memory_space<vmem>>
    %dma_start3A_1067 = tpu.memref_squeeze %dma_start3A_1066 : memref<1x128x128xf32, #tpu.memory_space<vmem>> -> memref<128x128xf32, #tpu.memory_space<vmem>>
    %dma_start3A_1068 = arith.constant 0 : i32
    %dma_start3A_1069 = tpu.memref_slice %arg10[%dma_start3A_1062, %dma_start3A_1068] : memref<2x128xi32, #tpu.memory_space<vmem>> -> memref<1x128xi32, #tpu.memory_space<vmem>>
    %dma_start3A_1070 = tpu.memref_squeeze %dma_start3A_1069 : memref<1x128xi32, #tpu.memory_space<vmem>> -> memref<128xi32, #tpu.memory_space<vmem>>
    %dma_start3A_1071 = arith.constant 0 : i32
    %dma_start3A_1072 = arith.constant 0 : i32
    %dma_start3A_1073 = tpu.memref_slice %arg3[%dma_start3A_1071, %dma_start3A_1072] : memref<8192x128xf32, #tpu.memory_space<hbm>> -> memref<8192x128xf32, #tpu.memory_space<hbm>>
    tpu.enqueue_indirect_dma source(%dma_start3A_1073 : memref<8192x128xf32, #tpu.memory_space<hbm>>) target(%dma_start3A_1067 : memref<128x128xf32, #tpu.memory_space<vmem>>) offsets(%dma_start3A_1070 : memref<128xi32, #tpu.memory_space<vmem>>) semaphore(%arg12 : memref<!tpu.dma_semaphore, #tpu.memory_space<semaphore_mem>>)
    %dma_wait3A_1074 = arith.constant 1 : i32
    %dma_wait3A_1075 = arith.constant 1 : i32
    %dma_wait3A_1076 = arith.constant 0 : i32
    %dma_wait3A_1077 = arith.constant 0 : i32
    %dma_wait3A_1078 = tpu.memref_slice %arg11[%dma_wait3A_1075, %dma_wait3A_1076, %dma_wait3A_1077] : memref<2x128x128xf32, #tpu.memory_space<vmem>> -> memref<1x128x128xf32, #tpu.memory_space<vmem>>
    %dma_wait3A_1079 = tpu.memref_squeeze %dma_wait3A_1078 : memref<1x128x128xf32, #tpu.memory_space<vmem>> -> memref<128x128xf32, #tpu.memory_space<vmem>>
    %dma_wait3A_1080 = arith.constant 0 : i32
    %dma_wait3A_1081 = tpu.memref_slice %arg10[%dma_wait3A_1074, %dma_wait3A_1080] : memref<2x128xi32, #tpu.memory_space<vmem>> -> memref<1x128xi32, #tpu.memory_space<vmem>>
    %dma_wait3A_1082 = tpu.memref_squeeze %dma_wait3A_1081 : memref<1x128xi32, #tpu.memory_space<vmem>> -> memref<128xi32, #tpu.memory_space<vmem>>
    %dma_wait3A_1083 = arith.constant 0 : i32
    %dma_wait3A_1084 = arith.constant 0 : i32
    %dma_wait3A_1085 = tpu.memref_slice %arg3[%dma_wait3A_1083, %dma_wait3A_1084] : memref<8192x128xf32, #tpu.memory_space<hbm>> -> memref<8192x128xf32, #tpu.memory_space<hbm>>
    tpu.wait_indirect_dma semaphore(%arg13 : memref<!tpu.dma_semaphore, #tpu.memory_space<semaphore_mem>>) src(%dma_wait3A_1085 : memref<8192x128xf32, #tpu.memory_space<hbm>>) dst(%dma_wait3A_1079 : memref<128x128xf32, #tpu.memory_space<vmem>>)
    %mul3A_1086 = arith.constant 2048 : i32
    %mul3A_1087 = arith.muli %add3A, %mul3A_1086 : i32
    %add3A_1088 = arith.constant 1152 : i32
    %add3A_1089 = arith.addi %mul3A_1087, %add3A_1088 : i32
    %dma_start3A_1090 = arith.constant 1 : i32
    %dma_start3A_1091 = arith.constant 0 : i32
    %dma_start3A_1092 = arith.constant 0 : i32
    %dma_start3A_1093 = tpu.memref_slice %arg11[%dma_start3A_1090, %dma_start3A_1091, %dma_start3A_1092] : memref<2x128x128xf32, #tpu.memory_space<vmem>> -> memref<1x128x128xf32, #tpu.memory_space<vmem>>
    %dma_start3A_1094 = tpu.memref_squeeze %dma_start3A_1093 : memref<1x128x128xf32, #tpu.memory_space<vmem>> -> memref<128x128xf32, #tpu.memory_space<vmem>>
    %dma_start3A_1095 = arith.constant 0 : i32
    %dma_start3A_1096 = tpu.memref_slice %arg4[%add3A_1089, %dma_start3A_1095] : memref<65536x128xf32, #tpu.memory_space<hbm>> -> memref<128x128xf32, #tpu.memory_space<hbm>>
    %dma_start3A_1097 = arith.constant 0 : i32
    %dma_start3A_1098 = tpu.memref_slice %arg4[%add3A_1089, %dma_start3A_1097] : memref<65536x128xf32, #tpu.memory_space<hbm>> -> memref<128x128xf32, #tpu.memory_space<hbm>>
    %dma_start3A_1099 = arith.constant 0 : i32
    %dma_start3A_1100 = arith.constant 0 : i32
    %dma_start3A_1101 = tpu.memref_slice %arg11[%dma_start3A_1090, %dma_start3A_1099, %dma_start3A_1100] : memref<2x128x128xf32, #tpu.memory_space<vmem>> -> memref<1x128x128xf32, #tpu.memory_space<vmem>>
    %dma_start3A_1102 = tpu.memref_squeeze %dma_start3A_1101 : memref<1x128x128xf32, #tpu.memory_space<vmem>> -> memref<128x128xf32, #tpu.memory_space<vmem>>
    tpu.enqueue_dma source(%dma_start3A_1102 : memref<128x128xf32, #tpu.memory_space<vmem>>) target(%dma_start3A_1098 : memref<128x128xf32, #tpu.memory_space<hbm>>) target_semaphore(%arg15 : memref<!tpu.dma_semaphore, #tpu.memory_space<semaphore_mem>>)
    %dma_wait3A_1103 = arith.constant 1 : i32
    %dma_wait3A_1104 = arith.constant 0 : i32
    %dma_wait3A_1105 = arith.constant 0 : i32
    %dma_wait3A_1106 = tpu.memref_slice %arg11[%dma_wait3A_1103, %dma_wait3A_1104, %dma_wait3A_1105] : memref<2x128x128xf32, #tpu.memory_space<vmem>> -> memref<1x128x128xf32, #tpu.memory_space<vmem>>
    %dma_wait3A_1107 = tpu.memref_squeeze %dma_wait3A_1106 : memref<1x128x128xf32, #tpu.memory_space<vmem>> -> memref<128x128xf32, #tpu.memory_space<vmem>>
    %dma_wait3A_1108 = arith.constant 0 : i32
    %dma_wait3A_1109 = tpu.memref_slice %arg4[%add3A_1089, %dma_wait3A_1108] : memref<65536x128xf32, #tpu.memory_space<hbm>> -> memref<128x128xf32, #tpu.memory_space<hbm>>
    %dma_wait3A_1110 = arith.constant 0 : i32
    %dma_wait3A_1111 = tpu.memref_slice %arg4[%add3A_1089, %dma_wait3A_1110] : memref<65536x128xf32, #tpu.memory_space<hbm>> -> memref<128x128xf32, #tpu.memory_space<hbm>>
    %dma_wait3A_1112 = arith.constant 0 : i32
    %dma_wait3A_1113 = arith.constant 0 : i32
    %dma_wait3A_1114 = tpu.memref_slice %arg11[%dma_wait3A_1103, %dma_wait3A_1112, %dma_wait3A_1113] : memref<2x128x128xf32, #tpu.memory_space<vmem>> -> memref<1x128x128xf32, #tpu.memory_space<vmem>>
    %dma_wait3A_1115 = tpu.memref_squeeze %dma_wait3A_1114 : memref<1x128x128xf32, #tpu.memory_space<vmem>> -> memref<128x128xf32, #tpu.memory_space<vmem>>
    tpu.wait_dma2 semaphore(%arg15 : memref<!tpu.dma_semaphore, #tpu.memory_space<semaphore_mem>>) src(%dma_wait3A_1115 : memref<128x128xf32, #tpu.memory_space<vmem>>) dst(%dma_wait3A_1111 : memref<128x128xf32, #tpu.memory_space<hbm>>)
    %get3A_1116 = arith.constant 1408 : index
    %get3A_1117 = tpu.vector_load %arg9[%get3A_1116] {strides = array<i32>} : memref<2048xi32, #tpu.memory_space<vmem>>, vector<16xi32>,
    %swap3A_1118 = arith.constant 1 : i32
    %swap3A_1119 = arith.index_cast %swap3A_1118 : i32 to index
    %swap3A_1120 = arith.constant 0 : index
    %swap3A_1121 = tpu.vector_load %arg10[%swap3A_1119, %swap3A_1120] {strides = array<i32>} : memref<2x128xi32, #tpu.memory_space<vmem>>, vector<16xi32>,
    tpu.vector_store %arg10[%swap3A_1119, %swap3A_1120], %get3A_1117 {strides = array<i32>} : memref<2x128xi32, #tpu.memory_space<vmem>>, vector<16xi32>,
    %get3A_1122 = arith.constant 1424 : index
    %get3A_1123 = tpu.vector_load %arg9[%get3A_1122] {strides = array<i32>} : memref<2048xi32, #tpu.memory_space<vmem>>, vector<16xi32>,
    %swap3A_1124 = arith.constant 1 : i32
    %swap3A_1125 = arith.index_cast %swap3A_1124 : i32 to index
    %swap3A_1126 = arith.constant 16 : index
    %swap3A_1127 = tpu.vector_load %arg10[%swap3A_1125, %swap3A_1126] {strides = array<i32>} : memref<2x128xi32, #tpu.memory_space<vmem>>, vector<16xi32>,
    tpu.vector_store %arg10[%swap3A_1125, %swap3A_1126], %get3A_1123 {strides = array<i32>} : memref<2x128xi32, #tpu.memory_space<vmem>>, vector<16xi32>,
    %get3A_1128 = arith.constant 1440 : index
    %get3A_1129 = tpu.vector_load %arg9[%get3A_1128] {strides = array<i32>} : memref<2048xi32, #tpu.memory_space<vmem>>, vector<16xi32>,
    %swap3A_1130 = arith.constant 1 : i32
    %swap3A_1131 = arith.index_cast %swap3A_1130 : i32 to index
    %swap3A_1132 = arith.constant 32 : index
    %swap3A_1133 = tpu.vector_load %arg10[%swap3A_1131, %swap3A_1132] {strides = array<i32>} : memref<2x128xi32, #tpu.memory_space<vmem>>, vector<16xi32>,
    tpu.vector_store %arg10[%swap3A_1131, %swap3A_1132], %get3A_1129 {strides = array<i32>} : memref<2x128xi32, #tpu.memory_space<vmem>>, vector<16xi32>,
    %get3A_1134 = arith.constant 1456 : index
    %get3A_1135 = tpu.vector_load %arg9[%get3A_1134] {strides = array<i32>} : memref<2048xi32, #tpu.memory_space<vmem>>, vector<16xi32>,
    %swap3A_1136 = arith.constant 1 : i32
    %swap3A_1137 = arith.index_cast %swap3A_1136 : i32 to index
    %swap3A_1138 = arith.constant 48 : index
    %swap3A_1139 = tpu.vector_load %arg10[%swap3A_1137, %swap3A_1138] {strides = array<i32>} : memref<2x128xi32, #tpu.memory_space<vmem>>, vector<16xi32>,
    tpu.vector_store %arg10[%swap3A_1137, %swap3A_1138], %get3A_1135 {strides = array<i32>} : memref<2x128xi32, #tpu.memory_space<vmem>>, vector<16xi32>,
    %get3A_1140 = arith.constant 1472 : index
    %get3A_1141 = tpu.vector_load %arg9[%get3A_1140] {strides = array<i32>} : memref<2048xi32, #tpu.memory_space<vmem>>, vector<16xi32>,
    %swap3A_1142 = arith.constant 1 : i32
    %swap3A_1143 = arith.index_cast %swap3A_1142 : i32 to index
    %swap3A_1144 = arith.constant 64 : index
    %swap3A_1145 = tpu.vector_load %arg10[%swap3A_1143, %swap3A_1144] {strides = array<i32>} : memref<2x128xi32, #tpu.memory_space<vmem>>, vector<16xi32>,
    tpu.vector_store %arg10[%swap3A_1143, %swap3A_1144], %get3A_1141 {strides = array<i32>} : memref<2x128xi32, #tpu.memory_space<vmem>>, vector<16xi32>,
    %get3A_1146 = arith.constant 1488 : index
    %get3A_1147 = tpu.vector_load %arg9[%get3A_1146] {strides = array<i32>} : memref<2048xi32, #tpu.memory_space<vmem>>, vector<16xi32>,
    %swap3A_1148 = arith.constant 1 : i32
    %swap3A_1149 = arith.index_cast %swap3A_1148 : i32 to index
    %swap3A_1150 = arith.constant 80 : index
    %swap3A_1151 = tpu.vector_load %arg10[%swap3A_1149, %swap3A_1150] {strides = array<i32>} : memref<2x128xi32, #tpu.memory_space<vmem>>, vector<16xi32>,
    tpu.vector_store %arg10[%swap3A_1149, %swap3A_1150], %get3A_1147 {strides = array<i32>} : memref<2x128xi32, #tpu.memory_space<vmem>>, vector<16xi32>,
    %get3A_1152 = arith.constant 1504 : index
    %get3A_1153 = tpu.vector_load %arg9[%get3A_1152] {strides = array<i32>} : memref<2048xi32, #tpu.memory_space<vmem>>, vector<16xi32>,
    %swap3A_1154 = arith.constant 1 : i32
    %swap3A_1155 = arith.index_cast %swap3A_1154 : i32 to index
    %swap3A_1156 = arith.constant 96 : index
    %swap3A_1157 = tpu.vector_load %arg10[%swap3A_1155, %swap3A_1156] {strides = array<i32>} : memref<2x128xi32, #tpu.memory_space<vmem>>, vector<16xi32>,
    tpu.vector_store %arg10[%swap3A_1155, %swap3A_1156], %get3A_1153 {strides = array<i32>} : memref<2x128xi32, #tpu.memory_space<vmem>>, vector<16xi32>,
    %get3A_1158 = arith.constant 1520 : index
    %get3A_1159 = tpu.vector_load %arg9[%get3A_1158] {strides = array<i32>} : memref<2048xi32, #tpu.memory_space<vmem>>, vector<16xi32>,
    %swap3A_1160 = arith.constant 1 : i32
    %swap3A_1161 = arith.index_cast %swap3A_1160 : i32 to index
    %swap3A_1162 = arith.constant 112 : index
    %swap3A_1163 = tpu.vector_load %arg10[%swap3A_1161, %swap3A_1162] {strides = array<i32>} : memref<2x128xi32, #tpu.memory_space<vmem>>, vector<16xi32>,
    tpu.vector_store %arg10[%swap3A_1161, %swap3A_1162], %get3A_1159 {strides = array<i32>} : memref<2x128xi32, #tpu.memory_space<vmem>>, vector<16xi32>,
    %dma_start3A_1164 = arith.constant 1 : i32
    %dma_start3A_1165 = arith.constant 1 : i32
    %dma_start3A_1166 = arith.constant 0 : i32
    %dma_start3A_1167 = arith.constant 0 : i32
    %dma_start3A_1168 = tpu.memref_slice %arg11[%dma_start3A_1165, %dma_start3A_1166, %dma_start3A_1167] : memref<2x128x128xf32, #tpu.memory_space<vmem>> -> memref<1x128x128xf32, #tpu.memory_space<vmem>>
    %dma_start3A_1169 = tpu.memref_squeeze %dma_start3A_1168 : memref<1x128x128xf32, #tpu.memory_space<vmem>> -> memref<128x128xf32, #tpu.memory_space<vmem>>
    %dma_start3A_1170 = arith.constant 0 : i32
    %dma_start3A_1171 = tpu.memref_slice %arg10[%dma_start3A_1164, %dma_start3A_1170] : memref<2x128xi32, #tpu.memory_space<vmem>> -> memref<1x128xi32, #tpu.memory_space<vmem>>
    %dma_start3A_1172 = tpu.memref_squeeze %dma_start3A_1171 : memref<1x128xi32, #tpu.memory_space<vmem>> -> memref<128xi32, #tpu.memory_space<vmem>>
    %dma_start3A_1173 = arith.constant 0 : i32
    %dma_start3A_1174 = arith.constant 0 : i32
    %dma_start3A_1175 = tpu.memref_slice %arg3[%dma_start3A_1173, %dma_start3A_1174] : memref<8192x128xf32, #tpu.memory_space<hbm>> -> memref<8192x128xf32, #tpu.memory_space<hbm>>
    tpu.enqueue_indirect_dma source(%dma_start3A_1175 : memref<8192x128xf32, #tpu.memory_space<hbm>>) target(%dma_start3A_1169 : memref<128x128xf32, #tpu.memory_space<vmem>>) offsets(%dma_start3A_1172 : memref<128xi32, #tpu.memory_space<vmem>>) semaphore(%arg13 : memref<!tpu.dma_semaphore, #tpu.memory_space<semaphore_mem>>)
    %dma_wait3A_1176 = arith.constant 0 : i32
    %dma_wait3A_1177 = arith.constant 0 : i32
    %dma_wait3A_1178 = arith.constant 0 : i32
    %dma_wait3A_1179 = arith.constant 0 : i32
    %dma_wait3A_1180 = tpu.memref_slice %arg11[%dma_wait3A_1177, %dma_wait3A_1178, %dma_wait3A_1179] : memref<2x128x128xf32, #tpu.memory_space<vmem>> -> memref<1x128x128xf32, #tpu.memory_space<vmem>>
    %dma_wait3A_1181 = tpu.memref_squeeze %dma_wait3A_1180 : memref<1x128x128xf32, #tpu.memory_space<vmem>> -> memref<128x128xf32, #tpu.memory_space<vmem>>
    %dma_wait3A_1182 = arith.constant 0 : i32
    %dma_wait3A_1183 = tpu.memref_slice %arg10[%dma_wait3A_1176, %dma_wait3A_1182] : memref<2x128xi32, #tpu.memory_space<vmem>> -> memref<1x128xi32, #tpu.memory_space<vmem>>
    %dma_wait3A_1184 = tpu.memref_squeeze %dma_wait3A_1183 : memref<1x128xi32, #tpu.memory_space<vmem>> -> memref<128xi32, #tpu.memory_space<vmem>>
    %dma_wait3A_1185 = arith.constant 0 : i32
    %dma_wait3A_1186 = arith.constant 0 : i32
    %dma_wait3A_1187 = tpu.memref_slice %arg3[%dma_wait3A_1185, %dma_wait3A_1186] : memref<8192x128xf32, #tpu.memory_space<hbm>> -> memref<8192x128xf32, #tpu.memory_space<hbm>>
    tpu.wait_indirect_dma semaphore(%arg12 : memref<!tpu.dma_semaphore, #tpu.memory_space<semaphore_mem>>) src(%dma_wait3A_1187 : memref<8192x128xf32, #tpu.memory_space<hbm>>) dst(%dma_wait3A_1181 : memref<128x128xf32, #tpu.memory_space<vmem>>)
    %mul3A_1188 = arith.constant 2048 : i32
    %mul3A_1189 = arith.muli %add3A, %mul3A_1188 : i32
    %add3A_1190 = arith.constant 1280 : i32
    %add3A_1191 = arith.addi %mul3A_1189, %add3A_1190 : i32
    %dma_start3A_1192 = arith.constant 0 : i32
    %dma_start3A_1193 = arith.constant 0 : i32
    %dma_start3A_1194 = arith.constant 0 : i32
    %dma_start3A_1195 = tpu.memref_slice %arg11[%dma_start3A_1192, %dma_start3A_1193, %dma_start3A_1194] : memref<2x128x128xf32, #tpu.memory_space<vmem>> -> memref<1x128x128xf32, #tpu.memory_space<vmem>>
    %dma_start3A_1196 = tpu.memref_squeeze %dma_start3A_1195 : memref<1x128x128xf32, #tpu.memory_space<vmem>> -> memref<128x128xf32, #tpu.memory_space<vmem>>
    %dma_start3A_1197 = arith.constant 0 : i32
    %dma_start3A_1198 = tpu.memref_slice %arg4[%add3A_1191, %dma_start3A_1197] : memref<65536x128xf32, #tpu.memory_space<hbm>> -> memref<128x128xf32, #tpu.memory_space<hbm>>
    %dma_start3A_1199 = arith.constant 0 : i32
    %dma_start3A_1200 = tpu.memref_slice %arg4[%add3A_1191, %dma_start3A_1199] : memref<65536x128xf32, #tpu.memory_space<hbm>> -> memref<128x128xf32, #tpu.memory_space<hbm>>
    %dma_start3A_1201 = arith.constant 0 : i32
    %dma_start3A_1202 = arith.constant 0 : i32
    %dma_start3A_1203 = tpu.memref_slice %arg11[%dma_start3A_1192, %dma_start3A_1201, %dma_start3A_1202] : memref<2x128x128xf32, #tpu.memory_space<vmem>> -> memref<1x128x128xf32, #tpu.memory_space<vmem>>
    %dma_start3A_1204 = tpu.memref_squeeze %dma_start3A_1203 : memref<1x128x128xf32, #tpu.memory_space<vmem>> -> memref<128x128xf32, #tpu.memory_space<vmem>>
    tpu.enqueue_dma source(%dma_start3A_1204 : memref<128x128xf32, #tpu.memory_space<vmem>>) target(%dma_start3A_1200 : memref<128x128xf32, #tpu.memory_space<hbm>>) target_semaphore(%arg14 : memref<!tpu.dma_semaphore, #tpu.memory_space<semaphore_mem>>)
    %dma_wait3A_1205 = arith.constant 0 : i32
    %dma_wait3A_1206 = arith.constant 0 : i32
    %dma_wait3A_1207 = arith.constant 0 : i32
    %dma_wait3A_1208 = tpu.memref_slice %arg11[%dma_wait3A_1205, %dma_wait3A_1206, %dma_wait3A_1207] : memref<2x128x128xf32, #tpu.memory_space<vmem>> -> memref<1x128x128xf32, #tpu.memory_space<vmem>>
    %dma_wait3A_1209 = tpu.memref_squeeze %dma_wait3A_1208 : memref<1x128x128xf32, #tpu.memory_space<vmem>> -> memref<128x128xf32, #tpu.memory_space<vmem>>
    %dma_wait3A_1210 = arith.constant 0 : i32
    %dma_wait3A_1211 = tpu.memref_slice %arg4[%add3A_1191, %dma_wait3A_1210] : memref<65536x128xf32, #tpu.memory_space<hbm>> -> memref<128x128xf32, #tpu.memory_space<hbm>>
    %dma_wait3A_1212 = arith.constant 0 : i32
    %dma_wait3A_1213 = tpu.memref_slice %arg4[%add3A_1191, %dma_wait3A_1212] : memref<65536x128xf32, #tpu.memory_space<hbm>> -> memref<128x128xf32, #tpu.memory_space<hbm>>
    %dma_wait3A_1214 = arith.constant 0 : i32
    %dma_wait3A_1215 = arith.constant 0 : i32
    %dma_wait3A_1216 = tpu.memref_slice %arg11[%dma_wait3A_1205, %dma_wait3A_1214, %dma_wait3A_1215] : memref<2x128x128xf32, #tpu.memory_space<vmem>> -> memref<1x128x128xf32, #tpu.memory_space<vmem>>
    %dma_wait3A_1217 = tpu.memref_squeeze %dma_wait3A_1216 : memref<1x128x128xf32, #tpu.memory_space<vmem>> -> memref<128x128xf32, #tpu.memory_space<vmem>>
    tpu.wait_dma2 semaphore(%arg14 : memref<!tpu.dma_semaphore, #tpu.memory_space<semaphore_mem>>) src(%dma_wait3A_1217 : memref<128x128xf32, #tpu.memory_space<vmem>>) dst(%dma_wait3A_1213 : memref<128x128xf32, #tpu.memory_space<hbm>>)
    %get3A_1218 = arith.constant 1536 : index
    %get3A_1219 = tpu.vector_load %arg9[%get3A_1218] {strides = array<i32>} : memref<2048xi32, #tpu.memory_space<vmem>>, vector<16xi32>,
    %swap3A_1220 = arith.constant 0 : i32
    %swap3A_1221 = arith.index_cast %swap3A_1220 : i32 to index
    %swap3A_1222 = arith.constant 0 : index
    %swap3A_1223 = tpu.vector_load %arg10[%swap3A_1221, %swap3A_1222] {strides = array<i32>} : memref<2x128xi32, #tpu.memory_space<vmem>>, vector<16xi32>,
    tpu.vector_store %arg10[%swap3A_1221, %swap3A_1222], %get3A_1219 {strides = array<i32>} : memref<2x128xi32, #tpu.memory_space<vmem>>, vector<16xi32>,
    %get3A_1224 = arith.constant 1552 : index
    %get3A_1225 = tpu.vector_load %arg9[%get3A_1224] {strides = array<i32>} : memref<2048xi32, #tpu.memory_space<vmem>>, vector<16xi32>,
    %swap3A_1226 = arith.constant 0 : i32
    %swap3A_1227 = arith.index_cast %swap3A_1226 : i32 to index
    %swap3A_1228 = arith.constant 16 : index
    %swap3A_1229 = tpu.vector_load %arg10[%swap3A_1227, %swap3A_1228] {strides = array<i32>} : memref<2x128xi32, #tpu.memory_space<vmem>>, vector<16xi32>,
    tpu.vector_store %arg10[%swap3A_1227, %swap3A_1228], %get3A_1225 {strides = array<i32>} : memref<2x128xi32, #tpu.memory_space<vmem>>, vector<16xi32>,
    %get3A_1230 = arith.constant 1568 : index
    %get3A_1231 = tpu.vector_load %arg9[%get3A_1230] {strides = array<i32>} : memref<2048xi32, #tpu.memory_space<vmem>>, vector<16xi32>,
    %swap3A_1232 = arith.constant 0 : i32
    %swap3A_1233 = arith.index_cast %swap3A_1232 : i32 to index
    %swap3A_1234 = arith.constant 32 : index
    %swap3A_1235 = tpu.vector_load %arg10[%swap3A_1233, %swap3A_1234] {strides = array<i32>} : memref<2x128xi32, #tpu.memory_space<vmem>>, vector<16xi32>,
    tpu.vector_store %arg10[%swap3A_1233, %swap3A_1234], %get3A_1231 {strides = array<i32>} : memref<2x128xi32, #tpu.memory_space<vmem>>, vector<16xi32>,
    %get3A_1236 = arith.constant 1584 : index
    %get3A_1237 = tpu.vector_load %arg9[%get3A_1236] {strides = array<i32>} : memref<2048xi32, #tpu.memory_space<vmem>>, vector<16xi32>,
    %swap3A_1238 = arith.constant 0 : i32
    %swap3A_1239 = arith.index_cast %swap3A_1238 : i32 to index
    %swap3A_1240 = arith.constant 48 : index
    %swap3A_1241 = tpu.vector_load %arg10[%swap3A_1239, %swap3A_1240] {strides = array<i32>} : memref<2x128xi32, #tpu.memory_space<vmem>>, vector<16xi32>,
    tpu.vector_store %arg10[%swap3A_1239, %swap3A_1240], %get3A_1237 {strides = array<i32>} : memref<2x128xi32, #tpu.memory_space<vmem>>, vector<16xi32>,
    %get3A_1242 = arith.constant 1600 : index
    %get3A_1243 = tpu.vector_load %arg9[%get3A_1242] {strides = array<i32>} : memref<2048xi32, #tpu.memory_space<vmem>>, vector<16xi32>,
    %swap3A_1244 = arith.constant 0 : i32
    %swap3A_1245 = arith.index_cast %swap3A_1244 : i32 to index
    %swap3A_1246 = arith.constant 64 : index
    %swap3A_1247 = tpu.vector_load %arg10[%swap3A_1245, %swap3A_1246] {strides = array<i32>} : memref<2x128xi32, #tpu.memory_space<vmem>>, vector<16xi32>,
    tpu.vector_store %arg10[%swap3A_1245, %swap3A_1246], %get3A_1243 {strides = array<i32>} : memref<2x128xi32, #tpu.memory_space<vmem>>, vector<16xi32>,
    %get3A_1248 = arith.constant 1616 : index
    %get3A_1249 = tpu.vector_load %arg9[%get3A_1248] {strides = array<i32>} : memref<2048xi32, #tpu.memory_space<vmem>>, vector<16xi32>,
    %swap3A_1250 = arith.constant 0 : i32
    %swap3A_1251 = arith.index_cast %swap3A_1250 : i32 to index
    %swap3A_1252 = arith.constant 80 : index
    %swap3A_1253 = tpu.vector_load %arg10[%swap3A_1251, %swap3A_1252] {strides = array<i32>} : memref<2x128xi32, #tpu.memory_space<vmem>>, vector<16xi32>,
    tpu.vector_store %arg10[%swap3A_1251, %swap3A_1252], %get3A_1249 {strides = array<i32>} : memref<2x128xi32, #tpu.memory_space<vmem>>, vector<16xi32>,
    %get3A_1254 = arith.constant 1632 : index
    %get3A_1255 = tpu.vector_load %arg9[%get3A_1254] {strides = array<i32>} : memref<2048xi32, #tpu.memory_space<vmem>>, vector<16xi32>,
    %swap3A_1256 = arith.constant 0 : i32
    %swap3A_1257 = arith.index_cast %swap3A_1256 : i32 to index
    %swap3A_1258 = arith.constant 96 : index
    %swap3A_1259 = tpu.vector_load %arg10[%swap3A_1257, %swap3A_1258] {strides = array<i32>} : memref<2x128xi32, #tpu.memory_space<vmem>>, vector<16xi32>,
    tpu.vector_store %arg10[%swap3A_1257, %swap3A_1258], %get3A_1255 {strides = array<i32>} : memref<2x128xi32, #tpu.memory_space<vmem>>, vector<16xi32>,
    %get3A_1260 = arith.constant 1648 : index
    %get3A_1261 = tpu.vector_load %arg9[%get3A_1260] {strides = array<i32>} : memref<2048xi32, #tpu.memory_space<vmem>>, vector<16xi32>,
    %swap3A_1262 = arith.constant 0 : i32
    %swap3A_1263 = arith.index_cast %swap3A_1262 : i32 to index
    %swap3A_1264 = arith.constant 112 : index
    %swap3A_1265 = tpu.vector_load %arg10[%swap3A_1263, %swap3A_1264] {strides = array<i32>} : memref<2x128xi32, #tpu.memory_space<vmem>>, vector<16xi32>,
    tpu.vector_store %arg10[%swap3A_1263, %swap3A_1264], %get3A_1261 {strides = array<i32>} : memref<2x128xi32, #tpu.memory_space<vmem>>, vector<16xi32>,
    %dma_start3A_1266 = arith.constant 0 : i32
    %dma_start3A_1267 = arith.constant 0 : i32
    %dma_start3A_1268 = arith.constant 0 : i32
    %dma_start3A_1269 = arith.constant 0 : i32
    %dma_start3A_1270 = tpu.memref_slice %arg11[%dma_start3A_1267, %dma_start3A_1268, %dma_start3A_1269] : memref<2x128x128xf32, #tpu.memory_space<vmem>> -> memref<1x128x128xf32, #tpu.memory_space<vmem>>
    %dma_start3A_1271 = tpu.memref_squeeze %dma_start3A_1270 : memref<1x128x128xf32, #tpu.memory_space<vmem>> -> memref<128x128xf32, #tpu.memory_space<vmem>>
    %dma_start3A_1272 = arith.constant 0 : i32
    %dma_start3A_1273 = tpu.memref_slice %arg10[%dma_start3A_1266, %dma_start3A_1272] : memref<2x128xi32, #tpu.memory_space<vmem>> -> memref<1x128xi32, #tpu.memory_space<vmem>>
    %dma_start3A_1274 = tpu.memref_squeeze %dma_start3A_1273 : memref<1x128xi32, #tpu.memory_space<vmem>> -> memref<128xi32, #tpu.memory_space<vmem>>
    %dma_start3A_1275 = arith.constant 0 : i32
    %dma_start3A_1276 = arith.constant 0 : i32
    %dma_start3A_1277 = tpu.memref_slice %arg3[%dma_start3A_1275, %dma_start3A_1276] : memref<8192x128xf32, #tpu.memory_space<hbm>> -> memref<8192x128xf32, #tpu.memory_space<hbm>>
    tpu.enqueue_indirect_dma source(%dma_start3A_1277 : memref<8192x128xf32, #tpu.memory_space<hbm>>) target(%dma_start3A_1271 : memref<128x128xf32, #tpu.memory_space<vmem>>) offsets(%dma_start3A_1274 : memref<128xi32, #tpu.memory_space<vmem>>) semaphore(%arg12 : memref<!tpu.dma_semaphore, #tpu.memory_space<semaphore_mem>>)
    %dma_wait3A_1278 = arith.constant 1 : i32
    %dma_wait3A_1279 = arith.constant 1 : i32
    %dma_wait3A_1280 = arith.constant 0 : i32
    %dma_wait3A_1281 = arith.constant 0 : i32
    %dma_wait3A_1282 = tpu.memref_slice %arg11[%dma_wait3A_1279, %dma_wait3A_1280, %dma_wait3A_1281] : memref<2x128x128xf32, #tpu.memory_space<vmem>> -> memref<1x128x128xf32, #tpu.memory_space<vmem>>
    %dma_wait3A_1283 = tpu.memref_squeeze %dma_wait3A_1282 : memref<1x128x128xf32, #tpu.memory_space<vmem>> -> memref<128x128xf32, #tpu.memory_space<vmem>>
    %dma_wait3A_1284 = arith.constant 0 : i32
    %dma_wait3A_1285 = tpu.memref_slice %arg10[%dma_wait3A_1278, %dma_wait3A_1284] : memref<2x128xi32, #tpu.memory_space<vmem>> -> memref<1x128xi32, #tpu.memory_space<vmem>>
    %dma_wait3A_1286 = tpu.memref_squeeze %dma_wait3A_1285 : memref<1x128xi32, #tpu.memory_space<vmem>> -> memref<128xi32, #tpu.memory_space<vmem>>
    %dma_wait3A_1287 = arith.constant 0 : i32
    %dma_wait3A_1288 = arith.constant 0 : i32
    %dma_wait3A_1289 = tpu.memref_slice %arg3[%dma_wait3A_1287, %dma_wait3A_1288] : memref<8192x128xf32, #tpu.memory_space<hbm>> -> memref<8192x128xf32, #tpu.memory_space<hbm>>
    tpu.wait_indirect_dma semaphore(%arg13 : memref<!tpu.dma_semaphore, #tpu.memory_space<semaphore_mem>>) src(%dma_wait3A_1289 : memref<8192x128xf32, #tpu.memory_space<hbm>>) dst(%dma_wait3A_1283 : memref<128x128xf32, #tpu.memory_space<vmem>>)
    %mul3A_1290 = arith.constant 2048 : i32
    %mul3A_1291 = arith.muli %add3A, %mul3A_1290 : i32
    %add3A_1292 = arith.constant 1408 : i32
    %add3A_1293 = arith.addi %mul3A_1291, %add3A_1292 : i32
    %dma_start3A_1294 = arith.constant 1 : i32
    %dma_start3A_1295 = arith.constant 0 : i32
    %dma_start3A_1296 = arith.constant 0 : i32
    %dma_start3A_1297 = tpu.memref_slice %arg11[%dma_start3A_1294, %dma_start3A_1295, %dma_start3A_1296] : memref<2x128x128xf32, #tpu.memory_space<vmem>> -> memref<1x128x128xf32, #tpu.memory_space<vmem>>
    %dma_start3A_1298 = tpu.memref_squeeze %dma_start3A_1297 : memref<1x128x128xf32, #tpu.memory_space<vmem>> -> memref<128x128xf32, #tpu.memory_space<vmem>>
    %dma_start3A_1299 = arith.constant 0 : i32
    %dma_start3A_1300 = tpu.memref_slice %arg4[%add3A_1293, %dma_start3A_1299] : memref<65536x128xf32, #tpu.memory_space<hbm>> -> memref<128x128xf32, #tpu.memory_space<hbm>>
    %dma_start3A_1301 = arith.constant 0 : i32
    %dma_start3A_1302 = tpu.memref_slice %arg4[%add3A_1293, %dma_start3A_1301] : memref<65536x128xf32, #tpu.memory_space<hbm>> -> memref<128x128xf32, #tpu.memory_space<hbm>>
    %dma_start3A_1303 = arith.constant 0 : i32
    %dma_start3A_1304 = arith.constant 0 : i32
    %dma_start3A_1305 = tpu.memref_slice %arg11[%dma_start3A_1294, %dma_start3A_1303, %dma_start3A_1304] : memref<2x128x128xf32, #tpu.memory_space<vmem>> -> memref<1x128x128xf32, #tpu.memory_space<vmem>>
    %dma_start3A_1306 = tpu.memref_squeeze %dma_start3A_1305 : memref<1x128x128xf32, #tpu.memory_space<vmem>> -> memref<128x128xf32, #tpu.memory_space<vmem>>
    tpu.enqueue_dma source(%dma_start3A_1306 : memref<128x128xf32, #tpu.memory_space<vmem>>) target(%dma_start3A_1302 : memref<128x128xf32, #tpu.memory_space<hbm>>) target_semaphore(%arg15 : memref<!tpu.dma_semaphore, #tpu.memory_space<semaphore_mem>>)
    %dma_wait3A_1307 = arith.constant 1 : i32
    %dma_wait3A_1308 = arith.constant 0 : i32
    %dma_wait3A_1309 = arith.constant 0 : i32
    %dma_wait3A_1310 = tpu.memref_slice %arg11[%dma_wait3A_1307, %dma_wait3A_1308, %dma_wait3A_1309] : memref<2x128x128xf32, #tpu.memory_space<vmem>> -> memref<1x128x128xf32, #tpu.memory_space<vmem>>
    %dma_wait3A_1311 = tpu.memref_squeeze %dma_wait3A_1310 : memref<1x128x128xf32, #tpu.memory_space<vmem>> -> memref<128x128xf32, #tpu.memory_space<vmem>>
    %dma_wait3A_1312 = arith.constant 0 : i32
    %dma_wait3A_1313 = tpu.memref_slice %arg4[%add3A_1293, %dma_wait3A_1312] : memref<65536x128xf32, #tpu.memory_space<hbm>> -> memref<128x128xf32, #tpu.memory_space<hbm>>
    %dma_wait3A_1314 = arith.constant 0 : i32
    %dma_wait3A_1315 = tpu.memref_slice %arg4[%add3A_1293, %dma_wait3A_1314] : memref<65536x128xf32, #tpu.memory_space<hbm>> -> memref<128x128xf32, #tpu.memory_space<hbm>>
    %dma_wait3A_1316 = arith.constant 0 : i32
    %dma_wait3A_1317 = arith.constant 0 : i32
    %dma_wait3A_1318 = tpu.memref_slice %arg11[%dma_wait3A_1307, %dma_wait3A_1316, %dma_wait3A_1317] : memref<2x128x128xf32, #tpu.memory_space<vmem>> -> memref<1x128x128xf32, #tpu.memory_space<vmem>>
    %dma_wait3A_1319 = tpu.memref_squeeze %dma_wait3A_1318 : memref<1x128x128xf32, #tpu.memory_space<vmem>> -> memref<128x128xf32, #tpu.memory_space<vmem>>
    tpu.wait_dma2 semaphore(%arg15 : memref<!tpu.dma_semaphore, #tpu.memory_space<semaphore_mem>>) src(%dma_wait3A_1319 : memref<128x128xf32, #tpu.memory_space<vmem>>) dst(%dma_wait3A_1315 : memref<128x128xf32, #tpu.memory_space<hbm>>)
    %get3A_1320 = arith.constant 1664 : index
    %get3A_1321 = tpu.vector_load %arg9[%get3A_1320] {strides = array<i32>} : memref<2048xi32, #tpu.memory_space<vmem>>, vector<16xi32>,
    %swap3A_1322 = arith.constant 1 : i32
    %swap3A_1323 = arith.index_cast %swap3A_1322 : i32 to index
    %swap3A_1324 = arith.constant 0 : index
    %swap3A_1325 = tpu.vector_load %arg10[%swap3A_1323, %swap3A_1324] {strides = array<i32>} : memref<2x128xi32, #tpu.memory_space<vmem>>, vector<16xi32>,
    tpu.vector_store %arg10[%swap3A_1323, %swap3A_1324], %get3A_1321 {strides = array<i32>} : memref<2x128xi32, #tpu.memory_space<vmem>>, vector<16xi32>,
    %get3A_1326 = arith.constant 1680 : index
    %get3A_1327 = tpu.vector_load %arg9[%get3A_1326] {strides = array<i32>} : memref<2048xi32, #tpu.memory_space<vmem>>, vector<16xi32>,
    %swap3A_1328 = arith.constant 1 : i32
    %swap3A_1329 = arith.index_cast %swap3A_1328 : i32 to index
    %swap3A_1330 = arith.constant 16 : index
    %swap3A_1331 = tpu.vector_load %arg10[%swap3A_1329, %swap3A_1330] {strides = array<i32>} : memref<2x128xi32, #tpu.memory_space<vmem>>, vector<16xi32>,
    tpu.vector_store %arg10[%swap3A_1329, %swap3A_1330], %get3A_1327 {strides = array<i32>} : memref<2x128xi32, #tpu.memory_space<vmem>>, vector<16xi32>,
    %get3A_1332 = arith.constant 1696 : index
    %get3A_1333 = tpu.vector_load %arg9[%get3A_1332] {strides = array<i32>} : memref<2048xi32, #tpu.memory_space<vmem>>, vector<16xi32>,
    %swap3A_1334 = arith.constant 1 : i32
    %swap3A_1335 = arith.index_cast %swap3A_1334 : i32 to index
    %swap3A_1336 = arith.constant 32 : index
    %swap3A_1337 = tpu.vector_load %arg10[%swap3A_1335, %swap3A_1336] {strides = array<i32>} : memref<2x128xi32, #tpu.memory_space<vmem>>, vector<16xi32>,
    tpu.vector_store %arg10[%swap3A_1335, %swap3A_1336], %get3A_1333 {strides = array<i32>} : memref<2x128xi32, #tpu.memory_space<vmem>>, vector<16xi32>,
    %get3A_1338 = arith.constant 1712 : index
    %get3A_1339 = tpu.vector_load %arg9[%get3A_1338] {strides = array<i32>} : memref<2048xi32, #tpu.memory_space<vmem>>, vector<16xi32>,
    %swap3A_1340 = arith.constant 1 : i32
    %swap3A_1341 = arith.index_cast %swap3A_1340 : i32 to index
    %swap3A_1342 = arith.constant 48 : index
    %swap3A_1343 = tpu.vector_load %arg10[%swap3A_1341, %swap3A_1342] {strides = array<i32>} : memref<2x128xi32, #tpu.memory_space<vmem>>, vector<16xi32>,
    tpu.vector_store %arg10[%swap3A_1341, %swap3A_1342], %get3A_1339 {strides = array<i32>} : memref<2x128xi32, #tpu.memory_space<vmem>>, vector<16xi32>,
    %get3A_1344 = arith.constant 1728 : index
    %get3A_1345 = tpu.vector_load %arg9[%get3A_1344] {strides = array<i32>} : memref<2048xi32, #tpu.memory_space<vmem>>, vector<16xi32>,
    %swap3A_1346 = arith.constant 1 : i32
    %swap3A_1347 = arith.index_cast %swap3A_1346 : i32 to index
    %swap3A_1348 = arith.constant 64 : index
    %swap3A_1349 = tpu.vector_load %arg10[%swap3A_1347, %swap3A_1348] {strides = array<i32>} : memref<2x128xi32, #tpu.memory_space<vmem>>, vector<16xi32>,
    tpu.vector_store %arg10[%swap3A_1347, %swap3A_1348], %get3A_1345 {strides = array<i32>} : memref<2x128xi32, #tpu.memory_space<vmem>>, vector<16xi32>,
    %get3A_1350 = arith.constant 1744 : index
    %get3A_1351 = tpu.vector_load %arg9[%get3A_1350] {strides = array<i32>} : memref<2048xi32, #tpu.memory_space<vmem>>, vector<16xi32>,
    %swap3A_1352 = arith.constant 1 : i32
    %swap3A_1353 = arith.index_cast %swap3A_1352 : i32 to index
    %swap3A_1354 = arith.constant 80 : index
    %swap3A_1355 = tpu.vector_load %arg10[%swap3A_1353, %swap3A_1354] {strides = array<i32>} : memref<2x128xi32, #tpu.memory_space<vmem>>, vector<16xi32>,
    tpu.vector_store %arg10[%swap3A_1353, %swap3A_1354], %get3A_1351 {strides = array<i32>} : memref<2x128xi32, #tpu.memory_space<vmem>>, vector<16xi32>,
    %get3A_1356 = arith.constant 1760 : index
    %get3A_1357 = tpu.vector_load %arg9[%get3A_1356] {strides = array<i32>} : memref<2048xi32, #tpu.memory_space<vmem>>, vector<16xi32>,
    %swap3A_1358 = arith.constant 1 : i32
    %swap3A_1359 = arith.index_cast %swap3A_1358 : i32 to index
    %swap3A_1360 = arith.constant 96 : index
    %swap3A_1361 = tpu.vector_load %arg10[%swap3A_1359, %swap3A_1360] {strides = array<i32>} : memref<2x128xi32, #tpu.memory_space<vmem>>, vector<16xi32>,
    tpu.vector_store %arg10[%swap3A_1359, %swap3A_1360], %get3A_1357 {strides = array<i32>} : memref<2x128xi32, #tpu.memory_space<vmem>>, vector<16xi32>,
    %get3A_1362 = arith.constant 1776 : index
    %get3A_1363 = tpu.vector_load %arg9[%get3A_1362] {strides = array<i32>} : memref<2048xi32, #tpu.memory_space<vmem>>, vector<16xi32>,
    %swap3A_1364 = arith.constant 1 : i32
    %swap3A_1365 = arith.index_cast %swap3A_1364 : i32 to index
    %swap3A_1366 = arith.constant 112 : index
    %swap3A_1367 = tpu.vector_load %arg10[%swap3A_1365, %swap3A_1366] {strides = array<i32>} : memref<2x128xi32, #tpu.memory_space<vmem>>, vector<16xi32>,
    tpu.vector_store %arg10[%swap3A_1365, %swap3A_1366], %get3A_1363 {strides = array<i32>} : memref<2x128xi32, #tpu.memory_space<vmem>>, vector<16xi32>,
    %dma_start3A_1368 = arith.constant 1 : i32
    %dma_start3A_1369 = arith.constant 1 : i32
    %dma_start3A_1370 = arith.constant 0 : i32
    %dma_start3A_1371 = arith.constant 0 : i32
    %dma_start3A_1372 = tpu.memref_slice %arg11[%dma_start3A_1369, %dma_start3A_1370, %dma_start3A_1371] : memref<2x128x128xf32, #tpu.memory_space<vmem>> -> memref<1x128x128xf32, #tpu.memory_space<vmem>>
    %dma_start3A_1373 = tpu.memref_squeeze %dma_start3A_1372 : memref<1x128x128xf32, #tpu.memory_space<vmem>> -> memref<128x128xf32, #tpu.memory_space<vmem>>
    %dma_start3A_1374 = arith.constant 0 : i32
    %dma_start3A_1375 = tpu.memref_slice %arg10[%dma_start3A_1368, %dma_start3A_1374] : memref<2x128xi32, #tpu.memory_space<vmem>> -> memref<1x128xi32, #tpu.memory_space<vmem>>
    %dma_start3A_1376 = tpu.memref_squeeze %dma_start3A_1375 : memref<1x128xi32, #tpu.memory_space<vmem>> -> memref<128xi32, #tpu.memory_space<vmem>>
    %dma_start3A_1377 = arith.constant 0 : i32
    %dma_start3A_1378 = arith.constant 0 : i32
    %dma_start3A_1379 = tpu.memref_slice %arg3[%dma_start3A_1377, %dma_start3A_1378] : memref<8192x128xf32, #tpu.memory_space<hbm>> -> memref<8192x128xf32, #tpu.memory_space<hbm>>
    tpu.enqueue_indirect_dma source(%dma_start3A_1379 : memref<8192x128xf32, #tpu.memory_space<hbm>>) target(%dma_start3A_1373 : memref<128x128xf32, #tpu.memory_space<vmem>>) offsets(%dma_start3A_1376 : memref<128xi32, #tpu.memory_space<vmem>>) semaphore(%arg13 : memref<!tpu.dma_semaphore, #tpu.memory_space<semaphore_mem>>)
    %dma_wait3A_1380 = arith.constant 0 : i32
    %dma_wait3A_1381 = arith.constant 0 : i32
    %dma_wait3A_1382 = arith.constant 0 : i32
    %dma_wait3A_1383 = arith.constant 0 : i32
    %dma_wait3A_1384 = tpu.memref_slice %arg11[%dma_wait3A_1381, %dma_wait3A_1382, %dma_wait3A_1383] : memref<2x128x128xf32, #tpu.memory_space<vmem>> -> memref<1x128x128xf32, #tpu.memory_space<vmem>>
    %dma_wait3A_1385 = tpu.memref_squeeze %dma_wait3A_1384 : memref<1x128x128xf32, #tpu.memory_space<vmem>> -> memref<128x128xf32, #tpu.memory_space<vmem>>
    %dma_wait3A_1386 = arith.constant 0 : i32
    %dma_wait3A_1387 = tpu.memref_slice %arg10[%dma_wait3A_1380, %dma_wait3A_1386] : memref<2x128xi32, #tpu.memory_space<vmem>> -> memref<1x128xi32, #tpu.memory_space<vmem>>
    %dma_wait3A_1388 = tpu.memref_squeeze %dma_wait3A_1387 : memref<1x128xi32, #tpu.memory_space<vmem>> -> memref<128xi32, #tpu.memory_space<vmem>>
    %dma_wait3A_1389 = arith.constant 0 : i32
    %dma_wait3A_1390 = arith.constant 0 : i32
    %dma_wait3A_1391 = tpu.memref_slice %arg3[%dma_wait3A_1389, %dma_wait3A_1390] : memref<8192x128xf32, #tpu.memory_space<hbm>> -> memref<8192x128xf32, #tpu.memory_space<hbm>>
    tpu.wait_indirect_dma semaphore(%arg12 : memref<!tpu.dma_semaphore, #tpu.memory_space<semaphore_mem>>) src(%dma_wait3A_1391 : memref<8192x128xf32, #tpu.memory_space<hbm>>) dst(%dma_wait3A_1385 : memref<128x128xf32, #tpu.memory_space<vmem>>)
    %mul3A_1392 = arith.constant 2048 : i32
    %mul3A_1393 = arith.muli %add3A, %mul3A_1392 : i32
    %add3A_1394 = arith.constant 1536 : i32
    %add3A_1395 = arith.addi %mul3A_1393, %add3A_1394 : i32
    %dma_start3A_1396 = arith.constant 0 : i32
    %dma_start3A_1397 = arith.constant 0 : i32
    %dma_start3A_1398 = arith.constant 0 : i32
    %dma_start3A_1399 = tpu.memref_slice %arg11[%dma_start3A_1396, %dma_start3A_1397, %dma_start3A_1398] : memref<2x128x128xf32, #tpu.memory_space<vmem>> -> memref<1x128x128xf32, #tpu.memory_space<vmem>>
    %dma_start3A_1400 = tpu.memref_squeeze %dma_start3A_1399 : memref<1x128x128xf32, #tpu.memory_space<vmem>> -> memref<128x128xf32, #tpu.memory_space<vmem>>
    %dma_start3A_1401 = arith.constant 0 : i32
    %dma_start3A_1402 = tpu.memref_slice %arg4[%add3A_1395, %dma_start3A_1401] : memref<65536x128xf32, #tpu.memory_space<hbm>> -> memref<128x128xf32, #tpu.memory_space<hbm>>
    %dma_start3A_1403 = arith.constant 0 : i32
    %dma_start3A_1404 = tpu.memref_slice %arg4[%add3A_1395, %dma_start3A_1403] : memref<65536x128xf32, #tpu.memory_space<hbm>> -> memref<128x128xf32, #tpu.memory_space<hbm>>
    %dma_start3A_1405 = arith.constant 0 : i32
    %dma_start3A_1406 = arith.constant 0 : i32
    %dma_start3A_1407 = tpu.memref_slice %arg11[%dma_start3A_1396, %dma_start3A_1405, %dma_start3A_1406] : memref<2x128x128xf32, #tpu.memory_space<vmem>> -> memref<1x128x128xf32, #tpu.memory_space<vmem>>
    %dma_start3A_1408 = tpu.memref_squeeze %dma_start3A_1407 : memref<1x128x128xf32, #tpu.memory_space<vmem>> -> memref<128x128xf32, #tpu.memory_space<vmem>>
    tpu.enqueue_dma source(%dma_start3A_1408 : memref<128x128xf32, #tpu.memory_space<vmem>>) target(%dma_start3A_1404 : memref<128x128xf32, #tpu.memory_space<hbm>>) target_semaphore(%arg14 : memref<!tpu.dma_semaphore, #tpu.memory_space<semaphore_mem>>)
    %dma_wait3A_1409 = arith.constant 0 : i32
    %dma_wait3A_1410 = arith.constant 0 : i32
    %dma_wait3A_1411 = arith.constant 0 : i32
    %dma_wait3A_1412 = tpu.memref_slice %arg11[%dma_wait3A_1409, %dma_wait3A_1410, %dma_wait3A_1411] : memref<2x128x128xf32, #tpu.memory_space<vmem>> -> memref<1x128x128xf32, #tpu.memory_space<vmem>>
    %dma_wait3A_1413 = tpu.memref_squeeze %dma_wait3A_1412 : memref<1x128x128xf32, #tpu.memory_space<vmem>> -> memref<128x128xf32, #tpu.memory_space<vmem>>
    %dma_wait3A_1414 = arith.constant 0 : i32
    %dma_wait3A_1415 = tpu.memref_slice %arg4[%add3A_1395, %dma_wait3A_1414] : memref<65536x128xf32, #tpu.memory_space<hbm>> -> memref<128x128xf32, #tpu.memory_space<hbm>>
    %dma_wait3A_1416 = arith.constant 0 : i32
    %dma_wait3A_1417 = tpu.memref_slice %arg4[%add3A_1395, %dma_wait3A_1416] : memref<65536x128xf32, #tpu.memory_space<hbm>> -> memref<128x128xf32, #tpu.memory_space<hbm>>
    %dma_wait3A_1418 = arith.constant 0 : i32
    %dma_wait3A_1419 = arith.constant 0 : i32
    %dma_wait3A_1420 = tpu.memref_slice %arg11[%dma_wait3A_1409, %dma_wait3A_1418, %dma_wait3A_1419] : memref<2x128x128xf32, #tpu.memory_space<vmem>> -> memref<1x128x128xf32, #tpu.memory_space<vmem>>
    %dma_wait3A_1421 = tpu.memref_squeeze %dma_wait3A_1420 : memref<1x128x128xf32, #tpu.memory_space<vmem>> -> memref<128x128xf32, #tpu.memory_space<vmem>>
    tpu.wait_dma2 semaphore(%arg14 : memref<!tpu.dma_semaphore, #tpu.memory_space<semaphore_mem>>) src(%dma_wait3A_1421 : memref<128x128xf32, #tpu.memory_space<vmem>>) dst(%dma_wait3A_1417 : memref<128x128xf32, #tpu.memory_space<hbm>>)
    %get3A_1422 = arith.constant 1792 : index
    %get3A_1423 = tpu.vector_load %arg9[%get3A_1422] {strides = array<i32>} : memref<2048xi32, #tpu.memory_space<vmem>>, vector<16xi32>,
    %swap3A_1424 = arith.constant 0 : i32
    %swap3A_1425 = arith.index_cast %swap3A_1424 : i32 to index
    %swap3A_1426 = arith.constant 0 : index
    %swap3A_1427 = tpu.vector_load %arg10[%swap3A_1425, %swap3A_1426] {strides = array<i32>} : memref<2x128xi32, #tpu.memory_space<vmem>>, vector<16xi32>,
    tpu.vector_store %arg10[%swap3A_1425, %swap3A_1426], %get3A_1423 {strides = array<i32>} : memref<2x128xi32, #tpu.memory_space<vmem>>, vector<16xi32>,
    %get3A_1428 = arith.constant 1808 : index
    %get3A_1429 = tpu.vector_load %arg9[%get3A_1428] {strides = array<i32>} : memref<2048xi32, #tpu.memory_space<vmem>>, vector<16xi32>,
    %swap3A_1430 = arith.constant 0 : i32
    %swap3A_1431 = arith.index_cast %swap3A_1430 : i32 to index
    %swap3A_1432 = arith.constant 16 : index
    %swap3A_1433 = tpu.vector_load %arg10[%swap3A_1431, %swap3A_1432] {strides = array<i32>} : memref<2x128xi32, #tpu.memory_space<vmem>>, vector<16xi32>,
    tpu.vector_store %arg10[%swap3A_1431, %swap3A_1432], %get3A_1429 {strides = array<i32>} : memref<2x128xi32, #tpu.memory_space<vmem>>, vector<16xi32>,
    %get3A_1434 = arith.constant 1824 : index
    %get3A_1435 = tpu.vector_load %arg9[%get3A_1434] {strides = array<i32>} : memref<2048xi32, #tpu.memory_space<vmem>>, vector<16xi32>,
    %swap3A_1436 = arith.constant 0 : i32
    %swap3A_1437 = arith.index_cast %swap3A_1436 : i32 to index
    %swap3A_1438 = arith.constant 32 : index
    %swap3A_1439 = tpu.vector_load %arg10[%swap3A_1437, %swap3A_1438] {strides = array<i32>} : memref<2x128xi32, #tpu.memory_space<vmem>>, vector<16xi32>,
    tpu.vector_store %arg10[%swap3A_1437, %swap3A_1438], %get3A_1435 {strides = array<i32>} : memref<2x128xi32, #tpu.memory_space<vmem>>, vector<16xi32>,
    %get3A_1440 = arith.constant 1840 : index
    %get3A_1441 = tpu.vector_load %arg9[%get3A_1440] {strides = array<i32>} : memref<2048xi32, #tpu.memory_space<vmem>>, vector<16xi32>,
    %swap3A_1442 = arith.constant 0 : i32
    %swap3A_1443 = arith.index_cast %swap3A_1442 : i32 to index
    %swap3A_1444 = arith.constant 48 : index
    %swap3A_1445 = tpu.vector_load %arg10[%swap3A_1443, %swap3A_1444] {strides = array<i32>} : memref<2x128xi32, #tpu.memory_space<vmem>>, vector<16xi32>,
    tpu.vector_store %arg10[%swap3A_1443, %swap3A_1444], %get3A_1441 {strides = array<i32>} : memref<2x128xi32, #tpu.memory_space<vmem>>, vector<16xi32>,
    %get3A_1446 = arith.constant 1856 : index
    %get3A_1447 = tpu.vector_load %arg9[%get3A_1446] {strides = array<i32>} : memref<2048xi32, #tpu.memory_space<vmem>>, vector<16xi32>,
    %swap3A_1448 = arith.constant 0 : i32
    %swap3A_1449 = arith.index_cast %swap3A_1448 : i32 to index
    %swap3A_1450 = arith.constant 64 : index
    %swap3A_1451 = tpu.vector_load %arg10[%swap3A_1449, %swap3A_1450] {strides = array<i32>} : memref<2x128xi32, #tpu.memory_space<vmem>>, vector<16xi32>,
    tpu.vector_store %arg10[%swap3A_1449, %swap3A_1450], %get3A_1447 {strides = array<i32>} : memref<2x128xi32, #tpu.memory_space<vmem>>, vector<16xi32>,
    %get3A_1452 = arith.constant 1872 : index
    %get3A_1453 = tpu.vector_load %arg9[%get3A_1452] {strides = array<i32>} : memref<2048xi32, #tpu.memory_space<vmem>>, vector<16xi32>,
    %swap3A_1454 = arith.constant 0 : i32
    %swap3A_1455 = arith.index_cast %swap3A_1454 : i32 to index
    %swap3A_1456 = arith.constant 80 : index
    %swap3A_1457 = tpu.vector_load %arg10[%swap3A_1455, %swap3A_1456] {strides = array<i32>} : memref<2x128xi32, #tpu.memory_space<vmem>>, vector<16xi32>,
    tpu.vector_store %arg10[%swap3A_1455, %swap3A_1456], %get3A_1453 {strides = array<i32>} : memref<2x128xi32, #tpu.memory_space<vmem>>, vector<16xi32>,
    %get3A_1458 = arith.constant 1888 : index
    %get3A_1459 = tpu.vector_load %arg9[%get3A_1458] {strides = array<i32>} : memref<2048xi32, #tpu.memory_space<vmem>>, vector<16xi32>,
    %swap3A_1460 = arith.constant 0 : i32
    %swap3A_1461 = arith.index_cast %swap3A_1460 : i32 to index
    %swap3A_1462 = arith.constant 96 : index
    %swap3A_1463 = tpu.vector_load %arg10[%swap3A_1461, %swap3A_1462] {strides = array<i32>} : memref<2x128xi32, #tpu.memory_space<vmem>>, vector<16xi32>,
    tpu.vector_store %arg10[%swap3A_1461, %swap3A_1462], %get3A_1459 {strides = array<i32>} : memref<2x128xi32, #tpu.memory_space<vmem>>, vector<16xi32>,
    %get3A_1464 = arith.constant 1904 : index
    %get3A_1465 = tpu.vector_load %arg9[%get3A_1464] {strides = array<i32>} : memref<2048xi32, #tpu.memory_space<vmem>>, vector<16xi32>,
    %swap3A_1466 = arith.constant 0 : i32
    %swap3A_1467 = arith.index_cast %swap3A_1466 : i32 to index
    %swap3A_1468 = arith.constant 112 : index
    %swap3A_1469 = tpu.vector_load %arg10[%swap3A_1467, %swap3A_1468] {strides = array<i32>} : memref<2x128xi32, #tpu.memory_space<vmem>>, vector<16xi32>,
    tpu.vector_store %arg10[%swap3A_1467, %swap3A_1468], %get3A_1465 {strides = array<i32>} : memref<2x128xi32, #tpu.memory_space<vmem>>, vector<16xi32>,
    %dma_start3A_1470 = arith.constant 0 : i32
    %dma_start3A_1471 = arith.constant 0 : i32
    %dma_start3A_1472 = arith.constant 0 : i32
    %dma_start3A_1473 = arith.constant 0 : i32
    %dma_start3A_1474 = tpu.memref_slice %arg11[%dma_start3A_1471, %dma_start3A_1472, %dma_start3A_1473] : memref<2x128x128xf32, #tpu.memory_space<vmem>> -> memref<1x128x128xf32, #tpu.memory_space<vmem>>
    %dma_start3A_1475 = tpu.memref_squeeze %dma_start3A_1474 : memref<1x128x128xf32, #tpu.memory_space<vmem>> -> memref<128x128xf32, #tpu.memory_space<vmem>>
    %dma_start3A_1476 = arith.constant 0 : i32
    %dma_start3A_1477 = tpu.memref_slice %arg10[%dma_start3A_1470, %dma_start3A_1476] : memref<2x128xi32, #tpu.memory_space<vmem>> -> memref<1x128xi32, #tpu.memory_space<vmem>>
    %dma_start3A_1478 = tpu.memref_squeeze %dma_start3A_1477 : memref<1x128xi32, #tpu.memory_space<vmem>> -> memref<128xi32, #tpu.memory_space<vmem>>
    %dma_start3A_1479 = arith.constant 0 : i32
    %dma_start3A_1480 = arith.constant 0 : i32
    %dma_start3A_1481 = tpu.memref_slice %arg3[%dma_start3A_1479, %dma_start3A_1480] : memref<8192x128xf32, #tpu.memory_space<hbm>> -> memref<8192x128xf32, #tpu.memory_space<hbm>>
    tpu.enqueue_indirect_dma source(%dma_start3A_1481 : memref<8192x128xf32, #tpu.memory_space<hbm>>) target(%dma_start3A_1475 : memref<128x128xf32, #tpu.memory_space<vmem>>) offsets(%dma_start3A_1478 : memref<128xi32, #tpu.memory_space<vmem>>) semaphore(%arg12 : memref<!tpu.dma_semaphore, #tpu.memory_space<semaphore_mem>>)
    %dma_wait3A_1482 = arith.constant 1 : i32
    %dma_wait3A_1483 = arith.constant 1 : i32
    %dma_wait3A_1484 = arith.constant 0 : i32
    %dma_wait3A_1485 = arith.constant 0 : i32
    %dma_wait3A_1486 = tpu.memref_slice %arg11[%dma_wait3A_1483, %dma_wait3A_1484, %dma_wait3A_1485] : memref<2x128x128xf32, #tpu.memory_space<vmem>> -> memref<1x128x128xf32, #tpu.memory_space<vmem>>
    %dma_wait3A_1487 = tpu.memref_squeeze %dma_wait3A_1486 : memref<1x128x128xf32, #tpu.memory_space<vmem>> -> memref<128x128xf32, #tpu.memory_space<vmem>>
    %dma_wait3A_1488 = arith.constant 0 : i32
    %dma_wait3A_1489 = tpu.memref_slice %arg10[%dma_wait3A_1482, %dma_wait3A_1488] : memref<2x128xi32, #tpu.memory_space<vmem>> -> memref<1x128xi32, #tpu.memory_space<vmem>>
    %dma_wait3A_1490 = tpu.memref_squeeze %dma_wait3A_1489 : memref<1x128xi32, #tpu.memory_space<vmem>> -> memref<128xi32, #tpu.memory_space<vmem>>
    %dma_wait3A_1491 = arith.constant 0 : i32
    %dma_wait3A_1492 = arith.constant 0 : i32
    %dma_wait3A_1493 = tpu.memref_slice %arg3[%dma_wait3A_1491, %dma_wait3A_1492] : memref<8192x128xf32, #tpu.memory_space<hbm>> -> memref<8192x128xf32, #tpu.memory_space<hbm>>
    tpu.wait_indirect_dma semaphore(%arg13 : memref<!tpu.dma_semaphore, #tpu.memory_space<semaphore_mem>>) src(%dma_wait3A_1493 : memref<8192x128xf32, #tpu.memory_space<hbm>>) dst(%dma_wait3A_1487 : memref<128x128xf32, #tpu.memory_space<vmem>>)
    %mul3A_1494 = arith.constant 2048 : i32
    %mul3A_1495 = arith.muli %add3A, %mul3A_1494 : i32
    %add3A_1496 = arith.constant 1664 : i32
    %add3A_1497 = arith.addi %mul3A_1495, %add3A_1496 : i32
    %dma_start3A_1498 = arith.constant 1 : i32
    %dma_start3A_1499 = arith.constant 0 : i32
    %dma_start3A_1500 = arith.constant 0 : i32
    %dma_start3A_1501 = tpu.memref_slice %arg11[%dma_start3A_1498, %dma_start3A_1499, %dma_start3A_1500] : memref<2x128x128xf32, #tpu.memory_space<vmem>> -> memref<1x128x128xf32, #tpu.memory_space<vmem>>
    %dma_start3A_1502 = tpu.memref_squeeze %dma_start3A_1501 : memref<1x128x128xf32, #tpu.memory_space<vmem>> -> memref<128x128xf32, #tpu.memory_space<vmem>>
    %dma_start3A_1503 = arith.constant 0 : i32
    %dma_start3A_1504 = tpu.memref_slice %arg4[%add3A_1497, %dma_start3A_1503] : memref<65536x128xf32, #tpu.memory_space<hbm>> -> memref<128x128xf32, #tpu.memory_space<hbm>>
    %dma_start3A_1505 = arith.constant 0 : i32
    %dma_start3A_1506 = tpu.memref_slice %arg4[%add3A_1497, %dma_start3A_1505] : memref<65536x128xf32, #tpu.memory_space<hbm>> -> memref<128x128xf32, #tpu.memory_space<hbm>>
    %dma_start3A_1507 = arith.constant 0 : i32
    %dma_start3A_1508 = arith.constant 0 : i32
    %dma_start3A_1509 = tpu.memref_slice %arg11[%dma_start3A_1498, %dma_start3A_1507, %dma_start3A_1508] : memref<2x128x128xf32, #tpu.memory_space<vmem>> -> memref<1x128x128xf32, #tpu.memory_space<vmem>>
    %dma_start3A_1510 = tpu.memref_squeeze %dma_start3A_1509 : memref<1x128x128xf32, #tpu.memory_space<vmem>> -> memref<128x128xf32, #tpu.memory_space<vmem>>
    tpu.enqueue_dma source(%dma_start3A_1510 : memref<128x128xf32, #tpu.memory_space<vmem>>) target(%dma_start3A_1506 : memref<128x128xf32, #tpu.memory_space<hbm>>) target_semaphore(%arg15 : memref<!tpu.dma_semaphore, #tpu.memory_space<semaphore_mem>>)
    %dma_wait3A_1511 = arith.constant 1 : i32
    %dma_wait3A_1512 = arith.constant 0 : i32
    %dma_wait3A_1513 = arith.constant 0 : i32
    %dma_wait3A_1514 = tpu.memref_slice %arg11[%dma_wait3A_1511, %dma_wait3A_1512, %dma_wait3A_1513] : memref<2x128x128xf32, #tpu.memory_space<vmem>> -> memref<1x128x128xf32, #tpu.memory_space<vmem>>
    %dma_wait3A_1515 = tpu.memref_squeeze %dma_wait3A_1514 : memref<1x128x128xf32, #tpu.memory_space<vmem>> -> memref<128x128xf32, #tpu.memory_space<vmem>>
    %dma_wait3A_1516 = arith.constant 0 : i32
    %dma_wait3A_1517 = tpu.memref_slice %arg4[%add3A_1497, %dma_wait3A_1516] : memref<65536x128xf32, #tpu.memory_space<hbm>> -> memref<128x128xf32, #tpu.memory_space<hbm>>
    %dma_wait3A_1518 = arith.constant 0 : i32
    %dma_wait3A_1519 = tpu.memref_slice %arg4[%add3A_1497, %dma_wait3A_1518] : memref<65536x128xf32, #tpu.memory_space<hbm>> -> memref<128x128xf32, #tpu.memory_space<hbm>>
    %dma_wait3A_1520 = arith.constant 0 : i32
    %dma_wait3A_1521 = arith.constant 0 : i32
    %dma_wait3A_1522 = tpu.memref_slice %arg11[%dma_wait3A_1511, %dma_wait3A_1520, %dma_wait3A_1521] : memref<2x128x128xf32, #tpu.memory_space<vmem>> -> memref<1x128x128xf32, #tpu.memory_space<vmem>>
    %dma_wait3A_1523 = tpu.memref_squeeze %dma_wait3A_1522 : memref<1x128x128xf32, #tpu.memory_space<vmem>> -> memref<128x128xf32, #tpu.memory_space<vmem>>
    tpu.wait_dma2 semaphore(%arg15 : memref<!tpu.dma_semaphore, #tpu.memory_space<semaphore_mem>>) src(%dma_wait3A_1523 : memref<128x128xf32, #tpu.memory_space<vmem>>) dst(%dma_wait3A_1519 : memref<128x128xf32, #tpu.memory_space<hbm>>)
    %get3A_1524 = arith.constant 1920 : index
    %get3A_1525 = tpu.vector_load %arg9[%get3A_1524] {strides = array<i32>} : memref<2048xi32, #tpu.memory_space<vmem>>, vector<16xi32>,
    %swap3A_1526 = arith.constant 1 : i32
    %swap3A_1527 = arith.index_cast %swap3A_1526 : i32 to index
    %swap3A_1528 = arith.constant 0 : index
    %swap3A_1529 = tpu.vector_load %arg10[%swap3A_1527, %swap3A_1528] {strides = array<i32>} : memref<2x128xi32, #tpu.memory_space<vmem>>, vector<16xi32>,
    tpu.vector_store %arg10[%swap3A_1527, %swap3A_1528], %get3A_1525 {strides = array<i32>} : memref<2x128xi32, #tpu.memory_space<vmem>>, vector<16xi32>,
    %get3A_1530 = arith.constant 1936 : index
    %get3A_1531 = tpu.vector_load %arg9[%get3A_1530] {strides = array<i32>} : memref<2048xi32, #tpu.memory_space<vmem>>, vector<16xi32>,
    %swap3A_1532 = arith.constant 1 : i32
    %swap3A_1533 = arith.index_cast %swap3A_1532 : i32 to index
    %swap3A_1534 = arith.constant 16 : index
    %swap3A_1535 = tpu.vector_load %arg10[%swap3A_1533, %swap3A_1534] {strides = array<i32>} : memref<2x128xi32, #tpu.memory_space<vmem>>, vector<16xi32>,
    tpu.vector_store %arg10[%swap3A_1533, %swap3A_1534], %get3A_1531 {strides = array<i32>} : memref<2x128xi32, #tpu.memory_space<vmem>>, vector<16xi32>,
    %get3A_1536 = arith.constant 1952 : index
    %get3A_1537 = tpu.vector_load %arg9[%get3A_1536] {strides = array<i32>} : memref<2048xi32, #tpu.memory_space<vmem>>, vector<16xi32>,
    %swap3A_1538 = arith.constant 1 : i32
    %swap3A_1539 = arith.index_cast %swap3A_1538 : i32 to index
    %swap3A_1540 = arith.constant 32 : index
    %swap3A_1541 = tpu.vector_load %arg10[%swap3A_1539, %swap3A_1540] {strides = array<i32>} : memref<2x128xi32, #tpu.memory_space<vmem>>, vector<16xi32>,
    tpu.vector_store %arg10[%swap3A_1539, %swap3A_1540], %get3A_1537 {strides = array<i32>} : memref<2x128xi32, #tpu.memory_space<vmem>>, vector<16xi32>,
    %get3A_1542 = arith.constant 1968 : index
    %get3A_1543 = tpu.vector_load %arg9[%get3A_1542] {strides = array<i32>} : memref<2048xi32, #tpu.memory_space<vmem>>, vector<16xi32>,
    %swap3A_1544 = arith.constant 1 : i32
    %swap3A_1545 = arith.index_cast %swap3A_1544 : i32 to index
    %swap3A_1546 = arith.constant 48 : index
    %swap3A_1547 = tpu.vector_load %arg10[%swap3A_1545, %swap3A_1546] {strides = array<i32>} : memref<2x128xi32, #tpu.memory_space<vmem>>, vector<16xi32>,
    tpu.vector_store %arg10[%swap3A_1545, %swap3A_1546], %get3A_1543 {strides = array<i32>} : memref<2x128xi32, #tpu.memory_space<vmem>>, vector<16xi32>,
    %get3A_1548 = arith.constant 1984 : index
    %get3A_1549 = tpu.vector_load %arg9[%get3A_1548] {strides = array<i32>} : memref<2048xi32, #tpu.memory_space<vmem>>, vector<16xi32>,
    %swap3A_1550 = arith.constant 1 : i32
    %swap3A_1551 = arith.index_cast %swap3A_1550 : i32 to index
    %swap3A_1552 = arith.constant 64 : index
    %swap3A_1553 = tpu.vector_load %arg10[%swap3A_1551, %swap3A_1552] {strides = array<i32>} : memref<2x128xi32, #tpu.memory_space<vmem>>, vector<16xi32>,
    tpu.vector_store %arg10[%swap3A_1551, %swap3A_1552], %get3A_1549 {strides = array<i32>} : memref<2x128xi32, #tpu.memory_space<vmem>>, vector<16xi32>,
    %get3A_1554 = arith.constant 2000 : index
    %get3A_1555 = tpu.vector_load %arg9[%get3A_1554] {strides = array<i32>} : memref<2048xi32, #tpu.memory_space<vmem>>, vector<16xi32>,
    %swap3A_1556 = arith.constant 1 : i32
    %swap3A_1557 = arith.index_cast %swap3A_1556 : i32 to index
    %swap3A_1558 = arith.constant 80 : index
    %swap3A_1559 = tpu.vector_load %arg10[%swap3A_1557, %swap3A_1558] {strides = array<i32>} : memref<2x128xi32, #tpu.memory_space<vmem>>, vector<16xi32>,
    tpu.vector_store %arg10[%swap3A_1557, %swap3A_1558], %get3A_1555 {strides = array<i32>} : memref<2x128xi32, #tpu.memory_space<vmem>>, vector<16xi32>,
    %get3A_1560 = arith.constant 2016 : index
    %get3A_1561 = tpu.vector_load %arg9[%get3A_1560] {strides = array<i32>} : memref<2048xi32, #tpu.memory_space<vmem>>, vector<16xi32>,
    %swap3A_1562 = arith.constant 1 : i32
    %swap3A_1563 = arith.index_cast %swap3A_1562 : i32 to index
    %swap3A_1564 = arith.constant 96 : index
    %swap3A_1565 = tpu.vector_load %arg10[%swap3A_1563, %swap3A_1564] {strides = array<i32>} : memref<2x128xi32, #tpu.memory_space<vmem>>, vector<16xi32>,
    tpu.vector_store %arg10[%swap3A_1563, %swap3A_1564], %get3A_1561 {strides = array<i32>} : memref<2x128xi32, #tpu.memory_space<vmem>>, vector<16xi32>,
    %get3A_1566 = arith.constant 2032 : index
    %get3A_1567 = tpu.vector_load %arg9[%get3A_1566] {strides = array<i32>} : memref<2048xi32, #tpu.memory_space<vmem>>, vector<16xi32>,
    %swap3A_1568 = arith.constant 1 : i32
    %swap3A_1569 = arith.index_cast %swap3A_1568 : i32 to index
    %swap3A_1570 = arith.constant 112 : index
    %swap3A_1571 = tpu.vector_load %arg10[%swap3A_1569, %swap3A_1570] {strides = array<i32>} : memref<2x128xi32, #tpu.memory_space<vmem>>, vector<16xi32>,
    tpu.vector_store %arg10[%swap3A_1569, %swap3A_1570], %get3A_1567 {strides = array<i32>} : memref<2x128xi32, #tpu.memory_space<vmem>>, vector<16xi32>,
    %dma_start3A_1572 = arith.constant 1 : i32
    %dma_start3A_1573 = arith.constant 1 : i32
    %dma_start3A_1574 = arith.constant 0 : i32
    %dma_start3A_1575 = arith.constant 0 : i32
    %dma_start3A_1576 = tpu.memref_slice %arg11[%dma_start3A_1573, %dma_start3A_1574, %dma_start3A_1575] : memref<2x128x128xf32, #tpu.memory_space<vmem>> -> memref<1x128x128xf32, #tpu.memory_space<vmem>>
    %dma_start3A_1577 = tpu.memref_squeeze %dma_start3A_1576 : memref<1x128x128xf32, #tpu.memory_space<vmem>> -> memref<128x128xf32, #tpu.memory_space<vmem>>
    %dma_start3A_1578 = arith.constant 0 : i32
    %dma_start3A_1579 = tpu.memref_slice %arg10[%dma_start3A_1572, %dma_start3A_1578] : memref<2x128xi32, #tpu.memory_space<vmem>> -> memref<1x128xi32, #tpu.memory_space<vmem>>
    %dma_start3A_1580 = tpu.memref_squeeze %dma_start3A_1579 : memref<1x128xi32, #tpu.memory_space<vmem>> -> memref<128xi32, #tpu.memory_space<vmem>>
    %dma_start3A_1581 = arith.constant 0 : i32
    %dma_start3A_1582 = arith.constant 0 : i32
    %dma_start3A_1583 = tpu.memref_slice %arg3[%dma_start3A_1581, %dma_start3A_1582] : memref<8192x128xf32, #tpu.memory_space<hbm>> -> memref<8192x128xf32, #tpu.memory_space<hbm>>
    tpu.enqueue_indirect_dma source(%dma_start3A_1583 : memref<8192x128xf32, #tpu.memory_space<hbm>>) target(%dma_start3A_1577 : memref<128x128xf32, #tpu.memory_space<vmem>>) offsets(%dma_start3A_1580 : memref<128xi32, #tpu.memory_space<vmem>>) semaphore(%arg13 : memref<!tpu.dma_semaphore, #tpu.memory_space<semaphore_mem>>)
    %dma_wait3A_1584 = arith.constant 0 : i32
    %dma_wait3A_1585 = arith.constant 0 : i32
    %dma_wait3A_1586 = arith.constant 0 : i32
    %dma_wait3A_1587 = arith.constant 0 : i32
    %dma_wait3A_1588 = tpu.memref_slice %arg11[%dma_wait3A_1585, %dma_wait3A_1586, %dma_wait3A_1587] : memref<2x128x128xf32, #tpu.memory_space<vmem>> -> memref<1x128x128xf32, #tpu.memory_space<vmem>>
    %dma_wait3A_1589 = tpu.memref_squeeze %dma_wait3A_1588 : memref<1x128x128xf32, #tpu.memory_space<vmem>> -> memref<128x128xf32, #tpu.memory_space<vmem>>
    %dma_wait3A_1590 = arith.constant 0 : i32
    %dma_wait3A_1591 = tpu.memref_slice %arg10[%dma_wait3A_1584, %dma_wait3A_1590] : memref<2x128xi32, #tpu.memory_space<vmem>> -> memref<1x128xi32, #tpu.memory_space<vmem>>
    %dma_wait3A_1592 = tpu.memref_squeeze %dma_wait3A_1591 : memref<1x128xi32, #tpu.memory_space<vmem>> -> memref<128xi32, #tpu.memory_space<vmem>>
    %dma_wait3A_1593 = arith.constant 0 : i32
    %dma_wait3A_1594 = arith.constant 0 : i32
    %dma_wait3A_1595 = tpu.memref_slice %arg3[%dma_wait3A_1593, %dma_wait3A_1594] : memref<8192x128xf32, #tpu.memory_space<hbm>> -> memref<8192x128xf32, #tpu.memory_space<hbm>>
    tpu.wait_indirect_dma semaphore(%arg12 : memref<!tpu.dma_semaphore, #tpu.memory_space<semaphore_mem>>) src(%dma_wait3A_1595 : memref<8192x128xf32, #tpu.memory_space<hbm>>) dst(%dma_wait3A_1589 : memref<128x128xf32, #tpu.memory_space<vmem>>)
    %mul3A_1596 = arith.constant 2048 : i32
    %mul3A_1597 = arith.muli %add3A, %mul3A_1596 : i32
    %add3A_1598 = arith.constant 1792 : i32
    %add3A_1599 = arith.addi %mul3A_1597, %add3A_1598 : i32
    %dma_start3A_1600 = arith.constant 0 : i32
    %dma_start3A_1601 = arith.constant 0 : i32
    %dma_start3A_1602 = arith.constant 0 : i32
    %dma_start3A_1603 = tpu.memref_slice %arg11[%dma_start3A_1600, %dma_start3A_1601, %dma_start3A_1602] : memref<2x128x128xf32, #tpu.memory_space<vmem>> -> memref<1x128x128xf32, #tpu.memory_space<vmem>>
    %dma_start3A_1604 = tpu.memref_squeeze %dma_start3A_1603 : memref<1x128x128xf32, #tpu.memory_space<vmem>> -> memref<128x128xf32, #tpu.memory_space<vmem>>
    %dma_start3A_1605 = arith.constant 0 : i32
    %dma_start3A_1606 = tpu.memref_slice %arg4[%add3A_1599, %dma_start3A_1605] : memref<65536x128xf32, #tpu.memory_space<hbm>> -> memref<128x128xf32, #tpu.memory_space<hbm>>
    %dma_start3A_1607 = arith.constant 0 : i32
    %dma_start3A_1608 = tpu.memref_slice %arg4[%add3A_1599, %dma_start3A_1607] : memref<65536x128xf32, #tpu.memory_space<hbm>> -> memref<128x128xf32, #tpu.memory_space<hbm>>
    %dma_start3A_1609 = arith.constant 0 : i32
    %dma_start3A_1610 = arith.constant 0 : i32
    %dma_start3A_1611 = tpu.memref_slice %arg11[%dma_start3A_1600, %dma_start3A_1609, %dma_start3A_1610] : memref<2x128x128xf32, #tpu.memory_space<vmem>> -> memref<1x128x128xf32, #tpu.memory_space<vmem>>
    %dma_start3A_1612 = tpu.memref_squeeze %dma_start3A_1611 : memref<1x128x128xf32, #tpu.memory_space<vmem>> -> memref<128x128xf32, #tpu.memory_space<vmem>>
    tpu.enqueue_dma source(%dma_start3A_1612 : memref<128x128xf32, #tpu.memory_space<vmem>>) target(%dma_start3A_1608 : memref<128x128xf32, #tpu.memory_space<hbm>>) target_semaphore(%arg14 : memref<!tpu.dma_semaphore, #tpu.memory_space<semaphore_mem>>)
    %dma_wait3A_1613 = arith.constant 1 : i32
    %dma_wait3A_1614 = arith.constant 1 : i32
    %dma_wait3A_1615 = arith.constant 0 : i32
    %dma_wait3A_1616 = arith.constant 0 : i32
    %dma_wait3A_1617 = tpu.memref_slice %arg11[%dma_wait3A_1614, %dma_wait3A_1615, %dma_wait3A_1616] : memref<2x128x128xf32, #tpu.memory_space<vmem>> -> memref<1x128x128xf32, #tpu.memory_space<vmem>>
    %dma_wait3A_1618 = tpu.memref_squeeze %dma_wait3A_1617 : memref<1x128x128xf32, #tpu.memory_space<vmem>> -> memref<128x128xf32, #tpu.memory_space<vmem>>
    %dma_wait3A_1619 = arith.constant 0 : i32
    %dma_wait3A_1620 = tpu.memref_slice %arg10[%dma_wait3A_1613, %dma_wait3A_1619] : memref<2x128xi32, #tpu.memory_space<vmem>> -> memref<1x128xi32, #tpu.memory_space<vmem>>
    %dma_wait3A_1621 = tpu.memref_squeeze %dma_wait3A_1620 : memref<1x128xi32, #tpu.memory_space<vmem>> -> memref<128xi32, #tpu.memory_space<vmem>>
    %dma_wait3A_1622 = arith.constant 0 : i32
    %dma_wait3A_1623 = arith.constant 0 : i32
    %dma_wait3A_1624 = tpu.memref_slice %arg3[%dma_wait3A_1622, %dma_wait3A_1623] : memref<8192x128xf32, #tpu.memory_space<hbm>> -> memref<8192x128xf32, #tpu.memory_space<hbm>>
    tpu.wait_indirect_dma semaphore(%arg13 : memref<!tpu.dma_semaphore, #tpu.memory_space<semaphore_mem>>) src(%dma_wait3A_1624 : memref<8192x128xf32, #tpu.memory_space<hbm>>) dst(%dma_wait3A_1618 : memref<128x128xf32, #tpu.memory_space<vmem>>)
    %mul3A_1625 = arith.constant 2048 : i32
    %mul3A_1626 = arith.muli %add3A, %mul3A_1625 : i32
    %add3A_1627 = arith.constant 1920 : i32
    %add3A_1628 = arith.addi %mul3A_1626, %add3A_1627 : i32
    %dma_start3A_1629 = arith.constant 1 : i32
    %dma_start3A_1630 = arith.constant 0 : i32
    %dma_start3A_1631 = arith.constant 0 : i32
    %dma_start3A_1632 = tpu.memref_slice %arg11[%dma_start3A_1629, %dma_start3A_1630, %dma_start3A_1631] : memref<2x128x128xf32, #tpu.memory_space<vmem>> -> memref<1x128x128xf32, #tpu.memory_space<vmem>>
    %dma_start3A_1633 = tpu.memref_squeeze %dma_start3A_1632 : memref<1x128x128xf32, #tpu.memory_space<vmem>> -> memref<128x128xf32, #tpu.memory_space<vmem>>
    %dma_start3A_1634 = arith.constant 0 : i32
    %dma_start3A_1635 = tpu.memref_slice %arg4[%add3A_1628, %dma_start3A_1634] : memref<65536x128xf32, #tpu.memory_space<hbm>> -> memref<128x128xf32, #tpu.memory_space<hbm>>
    %dma_start3A_1636 = arith.constant 0 : i32
    %dma_start3A_1637 = tpu.memref_slice %arg4[%add3A_1628, %dma_start3A_1636] : memref<65536x128xf32, #tpu.memory_space<hbm>> -> memref<128x128xf32, #tpu.memory_space<hbm>>
    %dma_start3A_1638 = arith.constant 0 : i32
    %dma_start3A_1639 = arith.constant 0 : i32
    %dma_start3A_1640 = tpu.memref_slice %arg11[%dma_start3A_1629, %dma_start3A_1638, %dma_start3A_1639] : memref<2x128x128xf32, #tpu.memory_space<vmem>> -> memref<1x128x128xf32, #tpu.memory_space<vmem>>
    %dma_start3A_1641 = tpu.memref_squeeze %dma_start3A_1640 : memref<1x128x128xf32, #tpu.memory_space<vmem>> -> memref<128x128xf32, #tpu.memory_space<vmem>>
    tpu.enqueue_dma source(%dma_start3A_1641 : memref<128x128xf32, #tpu.memory_space<vmem>>) target(%dma_start3A_1637 : memref<128x128xf32, #tpu.memory_space<hbm>>) target_semaphore(%arg15 : memref<!tpu.dma_semaphore, #tpu.memory_space<semaphore_mem>>)
    %dma_wait3A_1642 = arith.constant 1 : i32
    %dma_wait3A_1643 = arith.constant 0 : i32
    %dma_wait3A_1644 = arith.constant 0 : i32
    %dma_wait3A_1645 = tpu.memref_slice %arg11[%dma_wait3A_1642, %dma_wait3A_1643, %dma_wait3A_1644] : memref<2x128x128xf32, #tpu.memory_space<vmem>> -> memref<1x128x128xf32, #tpu.memory_space<vmem>>
    %dma_wait3A_1646 = tpu.memref_squeeze %dma_wait3A_1645 : memref<1x128x128xf32, #tpu.memory_space<vmem>> -> memref<128x128xf32, #tpu.memory_space<vmem>>
    %dma_wait3A_1647 = arith.constant 0 : i32
    %dma_wait3A_1648 = tpu.memref_slice %arg4[%add3A_1628, %dma_wait3A_1647] : memref<65536x128xf32, #tpu.memory_space<hbm>> -> memref<128x128xf32, #tpu.memory_space<hbm>>
    %dma_wait3A_1649 = arith.constant 0 : i32
    %dma_wait3A_1650 = tpu.memref_slice %arg4[%add3A_1628, %dma_wait3A_1649] : memref<65536x128xf32, #tpu.memory_space<hbm>> -> memref<128x128xf32, #tpu.memory_space<hbm>>
    %dma_wait3A_1651 = arith.constant 0 : i32
    %dma_wait3A_1652 = arith.constant 0 : i32
    %dma_wait3A_1653 = tpu.memref_slice %arg11[%dma_wait3A_1642, %dma_wait3A_1651, %dma_wait3A_1652] : memref<2x128x128xf32, #tpu.memory_space<vmem>> -> memref<1x128x128xf32, #tpu.memory_space<vmem>>
    %dma_wait3A_1654 = tpu.memref_squeeze %dma_wait3A_1653 : memref<1x128x128xf32, #tpu.memory_space<vmem>> -> memref<128x128xf32, #tpu.memory_space<vmem>>
    tpu.wait_dma2 semaphore(%arg15 : memref<!tpu.dma_semaphore, #tpu.memory_space<semaphore_mem>>) src(%dma_wait3A_1654 : memref<128x128xf32, #tpu.memory_space<vmem>>) dst(%dma_wait3A_1650 : memref<128x128xf32, #tpu.memory_space<hbm>>)
    %dma_wait3A_1655 = arith.constant 0 : i32
    %dma_wait3A_1656 = arith.constant 0 : i32
    %dma_wait3A_1657 = arith.constant 0 : i32
    %dma_wait3A_1658 = tpu.memref_slice %arg11[%dma_wait3A_1655, %dma_wait3A_1656, %dma_wait3A_1657] : memref<2x128x128xf32, #tpu.memory_space<vmem>> -> memref<1x128x128xf32, #tpu.memory_space<vmem>>
    %dma_wait3A_1659 = tpu.memref_squeeze %dma_wait3A_1658 : memref<1x128x128xf32, #tpu.memory_space<vmem>> -> memref<128x128xf32, #tpu.memory_space<vmem>>
    %dma_wait3A_1660 = arith.constant 0 : i32
    %dma_wait3A_1661 = tpu.memref_slice %arg4[%add3A_1599, %dma_wait3A_1660] : memref<65536x128xf32, #tpu.memory_space<hbm>> -> memref<128x128xf32, #tpu.memory_space<hbm>>
    %dma_wait3A_1662 = arith.constant 0 : i32
    %dma_wait3A_1663 = tpu.memref_slice %arg4[%add3A_1599, %dma_wait3A_1662] : memref<65536x128xf32, #tpu.memory_space<hbm>> -> memref<128x128xf32, #tpu.memory_space<hbm>>
    %dma_wait3A_1664 = arith.constant 0 : i32
    %dma_wait3A_1665 = arith.constant 0 : i32
    %dma_wait3A_1666 = tpu.memref_slice %arg11[%dma_wait3A_1655, %dma_wait3A_1664, %dma_wait3A_1665] : memref<2x128x128xf32, #tpu.memory_space<vmem>> -> memref<1x128x128xf32, #tpu.memory_space<vmem>>
    %dma_wait3A_1667 = tpu.memref_squeeze %dma_wait3A_1666 : memref<1x128x128xf32, #tpu.memory_space<vmem>> -> memref<128x128xf32, #tpu.memory_space<vmem>>
    tpu.wait_dma2 semaphore(%arg14 : memref<!tpu.dma_semaphore, #tpu.memory_space<semaphore_mem>>) src(%dma_wait3A_1667 : memref<128x128xf32, #tpu.memory_space<vmem>>) dst(%dma_wait3A_1663 : memref<128x128xf32, #tpu.memory_space<hbm>>)
    return
  }
}

module attributes {stable_mosaic.version = 14 : i64} {
  func.func @_mm_body(%arg0: memref<10240x131xf32, #tpu.memory_space<vmem>>, %arg1: memref<131x128xf32, #tpu.memory_space<vmem>>, %arg2: memref<10240x128xf32, #tpu.memory_space<vmem>>) attributes {dimension_semantics = [], scalar_prefetch = 0 : i64, scratch_operands = 0 : i64, tpu.core_type = #tpu.core_type<tc>} {
    %get3A = arith.constant 0 : index
    %get3A_0 = arith.constant 0 : index
    %get3A_1 = vector.load %arg0[%get3A, %get3A_0] : memref<10240x131xf32, #tpu.memory_space<vmem>>, vector<10240x131xf32>
    %get3A_2 = arith.constant 0 : index
    %get3A_3 = arith.constant 0 : index
    %get3A_4 = vector.load %arg1[%get3A_2, %get3A_3] : memref<131x128xf32, #tpu.memory_space<vmem>>, vector<131x128xf32>
    %dot_general3A = arith.constant dense<0.000000e+00> : vector<10240x128xf32>
    %dot_general3A_5 = tpu.matmul %get3A_1, %get3A_4, %dot_general3A {dimension_numbers = #tpu.dot_dimension_numbers<[1], [0], [0], [1], [0, 0, 1, 1], [], []>, transpose_lhs_hint = false} : vector<10240x131xf32>, vector<131x128xf32>, vector<10240x128xf32> -> vector<10240x128xf32>
    %swap3A = arith.constant 0 : index
    %swap3A_6 = arith.constant 0 : index
    %swap3A_7 = vector.load %arg2[%swap3A, %swap3A_6] : memref<10240x128xf32, #tpu.memory_space<vmem>>, vector<10240x128xf32>
    tpu.vector_store %arg2[%swap3A, %swap3A_6], %dot_general3A_5 {strides = array<i32>} : memref<10240x128xf32, #tpu.memory_space<vmem>>, vector<10240x128xf32>,
    return
  }
}

module attributes {stable_mosaic.version = 14 : i64} {
  func.func @_stats_body(%arg0: i32, %arg1: memref<4096x128xf32, #tpu.memory_space<vmem>>, %arg2: memref<128x128xf32, #tpu.memory_space<vmem>>, %arg3: memref<1x128xf32, #tpu.memory_space<vmem>>, %arg4: memref<1x128xf32, #tpu.memory_space<vmem>>) attributes {dimension_semantics = [#tpu.dimension_semantics<arbitrary>], iteration_bounds = array<i64: 16>, scalar_prefetch = 0 : i64, scratch_operands = 0 : i64, tpu.core_type = #tpu.core_type<tc>, window_params = [{transform_indices = @transform_0, window_bounds = array<i64: 4096, 128>}, {transform_indices = @transform_1, window_bounds = array<i64: 128, 128>}, {pipeline_mode = #tpu.pipeline_mode<synchronous>, transform_indices = @transform_2, window_bounds = array<i64: 1, 128>}, {pipeline_mode = #tpu.pipeline_mode<synchronous>, transform_indices = @transform_3, window_bounds = array<i64: 1, 128>}]} {
    %get3A = arith.constant 0 : index
    %get3A_0 = arith.constant 0 : index
    %get3A_1 = vector.load %arg1[%get3A, %get3A_0] : memref<4096x128xf32, #tpu.memory_space<vmem>>, vector<4096x128xf32>
    %reshape3A = vector.shape_cast %get3A_1 : vector<4096x128xf32> to vector<128x32x128xf32>
    %get3A_2 = arith.constant 0 : index
    %get3A_3 = arith.constant 0 : index
    %get3A_4 = vector.load %arg2[%get3A_2, %get3A_3] : memref<128x128xf32, #tpu.memory_space<vmem>>, vector<128x128xf32>
    %broadcast_in_dim3A = vector.shape_cast %get3A_4 : vector<128x128xf32> to vector<128x1x128xf32>
    %sub3A = vector.broadcast %broadcast_in_dim3A : vector<128x1x128xf32> to vector<128x32x128xf32>
    %sub3A_5 = arith.subf %reshape3A, %sub3A : vector<128x32x128xf32>
    %reshape3A_6 = vector.shape_cast %sub3A_5 : vector<128x32x128xf32> to vector<4096x128xf32>
    %eq3A = arith.constant 0 : i32
    %eq3A_7 = arith.cmpi eq, %arg0, %eq3A : i32
    %convert_element_type3A = arith.extui %eq3A_7 : i1 to i32
    %cond3A = arith.constant 0 : i32
    %cond3A_8 = arith.cmpi ne, %convert_element_type3A, %cond3A : i32
    scf.if %cond3A_8 {
      %broadcast_in_dim3A_26 = arith.constant 0.000000e+00 : f32
      %broadcast_in_dim3A_27 = vector.broadcast %broadcast_in_dim3A_26 : f32 to vector<1x128xf32>
      %swap3A_28 = arith.constant 0 : index
      %swap3A_29 = arith.constant 0 : index
      %swap3A_30 = vector.load %arg3[%swap3A_28, %swap3A_29] : memref<1x128xf32, #tpu.memory_space<vmem>>, vector<1x128xf32>
      tpu.vector_store %arg3[%swap3A_28, %swap3A_29], %broadcast_in_dim3A_27 {strides = array<i32>} : memref<1x128xf32, #tpu.memory_space<vmem>>, vector<1x128xf32>,
      %broadcast_in_dim3A_31 = arith.constant 0.000000e+00 : f32
      %broadcast_in_dim3A_32 = vector.broadcast %broadcast_in_dim3A_31 : f32 to vector<1x128xf32>
      %swap3A_33 = arith.constant 0 : index
      %swap3A_34 = arith.constant 0 : index
      %swap3A_35 = vector.load %arg4[%swap3A_33, %swap3A_34] : memref<1x128xf32, #tpu.memory_space<vmem>>, vector<1x128xf32>
      tpu.vector_store %arg4[%swap3A_33, %swap3A_34], %broadcast_in_dim3A_32 {strides = array<i32>} : memref<1x128xf32, #tpu.memory_space<vmem>>, vector<1x128xf32>,
    } else {
    }
    %get3A_9 = arith.constant 0 : index
    %get3A_10 = arith.constant 0 : index
    %get3A_11 = vector.load %arg3[%get3A_9, %get3A_10] : memref<1x128xf32, #tpu.memory_space<vmem>>, vector<1x128xf32>
    %reduce_sum3A = arith.constant dense<0.000000e+00> : vector<128xf32>
    %reduce_sum3A_12 = vector.multi_reduction <add>, %reshape3A_6, %reduce_sum3A [0] : vector<4096x128xf32> to vector<128xf32>
    %broadcast_in_dim3A_13 = vector.shape_cast %reduce_sum3A_12 : vector<128xf32> to vector<1x128xf32>
    %add3A = arith.addf %get3A_11, %broadcast_in_dim3A_13 : vector<1x128xf32>
    %swap3A = arith.constant 0 : index
    %swap3A_14 = arith.constant 0 : index
    %swap3A_15 = vector.load %arg3[%swap3A, %swap3A_14] : memref<1x128xf32, #tpu.memory_space<vmem>>, vector<1x128xf32>
    tpu.vector_store %arg3[%swap3A, %swap3A_14], %add3A {strides = array<i32>} : memref<1x128xf32, #tpu.memory_space<vmem>>, vector<1x128xf32>,
    %get3A_16 = arith.constant 0 : index
    %get3A_17 = arith.constant 0 : index
    %get3A_18 = vector.load %arg4[%get3A_16, %get3A_17] : memref<1x128xf32, #tpu.memory_space<vmem>>, vector<1x128xf32>
    %mul3A = arith.mulf %reshape3A_6, %reshape3A_6 : vector<4096x128xf32>
    %reduce_sum3A_19 = arith.constant dense<0.000000e+00> : vector<128xf32>
    %reduce_sum3A_20 = vector.multi_reduction <add>, %mul3A, %reduce_sum3A_19 [0] : vector<4096x128xf32> to vector<128xf32>
    %broadcast_in_dim3A_21 = vector.shape_cast %reduce_sum3A_20 : vector<128xf32> to vector<1x128xf32>
    %add3A_22 = arith.addf %get3A_18, %broadcast_in_dim3A_21 : vector<1x128xf32>
    %swap3A_23 = arith.constant 0 : index
    %swap3A_24 = arith.constant 0 : index
    %swap3A_25 = vector.load %arg4[%swap3A_23, %swap3A_24] : memref<1x128xf32, #tpu.memory_space<vmem>>, vector<1x128xf32>
    tpu.vector_store %arg4[%swap3A_23, %swap3A_24], %add3A_22 {strides = array<i32>} : memref<1x128xf32, #tpu.memory_space<vmem>>, vector<1x128xf32>,
    return
  }
  func.func @transform_0(%arg0: i32) -> (i32, i32) {
    %c0_i32 = arith.constant 0 : i32
    %c0_i32_0 = arith.constant 0 : i32
    return %arg0, %c0_i32 : i32, i32
  }
  func.func @transform_1(%arg0: i32) -> (i32, i32) {
    %c0_i32 = arith.constant 0 : i32
    %c0_i32_0 = arith.constant 0 : i32
    return %arg0, %c0_i32 : i32, i32
  }
  func.func @transform_2(%arg0: i32) -> (i32, i32) {
    %c0_i32 = arith.constant 0 : i32
    %c0_i32_0 = arith.constant 0 : i32
    %c0_i32_1 = arith.constant 0 : i32
    return %c0_i32, %c0_i32_0 : i32, i32
  }
  func.func @transform_3(%arg0: i32) -> (i32, i32) {
    %c0_i32 = arith.constant 0 : i32
    %c0_i32_0 = arith.constant 0 : i32
    %c0_i32_1 = arith.constant 0 : i32
    return %c0_i32, %c0_i32_0 : i32, i32
  }
}

module attributes {stable_mosaic.version = 14 : i64} {
  func.func @_main_body(%arg0: i32, %arg1: memref<4096x128xf32, #tpu.memory_space<vmem>>, %arg2: memref<128x128xf32, #tpu.memory_space<vmem>>, %arg3: memref<1x128xf32, #tpu.memory_space<vmem>>, %arg4: memref<1x128xf32, #tpu.memory_space<vmem>>, %arg5: memref<1x128xf32, #tpu.memory_space<vmem>>, %arg6: memref<1x128xf32, #tpu.memory_space<vmem>>, %arg7: memref<128x256xf32, #tpu.memory_space<vmem>>, %arg8: memref<128x256xf32, #tpu.memory_space<vmem>>, %arg9: memref<1x256xf32, #tpu.memory_space<vmem>>, %arg10: memref<1x256xf32, #tpu.memory_space<vmem>>) attributes {dimension_semantics = [#tpu.dimension_semantics<arbitrary>], iteration_bounds = array<i64: 16>, scalar_prefetch = 0 : i64, scratch_operands = 0 : i64, tpu.core_type = #tpu.core_type<tc>, window_params = [{transform_indices = @transform_0, window_bounds = array<i64: 4096, 128>}, {transform_indices = @transform_1, window_bounds = array<i64: 128, 128>}, {pipeline_mode = #tpu.pipeline_mode<synchronous>, transform_indices = @transform_2, window_bounds = array<i64: 1, 128>}, {pipeline_mode = #tpu.pipeline_mode<synchronous>, transform_indices = @transform_3, window_bounds = array<i64: 1, 128>}, {pipeline_mode = #tpu.pipeline_mode<synchronous>, transform_indices = @transform_4, window_bounds = array<i64: 1, 128>}, {pipeline_mode = #tpu.pipeline_mode<synchronous>, transform_indices = @transform_5, window_bounds = array<i64: 1, 128>}, {pipeline_mode = #tpu.pipeline_mode<synchronous>, transform_indices = @transform_6, window_bounds = array<i64: 128, 256>}, {transform_indices = @transform_7, window_bounds = array<i64: 128, 256>}, {pipeline_mode = #tpu.pipeline_mode<synchronous>, transform_indices = @transform_8, window_bounds = array<i64: 1, 256>}, {pipeline_mode = #tpu.pipeline_mode<synchronous>, transform_indices = @transform_9, window_bounds = array<i64: 1, 256>}]} {
    %get3A = arith.constant 0 : index
    %get3A_0 = arith.constant 0 : index
    %get3A_1 = vector.load %arg3[%get3A, %get3A_0] : memref<1x128xf32, #tpu.memory_space<vmem>>, vector<1x128xf32>
    %div3A = arith.constant 6.553600e+04 : f32
    %div3A_2 = vector.broadcast %div3A : f32 to vector<1x128xf32>
    %div3A_3 = arith.divf %get3A_1, %div3A_2 : vector<1x128xf32>
    %get3A_4 = arith.constant 0 : index
    %get3A_5 = arith.constant 0 : index
    %get3A_6 = vector.load %arg4[%get3A_4, %get3A_5] : memref<1x128xf32, #tpu.memory_space<vmem>>, vector<1x128xf32>
    %div3A_7 = arith.constant 6.553600e+04 : f32
    %div3A_8 = vector.broadcast %div3A_7 : f32 to vector<1x128xf32>
    %div3A_9 = arith.divf %get3A_6, %div3A_8 : vector<1x128xf32>
    %mul3A = arith.mulf %div3A_3, %div3A_3 : vector<1x128xf32>
    %sub3A = arith.subf %div3A_9, %mul3A : vector<1x128xf32>
    %get3A_10 = arith.constant 0 : index
    %get3A_11 = arith.constant 0 : index
    %get3A_12 = vector.load %arg5[%get3A_10, %get3A_11] : memref<1x128xf32, #tpu.memory_space<vmem>>, vector<1x128xf32>
    %add3A = arith.constant 9.99999974E-6 : f32
    %add3A_13 = vector.broadcast %add3A : f32 to vector<1x128xf32>
    %add3A_14 = arith.addf %sub3A, %add3A_13 : vector<1x128xf32>
    %rsqrt3A = math.rsqrt %add3A_14 : vector<1x128xf32>
    %mul3A_15 = arith.mulf %get3A_12, %rsqrt3A : vector<1x128xf32>
    %get3A_16 = arith.constant 0 : index
    %get3A_17 = arith.constant 0 : index
    %get3A_18 = vector.load %arg6[%get3A_16, %get3A_17] : memref<1x128xf32, #tpu.memory_space<vmem>>, vector<1x128xf32>
    %mul3A_19 = arith.mulf %div3A_3, %mul3A_15 : vector<1x128xf32>
    %sub3A_20 = arith.subf %get3A_18, %mul3A_19 : vector<1x128xf32>
    %get3A_21 = arith.constant 0 : index
    %get3A_22 = arith.constant 0 : index
    %get3A_23 = vector.load %arg1[%get3A_21, %get3A_22] : memref<4096x128xf32, #tpu.memory_space<vmem>>, vector<4096x128xf32>
    %reshape3A = vector.shape_cast %get3A_23 : vector<4096x128xf32> to vector<128x32x128xf32>
    %get3A_24 = arith.constant 0 : index
    %get3A_25 = arith.constant 0 : index
    %get3A_26 = vector.load %arg2[%get3A_24, %get3A_25] : memref<128x128xf32, #tpu.memory_space<vmem>>, vector<128x128xf32>
    %broadcast_in_dim3A = vector.shape_cast %get3A_26 : vector<128x128xf32> to vector<128x1x128xf32>
    %sub3A_27 = vector.broadcast %broadcast_in_dim3A : vector<128x1x128xf32> to vector<128x32x128xf32>
    %sub3A_28 = arith.subf %reshape3A, %sub3A_27 : vector<128x32x128xf32>
    %reshape3A_29 = vector.shape_cast %sub3A_28 : vector<128x32x128xf32> to vector<4096x128xf32>
    %mul3A_30 = vector.broadcast %mul3A_15 : vector<1x128xf32> to vector<4096x128xf32>
    %mul3A_31 = arith.mulf %reshape3A_29, %mul3A_30 : vector<4096x128xf32>
    %add3A_32 = vector.broadcast %sub3A_20 : vector<1x128xf32> to vector<4096x128xf32>
    %add3A_33 = arith.addf %mul3A_31, %add3A_32 : vector<4096x128xf32>
    %max3A = arith.constant 0.000000e+00 : f32
    %max3A_34 = vector.broadcast %max3A : f32 to vector<4096x128xf32>
    %max3A_35 = arith.maximumf %add3A_33, %max3A_34 : vector<4096x128xf32>
    %get3A_36 = arith.constant 0 : index
    %get3A_37 = arith.constant 0 : index
    %get3A_38 = vector.load %arg7[%get3A_36, %get3A_37] : memref<128x256xf32, #tpu.memory_space<vmem>>, vector<128x256xf32>
    %dot_general3A = arith.constant dense<0.000000e+00> : vector<4096x256xf32>
    %dot_general3A_39 = tpu.matmul %max3A_35, %get3A_38, %dot_general3A {dimension_numbers = #tpu.dot_dimension_numbers<[1], [0], [0], [1], [0, 0, 1, 1], [], []>, transpose_lhs_hint = false} : vector<4096x128xf32>, vector<128x256xf32>, vector<4096x256xf32> -> vector<4096x256xf32>
    %eq3A = arith.constant 0 : i32
    %eq3A_40 = arith.cmpi eq, %arg0, %eq3A : i32
    %convert_element_type3A = arith.extui %eq3A_40 : i1 to i32
    %cond3A = arith.constant 0 : i32
    %cond3A_41 = arith.cmpi ne, %convert_element_type3A, %cond3A : i32
    scf.if %cond3A_41 {
      %broadcast_in_dim3A_66 = arith.constant 0.000000e+00 : f32
      %broadcast_in_dim3A_67 = vector.broadcast %broadcast_in_dim3A_66 : f32 to vector<1x256xf32>
      %swap3A_68 = arith.constant 0 : index
      %swap3A_69 = arith.constant 0 : index
      %swap3A_70 = vector.load %arg9[%swap3A_68, %swap3A_69] : memref<1x256xf32, #tpu.memory_space<vmem>>, vector<1x256xf32>
      tpu.vector_store %arg9[%swap3A_68, %swap3A_69], %broadcast_in_dim3A_67 {strides = array<i32>} : memref<1x256xf32, #tpu.memory_space<vmem>>, vector<1x256xf32>,
      %broadcast_in_dim3A_71 = arith.constant 0.000000e+00 : f32
      %broadcast_in_dim3A_72 = vector.broadcast %broadcast_in_dim3A_71 : f32 to vector<1x256xf32>
      %swap3A_73 = arith.constant 0 : index
      %swap3A_74 = arith.constant 0 : index
      %swap3A_75 = vector.load %arg10[%swap3A_73, %swap3A_74] : memref<1x256xf32, #tpu.memory_space<vmem>>, vector<1x256xf32>
      tpu.vector_store %arg10[%swap3A_73, %swap3A_74], %broadcast_in_dim3A_72 {strides = array<i32>} : memref<1x256xf32, #tpu.memory_space<vmem>>, vector<1x256xf32>,
    } else {
    }
    %get3A_42 = arith.constant 0 : index
    %get3A_43 = arith.constant 0 : index
    %get3A_44 = vector.load %arg9[%get3A_42, %get3A_43] : memref<1x256xf32, #tpu.memory_space<vmem>>, vector<1x256xf32>
    %reduce_sum3A = arith.constant dense<0.000000e+00> : vector<256xf32>
    %reduce_sum3A_45 = vector.multi_reduction <add>, %dot_general3A_39, %reduce_sum3A [0] : vector<4096x256xf32> to vector<256xf32>
    %broadcast_in_dim3A_46 = vector.shape_cast %reduce_sum3A_45 : vector<256xf32> to vector<1x256xf32>
    %add3A_47 = arith.addf %get3A_44, %broadcast_in_dim3A_46 : vector<1x256xf32>
    %swap3A = arith.constant 0 : index
    %swap3A_48 = arith.constant 0 : index
    %swap3A_49 = vector.load %arg9[%swap3A, %swap3A_48] : memref<1x256xf32, #tpu.memory_space<vmem>>, vector<1x256xf32>
    tpu.vector_store %arg9[%swap3A, %swap3A_48], %add3A_47 {strides = array<i32>} : memref<1x256xf32, #tpu.memory_space<vmem>>, vector<1x256xf32>,
    %get3A_50 = arith.constant 0 : index
    %get3A_51 = arith.constant 0 : index
    %get3A_52 = vector.load %arg10[%get3A_50, %get3A_51] : memref<1x256xf32, #tpu.memory_space<vmem>>, vector<1x256xf32>
    %mul3A_53 = arith.mulf %dot_general3A_39, %dot_general3A_39 : vector<4096x256xf32>
    %reduce_sum3A_54 = arith.constant dense<0.000000e+00> : vector<256xf32>
    %reduce_sum3A_55 = vector.multi_reduction <add>, %mul3A_53, %reduce_sum3A_54 [0] : vector<4096x256xf32> to vector<256xf32>
    %broadcast_in_dim3A_56 = vector.shape_cast %reduce_sum3A_55 : vector<256xf32> to vector<1x256xf32>
    %add3A_57 = arith.addf %get3A_52, %broadcast_in_dim3A_56 : vector<1x256xf32>
    %swap3A_58 = arith.constant 0 : index
    %swap3A_59 = arith.constant 0 : index
    %swap3A_60 = vector.load %arg10[%swap3A_58, %swap3A_59] : memref<1x256xf32, #tpu.memory_space<vmem>>, vector<1x256xf32>
    tpu.vector_store %arg10[%swap3A_58, %swap3A_59], %add3A_57 {strides = array<i32>} : memref<1x256xf32, #tpu.memory_space<vmem>>, vector<1x256xf32>,
    %reshape3A_61 = vector.shape_cast %dot_general3A_39 : vector<4096x256xf32> to vector<128x32x256xf32>
    %reduce_max3A = arith.constant dense<0xFF800000> : vector<128x256xf32>
    %reduce_max3A_62 = vector.multi_reduction <maximumf>, %reshape3A_61, %reduce_max3A [1] : vector<128x32x256xf32> to vector<128x256xf32>
    %swap3A_63 = arith.constant 0 : index
    %swap3A_64 = arith.constant 0 : index
    %swap3A_65 = vector.load %arg8[%swap3A_63, %swap3A_64] : memref<128x256xf32, #tpu.memory_space<vmem>>, vector<128x256xf32>
    tpu.vector_store %arg8[%swap3A_63, %swap3A_64], %reduce_max3A_62 {strides = array<i32>} : memref<128x256xf32, #tpu.memory_space<vmem>>, vector<128x256xf32>,
    return
  }
  func.func @transform_0(%arg0: i32) -> (i32, i32) {
    %c0_i32 = arith.constant 0 : i32
    %c0_i32_0 = arith.constant 0 : i32
    return %arg0, %c0_i32 : i32, i32
  }
  func.func @transform_1(%arg0: i32) -> (i32, i32) {
    %c0_i32 = arith.constant 0 : i32
    %c0_i32_0 = arith.constant 0 : i32
    return %arg0, %c0_i32 : i32, i32
  }
  func.func @transform_2(%arg0: i32) -> (i32, i32) {
    %c0_i32 = arith.constant 0 : i32
    %c0_i32_0 = arith.constant 0 : i32
    %c0_i32_1 = arith.constant 0 : i32
    return %c0_i32, %c0_i32_0 : i32, i32
  }
  func.func @transform_3(%arg0: i32) -> (i32, i32) {
    %c0_i32 = arith.constant 0 : i32
    %c0_i32_0 = arith.constant 0 : i32
    %c0_i32_1 = arith.constant 0 : i32
    return %c0_i32, %c0_i32_0 : i32, i32
  }
  func.func @transform_4(%arg0: i32) -> (i32, i32) {
    %c0_i32 = arith.constant 0 : i32
    %c0_i32_0 = arith.constant 0 : i32
    %c0_i32_1 = arith.constant 0 : i32
    return %c0_i32, %c0_i32_0 : i32, i32
  }
  func.func @transform_5(%arg0: i32) -> (i32, i32) {
    %c0_i32 = arith.constant 0 : i32
    %c0_i32_0 = arith.constant 0 : i32
    %c0_i32_1 = arith.constant 0 : i32
    return %c0_i32, %c0_i32_0 : i32, i32
  }
  func.func @transform_6(%arg0: i32) -> (i32, i32) {
    %c0_i32 = arith.constant 0 : i32
    %c0_i32_0 = arith.constant 0 : i32
    %c0_i32_1 = arith.constant 0 : i32
    return %c0_i32, %c0_i32_0 : i32, i32
  }
  func.func @transform_7(%arg0: i32) -> (i32, i32) {
    %c0_i32 = arith.constant 0 : i32
    %c0_i32_0 = arith.constant 0 : i32
    return %arg0, %c0_i32 : i32, i32
  }
  func.func @transform_8(%arg0: i32) -> (i32, i32) {
    %c0_i32 = arith.constant 0 : i32
    %c0_i32_0 = arith.constant 0 : i32
    %c0_i32_1 = arith.constant 0 : i32
    return %c0_i32, %c0_i32_0 : i32, i32
  }
  func.func @transform_9(%arg0: i32) -> (i32, i32) {
    %c0_i32 = arith.constant 0 : i32
    %c0_i32_0 = arith.constant 0 : i32
    %c0_i32_1 = arith.constant 0 : i32
    return %c0_i32, %c0_i32_0 : i32, i32
  }
}

module attributes {stable_mosaic.version = 14 : i64} {
  func.func @_final_body(%arg0: memref<2048x256xf32, #tpu.memory_space<vmem>>, %arg1: memref<1x256xf32, #tpu.memory_space<vmem>>, %arg2: memref<1x256xf32, #tpu.memory_space<vmem>>, %arg3: memref<1x256xf32, #tpu.memory_space<vmem>>, %arg4: memref<1x256xf32, #tpu.memory_space<vmem>>, %arg5: memref<2048x256xf32, #tpu.memory_space<vmem>>) attributes {dimension_semantics = [], scalar_prefetch = 0 : i64, scratch_operands = 0 : i64, tpu.core_type = #tpu.core_type<tc>} {
    %get3A = arith.constant 0 : index
    %get3A_0 = arith.constant 0 : index
    %get3A_1 = vector.load %arg1[%get3A, %get3A_0] : memref<1x256xf32, #tpu.memory_space<vmem>>, vector<1x256xf32>
    %div3A = arith.constant 6.553600e+04 : f32
    %div3A_2 = vector.broadcast %div3A : f32 to vector<1x256xf32>
    %div3A_3 = arith.divf %get3A_1, %div3A_2 : vector<1x256xf32>
    %get3A_4 = arith.constant 0 : index
    %get3A_5 = arith.constant 0 : index
    %get3A_6 = vector.load %arg2[%get3A_4, %get3A_5] : memref<1x256xf32, #tpu.memory_space<vmem>>, vector<1x256xf32>
    %div3A_7 = arith.constant 6.553600e+04 : f32
    %div3A_8 = vector.broadcast %div3A_7 : f32 to vector<1x256xf32>
    %div3A_9 = arith.divf %get3A_6, %div3A_8 : vector<1x256xf32>
    %mul3A = arith.mulf %div3A_3, %div3A_3 : vector<1x256xf32>
    %sub3A = arith.subf %div3A_9, %mul3A : vector<1x256xf32>
    %get3A_10 = arith.constant 0 : index
    %get3A_11 = arith.constant 0 : index
    %get3A_12 = vector.load %arg3[%get3A_10, %get3A_11] : memref<1x256xf32, #tpu.memory_space<vmem>>, vector<1x256xf32>
    %add3A = arith.constant 9.99999974E-6 : f32
    %add3A_13 = vector.broadcast %add3A : f32 to vector<1x256xf32>
    %add3A_14 = arith.addf %sub3A, %add3A_13 : vector<1x256xf32>
    %rsqrt3A = math.rsqrt %add3A_14 : vector<1x256xf32>
    %mul3A_15 = arith.mulf %get3A_12, %rsqrt3A : vector<1x256xf32>
    %get3A_16 = arith.constant 0 : index
    %get3A_17 = arith.constant 0 : index
    %get3A_18 = vector.load %arg4[%get3A_16, %get3A_17] : memref<1x256xf32, #tpu.memory_space<vmem>>, vector<1x256xf32>
    %mul3A_19 = arith.mulf %div3A_3, %mul3A_15 : vector<1x256xf32>
    %sub3A_20 = arith.subf %get3A_18, %mul3A_19 : vector<1x256xf32>
    %get3A_21 = arith.constant 0 : index
    %get3A_22 = arith.constant 0 : index
    %get3A_23 = vector.load %arg0[%get3A_21, %get3A_22] : memref<2048x256xf32, #tpu.memory_space<vmem>>, vector<2048x256xf32>
    %mul3A_24 = vector.broadcast %mul3A_15 : vector<1x256xf32> to vector<2048x256xf32>
    %mul3A_25 = arith.mulf %get3A_23, %mul3A_24 : vector<2048x256xf32>
    %add3A_26 = vector.broadcast %sub3A_20 : vector<1x256xf32> to vector<2048x256xf32>
    %add3A_27 = arith.addf %mul3A_25, %add3A_26 : vector<2048x256xf32>
    %max3A = arith.constant 0.000000e+00 : f32
    %max3A_28 = vector.broadcast %max3A : f32 to vector<2048x256xf32>
    %max3A_29 = arith.maximumf %add3A_27, %max3A_28 : vector<2048x256xf32>
    %swap3A = arith.constant 0 : index
    %swap3A_30 = arith.constant 0 : index
    %swap3A_31 = vector.load %arg5[%swap3A, %swap3A_30] : memref<2048x256xf32, #tpu.memory_space<vmem>>, vector<2048x256xf32>
    tpu.vector_store %arg5[%swap3A, %swap3A_30], %max3A_29 {strides = array<i32>} : memref<2048x256xf32, #tpu.memory_space<vmem>>, vector<2048x256xf32>,
    return
  }
}

</mosaic_0001>

<sc_bundles>
// kernel: kernel.7.cloned.1.call-start
scs
__scs_entry_jumppad:
0x0: {  	(pc) =	sbr.rel $0x88, $3  }
0x1: {  	(tag) =	ssettag $0x0;
	lr =	simm.s32 $0x1  }
0x2: {  	[smem:$0x3F99] =	sst lr;
	_ =	strace $0xD0000000  }
0x3: {  	_ = 	snop  }
0x4: {  	_ = 	snop  }
0x5: {  	_ = 	snop  }
0x6: {  	_ = 	snop  }
0x7: {  	_ = 	snop  }
__scs_overlays_trampoline_lowered:
0x8: {  	[smem:$0x3FA8] =	sst s0  }
0x9: {  	[smem:$0x3FA9] =	sst s1  }
0xa: {  	[smem:$0x3FAA] =	sst s2  }
0xb: {  	[smem:$0x3FAB] =	sst s3  }
0xc: {  	[smem:$0x3FAC] =	sst s4  }
0xd: {  	[smem:$0x3FAD] =	sst s5  }
0xe: {  	[smem:$0x3FAE] =	sst s6  }
0xf: {  	[smem:$0x3FAF] =	sst s7  }
0x10: {  	[smem:$0x3FB0] =	sst s8  }
0x11: {  	[smem:$0x3FB1] =	sst s9;
	s0 =	simm.s32 @!p0 $0x0  }
0x12: {  	s1 =	sld [smem:$0x3F97];
	s0 =	simm.s32 @p0 $0x1  }
0x13: {  	[smem:$0x3FB2] =	sst s0;
	s0 =	simm.s32 @!p1 $0x0  }
0x14: {  	s2 =	sld [smem:$0x3F96];
	s0 =	simm.s32 @p1 $0x1  }
0x15: {  	[smem:$0x3FB3] =	sst s0;
	s0 =	simm.s32 @!p2 $0x0  }
0x16: {  	s3 =	sld [smem:$0x3FDB];
	s0 =	simm.s32 @p2 $0x1  }
0x17: {  	s4 =	simm.s32 $0x1BF5;
	[smem:$0x3FB5] =	sst s0  }
0x18: {  	s0 =	sld [smem:$0x3F98];
	_ =	swait.ge [sflag:s4], $0x0  }
0x19: {  	s7 =	sld [smem:$0x3F99]  }
0x1a: {  	s8 =	sadd.s32 $0xFFFFE003, lr  }
0x1b: {  	s9 =	sadd.s32 $0xFFFFFEF7, lr;
	s5 =	simm.s32 $0xFFFFFFFF;
	p2 =	slt.u32 s8, $0xFFFFF086  }
0x1c: {  	p1 =	slt.u32 s9, $0xF7A;
	s5 =	simm.s32 @!p2 $0x0  }
0x1d: {  	s5 =	simm.s32 @p1 $0x1;
	p0 =	seq.s32 s7, s2  }
0x1e: {  	s7 =	smul.u32 @!p0 $0xF7A, s2;
	p2 =	seq.s32 @!p0 s5, $0x0  }
0x1f: {  	s9 =	smul.u32 $0xF7A, s1;
	s8 =	simm.s32 @!p0 $0x1BF5;
	p2 =	por !p2, p0  }
0x20: {  	[sflag:s8] =	ssyncset.s32 @!p0 $0xFFFFF086;
	s6 =	sadd.s32 @!p0 s3, s7;
	s7 =	simm.s32 @!p0 $0x108  }
0x21: {  	s3 =	sadd.s32 s3, s9;
	s6 =	sadd.s32 @!p0 $0x88, s6;
	s7 =	simm.s32 @p2 $0x1082  }
0x22: {  	[simem:s7], [sflag:s8] =	dma.local @!p0 [hbm:s6], $0xF7A  }
0x23: {  	s9 =	sor.u32 $0xD0000000, s2;
	s6 =	simm.s32 $0x108;
	_ =	swait.ge @!p0 [sflag:s8], $0x0  }
0x24: {  	s3 =	sadd.s32 $0x88, s3;
	s6 =	simm.s32 @!p1 $0x1082;
	[sflag:s4] =	ssyncset.s32 $0xFFFFF086  }
0x25: {  	[simem:s6], [sflag:s4] =	dma.local [hbm:s3], $0xF7A  }
0x26: {  	[smem:$0x3F99] =	sst s1;
	(tag) =	ssettag s2;
	_ =	strace s9  }
0x27: {  	s1 =	sld [smem:$0x3FA9]  }
0x28: {  	s2 =	sld [smem:$0x3FAA]  }
0x29: {  	s4 =	sld [smem:$0x3FAC]  }
0x2a: {  	p0 =	seq.s32 s5, $0x0;
	s5 =	sld [smem:$0x3FAD]  }
0x2b: {  	s6 =	sld [smem:$0x3FAE]  }
0x2c: {  	s7 =	sld [smem:$0x3FAF]  }
0x2d: {  	s3 =	simm.s32 $0x108;
	s8 =	sld [smem:$0x3FB0]  }
0x2e: {  	s3 =	simm.s32 @!p0 $0x1082;
	s9 =	sld [smem:$0x3FB1]  }
0x2f: {  	lr =	sadd.s32 s0, s3;
	s0 =	sld [smem:$0x3FA8]  }
0x30: {  	s3 =	sld [smem:$0x3FAB]  }
0x31: {  	[smem:$0x3FB4] =	sst s10  }
0x32: {  	s10 =	sld [smem:$0x3FB2];
	_ =	sdelay $0x3  }
0x33: {  	p0 =	seq.s32 s10, $0x1;
	s10 =	sld [smem:$0x3FB4];
	_ =	sdelay $0x3  }
0x34: {  	[smem:$0x3FB4] =	sst s10  }
0x35: {  	s10 =	sld [smem:$0x3FB3];
	_ =	sdelay $0x3  }
0x36: {  	p1 =	seq.s32 s10, $0x1;
	s10 =	sld [smem:$0x3FB4];
	_ =	sdelay $0x3  }
0x37: {  	[smem:$0x3FB4] =	sst s10  }
0x38: {  	s10 =	sld [smem:$0x3FB5]  }
0x39: {  	_ = 	snop;
	(pc) =	sbr.ind lr, $3  }
0x3a: {  	_ = 	snop  }
0x3b: {  	_ = 	snop  }
0x3c: {  	p2 =	seq.s32 s10, $0x1;
	s10 =	sld [smem:$0x3FB4]  }
0x3d: {  	_ =	shalt  }
0x3e: {  	_ =	shalt  }
0x3f: {  	_ =	shalt  }
0x40: {  	_ =	shalt  }
0x41: {  	_ =	shalt  }
0x42: {  	_ =	shalt  }
0x43: {  	_ =	shalt  }
0x44: {  	_ =	shalt  }
0x45: {  	_ =	shalt  }
0x46: {  	_ =	shalt  }
0x47: {  	_ =	shalt  }
0x48: {  	_ =	shalt  }
0x49: {  	_ =	shalt  }
0x4a: {  	_ =	shalt  }
0x4b: {  	_ =	shalt  }
0x4c: {  	_ =	shalt  }
0x4d: {  	_ =	shalt  }
0x4e: {  	_ =	shalt  }
0x4f: {  	_ =	shalt  }
0x50: {  	_ =	shalt  }
0x51: {  	_ =	shalt  }
0x52: {  	_ =	shalt  }
0x53: {  	_ =	shalt  }
0x54: {  	_ =	shalt  }
0x55: {  	_ =	shalt  }
0x56: {  	_ =	shalt  }
0x57: {  	_ =	shalt  }
0x58: {  	_ =	shalt  }
0x59: {  	_ =	shalt  }
0x5a: {  	_ =	shalt  }
0x5b: {  	_ =	shalt  }
0x5c: {  	_ =	shalt  }
0x5d: {  	_ =	shalt  }
0x5e: {  	_ =	shalt  }
0x5f: {  	_ =	shalt  }
0x60: {  	_ =	shalt  }
0x61: {  	_ =	shalt  }
0x62: {  	_ =	shalt  }
0x63: {  	_ =	shalt  }
0x64: {  	_ =	shalt  }
0x65: {  	_ =	shalt  }
0x66: {  	_ =	shalt  }
0x67: {  	_ =	shalt  }
0x68: {  	_ =	shalt  }
0x69: {  	_ =	shalt  }
0x6a: {  	_ =	shalt  }
0x6b: {  	_ =	shalt  }
0x6c: {  	_ =	shalt  }
0x6d: {  	_ =	shalt  }
0x6e: {  	_ =	shalt  }
0x6f: {  	_ =	shalt  }
0x70: {  	_ =	shalt  }
0x71: {  	_ =	shalt  }
0x72: {  	_ =	shalt  }
0x73: {  	_ =	shalt  }
0x74: {  	_ =	shalt  }
0x75: {  	_ =	shalt  }
0x76: {  	_ =	shalt  }
0x77: {  	_ =	shalt  }
0x78: {  	_ =	shalt  }
0x79: {  	_ =	shalt  }
0x7a: {  	_ =	shalt  }
0x7b: {  	_ =	shalt  }
0x7c: {  	_ =	shalt  }
0x7d: {  	_ =	shalt  }
0x7e: {  	_ =	shalt  }
0x7f: {  	_ =	shalt  }
0x80: {  	_ =	shalt  }
0x81: {  	_ =	shalt  }
0x82: {  	_ =	shalt  }
0x83: {  	_ =	shalt  }
0x84: {  	_ =	shalt  }
0x85: {  	_ =	shalt  }
0x86: {  	_ =	shalt  }
0x87: {  	_ =	shalt  }
.Lfunc_end0:
.L_simem_size_0:
called_computation_lowered:
.L_overlay_start_0:
0x88: {  	s2 =	sld [smem:$0x3FD9]  }
0x89: {  	s3 =	sld [smem:$0x3FFE];
	_ =	sdelay $0x1  }
0x8a: {  	s1 =	srdreg.scid  }
0x8b: {  	s0 =	sand.u32 $0x1, s1  }
0x8c: {  	s14 =	sshll.u32 s0, $0xA;
	s2 =	sadd.s32 s3, s2  }
0x8d: {  	s2 =	sadd.s32 s2, s14  }
0x8e: {  	[smem:$0x3FC0] =	sst s2  }
0x8f: {  	_ = 	snop  }
0x90: {  	s2 =	sld [smem:$0x3FD0];
	_ =	sdelay $0x2  }
0x91: {  	s15 =	simm.s32 $0xA;
	s4 =	simm.s32 $0x10  }
0x92: {  	[smem:s4], [sflag:s15] =	dma.local [hbm:s2], $0x1  }
0x93: {  	_ =	swait.eq [sflag:s15], $0x1  }
0x94: {  	[sflag:s15] =	ssyncset.done $0x0  }
0x95: {  	[sflag:s15] =	ssyncadd.s32 $0xFFFFFFFF  }
0x96: {  	s16 =	sld [smem:$0x11];
	(tm) =	ssettm $0x1  }
0x97: {  	s17 =	sld [smem:$0x3FFB];
	_ =	sdelay $0x3  }
0x98: {  	_ =	strace s17  }
0x99: {  	s3 =	sld [smem:$0x3FFC];
	_ =	sdelay $0x3  }
0x9a: {  	_ =	strace s3  }
0x9b: {  	s3 =	sld [smem:$0x3FFD];
	_ =	sdelay $0x3  }
0x9c: {  	_ =	strace s3  }
0x9d: {  	_ =	strace $0x8FFFFFFF  }
0x9e: {  	s18 =	sld [smem:$0x3FDB];
	_ =	sdelay $0x1  }
0x9f: {  	s19 =	simm.s32 $_scs_section_size  }
0xa0: {  	s5 =	simm.s32 $_size__tile_overlayer_lowered;
	s6 =	simm.s32 $_tile_overlayer_lowered  }
0xa1: {  	s22 =	simm.s32 $0x1BFF;
	s21 =	sshll.u32 s6, $0x1;
	s3 =	sadd.s32 s19, s18  }
0xa2: {  	s7 =	simm.s32 $0x0;
	s20 =	sshll.u32 s5, $0x1;
	s5 =	sadd.s32 s21, s3  }
0xa3: {  	[timem:s7], [sflag:s22] =	dma.local [hbm:s5], s20  }
0xa4: {  	_ =	swait.ge [sflag:s22], s20  }
0xa5: {  	s4 =	ssub.s32 $0x0, s20;
	[sflag:s22] =	ssyncset.done $0x0  }
0xa6: {  	[sflag:s22] =	ssyncadd.s32 s4;
	_ =	sdelay $0x1  }
0xa7: {  	s23 =	simm.s32 $0x1B8B  }
0xa8: {  	_ =	swait.ge [sflag:s23], $0x1  }
0xa9: {  	[sflag:s23] =	ssyncset.done $0x0  }
0xaa: {  	s25 =	simm.s32 $0x1B8E;
	s24 =	sld [smem:$0x3FFE];
	[sflag:s23] =	ssyncadd.s32 $0xFFFFFFFF  }
0xab: {  	s26 =	simm.s32 $execute0_lowered;
	[smem:$0x3FD2] =	sst s25  }
0xac: {  	s5 =	sshll.u32 s26, $0x1;
	_ =	strace $0x80000046;
	[dreg:$0x1] =	wrdreg $0xFFFFFFFF  }
0xad: {  	s28 =	simm.s32 $_size_execute0_lowered;
	s3 =	sadd.s32 s3, s5;
	[dreg:$0x0] =	wrdreg $0x0  }
0xae: {  	s5 =	sshll.u32 s28, $0x1;
	[dreg:$0x2] =	wrdreg s3  }
0xaf: {  	[dreg:$0x3] =	wrdreg s5  }
0xb0: {  	[dreg:$0x4] =	wrdreg $0xC0  }
0xb1: {  	_ =	task [dreg:s7], $0x5FFFF  }
0xb2: {  	[dreg:$0x1] =	wrdreg $0xFFFFFFFF  }
0xb3: {  	[dreg:$0x0] =	wrdreg $0x60  }
0xb4: {  	[dreg:$0x2] =	wrdreg s16  }
0xb5: {  	[dreg:$0x3] =	wrdreg s24  }
0xb6: {  	[dreg:$0x4] =	wrdreg $0x9  }
0xb7: {  	_ =	task.clear_ibuf [dreg:s7], $0x5FFFF;
	_ =	strace $0x90000046  }
0xb8: {  	s29 =	simm.s32 $0x9;
	_ =	strace $0x80000048  }
0xb9: {  	_ =	swait.ge [sflag:s29], $0x1  }
0xba: {  	[sflag:s29] =	ssyncadd.s32 $0xFFFFFFFF  }
0xbb: {  	_ =	strace $0x90000048  }
0xbc: {  	_ =	sfence  }
0xbd: {  	s30 =	sld [smem:$0x0];
	_ =	sdelay $0x2  }
0xbe: {  	s31 =	sshll.u32 s1, $0xD;
	s1 =	sshrl.u32 s1, $0x2  }
0xbf: {  	s3 =	sand.u32 $0x4000, s31;
	s1 =	sadd.s32 s1, s30  }
0xc0: {  	s0 =	sor.u32 s3, s0;
	s1 =	sshll.u32 s1, $0x11  }
0xc1: {  	s0 =	sor.u32 s1, s0  }
0xc2: {  	s0 =	sadd.s32 $0x8F2B, s0  }
0xc3: {  	[sflag:s0] =	ssyncadd.remote.s32 $0x1  }
0xc4: {  	_ =	sfence.sel $0xFFFF  }
0xc5: {  	[dreg:$0x0] =	wrdreg $0xFFFFFFFF;
	(pc) =	sbr.abs _section_cstart, $3  }
0xc6: {  	[dreg:$0x1] =	wrdreg $0xFFFFFFFF  }
0xc7: {  	_ =	task.clear_ibuf [dreg:s7], $0x2FFFF;
	_ =	strace $0x9FFFFFFF  }
0xc8: {  	(tm) =	ssettm $0x7FFFFFFF  }
0xc9: {  	_ =	shalt  }
tec
execute0_lowered:
.L_overlay_start_1:
0x0: {  	(tag) =	ssettag $0x1  }
0x1: {  	s0 =	rddreg [dreg:$0x0]  }
0x2: {  	s2 =	rddreg [dreg:$0x1];
	s1 =	simm.s32 $0x0;
	s3 =	srdreg.scid  }
0x3: {  	s7 =	stileid.u32;
	[smem:$0x7FF] =	sst s1;
	s5 =	sand.u32 $0x1, s3  }
0x4: {  	s3 =	sadd.s32 $0x1800, s2;
	s6 =	smul.u32 $0x3000, s5;
	s26 =	ssub.s32 $0x2, s5  }
0x5: {  	_ =	strace $0x80000047;
	s4 =	sshll.u32 s5, $0x4;
	s9 =	sshrl.u32 s26, $0x1  }
0x6: {  	s7 =	sor.u32 s7, s4;
	s6 =	sshrl.u32 s6, $0x3;
	s9 =	ssub.s32 s26, s9  }
0x7: {  	s8 =	sshll.u32 s7, $0xF;
	s4 =	sadd.s32 s0, s6;
	s26 =	smax.u32 s9, $0x1  }
0x8: {  	s2 =	sadd.s32 s8, s2;
	s0 =	sadd.s32 $0x200, s4;
	[dreg:$0x14] =	wrdreg s26  }
0x9: {  	s10 =	sadd.s32 $0x21800, s2;
	[dreg:$0x3] =	wrdreg s0  }
0xa: {  	s11 =	sadd.s32 $0x22000, s2;
	[dreg:$0x4] =	wrdreg s10  }
0xb: {  	s12 =	sadd.s32 $0x22800, s2;
	[dreg:$0x5] =	wrdreg s11  }
0xc: {  	s13 =	sadd.s32 $0x23000, s2;
	[dreg:$0x6] =	wrdreg s12  }
0xd: {  	s14 =	sadd.s32 $0x23800, s2;
	[dreg:$0x7] =	wrdreg s13  }
0xe: {  	s28 =	simm.s32 $0x5;
	s15 =	sadd.s32 $0x24000, s2;
	[dreg:$0x8] =	wrdreg s14  }
0xf: {  	s29 =	simm.s32 $0x1000;
	s16 =	sadd.s32 $0x24800, s2;
	[dreg:$0x9] =	wrdreg s15  }
0x10: {  	v0 =	vlaneseq.u32;
	s30 =	simm.s32 $0x2000;
	s17 =	sadd.s32 $0x25000, s2;
	[dreg:$0xa] =	wrdreg s16  }
0x11: {  	s31 =	simm.s32 $0x1;
	v19 =	vimm.s32 $0x0;
	v3 =	vor.u32 $0x10, v0;
	v5 =	vor.u32 $0x20, v0;
	s18 =	sadd.s32 $0x25800, s2;
	[dreg:$0xb] =	wrdreg s17  }
0x12: {  	v6 =	vor.u32 $0x30, v0;
	v7 =	vor.u32 $0x40, v0;
	v8 =	vor.u32 $0x50, v0;
	s6 =	sshll.u32 s7, $0x6;
	s19 =	sadd.s32 $0x26000, s2;
	[dreg:$0xc] =	wrdreg s18  }
0x13: {  	v9 =	vor.u32 $0x60, v0;
	v10 =	vor.u32 $0x70, v0;
	v11 =	vor.u32 $0x80, v0;
	s7 =	sshll.u32 s5, $0xC;
	s20 =	sadd.s32 $0x26800, s2;
	[dreg:$0xd] =	wrdreg s19  }
0x14: {  	v12 =	vor.u32 $0x90, v0;
	v13 =	vor.u32 $0xA0, v0;
	v14 =	vor.u32 $0xB0, v0;
	s8 =	sshll.u32 s5, $0xA;
	s21 =	sadd.s32 $0x27000, s2;
	[dreg:$0xe] =	wrdreg s20  }
0x15: {  	v15 =	vor.u32 $0xC0, v0;
	v16 =	vor.u32 $0xD0, v0;
	v17 =	vor.u32 $0xE0, v0;
	s5 =	simm.s32 $0x4800;
	s22 =	sadd.s32 $0x27800, s2;
	[dreg:$0xf] =	wrdreg s21  }
0x16: {  	v18 =	vor.u32 $0xF0, v0;
	s9 =	simm.s32 $0x4900;
	v1 =	vmov s7;
	v2 =	vor.u32 s7, v0;
	s23 =	sadd.s32 $0x28000, s2;
	[dreg:$0x10] =	wrdreg s22  }
.Ltmp0:
0x17: {  	v4 =	vor.u32 s7, v3;
	v5 =	vor.u32 s7, v5;
	v6 =	vor.u32 s7, v6;
	s24 =	sadd.s32 $0x28800, s2;
	[dreg:$0x11] =	wrdreg s23;
	(pc) =	sbr.rel .LBB2_1-.Ltmp0, $4  }
0x18: {  	v7 =	vor.u32 s7, v7;
	v8 =	vor.u32 s7, v8;
	v9 =	vor.u32 s7, v9;
	s25 =	sadd.s32 $0x29000, s2;
	s26 =	sadd.s32 $0x400, s4;
	[dreg:$0x12] =	wrdreg s24  }
0x19: {  	v10 =	vor.u32 s7, v10;
	v11 =	vor.u32 s7, v11;
	v12 =	vor.u32 s7, v12;
	s2 =	simm.s32 $0x80;
	[dreg:$0x13] =	wrdreg s25;
	s0 =	simm.s32 $0x3000  }
0x1a: {  	v13 =	vor.u32 s7, v13;
	v14 =	vor.u32 s7, v14;
	v15 =	vor.u32 s7, v15;
	s10 =	simm.s32 $0x4880;
	s11 =	simm.s32 $0x8900;
	s12 =	simm.s32 $0x3  }
0x1b: {  	v16 =	vor.u32 s7, v16;
	v17 =	vor.u32 s7, v17;
	v18 =	vor.u32 s7, v18;
	s13 =	simm.s32 $0x2;
	s14 =	simm.s32 $0x4;
	s15 =	simm.s32 $0x0  }
.LBB2_7:
0x1c: {  	v20 =	vld [tilespmem:$0x4000]  }
0x1d: {  	v21 =	vld [tilespmem:$0x4010]  }
0x1e: {  	v22 =	vld [tilespmem:$0x4020]  }
0x1f: {  	v23 =	vld [tilespmem:$0x4030]  }
0x20: {  	v24 =	vld [tilespmem:$0x4040]  }
0x21: {  	v46 =	vld [tilespmem:$0x4060];
	[tilespmem:$0x4800] =	vst v20  }
0x22: {  	v47 =	vld [tilespmem:$0x4070];
	[tilespmem:$0x4810] =	vst v21  }
0x23: {  	v20 =	vld [tilespmem:$0x4050];
	[tilespmem:$0x4820] =	vst v22  }
0x24: {  	[tilespmem:$0x4830] =	vst v23  }
0x25: {  	[tilespmem:$0x4840] =	vst v24  }
0x26: {  	[tilespmem:$0x4860] =	vst v46  }
0x27: {  	[tilespmem:$0x4870] =	vst v47  }
0x28: {  	[tilespmem:$0x4850] =	vst v20  }
0x29: {  	[tilespmem:s9], [sflag:$0x1] =	stream.indirect.gather [hbm4b:s3+s2], $0x80, s5, s2, $0xb8;
	[tilespmem:$0xC900] =	vst v63  }
0x2a: {  	v20 =	vld [tilespmem:$0x4080]  }
0x2b: {  	v48 =	vld [tilespmem:$0x4090]  }
0x2c: {  	v49 =	vld [tilespmem:$0x40A0]  }
0x2d: {  	v50 =	vld [tilespmem:$0x40B0]  }
0x2e: {  	v51 =	vld [tilespmem:$0x40C0]  }
0x2f: {  	v52 =	vld [tilespmem:$0x40E0];
	[tilespmem:$0x4880] =	vst v20  }
0x30: {  	v53 =	vld [tilespmem:$0x40F0];
	[tilespmem:$0x4890] =	vst v48  }
0x31: {  	v20 =	vld [tilespmem:$0x40D0];
	[tilespmem:$0x48A0] =	vst v49  }
0x32: {  	[tilespmem:$0x48B0] =	vst v50  }
0x33: {  	[tilespmem:$0x48C0] =	vst v51  }
0x34: {  	[tilespmem:$0x48E0] =	vst v52  }
0x35: {  	[tilespmem:$0x48F0] =	vst v53  }
0x36: {  	[tilespmem:$0x48D0] =	vst v20  }
0x37: {  	[tilespmem:s11], [sflag:$0x2] =	stream.indirect.gather [hbm4b:s3+s2], $0x80, s10, s2, $0xb8;
	[tilespmem:$0xC900] =	vst v63  }
0x38: {  	_ =	swait.ge [sflag:s31], $0x4000  }
0x39: {  	[sflag:s31] =	ssyncset.done $0x0  }
0x3a: {  	s16 =	rddreg [dreg:$0x4];
	[sflag:s31] =	ssyncadd.s32 $0xFFFFC000  }
0x3b: {  	[hbm4b:s16+s1] =	stream.linear.scatter [tilespmem:s9], [sflag:$0x3], $0x4000, $0x38;
	[tilespmem:$0xC900] =	vst v63  }
0x3c: {  	_ =	swait.ge [sflag:s12], $0x4000  }
0x3d: {  	[sflag:s12] =	ssyncset.done $0x0  }
0x3e: {  	[sflag:s12] =	ssyncadd.s32 $0xFFFFC000  }
0x3f: {  	v20 =	vld [tilespmem:$0x4100]  }
0x40: {  	v54 =	vld [tilespmem:$0x4110]  }
0x41: {  	v55 =	vld [tilespmem:$0x4120]  }
0x42: {  	v56 =	vld [tilespmem:$0x4130]  }
0x43: {  	v57 =	vld [tilespmem:$0x4140]  }
0x44: {  	v58 =	vld [tilespmem:$0x4160];
	[tilespmem:$0x4800] =	vst v20  }
0x45: {  	v59 =	vld [tilespmem:$0x4170];
	[tilespmem:$0x4810] =	vst v54  }
0x46: {  	v20 =	vld [tilespmem:$0x4150];
	[tilespmem:$0x4820] =	vst v55  }
0x47: {  	[tilespmem:$0x4830] =	vst v56  }
0x48: {  	[tilespmem:$0x4840] =	vst v57  }
0x49: {  	[tilespmem:$0x4860] =	vst v58  }
0x4a: {  	[tilespmem:$0x4870] =	vst v59  }
0x4b: {  	[tilespmem:$0x4850] =	vst v20  }
0x4c: {  	[tilespmem:s9], [sflag:$0x1] =	stream.indirect.gather [hbm4b:s3+s2], $0x80, s5, s2, $0xb8;
	[tilespmem:$0xC900] =	vst v63  }
0x4d: {  	_ =	swait.ge [sflag:s13], $0x4000  }
0x4e: {  	[sflag:s13] =	ssyncset.done $0x0  }
0x4f: {  	s19 =	rddreg [dreg:$0x5];
	[sflag:s13] =	ssyncadd.s32 $0xFFFFC000  }
0x50: {  	[hbm4b:s19+s1] =	stream.linear.scatter [tilespmem:s11], [sflag:$0x4], $0x4000, $0x38;
	[tilespmem:$0xC900] =	vst v63  }
0x51: {  	_ =	swait.ge [sflag:s14], $0x4000  }
0x52: {  	[sflag:s14] =	ssyncset.done $0x0  }
0x53: {  	[sflag:s14] =	ssyncadd.s32 $0xFFFFC000  }
0x54: {  	v20 =	vld [tilespmem:$0x4180]  }
0x55: {  	v60 =	vld [tilespmem:$0x4190]  }
0x56: {  	v61 =	vld [tilespmem:$0x41A0]  }
0x57: {  	v62 =	vld [tilespmem:$0x41B0]  }
0x58: {  	v63 =	vld [tilespmem:$0x41C0]  }
0x59: {  	v28 =	vld [tilespmem:$0x41E0];
	[tilespmem:$0x4880] =	vst v20  }
0x5a: {  	v29 =	vld [tilespmem:$0x41F0];
	[tilespmem:$0x4890] =	vst v60  }
0x5b: {  	v20 =	vld [tilespmem:$0x41D0];
	[tilespmem:$0x48A0] =	vst v61  }
0x5c: {  	[tilespmem:$0x48B0] =	vst v62  }
0x5d: {  	[tilespmem:$0x48C0] =	vst v63  }
0x5e: {  	[tilespmem:$0x48E0] =	vst v28  }
0x5f: {  	[tilespmem:$0x48F0] =	vst v29  }
0x60: {  	[tilespmem:$0x48D0] =	vst v20  }
0x61: {  	[tilespmem:s11], [sflag:$0x2] =	stream.indirect.gather [hbm4b:s3+s2], $0x80, s10, s2, $0xb8;
	[tilespmem:$0xC900] =	vst v63  }
0x62: {  	_ =	swait.ge [sflag:s31], $0x4000  }
0x63: {  	[sflag:s31] =	ssyncset.done $0x0  }
0x64: {  	s20 =	rddreg [dreg:$0x6];
	[sflag:s31] =	ssyncadd.s32 $0xFFFFC000  }
0x65: {  	[hbm4b:s20+s1] =	stream.linear.scatter [tilespmem:s9], [sflag:$0x3], $0x4000, $0x38;
	[tilespmem:$0xC900] =	vst v63  }
0x66: {  	_ =	swait.ge [sflag:s12], $0x4000  }
0x67: {  	[sflag:s12] =	ssyncset.done $0x0  }
0x68: {  	[sflag:s12] =	ssyncadd.s32 $0xFFFFC000  }
0x69: {  	v20 =	vld [tilespmem:$0x4200]  }
0x6a: {  	v30 =	vld [tilespmem:$0x4210]  }
0x6b: {  	v31 =	vld [tilespmem:$0x4220]  }
0x6c: {  	v32 =	vld [tilespmem:$0x4230]  }
0x6d: {  	v33 =	vld [tilespmem:$0x4240]  }
0x6e: {  	v34 =	vld [tilespmem:$0x4260];
	[tilespmem:$0x4800] =	vst v20  }
0x6f: {  	v35 =	vld [tilespmem:$0x4270];
	[tilespmem:$0x4810] =	vst v30  }
0x70: {  	v20 =	vld [tilespmem:$0x4250];
	[tilespmem:$0x4820] =	vst v31  }
0x71: {  	[tilespmem:$0x4830] =	vst v32  }
0x72: {  	[tilespmem:$0x4840] =	vst v33  }
0x73: {  	[tilespmem:$0x4860] =	vst v34  }
0x74: {  	[tilespmem:$0x4870] =	vst v35  }
0x75: {  	[tilespmem:$0x4850] =	vst v20  }
0x76: {  	[tilespmem:s9], [sflag:$0x1] =	stream.indirect.gather [hbm4b:s3+s2], $0x80, s5, s2, $0xb8;
	[tilespmem:$0xC900] =	vst v63  }
0x77: {  	_ =	swait.ge [sflag:s13], $0x4000  }
0x78: {  	[sflag:s13] =	ssyncset.done $0x0  }
0x79: {  	s21 =	rddreg [dreg:$0x7];
	[sflag:s13] =	ssyncadd.s32 $0xFFFFC000  }
0x7a: {  	[hbm4b:s21+s1] =	stream.linear.scatter [tilespmem:s11], [sflag:$0x4], $0x4000, $0x38;
	[tilespmem:$0xC900] =	vst v63  }
0x7b: {  	_ =	swait.ge [sflag:s14], $0x4000  }
0x7c: {  	[sflag:s14] =	ssyncset.done $0x0  }
0x7d: {  	[sflag:s14] =	ssyncadd.s32 $0xFFFFC000  }
0x7e: {  	v20 =	vld [tilespmem:$0x4280]  }
0x7f: {  	v36 =	vld [tilespmem:$0x4290]  }
0x80: {  	v37 =	vld [tilespmem:$0x42A0]  }
0x81: {  	v38 =	vld [tilespmem:$0x42B0]  }
0x82: {  	v39 =	vld [tilespmem:$0x42C0]  }
0x83: {  	v40 =	vld [tilespmem:$0x42E0];
	[tilespmem:$0x4880] =	vst v20  }
0x84: {  	v41 =	vld [tilespmem:$0x42F0];
	[tilespmem:$0x4890] =	vst v36  }
0x85: {  	v20 =	vld [tilespmem:$0x42D0];
	[tilespmem:$0x48A0] =	vst v37  }
0x86: {  	[tilespmem:$0x48B0] =	vst v38  }
0x87: {  	[tilespmem:$0x48C0] =	vst v39  }
0x88: {  	[tilespmem:$0x48E0] =	vst v40  }
0x89: {  	[tilespmem:$0x48F0] =	vst v41  }
0x8a: {  	[tilespmem:$0x48D0] =	vst v20  }
0x8b: {  	[tilespmem:s11], [sflag:$0x2] =	stream.indirect.gather [hbm4b:s3+s2], $0x80, s10, s2, $0xb8;
	[tilespmem:$0xC900] =	vst v63  }
0x8c: {  	_ =	swait.ge [sflag:s31], $0x4000  }
0x8d: {  	[sflag:s31] =	ssyncset.done $0x0  }
0x8e: {  	s22 =	rddreg [dreg:$0x8];
	[sflag:s31] =	ssyncadd.s32 $0xFFFFC000  }
0x8f: {  	[hbm4b:s22+s1] =	stream.linear.scatter [tilespmem:s9], [sflag:$0x3], $0x4000, $0x38;
	[tilespmem:$0xC900] =	vst v63  }
0x90: {  	_ =	swait.ge [sflag:s12], $0x4000  }
0x91: {  	[sflag:s12] =	ssyncset.done $0x0  }
0x92: {  	[sflag:s12] =	ssyncadd.s32 $0xFFFFC000  }
0x93: {  	v20 =	vld [tilespmem:$0x4300]  }
0x94: {  	v42 =	vld [tilespmem:$0x4310]  }
0x95: {  	v43 =	vld [tilespmem:$0x4320]  }
0x96: {  	v44 =	vld [tilespmem:$0x4330]  }
0x97: {  	v45 =	vld [tilespmem:$0x4340]  }
0x98: {  	v46 =	vld [tilespmem:$0x4360];
	[tilespmem:$0x4800] =	vst v20  }
0x99: {  	v47 =	vld [tilespmem:$0x4370];
	[tilespmem:$0x4810] =	vst v42  }
0x9a: {  	v20 =	vld [tilespmem:$0x4350];
	[tilespmem:$0x4820] =	vst v43  }
0x9b: {  	[tilespmem:$0x4830] =	vst v44  }
0x9c: {  	[tilespmem:$0x4840] =	vst v45  }
0x9d: {  	[tilespmem:$0x4860] =	vst v46  }
0x9e: {  	[tilespmem:$0x4870] =	vst v47  }
0x9f: {  	[tilespmem:$0x4850] =	vst v20  }
0xa0: {  	[tilespmem:s9], [sflag:$0x1] =	stream.indirect.gather [hbm4b:s3+s2], $0x80, s5, s2, $0xb8;
	[tilespmem:$0xC900] =	vst v63  }
0xa1: {  	_ =	swait.ge [sflag:s13], $0x4000  }
0xa2: {  	[sflag:s13] =	ssyncset.done $0x0  }
0xa3: {  	s23 =	rddreg [dreg:$0x9];
	[sflag:s13] =	ssyncadd.s32 $0xFFFFC000  }
0xa4: {  	[hbm4b:s23+s1] =	stream.linear.scatter [tilespmem:s11], [sflag:$0x4], $0x4000, $0x38;
	[tilespmem:$0xC900] =	vst v63  }
0xa5: {  	_ =	swait.ge [sflag:s14], $0x4000  }
0xa6: {  	[sflag:s14] =	ssyncset.done $0x0  }
0xa7: {  	[sflag:s14] =	ssyncadd.s32 $0xFFFFC000  }
0xa8: {  	v20 =	vld [tilespmem:$0x4380]  }
0xa9: {  	v48 =	vld [tilespmem:$0x4390]  }
0xaa: {  	v49 =	vld [tilespmem:$0x43A0]  }
0xab: {  	v50 =	vld [tilespmem:$0x43B0]  }
0xac: {  	v51 =	vld [tilespmem:$0x43C0]  }
0xad: {  	v52 =	vld [tilespmem:$0x43E0];
	[tilespmem:$0x4880] =	vst v20  }
0xae: {  	v53 =	vld [tilespmem:$0x43F0];
	[tilespmem:$0x4890] =	vst v48  }
0xaf: {  	v20 =	vld [tilespmem:$0x43D0];
	[tilespmem:$0x48A0] =	vst v49  }
0xb0: {  	[tilespmem:$0x48B0] =	vst v50  }
0xb1: {  	[tilespmem:$0x48C0] =	vst v51  }
0xb2: {  	[tilespmem:$0x48E0] =	vst v52  }
0xb3: {  	[tilespmem:$0x48F0] =	vst v53  }
0xb4: {  	[tilespmem:$0x48D0] =	vst v20  }
0xb5: {  	[tilespmem:s11], [sflag:$0x2] =	stream.indirect.gather [hbm4b:s3+s2], $0x80, s10, s2, $0xb8;
	[tilespmem:$0xC900] =	vst v63  }
0xb6: {  	_ =	swait.ge [sflag:s31], $0x4000  }
0xb7: {  	[sflag:s31] =	ssyncset.done $0x0  }
0xb8: {  	s24 =	rddreg [dreg:$0xa];
	[sflag:s31] =	ssyncadd.s32 $0xFFFFC000  }
0xb9: {  	[hbm4b:s24+s1] =	stream.linear.scatter [tilespmem:s9], [sflag:$0x3], $0x4000, $0x38;
	[tilespmem:$0xC900] =	vst v63  }
0xba: {  	_ =	swait.ge [sflag:s12], $0x4000  }
0xbb: {  	[sflag:s12] =	ssyncset.done $0x0  }
0xbc: {  	[sflag:s12] =	ssyncadd.s32 $0xFFFFC000  }
0xbd: {  	v20 =	vld [tilespmem:$0x4400]  }
0xbe: {  	v54 =	vld [tilespmem:$0x4410]  }
0xbf: {  	v55 =	vld [tilespmem:$0x4420]  }
0xc0: {  	v56 =	vld [tilespmem:$0x4430]  }
0xc1: {  	v57 =	vld [tilespmem:$0x4440]  }
0xc2: {  	v58 =	vld [tilespmem:$0x4460];
	[tilespmem:$0x4800] =	vst v20  }
0xc3: {  	v59 =	vld [tilespmem:$0x4470];
	[tilespmem:$0x4810] =	vst v54  }
0xc4: {  	v20 =	vld [tilespmem:$0x4450];
	[tilespmem:$0x4820] =	vst v55  }
0xc5: {  	[tilespmem:$0x4830] =	vst v56  }
0xc6: {  	[tilespmem:$0x4840] =	vst v57  }
0xc7: {  	[tilespmem:$0x4860] =	vst v58  }
0xc8: {  	[tilespmem:$0x4870] =	vst v59  }
0xc9: {  	[tilespmem:$0x4850] =	vst v20  }
0xca: {  	[tilespmem:s9], [sflag:$0x1] =	stream.indirect.gather [hbm4b:s3+s2], $0x80, s5, s2, $0xb8;
	[tilespmem:$0xC900] =	vst v63  }
0xcb: {  	_ =	swait.ge [sflag:s13], $0x4000  }
0xcc: {  	[sflag:s13] =	ssyncset.done $0x0  }
0xcd: {  	s25 =	rddreg [dreg:$0xb];
	[sflag:s13] =	ssyncadd.s32 $0xFFFFC000  }
0xce: {  	[hbm4b:s25+s1] =	stream.linear.scatter [tilespmem:s11], [sflag:$0x4], $0x4000, $0x38;
	[tilespmem:$0xC900] =	vst v63  }
0xcf: {  	_ =	swait.ge [sflag:s14], $0x4000  }
0xd0: {  	[sflag:s14] =	ssyncset.done $0x0  }
0xd1: {  	[sflag:s14] =	ssyncadd.s32 $0xFFFFC000  }
0xd2: {  	v20 =	vld [tilespmem:$0x4480]  }
0xd3: {  	v60 =	vld [tilespmem:$0x4490]  }
0xd4: {  	v61 =	vld [tilespmem:$0x44A0]  }
0xd5: {  	v62 =	vld [tilespmem:$0x44B0]  }
0xd6: {  	v63 =	vld [tilespmem:$0x44C0]  }
0xd7: {  	v26 =	vld [tilespmem:$0x44E0];
	[tilespmem:$0x4880] =	vst v20  }
0xd8: {  	v27 =	vld [tilespmem:$0x44F0];
	[tilespmem:$0x4890] =	vst v60  }
0xd9: {  	v20 =	vld [tilespmem:$0x44D0];
	[tilespmem:$0x48A0] =	vst v61  }
0xda: {  	[tilespmem:$0x48B0] =	vst v62  }
0xdb: {  	[tilespmem:$0x48C0] =	vst v63  }
0xdc: {  	[tilespmem:$0x48E0] =	vst v26  }
0xdd: {  	[tilespmem:$0x48F0] =	vst v27  }
0xde: {  	[tilespmem:$0x48D0] =	vst v20  }
0xdf: {  	[tilespmem:s11], [sflag:$0x2] =	stream.indirect.gather [hbm4b:s3+s2], $0x80, s10, s2, $0xb8;
	[tilespmem:$0xC900] =	vst v63  }
0xe0: {  	_ =	swait.ge [sflag:s31], $0x4000  }
0xe1: {  	[sflag:s31] =	ssyncset.done $0x0  }
0xe2: {  	s17 =	rddreg [dreg:$0xc];
	[sflag:s31] =	ssyncadd.s32 $0xFFFFC000  }
0xe3: {  	[hbm4b:s17+s1] =	stream.linear.scatter [tilespmem:s9], [sflag:$0x3], $0x4000, $0x38;
	[tilespmem:$0xC900] =	vst v63  }
0xe4: {  	_ =	swait.ge [sflag:s12], $0x4000  }
0xe5: {  	[sflag:s12] =	ssyncset.done $0x0  }
0xe6: {  	[sflag:s12] =	ssyncadd.s32 $0xFFFFC000  }
0xe7: {  	v20 =	vld [tilespmem:$0x4500]  }
0xe8: {  	v28 =	vld [tilespmem:$0x4510]  }
0xe9: {  	v29 =	vld [tilespmem:$0x4520]  }
0xea: {  	v30 =	vld [tilespmem:$0x4530]  }
0xeb: {  	v31 =	vld [tilespmem:$0x4540]  }
0xec: {  	v32 =	vld [tilespmem:$0x4560];
	[tilespmem:$0x4800] =	vst v20  }
0xed: {  	v33 =	vld [tilespmem:$0x4570];
	[tilespmem:$0x4810] =	vst v28  }
0xee: {  	v20 =	vld [tilespmem:$0x4550];
	[tilespmem:$0x4820] =	vst v29  }
0xef: {  	[tilespmem:$0x4830] =	vst v30  }
0xf0: {  	[tilespmem:$0x4840] =	vst v31  }
0xf1: {  	[tilespmem:$0x4860] =	vst v32  }
0xf2: {  	[tilespmem:$0x4870] =	vst v33  }
0xf3: {  	[tilespmem:$0x4850] =	vst v20  }
0xf4: {  	[tilespmem:s9], [sflag:$0x1] =	stream.indirect.gather [hbm4b:s3+s2], $0x80, s5, s2, $0xb8;
	[tilespmem:$0xC900] =	vst v63  }
0xf5: {  	_ =	swait.ge [sflag:s13], $0x4000  }
0xf6: {  	[sflag:s13] =	ssyncset.done $0x0  }
0xf7: {  	s18 =	rddreg [dreg:$0xd];
	[sflag:s13] =	ssyncadd.s32 $0xFFFFC000  }
0xf8: {  	[hbm4b:s18+s1] =	stream.linear.scatter [tilespmem:s11], [sflag:$0x4], $0x4000, $0x38;
	[tilespmem:$0xC900] =	vst v63  }
0xf9: {  	_ =	swait.ge [sflag:s14], $0x4000  }
0xfa: {  	[sflag:s14] =	ssyncset.done $0x0  }
0xfb: {  	[sflag:s14] =	ssyncadd.s32 $0xFFFFC000  }
0xfc: {  	v20 =	vld [tilespmem:$0x4580]  }
0xfd: {  	v34 =	vld [tilespmem:$0x4590]  }
0xfe: {  	v35 =	vld [tilespmem:$0x45A0]  }
0xff: {  	v36 =	vld [tilespmem:$0x45B0]  }
0x100: {  	v37 =	vld [tilespmem:$0x45C0]  }
0x101: {  	v38 =	vld [tilespmem:$0x45E0];
	[tilespmem:$0x4880] =	vst v20  }
0x102: {  	v39 =	vld [tilespmem:$0x45F0];
	[tilespmem:$0x4890] =	vst v34  }
0x103: {  	v20 =	vld [tilespmem:$0x45D0];
	[tilespmem:$0x48A0] =	vst v35  }
0x104: {  	[tilespmem:$0x48B0] =	vst v36  }
0x105: {  	[tilespmem:$0x48C0] =	vst v37  }
0x106: {  	[tilespmem:$0x48E0] =	vst v38  }
0x107: {  	[tilespmem:$0x48F0] =	vst v39  }
0x108: {  	[tilespmem:$0x48D0] =	vst v20  }
0x109: {  	[tilespmem:s11], [sflag:$0x2] =	stream.indirect.gather [hbm4b:s3+s2], $0x80, s10, s2, $0xb8;
	[tilespmem:$0xC900] =	vst v63  }
0x10a: {  	_ =	swait.ge [sflag:s31], $0x4000  }
0x10b: {  	[sflag:s31] =	ssyncset.done $0x0  }
0x10c: {  	s19 =	rddreg [dreg:$0xe];
	[sflag:s31] =	ssyncadd.s32 $0xFFFFC000  }
0x10d: {  	[hbm4b:s19+s1] =	stream.linear.scatter [tilespmem:s9], [sflag:$0x3], $0x4000, $0x38;
	[tilespmem:$0xC900] =	vst v63  }
0x10e: {  	_ =	swait.ge [sflag:s12], $0x4000  }
0x10f: {  	[sflag:s12] =	ssyncset.done $0x0  }
0x110: {  	[sflag:s12] =	ssyncadd.s32 $0xFFFFC000  }
0x111: {  	v20 =	vld [tilespmem:$0x4600]  }
0x112: {  	v40 =	vld [tilespmem:$0x4610]  }
0x113: {  	v41 =	vld [tilespmem:$0x4620]  }
0x114: {  	v42 =	vld [tilespmem:$0x4630]  }
0x115: {  	v43 =	vld [tilespmem:$0x4640]  }
0x116: {  	v44 =	vld [tilespmem:$0x4660];
	[tilespmem:$0x4800] =	vst v20  }
0x117: {  	v45 =	vld [tilespmem:$0x4670];
	[tilespmem:$0x4810] =	vst v40  }
0x118: {  	v20 =	vld [tilespmem:$0x4650];
	[tilespmem:$0x4820] =	vst v41  }
0x119: {  	[tilespmem:$0x4830] =	vst v42  }
0x11a: {  	[tilespmem:$0x4840] =	vst v43  }
0x11b: {  	[tilespmem:$0x4860] =	vst v44  }
0x11c: {  	[tilespmem:$0x4870] =	vst v45  }
0x11d: {  	[tilespmem:$0x4850] =	vst v20  }
0x11e: {  	[tilespmem:s9], [sflag:$0x1] =	stream.indirect.gather [hbm4b:s3+s2], $0x80, s5, s2, $0xb8;
	[tilespmem:$0xC900] =	vst v63  }
0x11f: {  	_ =	swait.ge [sflag:s13], $0x4000  }
0x120: {  	[sflag:s13] =	ssyncset.done $0x0  }
0x121: {  	s20 =	rddreg [dreg:$0xf];
	[sflag:s13] =	ssyncadd.s32 $0xFFFFC000  }
0x122: {  	[hbm4b:s20+s1] =	stream.linear.scatter [tilespmem:s11], [sflag:$0x4], $0x4000, $0x38;
	[tilespmem:$0xC900] =	vst v63  }
0x123: {  	_ =	swait.ge [sflag:s14], $0x4000  }
0x124: {  	[sflag:s14] =	ssyncset.done $0x0  }
0x125: {  	[sflag:s14] =	ssyncadd.s32 $0xFFFFC000  }
0x126: {  	v20 =	vld [tilespmem:$0x4680]  }
0x127: {  	v46 =	vld [tilespmem:$0x4690]  }
0x128: {  	v47 =	vld [tilespmem:$0x46A0]  }
0x129: {  	v48 =	vld [tilespmem:$0x46B0]  }
0x12a: {  	v49 =	vld [tilespmem:$0x46C0]  }
0x12b: {  	v50 =	vld [tilespmem:$0x46E0];
	[tilespmem:$0x4880] =	vst v20  }
0x12c: {  	v51 =	vld [tilespmem:$0x46F0];
	[tilespmem:$0x4890] =	vst v46  }
0x12d: {  	v20 =	vld [tilespmem:$0x46D0];
	[tilespmem:$0x48A0] =	vst v47  }
0x12e: {  	[tilespmem:$0x48B0] =	vst v48  }
0x12f: {  	[tilespmem:$0x48C0] =	vst v49  }
0x130: {  	[tilespmem:$0x48E0] =	vst v50  }
0x131: {  	[tilespmem:$0x48F0] =	vst v51  }
0x132: {  	[tilespmem:$0x48D0] =	vst v20  }
0x133: {  	[tilespmem:s11], [sflag:$0x2] =	stream.indirect.gather [hbm4b:s3+s2], $0x80, s10, s2, $0xb8;
	[tilespmem:$0xC900] =	vst v63  }
0x134: {  	_ =	swait.ge [sflag:s31], $0x4000  }
0x135: {  	[sflag:s31] =	ssyncset.done $0x0  }
0x136: {  	s21 =	rddreg [dreg:$0x10];
	[sflag:s31] =	ssyncadd.s32 $0xFFFFC000  }
0x137: {  	[hbm4b:s21+s1] =	stream.linear.scatter [tilespmem:s9], [sflag:$0x3], $0x4000, $0x38;
	[tilespmem:$0xC900] =	vst v63  }
0x138: {  	_ =	swait.ge [sflag:s12], $0x4000  }
0x139: {  	[sflag:s12] =	ssyncset.done $0x0  }
0x13a: {  	[sflag:s12] =	ssyncadd.s32 $0xFFFFC000  }
0x13b: {  	v20 =	vld [tilespmem:$0x4700]  }
0x13c: {  	v52 =	vld [tilespmem:$0x4710]  }
0x13d: {  	v53 =	vld [tilespmem:$0x4720]  }
0x13e: {  	v54 =	vld [tilespmem:$0x4730]  }
0x13f: {  	v55 =	vld [tilespmem:$0x4740]  }
0x140: {  	v56 =	vld [tilespmem:$0x4760];
	[tilespmem:$0x4800] =	vst v20  }
0x141: {  	v57 =	vld [tilespmem:$0x4770];
	[tilespmem:$0x4810] =	vst v52  }
0x142: {  	v20 =	vld [tilespmem:$0x4750];
	[tilespmem:$0x4820] =	vst v53  }
0x143: {  	[tilespmem:$0x4830] =	vst v54  }
0x144: {  	[tilespmem:$0x4840] =	vst v55  }
0x145: {  	[tilespmem:$0x4860] =	vst v56  }
0x146: {  	[tilespmem:$0x4870] =	vst v57  }
0x147: {  	[tilespmem:$0x4850] =	vst v20  }
0x148: {  	[tilespmem:s9], [sflag:$0x1] =	stream.indirect.gather [hbm4b:s3+s2], $0x80, s5, s2, $0xb8;
	[tilespmem:$0xC900] =	vst v63  }
0x149: {  	_ =	swait.ge [sflag:s13], $0x4000  }
0x14a: {  	[sflag:s13] =	ssyncset.done $0x0  }
0x14b: {  	s22 =	rddreg [dreg:$0x11];
	[sflag:s13] =	ssyncadd.s32 $0xFFFFC000  }
0x14c: {  	[hbm4b:s22+s1] =	stream.linear.scatter [tilespmem:s11], [sflag:$0x4], $0x4000, $0x38;
	[tilespmem:$0xC900] =	vst v63  }
0x14d: {  	_ =	swait.ge [sflag:s14], $0x4000  }
0x14e: {  	[sflag:s14] =	ssyncset.done $0x0  }
0x14f: {  	[sflag:s14] =	ssyncadd.s32 $0xFFFFC000  }
0x150: {  	v20 =	vld [tilespmem:$0x4780]  }
0x151: {  	v58 =	vld [tilespmem:$0x4790]  }
0x152: {  	v59 =	vld [tilespmem:$0x47A0]  }
0x153: {  	v60 =	vld [tilespmem:$0x47B0]  }
0x154: {  	v61 =	vld [tilespmem:$0x47C0]  }
0x155: {  	v62 =	vld [tilespmem:$0x47E0];
	[tilespmem:$0x4880] =	vst v20  }
0x156: {  	v63 =	vld [tilespmem:$0x47F0];
	[tilespmem:$0x4890] =	vst v58  }
0x157: {  	v20 =	vld [tilespmem:$0x47D0];
	[tilespmem:$0x48A0] =	vst v59  }
0x158: {  	[tilespmem:$0x48B0] =	vst v60  }
0x159: {  	[tilespmem:$0x48C0] =	vst v61  }
0x15a: {  	[tilespmem:$0x48E0] =	vst v62  }
0x15b: {  	[tilespmem:$0x48F0] =	vst v63  }
0x15c: {  	[tilespmem:$0x48D0] =	vst v20  }
0x15d: {  	[tilespmem:s11], [sflag:$0x2] =	stream.indirect.gather [hbm4b:s3+s2], $0x80, s10, s2, $0xb8;
	[tilespmem:$0xC900] =	vst v63  }
0x15e: {  	_ =	swait.ge [sflag:s31], $0x4000  }
0x15f: {  	[sflag:s31] =	ssyncset.done $0x0  }
0x160: {  	s23 =	rddreg [dreg:$0x12];
	[sflag:s31] =	ssyncadd.s32 $0xFFFFC000  }
0x161: {  	[hbm4b:s23+s1] =	stream.linear.scatter [tilespmem:s9], [sflag:$0x3], $0x4000, $0x38;
	[tilespmem:$0xC900] =	vst v63  }
0x162: {  	_ =	swait.ge [sflag:s13], $0x4000  }
0x163: {  	[sflag:s13] =	ssyncset.done $0x0  }
0x164: {  	s24 =	rddreg [dreg:$0x13];
	[sflag:s13] =	ssyncadd.s32 $0xFFFFC000  }
0x165: {  	[hbm4b:s24+s1] =	stream.linear.scatter [tilespmem:s11], [sflag:$0x4], $0x4000, $0x38;
	[tilespmem:$0xC900] =	vst v63  }
0x166: {  	_ =	swait.ge [sflag:s14], $0x4000  }
0x167: {  	[sflag:s14] =	ssyncset.done $0x0  }
0x168: {  	[sflag:s14] =	ssyncadd.s32 $0xFFFFC000  }
0x169: {  	_ =	swait.ge [sflag:s12], $0x4000  }
0x16a: {  	s15 =	sadd.s32 $0x1, s15;
	s25 =	rddreg [dreg:$0x14]  }
0x16b: {  	p0 =	sne.s32 s15, s25  }
.Ltmp1:
0x16c: {  	_ = 	snop;
	(pc) =	sbr.rel @!p0 .LBB2_8-.Ltmp1, $3  }
0x16d: {  	_ =	sdelay $0x1  }
0x16e: {  	[sflag:s12] =	ssyncset.done $0x0  }
0x16f: {  	[sflag:s12] =	ssyncadd.s32 $0xFFFFC000  }
.LBB2_1:
0x170: {  	[tilespmem:s1], [sflag:$0x5] =	stream.linear.gather [hbm4b:s4+s1], $0x1000, $0x38;
	[tilespmem:$0xC900] =	vst v63  }
0x171: {  	_ =	swait.ge [sflag:s28], $0x1000  }
0x172: {  	[sflag:s28] =	ssyncset.done $0x0  }
0x173: {  	s16 =	rddreg [dreg:$0x3];
	[sflag:s28] =	ssyncadd.s32 $0xFFFFF000  }
0x174: {  	[tilespmem:s29], [sflag:$0x5] =	stream.linear.gather [hbm4b:s16+s1], $0x1000, $0x38;
	[tilespmem:$0xC900] =	vst v63  }
0x175: {  	_ =	swait.ge [sflag:s28], $0x1000  }
0x176: {  	[sflag:s28] =	ssyncset.done $0x0  }
.Ltmp2:
0x177: {  	[sflag:s28] =	ssyncadd.s32 $0xFFFFF000;
	(pc) =	sbr.rel .LBB2_2-.Ltmp2, $4  }
0x178: {  	[tilespmem:s30], [sflag:$0x5] =	stream.linear.gather [hbm4b:s26+s1], $0x1000, $0x38;
	[tilespmem:$0xC900] =	vst v63  }
0x179: {  	_ =	swait.ge [sflag:s28], $0x1000  }
0x17a: {  	[sflag:s28] =	ssyncset.done $0x0  }
0x17b: {  	s16 =	simm.s32 $0x0;
	[sflag:s28] =	ssyncadd.s32 $0xFFFFF000  }
.LBB2_5:
0x17c: {  	v24 =	vpsel p0, v24, v24  }
.LBB2_6:
0x17d: {  	_ =	sdelay $0x3  }
0x17e: {  	v20 =	vld.idx.msk [tilespmem:v23+s0+$0x0], $0xffff  }
0x17f: {  	v21 =	vld [tilespmem:s17+$0x3000];
	_ =	sdelay $0x2  }
0x180: {  	vm0 =	vgt.s32 v24, $0x0  }
0x181: {  	vm14 =	vgt.s32 v24, v0;
	s18 =	sshll.u32 s16, $0x5;
	v20 =	vsel vm0, v20, v1  }
0x182: {  	s18 =	sand.u32 $0x3FFFFFE0, s18;
	v21 =	vsel vm14, v21, v20  }
0x183: {  	[tilespmem:s18+$0x4000] =	vst v21  }
0x184: {  	s16 =	sadd.s32 $0x1, s16;
	v21 =	vld [tilespmem:s17+$0x3010]  }
0x185: {  	p0 =	sne.s32 s16, $0x40  }
.Ltmp3:
0x186: {  	_ = 	snop;
	(pc) =	sbr.rel @!p0 .LBB2_7-.Ltmp3, $4  }
0x187: {  	_ = 	snop  }
0x188: {  	vm15 =	vgt.s32 v24, v3  }
0x189: {  	v20 =	vsel vm15, v21, v20  }
0x18a: {  	[tilespmem:s18+$0x4010] =	vst v20  }
.LBB2_2:
0x18b: {  	s17 =	sadd.s32 s6, s16  }
0x18c: {  	s18 =	ssub.s32 s17, s8;
	p0 =	sne.s32 s17, s8;
	s17 =	simm.s32 $0x1  }
0x18d: {  	s19 =	sshra.s32 s18, $0x1F;
	s17 =	simm.s32 @!p0 $0x0  }
0x18e: {  	s23 =	sand.u32 $0x1F, s16;
	s17 =	sor.u32 s17, s19  }
0x18f: {  	p1 =	sne.s32 s23, $0x0;
	p6 =	sne.s32 s17, $0x1  }
0x190: {  	p0 =	por !p1, !p6  }
0x191: {  	s17 =	simm.s32 $0x1;
	p0 =	por !p0, !p0  }
0x192: {  	s24 =	sshrl.u32 s18, $0x5;
	s17 =	simm.s32 @!p0 $0x0  }
0x193: {  	s17 =	ssub.s32 s24, s17  }
0x194: {  	s18 =	sshll.u32 s18, $0x1;
	s19 =	sshll.u32 s17, $0x6  }
0x195: {  	s17 =	sshll.u32 s17, $0x7;
	s18 =	ssub.s32 s18, s19  }
0x196: {  	s17 =	sadd.s32 s17, s18  }
0x197: {  	v20 =	vmov s17  }
0x198: {  	v22 =	vbroadcast v20, $0x0;
	_ =	sdelay $0x1  }
0x199: {  	v23 =	vld [tilespmem:$0x0]  }
0x19a: {  	v24 =	vld [tilespmem:$0x1000]  }
0x19b: {  	v25 =	vld [tilespmem:$0x10]  }
0x19c: {  	v26 =	vld [tilespmem:$0x1010]  }
0x19d: {  	v20 =	vld.idx.msk [tilespmem:v22+s1+$0x0], $0xffff  }
0x19e: {  	v21 =	vld.idx.msk [tilespmem:v22+s29+$0x0], $0xffff  }
0x19f: {  	v27 =	vld [tilespmem:$0x2000]  }
0x1a0: {  	v22 =	vld.idx.msk [tilespmem:v22+s30+$0x0], $0xffff  }
0x1a1: {  	v28 =	vld [tilespmem:$0x2010];
	_ =	sdelay $0x1  }
0x1a2: {  	v23 =	vsub.f32 v23, v20;
	v24 =	vsub.f32 v24, v21  }
0x1a3: {  	v25 =	vsub.f32 v25, v20;
	v26 =	vsub.f32 v26, v21  }
0x1a4: {  	v27 =	vsub.f32 v27, v22;
	v23 =	vmul.f32 v23, v23;
	v24 =	vmul.f32 v24, v24  }
0x1a5: {  	v28 =	vsub.f32 v28, v22;
	v25 =	vmul.f32 v25, v25;
	v26 =	vmul.f32 v26, v26  }
0x1a6: {  	v23 =	vadd.f32 v24, v23;
	v24 =	vmul.f32 v27, v27  }
0x1a7: {  	v25 =	vadd.f32 v26, v25;
	v26 =	vmul.f32 v28, v28  }
0x1a8: {  	v23 =	vadd.f32 v24, v23  }
0x1a9: {  	v24 =	vadd.f32 v26, v25  }
0x1aa: {  	vm0 =	vlt.f32 v23, $1.599999960e-01  }
0x1ab: {  	vm1 =	vlt.f32 v24, $1.599999960e-01;
	v23 =	vsel vm0, $0x1, v19  }
0x1ac: {  	v24 =	vsel vm1, $0x1, v19;
	(xrf0) =	vadd.scan.msk.s32 $0xffff, v23  }
0x1ad: {  	(xrf0) =	vadd.scan.msk.s32 $0xffff, v24;
	_ =	sdelay $0x3  }
0x1ae: {  	v24 =	vmpcnt.ones.xlane vm0  }
0x1af: {  	v25 =	vsel vm1, $0xFFFFFFFF, v19;
	v26, _, _ =	vpop (xrf0)  }
0x1b0: {  	v25 =	vadd.s32 v25, v24;
	v23 =	vsub.s32 v26, v23;
	v26, _, _ =	vpop (xrf0)  }
0x1b1: {  	v25 =	vadd.s32 v26, v25;
	vm2 =	vlt.s32 v23, $0x40  }
0x1b2: {  	s17 =	sshll.u32 s16, $0x6;
	vm0 =	vmand vm0, vm2;
	vm11 =	vlt.s32 v25, $0x40  }
0x1b3: {  	v23 =	vadd.s32 s17, v23;
	vm2 =	vmand vm1, vm11  }
0x1b4: {  	v25 =	vadd.s32 s17, v25;
	_ =	sdelay $0x3  }
0x1b5: {  	[tilespmem:v23+s0+$0x0] =	vst.idx.msk vm0, v2  }
0x1b6: {  	[tilespmem:v25+s0+$0x0] =	vst.idx.msk vm2, v4  }
0x1b7: {  	v23 =	vld [tilespmem:$0x20]  }
0x1b8: {  	v25 =	vld [tilespmem:$0x1020]  }
0x1b9: {  	v26 =	vld [tilespmem:$0x30]  }
0x1ba: {  	v27 =	vld [tilespmem:$0x1030]  }
0x1bb: {  	v47 =	vld [tilespmem:$0x2020]  }
0x1bc: {  	v29 =	vld [tilespmem:$0x2030];
	_ =	sdelay $0x1  }
0x1bd: {  	v23 =	vsub.f32 v23, v20;
	v25 =	vsub.f32 v25, v21  }
0x1be: {  	v26 =	vsub.f32 v26, v20;
	v27 =	vsub.f32 v27, v21  }
0x1bf: {  	v28 =	vsub.f32 v47, v22;
	v23 =	vmul.f32 v23, v23;
	v25 =	vmul.f32 v25, v25  }
0x1c0: {  	v29 =	vsub.f32 v29, v22;
	v26 =	vmul.f32 v26, v26;
	v27 =	vmul.f32 v27, v27  }
0x1c1: {  	v23 =	vadd.f32 v25, v23;
	v25 =	vmul.f32 v28, v28  }
0x1c2: {  	v26 =	vadd.f32 v27, v26;
	v27 =	vmul.f32 v29, v29  }
0x1c3: {  	v23 =	vadd.f32 v25, v23  }
0x1c4: {  	v25 =	vadd.f32 v27, v26  }
0x1c5: {  	vm12 =	vlt.f32 v23, $1.599999960e-01  }
0x1c6: {  	vm13 =	vlt.f32 v25, $1.599999960e-01;
	v23 =	vsel vm12, $0x1, v19  }
0x1c7: {  	v25 =	vsel vm13, $0x1, v19;
	(xrf0) =	vadd.scan.msk.s32 $0xffff, v23  }
0x1c8: {  	(xrf0) =	vadd.scan.msk.s32 $0xffff, v25;
	_ =	sdelay $0x1  }
0x1c9: {  	v23 =	vmpcnt.ones.xlane vm1;
	v25 =	vmpcnt.ones.xlane vm12;
	_ =	sdelay $0x1  }
0x1ca: {  	v23 =	vadd.s32 v24, v23;
	v24 =	vsel vm12, $0xFFFFFFFF, v19  }
0x1cb: {  	v26 =	vsel vm13, $0xFFFFFFFF, v19;
	v24 =	vadd.s32 v24, v23;
	v23 =	vadd.s32 v23, v25;
	v27, _, _ =	vpop (xrf0)  }
0x1cc: {  	v26 =	vadd.s32 v26, v23;
	v24 =	vadd.s32 v27, v24;
	v25, _, _ =	vpop (xrf0)  }
0x1cd: {  	v25 =	vadd.s32 v25, v26;
	vm14 =	vlt.s32 v24, $0x40  }
0x1ce: {  	vm1 =	vmand vm12, vm14;
	vm15 =	vlt.s32 v25, $0x40  }
0x1cf: {  	v24 =	vadd.s32 s17, v24;
	vm2 =	vmand vm13, vm15  }
0x1d0: {  	v25 =	vadd.s32 s17, v25;
	_ =	sdelay $0x3  }
0x1d1: {  	[tilespmem:v24+s0+$0x0] =	vst.idx.msk vm1, v5  }
0x1d2: {  	[tilespmem:v25+s0+$0x0] =	vst.idx.msk vm2, v6  }
0x1d3: {  	v24 =	vld [tilespmem:$0x40]  }
0x1d4: {  	v25 =	vld [tilespmem:$0x1040]  }
0x1d5: {  	v26 =	vld [tilespmem:$0x50]  }
0x1d6: {  	v27 =	vld [tilespmem:$0x1050]  }
0x1d7: {  	v48 =	vld [tilespmem:$0x2040]  }
0x1d8: {  	v49 =	vld [tilespmem:$0x2050];
	_ =	sdelay $0x1  }
0x1d9: {  	v24 =	vsub.f32 v24, v20;
	v25 =	vsub.f32 v25, v21  }
0x1da: {  	v26 =	vsub.f32 v26, v20;
	v27 =	vsub.f32 v27, v21  }
0x1db: {  	v28 =	vsub.f32 v48, v22;
	v24 =	vmul.f32 v24, v24;
	v25 =	vmul.f32 v25, v25  }
0x1dc: {  	v29 =	vsub.f32 v49, v22;
	v26 =	vmul.f32 v26, v26;
	v27 =	vmul.f32 v27, v27  }
0x1dd: {  	v24 =	vadd.f32 v25, v24;
	v25 =	vmul.f32 v28, v28  }
0x1de: {  	v26 =	vadd.f32 v27, v26;
	v27 =	vmul.f32 v29, v29  }
0x1df: {  	v24 =	vadd.f32 v25, v24  }
0x1e0: {  	v25 =	vadd.f32 v27, v26  }
0x1e1: {  	vm4 =	vlt.f32 v24, $1.599999960e-01  }
0x1e2: {  	vm5 =	vlt.f32 v25, $1.599999960e-01;
	v24 =	vsel vm4, $0x1, v19  }
0x1e3: {  	v25 =	vsel vm5, $0x1, v19;
	(xrf0) =	vadd.scan.msk.s32 $0xffff, v24  }
0x1e4: {  	(xrf0) =	vadd.scan.msk.s32 $0xffff, v25;
	_ =	sdelay $0x1  }
0x1e5: {  	v24 =	vmpcnt.ones.xlane vm13;
	v25 =	vmpcnt.ones.xlane vm4;
	_ =	sdelay $0x1  }
0x1e6: {  	v23 =	vadd.s32 v24, v23;
	v24 =	vsel vm4, $0xFFFFFFFF, v19  }
0x1e7: {  	v26 =	vsel vm5, $0xFFFFFFFF, v19;
	v24 =	vadd.s32 v24, v23;
	v23 =	vadd.s32 v23, v25;
	v27, _, _ =	vpop (xrf0)  }
0x1e8: {  	v26 =	vadd.s32 v26, v23;
	v24 =	vadd.s32 v27, v24;
	v25, _, _ =	vpop (xrf0)  }
0x1e9: {  	v25 =	vadd.s32 v25, v26;
	vm6 =	vlt.s32 v24, $0x40  }
0x1ea: {  	vm0 =	vmand vm4, vm6;
	vm7 =	vlt.s32 v25, $0x40  }
0x1eb: {  	v24 =	vadd.s32 s17, v24;
	vm2 =	vmand vm5, vm7  }
0x1ec: {  	v25 =	vadd.s32 s17, v25;
	_ =	sdelay $0x3  }
0x1ed: {  	[tilespmem:v24+s0+$0x0] =	vst.idx.msk vm0, v7  }
0x1ee: {  	[tilespmem:v25+s0+$0x0] =	vst.idx.msk vm2, v8  }
0x1ef: {  	v24 =	vld [tilespmem:$0x60]  }
0x1f0: {  	v25 =	vld [tilespmem:$0x1060]  }
0x1f1: {  	v26 =	vld [tilespmem:$0x70]  }
0x1f2: {  	v27 =	vld [tilespmem:$0x1070]  }
0x1f3: {  	v50 =	vld [tilespmem:$0x2060]  }
0x1f4: {  	v51 =	vld [tilespmem:$0x2070];
	_ =	sdelay $0x1  }
0x1f5: {  	v24 =	vsub.f32 v24, v20;
	v25 =	vsub.f32 v25, v21  }
0x1f6: {  	v26 =	vsub.f32 v26, v20;
	v27 =	vsub.f32 v27, v21  }
0x1f7: {  	v28 =	vsub.f32 v50, v22;
	v24 =	vmul.f32 v24, v24;
	v25 =	vmul.f32 v25, v25  }
0x1f8: {  	v29 =	vsub.f32 v51, v22;
	v26 =	vmul.f32 v26, v26;
	v27 =	vmul.f32 v27, v27  }
0x1f9: {  	v24 =	vadd.f32 v25, v24;
	v25 =	vmul.f32 v28, v28  }
0x1fa: {  	v26 =	vadd.f32 v27, v26;
	v27 =	vmul.f32 v29, v29  }
0x1fb: {  	v24 =	vadd.f32 v25, v24  }
0x1fc: {  	v25 =	vadd.f32 v27, v26  }
0x1fd: {  	vm8 =	vlt.f32 v24, $1.599999960e-01  }
0x1fe: {  	vm9 =	vlt.f32 v25, $1.599999960e-01;
	v24 =	vsel vm8, $0x1, v19  }
0x1ff: {  	v25 =	vsel vm9, $0x1, v19;
	(xrf0) =	vadd.scan.msk.s32 $0xffff, v24  }
0x200: {  	(xrf0) =	vadd.scan.msk.s32 $0xffff, v25;
	_ =	sdelay $0x1  }
0x201: {  	v24 =	vmpcnt.ones.xlane vm5;
	v25 =	vmpcnt.ones.xlane vm8;
	_ =	sdelay $0x1  }
0x202: {  	v23 =	vadd.s32 v24, v23;
	v24 =	vsel vm8, $0xFFFFFFFF, v19  }
0x203: {  	v26 =	vsel vm9, $0xFFFFFFFF, v19;
	v24 =	vadd.s32 v24, v23;
	v23 =	vadd.s32 v23, v25;
	v27, _, _ =	vpop (xrf0)  }
0x204: {  	v26 =	vadd.s32 v26, v23;
	v24 =	vadd.s32 v27, v24;
	v25, _, _ =	vpop (xrf0)  }
0x205: {  	v25 =	vadd.s32 v25, v26;
	vm10 =	vlt.s32 v24, $0x40  }
0x206: {  	vm1 =	vmand vm8, vm10;
	vm11 =	vlt.s32 v25, $0x40  }
0x207: {  	v24 =	vadd.s32 s17, v24;
	vm2 =	vmand vm9, vm11  }
0x208: {  	v25 =	vadd.s32 s17, v25;
	_ =	sdelay $0x3  }
0x209: {  	[tilespmem:v24+s0+$0x0] =	vst.idx.msk vm1, v9  }
0x20a: {  	[tilespmem:v25+s0+$0x0] =	vst.idx.msk vm2, v10  }
0x20b: {  	v24 =	vld [tilespmem:$0x80]  }
0x20c: {  	v25 =	vld [tilespmem:$0x1080]  }
0x20d: {  	v26 =	vld [tilespmem:$0x90]  }
0x20e: {  	v27 =	vld [tilespmem:$0x1090]  }
0x20f: {  	v52 =	vld [tilespmem:$0x2080]  }
0x210: {  	v53 =	vld [tilespmem:$0x2090];
	_ =	sdelay $0x1  }
0x211: {  	v24 =	vsub.f32 v24, v20;
	v25 =	vsub.f32 v25, v21  }
0x212: {  	v26 =	vsub.f32 v26, v20;
	v27 =	vsub.f32 v27, v21  }
0x213: {  	v28 =	vsub.f32 v52, v22;
	v24 =	vmul.f32 v24, v24;
	v25 =	vmul.f32 v25, v25  }
0x214: {  	v29 =	vsub.f32 v53, v22;
	v26 =	vmul.f32 v26, v26;
	v27 =	vmul.f32 v27, v27  }
0x215: {  	v24 =	vadd.f32 v25, v24;
	v25 =	vmul.f32 v28, v28  }
0x216: {  	v26 =	vadd.f32 v27, v26;
	v27 =	vmul.f32 v29, v29  }
0x217: {  	v24 =	vadd.f32 v25, v24  }
0x218: {  	v25 =	vadd.f32 v27, v26  }
0x219: {  	vm12 =	vlt.f32 v24, $1.599999960e-01  }
0x21a: {  	vm13 =	vlt.f32 v25, $1.599999960e-01;
	v24 =	vsel vm12, $0x1, v19  }
0x21b: {  	v25 =	vsel vm13, $0x1, v19;
	(xrf0) =	vadd.scan.msk.s32 $0xffff, v24  }
0x21c: {  	(xrf0) =	vadd.scan.msk.s32 $0xffff, v25;
	_ =	sdelay $0x1  }
0x21d: {  	v24 =	vmpcnt.ones.xlane vm9;
	v25 =	vmpcnt.ones.xlane vm12;
	_ =	sdelay $0x1  }
0x21e: {  	v23 =	vadd.s32 v24, v23;
	v24 =	vsel vm12, $0xFFFFFFFF, v19  }
0x21f: {  	v26 =	vsel vm13, $0xFFFFFFFF, v19;
	v24 =	vadd.s32 v24, v23;
	v23 =	vadd.s32 v23, v25;
	v27, _, _ =	vpop (xrf0)  }
0x220: {  	v26 =	vadd.s32 v26, v23;
	v24 =	vadd.s32 v27, v24;
	v25, _, _ =	vpop (xrf0)  }
0x221: {  	v25 =	vadd.s32 v25, v26;
	vm14 =	vlt.s32 v24, $0x40  }
0x222: {  	vm0 =	vmand vm12, vm14;
	vm15 =	vlt.s32 v25, $0x40  }
0x223: {  	v24 =	vadd.s32 s17, v24;
	vm2 =	vmand vm13, vm15  }
0x224: {  	v25 =	vadd.s32 s17, v25;
	_ =	sdelay $0x3  }
0x225: {  	[tilespmem:v24+s0+$0x0] =	vst.idx.msk vm0, v11  }
0x226: {  	[tilespmem:v25+s0+$0x0] =	vst.idx.msk vm2, v12  }
0x227: {  	v24 =	vld [tilespmem:$0xA0]  }
0x228: {  	v25 =	vld [tilespmem:$0x10A0]  }
0x229: {  	v26 =	vld [tilespmem:$0xB0]  }
0x22a: {  	v27 =	vld [tilespmem:$0x10B0]  }
0x22b: {  	v54 =	vld [tilespmem:$0x20A0]  }
0x22c: {  	v55 =	vld [tilespmem:$0x20B0];
	_ =	sdelay $0x1  }
0x22d: {  	v24 =	vsub.f32 v24, v20;
	v25 =	vsub.f32 v25, v21  }
0x22e: {  	v26 =	vsub.f32 v26, v20;
	v27 =	vsub.f32 v27, v21  }
0x22f: {  	v28 =	vsub.f32 v54, v22;
	v24 =	vmul.f32 v24, v24;
	v25 =	vmul.f32 v25, v25  }
0x230: {  	v29 =	vsub.f32 v55, v22;
	v26 =	vmul.f32 v26, v26;
	v27 =	vmul.f32 v27, v27  }
0x231: {  	v24 =	vadd.f32 v25, v24;
	v25 =	vmul.f32 v28, v28  }
0x232: {  	v26 =	vadd.f32 v27, v26;
	v27 =	vmul.f32 v29, v29  }
0x233: {  	v24 =	vadd.f32 v25, v24  }
0x234: {  	v25 =	vadd.f32 v27, v26  }
0x235: {  	vm4 =	vlt.f32 v24, $1.599999960e-01  }
0x236: {  	vm5 =	vlt.f32 v25, $1.599999960e-01;
	v24 =	vsel vm4, $0x1, v19  }
0x237: {  	v25 =	vsel vm5, $0x1, v19;
	(xrf0) =	vadd.scan.msk.s32 $0xffff, v24  }
0x238: {  	(xrf0) =	vadd.scan.msk.s32 $0xffff, v25;
	_ =	sdelay $0x1  }
0x239: {  	v24 =	vmpcnt.ones.xlane vm13;
	v25 =	vmpcnt.ones.xlane vm4;
	_ =	sdelay $0x1  }
0x23a: {  	v23 =	vadd.s32 v24, v23;
	v24 =	vsel vm4, $0xFFFFFFFF, v19  }
0x23b: {  	v26 =	vsel vm5, $0xFFFFFFFF, v19;
	v24 =	vadd.s32 v24, v23;
	v23 =	vadd.s32 v23, v25;
	v27, _, _ =	vpop (xrf0)  }
0x23c: {  	v26 =	vadd.s32 v26, v23;
	v24 =	vadd.s32 v27, v24;
	v25, _, _ =	vpop (xrf0)  }
0x23d: {  	v25 =	vadd.s32 v25, v26;
	vm6 =	vlt.s32 v24, $0x40  }
0x23e: {  	vm1 =	vmand vm4, vm6;
	vm7 =	vlt.s32 v25, $0x40  }
0x23f: {  	v24 =	vadd.s32 s17, v24;
	vm2 =	vmand vm5, vm7  }
0x240: {  	v25 =	vadd.s32 s17, v25;
	_ =	sdelay $0x3  }
0x241: {  	[tilespmem:v24+s0+$0x0] =	vst.idx.msk vm1, v13  }
0x242: {  	[tilespmem:v25+s0+$0x0] =	vst.idx.msk vm2, v14  }
0x243: {  	v24 =	vld [tilespmem:$0xC0]  }
0x244: {  	v25 =	vld [tilespmem:$0x10C0]  }
0x245: {  	v26 =	vld [tilespmem:$0xD0]  }
0x246: {  	v27 =	vld [tilespmem:$0x10D0]  }
0x247: {  	v56 =	vld [tilespmem:$0x20C0]  }
0x248: {  	v57 =	vld [tilespmem:$0x20D0];
	_ =	sdelay $0x1  }
0x249: {  	v24 =	vsub.f32 v24, v20;
	v25 =	vsub.f32 v25, v21  }
0x24a: {  	v26 =	vsub.f32 v26, v20;
	v27 =	vsub.f32 v27, v21  }
0x24b: {  	v28 =	vsub.f32 v56, v22;
	v24 =	vmul.f32 v24, v24;
	v25 =	vmul.f32 v25, v25  }
0x24c: {  	v29 =	vsub.f32 v57, v22;
	v26 =	vmul.f32 v26, v26;
	v27 =	vmul.f32 v27, v27  }
0x24d: {  	v24 =	vadd.f32 v25, v24;
	v25 =	vmul.f32 v28, v28  }
0x24e: {  	v26 =	vadd.f32 v27, v26;
	v27 =	vmul.f32 v29, v29  }
0x24f: {  	v24 =	vadd.f32 v25, v24  }
0x250: {  	v25 =	vadd.f32 v27, v26  }
0x251: {  	vm8 =	vlt.f32 v24, $1.599999960e-01  }
0x252: {  	vm9 =	vlt.f32 v25, $1.599999960e-01;
	v24 =	vsel vm8, $0x1, v19  }
0x253: {  	v25 =	vsel vm9, $0x1, v19;
	(xrf0) =	vadd.scan.msk.s32 $0xffff, v24  }
0x254: {  	(xrf0) =	vadd.scan.msk.s32 $0xffff, v25;
	_ =	sdelay $0x1  }
0x255: {  	v24 =	vmpcnt.ones.xlane vm5;
	v25 =	vmpcnt.ones.xlane vm8;
	_ =	sdelay $0x1  }
0x256: {  	v23 =	vadd.s32 v24, v23;
	v24 =	vsel vm8, $0xFFFFFFFF, v19  }
0x257: {  	v26 =	vsel vm9, $0xFFFFFFFF, v19;
	v24 =	vadd.s32 v24, v23;
	v23 =	vadd.s32 v23, v25;
	v27, _, _ =	vpop (xrf0)  }
0x258: {  	v26 =	vadd.s32 v26, v23;
	v24 =	vadd.s32 v27, v24;
	v25, _, _ =	vpop (xrf0)  }
0x259: {  	v25 =	vadd.s32 v25, v26;
	vm10 =	vlt.s32 v24, $0x40  }
0x25a: {  	vm0 =	vmand vm8, vm10;
	vm11 =	vlt.s32 v25, $0x40  }
0x25b: {  	v24 =	vadd.s32 s17, v24;
	vm2 =	vmand vm9, vm11  }
0x25c: {  	v25 =	vadd.s32 s17, v25;
	_ =	sdelay $0x3  }
0x25d: {  	[tilespmem:v24+s0+$0x0] =	vst.idx.msk vm0, v15  }
0x25e: {  	[tilespmem:v25+s0+$0x0] =	vst.idx.msk vm2, v16  }
0x25f: {  	v24 =	vld [tilespmem:$0xE0]  }
0x260: {  	v25 =	vld [tilespmem:$0x10E0]  }
0x261: {  	v26 =	vld [tilespmem:$0xF0]  }
0x262: {  	v27 =	vld [tilespmem:$0x10F0]  }
0x263: {  	v58 =	vld [tilespmem:$0x20E0]  }
0x264: {  	v59 =	vld [tilespmem:$0x20F0];
	_ =	sdelay $0x1  }
0x265: {  	v24 =	vsub.f32 v24, v20;
	v25 =	vsub.f32 v25, v21  }
0x266: {  	v26 =	vsub.f32 v26, v20;
	v27 =	vsub.f32 v27, v21  }
0x267: {  	v28 =	vsub.f32 v58, v22;
	v24 =	vmul.f32 v24, v24;
	v25 =	vmul.f32 v25, v25  }
0x268: {  	v29 =	vsub.f32 v59, v22;
	v26 =	vmul.f32 v26, v26;
	v27 =	vmul.f32 v27, v27  }
0x269: {  	v24 =	vadd.f32 v25, v24;
	v25 =	vmul.f32 v28, v28  }
0x26a: {  	v26 =	vadd.f32 v27, v26;
	v27 =	vmul.f32 v29, v29  }
0x26b: {  	v24 =	vadd.f32 v25, v24  }
0x26c: {  	v25 =	vadd.f32 v27, v26  }
0x26d: {  	v26 =	vmpcnt.ones.xlane vm9;
	vm12 =	vlt.f32 v24, $1.599999960e-01  }
0x26e: {  	vm13 =	vlt.f32 v25, $1.599999960e-01;
	v24 =	vmpcnt.ones.xlane vm12  }
0x26f: {  	v23 =	vadd.s32 v26, v23;
	v25 =	vmpcnt.ones.xlane vm13  }
0x270: {  	v26 =	vsel vm12, $0x1, v19;
	v27 =	vadd.s32 v23, v24  }
0x271: {  	v60 =	vsel vm13, $0x1, v19;
	(xrf0) =	vadd.scan.msk.s32 $0xffff, v26;
	v24 =	vadd.s32 v25, v27  }
0x272: {  	(xrf0) =	vadd.scan.msk.s32 $0xffff, v60;
	v25 =	vxor.u32 $0x80000000, v24  }
0x273: {  	(xrf0) =	vmax.scan.msk.u32 $0xffff, v25;
	_ =	sdelay $0x3  }
0x274: {  	v25, _, _ =	vpop (xrf0)  }
0x275: {  	v26, _, _ =	vpop (xrf0)  }
0x276: {  	v61, _, _ =	vpop (xrf0)  }
0x277: {  	(v2sf) =	vpush v61, $0xF;
	_ =	sdelay $0x9  }
0x278: {  	v62 =	vsel vm12, $0xFFFFFFFF, v19  }
0x279: {  	v63 =	vsel vm13, $0xFFFFFFFF, v19;
	v23 =	vadd.s32 v62, v23  }
0x27a: {  	v23 =	vadd.s32 v25, v23;
	v25 =	vadd.s32 v63, v27  }
0x27b: {  	v25 =	vadd.s32 v26, v25;
	vm14 =	vlt.s32 v23, $0x40  }
0x27c: {  	vm0 =	vmand vm12, vm14;
	vm15 =	vlt.s32 v25, $0x40  }
0x27d: {  	v23 =	vadd.s32 s17, v23;
	vm1 =	vmand vm13, vm15;
	s25 =	spop (v2sf)  }
0x27e: {  	v25 =	vadd.s32 s17, v25;
	p0 =	sgt.u32 s25, $0x8000001F  }
.Ltmp4:
0x27f: {  	_ = 	snop;
	(pc) =	sbr.rel @p0 .LBB2_6-.Ltmp4, $3  }
0x280: {  	_ =	sdelay $0x1  }
0x281: {  	[tilespmem:v23+s0+$0x0] =	vst.idx.msk vm0, v17  }
0x282: {  	v23 =	vmov s17;
	[tilespmem:v25+s0+$0x0] =	vst.idx.msk vm1, v18  }
0x283: {  	s22 =	simm.s32 $0x4;
	s18 =	simm.s32 $0x100  }
0x284: {  	s19 =	simm.s32 $0x1130;
	s20 =	simm.s32 $0x2130;
	s21 =	simm.s32 $0x130  }
.LBB2_4:
0x285: {  	v25 =	vld [tilespmem:s21+$0xFFFFFFD0]  }
0x286: {  	v26 =	vld [tilespmem:s19+$0xFFFFFFD0]  }
0x287: {  	v27 =	vld [tilespmem:s21+$0xFFFFFFE0]  }
0x288: {  	v28 =	vld [tilespmem:s19+$0xFFFFFFE0]  }
0x289: {  	v29 =	vld [tilespmem:s20+$0xFFFFFFD0]  }
0x28a: {  	v30 =	vld [tilespmem:s20+$0xFFFFFFE0];
	_ =	sdelay $0x1  }
0x28b: {  	v25 =	vsub.f32 v25, v20;
	v26 =	vsub.f32 v26, v21  }
0x28c: {  	v27 =	vsub.f32 v27, v20;
	v28 =	vsub.f32 v28, v21  }
0x28d: {  	v29 =	vsub.f32 v29, v22;
	v25 =	vmul.f32 v25, v25;
	v26 =	vmul.f32 v26, v26  }
0x28e: {  	v30 =	vsub.f32 v30, v22;
	v27 =	vmul.f32 v27, v27;
	v28 =	vmul.f32 v28, v28  }
0x28f: {  	v25 =	vadd.f32 v26, v25;
	v26 =	vmul.f32 v29, v29  }
0x290: {  	v54 =	vmul.f32 v30, v30;
	v27 =	vadd.f32 v28, v27  }
0x291: {  	v25 =	vadd.f32 v26, v25  }
0x292: {  	v26 =	vadd.f32 v54, v27  }
0x293: {  	vm1 =	vlt.f32 v25, $1.599999960e-01  }
0x294: {  	vm0 =	vlt.f32 v26, $1.599999960e-01;
	v25 =	vsel vm1, $0x1, v19  }
0x295: {  	v26 =	vsel vm0, $0x1, v19;
	(xrf0) =	vadd.scan.msk.s32 $0xffff, v25  }
0x296: {  	(xrf0) =	vadd.scan.msk.s32 $0xffff, v26;
	_ =	sdelay $0x1  }
0x297: {  	v26 =	vsel vm1, $0xFFFFFFFF, v19  }
0x298: {  	v25 =	vmpcnt.ones.xlane vm1;
	v26 =	vadd.s32 v26, v24;
	_ =	sdelay $0x1  }
0x299: {  	v27 =	vsel vm0, $0xFFFFFFFF, v19;
	v24 =	vadd.s32 v24, v25;
	v55, _, _ =	vpop (xrf0)  }
0x29a: {  	v27 =	vadd.s32 v27, v24;
	v25 =	vadd.s32 v55, v26;
	v26, _, _ =	vpop (xrf0)  }
0x29b: {  	v26 =	vadd.s32 v26, v27;
	vm2 =	vlt.s32 v25, $0x40  }
0x29c: {  	vm1 =	vmand vm1, vm2;
	vm11 =	vlt.s32 v26, $0x40  }
0x29d: {  	v25 =	vadd.s32 v23, v25;
	vm2 =	vmand vm0, vm11  }
0x29e: {  	v26 =	vadd.s32 v23, v26;
	_ =	sdelay $0x1  }
0x29f: {  	s23 =	sadd.s32 $0x10, s18;
	s24 =	sor.u32 s7, s18  }
0x2a0: {  	s23 =	sor.u32 s7, s23;
	v27 =	vor.u32 s24, v0  }
0x2a1: {  	[tilespmem:v25+s0+$0x0] =	vst.idx.msk vm1, v27;
	v25 =	vor.u32 s23, v0  }
0x2a2: {  	[tilespmem:v26+s0+$0x0] =	vst.idx.msk vm2, v25  }
0x2a3: {  	v25 =	vld [tilespmem:s21+$0xFFFFFFF0]  }
0x2a4: {  	v26 =	vld [tilespmem:s19+$0xFFFFFFF0]  }
0x2a5: {  	v27 =	vld [tilespmem:s21+$0x0]  }
0x2a6: {  	v56 =	vld [tilespmem:s19+$0x0]  }
0x2a7: {  	v57 =	vld [tilespmem:s20+$0xFFFFFFF0]  }
0x2a8: {  	v58 =	vld [tilespmem:s20+$0x0];
	_ =	sdelay $0x1  }
0x2a9: {  	v25 =	vsub.f32 v25, v20;
	v26 =	vsub.f32 v26, v21  }
0x2aa: {  	v27 =	vsub.f32 v27, v20;
	v28 =	vsub.f32 v56, v21  }
0x2ab: {  	v29 =	vsub.f32 v57, v22;
	v25 =	vmul.f32 v25, v25;
	v26 =	vmul.f32 v26, v26  }
0x2ac: {  	v30 =	vsub.f32 v58, v22;
	v27 =	vmul.f32 v27, v27;
	v28 =	vmul.f32 v28, v28  }
0x2ad: {  	v25 =	vadd.f32 v26, v25;
	v26 =	vmul.f32 v29, v29  }
0x2ae: {  	v59 =	vmul.f32 v30, v30;
	v27 =	vadd.f32 v28, v27  }
0x2af: {  	v25 =	vadd.f32 v26, v25  }
0x2b0: {  	v26 =	vadd.f32 v59, v27  }
0x2b1: {  	v27 =	vmpcnt.ones.xlane vm0;
	vm12 =	vlt.f32 v25, $1.599999960e-01  }
0x2b2: {  	vm13 =	vlt.f32 v26, $1.599999960e-01;
	v25 =	vmpcnt.ones.xlane vm12  }
0x2b3: {  	v26 =	vadd.s32 v27, v24;
	v24 =	vmpcnt.ones.xlane vm13  }
0x2b4: {  	v27 =	vsel vm12, $0x1, v19;
	v25 =	vadd.s32 v26, v25  }
0x2b5: {  	v60 =	vsel vm13, $0x1, v19;
	(xrf0) =	vadd.scan.msk.s32 $0xffff, v27;
	v24 =	vadd.s32 v24, v25  }
0x2b6: {  	(xrf0) =	vadd.scan.msk.s32 $0xffff, v60;
	v27 =	vxor.u32 $0x80000000, v24  }
0x2b7: {  	(xrf0) =	vmax.scan.msk.u32 $0xffff, v27;
	_ =	sdelay $0x3  }
0x2b8: {  	v27, _, _ =	vpop (xrf0)  }
0x2b9: {  	v28, _, _ =	vpop (xrf0)  }
0x2ba: {  	v61, _, _ =	vpop (xrf0)  }
0x2bb: {  	(v2sf) =	vpush v61, $0xF;
	_ =	sdelay $0xa  }
0x2bc: {  	v62 =	vsel vm12, $0xFFFFFFFF, v19  }
0x2bd: {  	v63 =	vsel vm13, $0xFFFFFFFF, v19;
	v26 =	vadd.s32 v62, v26  }
0x2be: {  	v25 =	vadd.s32 v63, v25;
	v26 =	vadd.s32 v27, v26  }
0x2bf: {  	s25 =	sadd.s32 $0x20, s18;
	v25 =	vadd.s32 v28, v25;
	vm14 =	vlt.s32 v26, $0x40  }
0x2c0: {  	p0 =	sgt.u32 s22, $0x3E;
	s23 =	sor.u32 s7, s25;
	vm0 =	vmand vm12, vm14;
	vm15 =	vlt.s32 v25, $0x40;
	s25 =	spop (v2sf)  }
0x2c1: {  	v26 =	vadd.s32 v23, v26;
	vm1 =	vmand vm13, vm15;
	p1 =	slt.u32 @!p0 s25, $0x80000020  }
0x2c2: {  	v25 =	vadd.s32 v23, v25;
	p1 =	por p0, !p1  }
.Ltmp5:
0x2c3: {  	_ = 	snop;
	(pc) =	sbr.rel @!p1 .LBB2_4-.Ltmp5, $4  }
0x2c4: {  	s24 =	sadd.s32 $0x30, s18  }
0x2c5: {  	s24 =	sor.u32 s7, s24;
	v27 =	vor.u32 s23, v0  }
0x2c6: {  	s22 =	sadd.s32 $0x1, s22;
	s18 =	sadd.s32 $0x40, s18;
	[tilespmem:v26+s0+$0x0] =	vst.idx.msk vm0, v27;
	v26 =	vor.u32 s24, v0  }
0x2c7: {  	s19 =	sadd.s32 $0x40, s19;
	s20 =	sadd.s32 $0x40, s20;
	s21 =	sadd.s32 $0x40, s21;
	[tilespmem:v25+s0+$0x0] =	vst.idx.msk vm1, v26  }
.Ltmp6:
0x2c8: {  	_ = 	snop;
	(pc) =	sbr.rel .LBB2_5-.Ltmp6, $1  }
0x2c9: {  	_ =	sdelay $0x3  }
.LBB2_8:
0x2ca: {  	_ =	sfence.sel $0x180000  }
0x2cb: {  	[bflag:$0x0] =	sbarrier.arrive $0xFFFF  }
0x2cc: {  	_ =	strace $0x90000047  }
0x2cd: {  	s0 =	stileid.u32;
	[bflag:$0x2] =	sbarrier.arrive $0xFFFF  }
0x2ce: {  	p0 =	sne.s32 s0, $0x0;
	s0 =	rddreg [dreg:$0x2]  }
0x2cf: {  	s0 =	sadd.s32 @!p0 $0x100000, s0  }
0x2d0: {  	[sflag:s0] =	ssyncadd.tile.s32 @!p0 $0x1;
	_ =	shalt  }
.Lfunc_end2:
_tile_overlayer_lowered:
.L_overlay_start_2:
0x2d1: {  	(tag) =	ssettag $0x2  }
0x2d2: {  	s0 =	rddreg [dreg:$0x0];
	s2 =	stileid.u32  }
0x2d3: {  	s1 =	rddreg [dreg:$0x1];
	p0 =	sne.s32 s2, $0x0  }
0x2d4: {  	s3 =	rddreg [dreg:$0x2];
	[bflag:$0x3] =	sbarrier.arrive $0xFFFF;
	s2 =	simm.s32 @!p0 $0x1C05  }
0x2d5: {  	[timem:s3], [sflag:s2] =	dma.local @!p0 [hbm:s0], s1  }
0x2d6: {  	s0 =	simm.s32 @!p0 $0x5  }
0x2d7: {  	_ =	swait.ge @!p0 [sflag:s0], s1  }
0x2d8: {  	s1 =	ssub.s32 @!p0 $0x0, s1;
	[sflag:s0] =	ssyncset.done @!p0 $0x0  }
0x2d9: {  	[sflag:s0] =	ssyncadd.s32 @!p0 s1  }
0x2da: {  	[bflag:$0x3] =	sbarrier.arrive $0xFFFF  }
0x2db: {  	_ =	shalt  }

</sc_bundles>
